<compile_context>
chip_gen: v7x
topology: tpu7x:2x2x1
jax: 0.10.2.dev20260603
libtpu: 0.0.44.dev20260713+nightly
codegen_flags: <defaults>
</compile_context>

<pallas_src>
import functools
import math

import jax
import jax.numpy as jnp
import numpy as np
from jax import lax
from jax.experimental import pallas as pl
from jax.experimental.pallas import tpu as pltpu
from jax.experimental.pallas import tpu_sc as plsc

N0 = 10000
NPAD = 10240
GR, GC = 80, 128
F = 128

NSUB = 16
EBLK = 128
NB = 158
HALF = NPAD // 2
NDUMMY = 64
ACC_ROWS = HALF + NDUMMY
ZROWS = ACC_ROWS // NSUB
WROWS = HALF // NSUB


def _segsum_body(x_hbm, src_hbm, dst_hbm, out_hbm, src_v, dst_v, rows_a,
                 rows_b, zbuf, shared, sem_a, sem_b):
    c = lax.axis_index("c")
    s = lax.axis_index("s")
    pltpu.sync_copy(src_hbm.at[s], src_v)
    pltpu.sync_copy(dst_hbm.at[s], dst_v)

    def zloop(i, carry):
        zbuf[i // 8, pl.ds((i % 8) * 16, 16)] = jnp.zeros((16,), jnp.float32)
        return carry

    lax.fori_loop(0, (96 * F) // 16, zloop, 0)
    zbase = s * ZROWS
    pltpu.sync_copy(zbuf, shared.at[pl.ds(zbase, 96)])
    pltpu.sync_copy(zbuf, shared.at[pl.ds(zbase + 96, 96)])
    pltpu.sync_copy(zbuf, shared.at[pl.ds(zbase + 192, 96)])
    pltpu.sync_copy(zbuf.at[pl.ds(0, ZROWS - 288)],
                    shared.at[pl.ds(zbase + 288, ZROWS - 288)])

    half_lo = c * HALF
    lane = lax.broadcasted_iota(jnp.int32, (16,), 0)

    def route(i, carry):
        j = i // 8
        v = i % 8
        d = dst_v[j, pl.ds(v * 16, 16)]
        local = d - half_lo
        dummy = HALF + ((v * 16 + lane) & (NDUMMY - 1))
        ok = (local >= 0) & (local < HALF)
        dst_v[j, pl.ds(v * 16, 16)] = jnp.where(ok, local, dummy)
        return carry

    lax.fori_loop(0, NB * 8, route, 0)
    plsc.subcore_barrier()

    pltpu.async_copy(x_hbm.at[src_v.at[0]], rows_a, sem_a)

    def blk(t, carry):
        j0 = t * 2
        j1 = j0 + 1
        pltpu.async_copy(x_hbm.at[src_v.at[j1]], rows_b, sem_b)
        pltpu.make_async_copy(x_hbm.at[src_v.at[j0]], rows_a, sem_a).wait()
        pltpu.sync_copy(rows_a, shared.at[dst_v.at[j0]], add=True)
        jn = jnp.minimum(j0 + 2, NB - 2)
        pltpu.async_copy(x_hbm.at[src_v.at[jn]], rows_a, sem_a)
        pltpu.make_async_copy(x_hbm.at[src_v.at[j1]], rows_b, sem_b).wait()
        pltpu.sync_copy(rows_b, shared.at[dst_v.at[j1]], add=True)
        return carry

    lax.fori_loop(0, NB // 2, blk, 0)
    pltpu.make_async_copy(x_hbm.at[src_v.at[NB - 2]], rows_a, sem_a).wait()
    plsc.subcore_barrier()
    pltpu.sync_copy(shared.at[pl.ds(s * WROWS, WROWS)],
                    out_hbm.at[pl.ds(half_lo + s * WROWS, WROWS)])


def _sc_segment_sum(x, src_p, dst_p):
    return pl.kernel(
        _segsum_body,
        out_type=jax.ShapeDtypeStruct((NPAD, F), jnp.float32),
        mesh=plsc.VectorSubcoreMesh(core_axis_name="c", subcore_axis_name="s"),
        scratch_types=[
            pltpu.VMEM((NB, EBLK), jnp.int32),
            pltpu.VMEM((NB, EBLK), jnp.int32),
            pltpu.VMEM((EBLK, F), jnp.float32),
            pltpu.VMEM((EBLK, F), jnp.float32),
            pltpu.VMEM((96, F), jnp.float32),
            pltpu.VMEM_SHARED((ACC_ROWS, F), jnp.float32),
            pltpu.SemaphoreType.DMA,
            pltpu.SemaphoreType.DMA,
        ],
    )(x, src_p, dst_p)


def _dense_body(x_ref, agg_ref, wrel_ref, wroot_ref, brel_ref, g_ref, b_ref,
                p_ref, xbn_ref, score_ref):
    x = x_ref[...]
    agg = agg_ref[...]
    dn = (((1,), (1,)), ((), ()))
    h = lax.dot_general(agg, wrel_ref[...], dn, preferred_element_type=jnp.float32)
    h = h + brel_ref[...]
    h = h + lax.dot_general(x, wroot_ref[...], dn, preferred_element_type=jnp.float32)
    h = jnp.maximum(h, 0.0)
    xbn = g_ref[...] * (h / jnp.sqrt(jnp.float32(1.0 + 1e-5))) + b_ref[...]
    xbn_ref[...] = xbn
    p = p_ref[...]
    norm = jnp.sqrt(jnp.sum(p * p))
    sc = lax.dot_general(xbn, p, dn, preferred_element_type=jnp.float32)
    score_ref[...] = jnp.tanh(sc / norm)


def _sortable_u32(s):
    b = lax.bitcast_convert_type(s, jnp.uint32)
    return jnp.where(b >= jnp.uint32(0x80000000), ~b, b | jnp.uint32(0x80000000))


def _select_body(need0, m_ref, hist_ref, sel_ref):
    g = m_ref[...] != 0.0
    sel = jnp.zeros((GR, GC), dtype=jnp.bool_)
    need = jnp.int32(need0)
    keys = [_sortable_u32(hist_ref[j]) for j in range(hist_ref.shape[0])]
    ridx = lax.broadcasted_iota(jnp.uint32, (GR, GC), 0)
    cidx = lax.broadcasted_iota(jnp.uint32, (GR, GC), 1)
    keys.append(~(ridx * jnp.uint32(GC) + cidx))
    for key in keys:
        def bit_step(it, cand, key=key):
            t = cand | jnp.left_shift(jnp.uint32(1), jnp.uint32(31) - it.astype(jnp.uint32))
            cnt = jnp.sum((g & (key >= t)).astype(jnp.int32))
            return jnp.where(cnt >= need, t, cand)

        cand = lax.fori_loop(0, 32, bit_step, jnp.uint32(0))
        eq = g & (key == cand)
        gt = g & (key > cand)
        n_gt = jnp.sum(gt.astype(jnp.int32))
        n_ge = n_gt + jnp.sum(eq.astype(jnp.int32))
        all_t = n_ge == need
        sel = sel | gt | (eq & all_t)
        need = need - n_gt - jnp.where(all_t, n_ge - n_gt, jnp.int32(0))
        g = eq & jnp.logical_not(all_t)
    sel_ref[...] = sel.astype(jnp.float32)


def _apply_body(k_i, xbn_ref, sel_ref, score_ref, xout_ref, ro_ref):
    sel = sel_ref[...]
    xn = xbn_ref[...] * (sel * score_ref[...])
    xout_ref[...] = xn
    neg = jnp.where(sel > 0.0, xn, -jnp.inf)
    rmax = jnp.max(neg, axis=0, keepdims=True)
    rmean = jnp.sum(xn, axis=0, keepdims=True) / jnp.float32(k_i)
    ro_ref[...] = jnp.zeros((8, 2 * F), jnp.float32)
    ro_ref[0:1, 0:F] = rmax
    ro_ref[0:1, F:2 * F] = rmean


def _head_body(r0_ref, r1_ref, r2_ref, r3_ref, r4_ref, w1_ref, b1_ref,
               w2_ref, b2_ref, w3_ref, b3_ref, out_ref):
    r = r0_ref[...] + r1_ref[...] + r2_ref[...] + r3_ref[...] + r4_ref[...]
    dn = (((1,), (1,)), ((), ()))
    h = jnp.maximum(lax.dot_general(r, w1_ref[...], dn,
                                    preferred_element_type=jnp.float32) + b1_ref[...], 0.0)
    h = jnp.maximum(lax.dot_general(h, w2_ref[...], dn,
                                    preferred_element_type=jnp.float32) + b2_ref[...], 0.0)
    z = lax.dot_general(h, w3_ref[...], dn,
                        preferred_element_type=jnp.float32) + b3_ref[...]
    zmax = jnp.max(z, axis=1, keepdims=True)
    lse = jnp.log(jnp.sum(jnp.exp(z - zmax), axis=1, keepdims=True))
    out_ref[...] = (z - zmax - lse)[0:1, :]


def _f32(shape):
    return jax.ShapeDtypeStruct(shape, jnp.float32)


def kernel(x, edge_index, batch, params):
    del batch
    x = jnp.pad(x, ((0, NPAD - N0), (0, 0)))
    src = edge_index[0].astype(jnp.int32)
    dst = edge_index[1].astype(jnp.int32)
    perm = jnp.argsort(dst, stable=True)
    src_s = src[perm]
    dst_s = dst[perm]
    npadslots = NSUB * NB * EBLK - src.shape[0]
    fill_src = N0 + (jnp.arange(npadslots, dtype=jnp.int32) % (NPAD - N0))
    fill_dst = jnp.full((npadslots,), NPAD, dtype=jnp.int32)
    src_p = jnp.concatenate([src_s, fill_src]).reshape(NSUB, NB, EBLK)
    dst_p = jnp.concatenate([dst_s, fill_dst]).reshape(NSUB, NB, EBLK)
    m_grid = (jnp.arange(NPAD, dtype=jnp.int32) < N0).astype(jnp.float32).reshape(GR, GC)
    hist = []
    reads = []
    n_i = N0
    for layer in params["convs"]:
        k_i = int(math.ceil(0.5 * n_i))
        agg = _sc_segment_sum(x, src_p, dst_p)
        xbn, score_col = pl.pallas_call(
            _dense_body,
            out_shape=(_f32((NPAD, F)), _f32((NPAD, 1))),
        )(x, agg, layer["Wrel"], layer["Wroot"], layer["brel"].reshape(1, F),
          layer["g"].reshape(1, F), layer["b"].reshape(1, F),
          layer["p"].reshape(1, F))
        score_grid = score_col.reshape(GR, GC)
        sel_grid = pl.pallas_call(
            functools.partial(_select_body, k_i),
            out_shape=_f32((GR, GC)),
        )(m_grid, jnp.stack([score_grid] + hist))
        sel_col = sel_grid.reshape(NPAD, 1)
        x, ro = pl.pallas_call(
            functools.partial(_apply_body, k_i),
            out_shape=(_f32((NPAD, F)), _f32((8, 2 * F))),
        )(xbn, sel_col, score_col)
        reads.append(ro)
        m_grid = sel_grid
        hist.insert(0, score_grid)
        n_i = k_i
    W1, b1 = params["lin1"]
    W2, b2 = params["lin2"]
    W3, b3 = params["lin3"]
    out = pl.pallas_call(
        _head_body,
        out_shape=_f32((1, W3.shape[0])),
    )(reads[0], reads[1], reads[2], reads[3], reads[4],
      W1, b1.reshape(1, -1), W2, b2.reshape(1, -1), W3, b3.reshape(1, -1))
    return out

# --- scband reference (transcript-rebuilt; emitter-appended) ---
"""Pipeline reference for scband-gcn-20229295964260 (READ-ONLY COPY).

The authoritative reference and input builder live on the scoring server;
editing this copy changes nothing except your own understanding.
"""

import jax, jax.numpy as jnp
import numpy as np
import math


def _gconv(x, src, dst, valid, Wrel, brel, Wroot):
    # PyG GraphConv: out = lin_rel(sum_{j in N(i)} x_j) + lin_root(x), lin_root has no bias
    N = x.shape[0]
    msgs = x[jnp.where(valid, src, 0)] * valid[:, None].astype(x.dtype)
    agg = jax.ops.segment_sum(msgs, jnp.where(valid, dst, N), num_segments=N + 1)[:N]
    return agg @ Wrel.T + brel + x @ Wroot.T


def _bn_eval(x, g, b):
    # BatchNorm1d in eval mode with running_mean=0, running_var=1
    return g * (x / jnp.sqrt(1.0 + 1e-5)) + b


def _topk_pool(x, src, dst, valid, p, ratio=0.5):
    N = x.shape[0]
    score = jnp.tanh((x @ p) / jnp.linalg.norm(p))
    k = int(math.ceil(ratio * N))
    vals, perm = jax.lax.top_k(score, k)
    x_new = x[perm] * vals[:, None]
    new_idx = jnp.full((N,), -1, dtype=src.dtype).at[perm.astype(src.dtype)].set(jnp.arange(k, dtype=src.dtype))
    src_n = new_idx[src]
    dst_n = new_idx[dst]
    valid_n = valid & (src_n >= 0) & (dst_n >= 0)
    return x_new, jnp.where(valid_n, src_n, 0), jnp.where(valid_n, dst_n, 0), valid_n


def _readout(x):
    # single graph (batch all zeros): gmp/gap are global max/mean pools
    return jnp.concatenate([jnp.max(x, axis=0, keepdims=True), jnp.mean(x, axis=0, keepdims=True)], axis=1)


def _forward(x, params, edge_index):
    src = edge_index[0].astype(jnp.int32)
    dst = edge_index[1].astype(jnp.int32)
    valid = jnp.ones(src.shape, dtype=bool)
    reads = []
    for layer in params["convs"]:
        x = jax.nn.relu(_gconv(x, src, dst, valid, layer["Wrel"], layer["brel"], layer["Wroot"]))
        x = _bn_eval(x, layer["g"], layer["b"])
        x, src, dst, valid = _topk_pool(x, src, dst, valid, layer["p"])
        reads.append(_readout(x))
    h = reads[0] + reads[1] + reads[2] + reads[3] + reads[4]
    W1, b1 = params["lin1"]
    W2, b2 = params["lin2"]
    W3, b3 = params["lin3"]
    h = jax.nn.relu(h @ W1.T + b1)
    h = jax.nn.relu(h @ W2.T + b2)
    return jax.nn.log_softmax(h @ W3.T + b3, axis=-1)


def setup_inputs(seed: int = 0):
    key = jax.random.key(seed)
    N, E, F, C = 10000, 320000, 128, 10
    ks = jax.random.split(key, 40)
    x = jax.random.normal(ks[0], (N, F), dtype=jnp.float32)
    edge_index = jax.random.randint(ks[1], (2, E), 0, N, dtype=jnp.int32)
    batch = jnp.zeros((N,), dtype=jnp.int32)

    def glorot(k, shape):
        return (jax.random.normal(k, shape, dtype=jnp.float32) / np.sqrt(shape[-1])).astype(jnp.float32)

    convs = []
    for i in range(5):
        convs.append({
            "Wrel": glorot(ks[2 + 6 * i], (128, 128)),
            "brel": jnp.zeros((128,), jnp.float32),
            "Wroot": glorot(ks[3 + 6 * i], (128, 128)),
            "g": jnp.ones((128,), jnp.float32),
            "b": jnp.zeros((128,), jnp.float32),
            "p": glorot(ks[4 + 6 * i], (128,)),
        })
    params = {
        "convs": convs,
        "lin1": (glorot(ks[33], (128, 256)), jnp.zeros((128,), jnp.float32)),
        "lin2": (glorot(ks[34], (64, 128)), jnp.zeros((64,), jnp.float32)),
        "lin3": (glorot(ks[35], (C, 64)), jnp.zeros((C,), jnp.float32)),
    }
    return {"x": x, "edge_index": edge_index, "batch": batch, "params": params}


def reference(x, edge_index, batch, params):
    del batch  # single graph, all zeros; readout is global
    return _forward(x, params, edge_index)

if __name__ == "__main__":
    import jax
    _d = setup_inputs()
    print(jax.jit(kernel)(*tuple(_d.values())))

</pallas_src>

<mosaic_0001>
#map = affine_map<(d0, d1) -> (0, 0)>
#map1 = affine_map<(d0, d1) -> (0, 0, 0)>
module attributes {stable_mosaic.version = 14 : i64} {
  func.func @_segsum_body(%arg0: i32, %arg1: i32, %arg2: memref<10240x128xf32, #tpu.memory_space<hbm>>, %arg3: memref<16x158x128xi32, #tpu.memory_space<hbm>>, %arg4: memref<16x158x128xi32, #tpu.memory_space<hbm>>, %arg5: memref<10240x128xf32, #tpu.memory_space<hbm>>, %arg6: memref<158x128xi32, #tpu.memory_space<vmem>>, %arg7: memref<158x128xi32, #tpu.memory_space<vmem>>, %arg8: memref<128x128xf32, #tpu.memory_space<vmem>>, %arg9: memref<128x128xf32, #tpu.memory_space<vmem>>, %arg10: memref<96x128xf32, #tpu.memory_space<vmem>>, %arg11: memref<5184x128xf32, #tpu.memory_space<vmem_shared>>, %arg12: memref<!tpu.dma_semaphore, #tpu.memory_space<semaphore_mem>>, %arg13: memref<!tpu.dma_semaphore, #tpu.memory_space<semaphore_mem>>) attributes {dimension_semantics = [#tpu.dimension_semantics<core_parallel>, #tpu.dimension_semantics<subcore_parallel>], iteration_bounds = array<i64: 2, 16>, scalar_prefetch = 0 : i64, scratch_operands = 8 : i64, tpu.core_type = #tpu.core_type<sc_vector_subcore>, window_params = [{transform_indices = #map}, {transform_indices = #map1}, {transform_indices = #map1}, {transform_indices = #map}]} {
    "tpu.region"() ({
      %run_scoped3A = tpu.sem_alloc : memref<!tpu.dma_semaphore, #tpu.memory_space<semaphore_mem>>
      %dma_start3A_43 = arith.constant 0 : i32
      %dma_start3A_44 = arith.constant 0 : i32
      %dma_start3A_45 = tpu.memref_slice %arg3[%arg1, %dma_start3A_43, %dma_start3A_44] : memref<16x158x128xi32, #tpu.memory_space<hbm>> -> memref<1x158x128xi32, #tpu.memory_space<hbm>>
      %dma_start3A_46 = tpu.memref_squeeze %dma_start3A_45 : memref<1x158x128xi32, #tpu.memory_space<hbm>> -> memref<158x128xi32, #tpu.memory_space<hbm>>
      %dma_start3A_47 = arith.constant 0 : i32
      %dma_start3A_48 = arith.constant 0 : i32
      %dma_start3A_49 = tpu.memref_slice %arg3[%arg1, %dma_start3A_47, %dma_start3A_48] : memref<16x158x128xi32, #tpu.memory_space<hbm>> -> memref<1x158x128xi32, #tpu.memory_space<hbm>>
      %dma_start3A_50 = tpu.memref_squeeze %dma_start3A_49 : memref<1x158x128xi32, #tpu.memory_space<hbm>> -> memref<158x128xi32, #tpu.memory_space<hbm>>
      tpu.enqueue_dma source(%dma_start3A_50 : memref<158x128xi32, #tpu.memory_space<hbm>>) target(%arg6 : memref<158x128xi32, #tpu.memory_space<vmem>>) target_semaphore(%run_scoped3A : memref<!tpu.dma_semaphore, #tpu.memory_space<semaphore_mem>>)
      %dma_wait3A_51 = arith.constant 0 : i32
      %dma_wait3A_52 = arith.constant 0 : i32
      %dma_wait3A_53 = tpu.memref_slice %arg3[%arg1, %dma_wait3A_51, %dma_wait3A_52] : memref<16x158x128xi32, #tpu.memory_space<hbm>> -> memref<1x158x128xi32, #tpu.memory_space<hbm>>
      %dma_wait3A_54 = tpu.memref_squeeze %dma_wait3A_53 : memref<1x158x128xi32, #tpu.memory_space<hbm>> -> memref<158x128xi32, #tpu.memory_space<hbm>>
      %dma_wait3A_55 = arith.constant 0 : i32
      %dma_wait3A_56 = arith.constant 0 : i32
      %dma_wait3A_57 = tpu.memref_slice %arg3[%arg1, %dma_wait3A_55, %dma_wait3A_56] : memref<16x158x128xi32, #tpu.memory_space<hbm>> -> memref<1x158x128xi32, #tpu.memory_space<hbm>>
      %dma_wait3A_58 = tpu.memref_squeeze %dma_wait3A_57 : memref<1x158x128xi32, #tpu.memory_space<hbm>> -> memref<158x128xi32, #tpu.memory_space<hbm>>
      tpu.wait_dma2 semaphore(%run_scoped3A : memref<!tpu.dma_semaphore, #tpu.memory_space<semaphore_mem>>) src(%dma_wait3A_58 : memref<158x128xi32, #tpu.memory_space<hbm>>) dst(%arg6 : memref<158x128xi32, #tpu.memory_space<vmem>>)
      tpu.yield
    }) : () -> ()
    "tpu.region"() ({
      %run_scoped3A = tpu.sem_alloc : memref<!tpu.dma_semaphore, #tpu.memory_space<semaphore_mem>>
      %dma_start3A_43 = arith.constant 0 : i32
      %dma_start3A_44 = arith.constant 0 : i32
      %dma_start3A_45 = tpu.memref_slice %arg4[%arg1, %dma_start3A_43, %dma_start3A_44] : memref<16x158x128xi32, #tpu.memory_space<hbm>> -> memref<1x158x128xi32, #tpu.memory_space<hbm>>
      %dma_start3A_46 = tpu.memref_squeeze %dma_start3A_45 : memref<1x158x128xi32, #tpu.memory_space<hbm>> -> memref<158x128xi32, #tpu.memory_space<hbm>>
      %dma_start3A_47 = arith.constant 0 : i32
      %dma_start3A_48 = arith.constant 0 : i32
      %dma_start3A_49 = tpu.memref_slice %arg4[%arg1, %dma_start3A_47, %dma_start3A_48] : memref<16x158x128xi32, #tpu.memory_space<hbm>> -> memref<1x158x128xi32, #tpu.memory_space<hbm>>
      %dma_start3A_50 = tpu.memref_squeeze %dma_start3A_49 : memref<1x158x128xi32, #tpu.memory_space<hbm>> -> memref<158x128xi32, #tpu.memory_space<hbm>>
      tpu.enqueue_dma source(%dma_start3A_50 : memref<158x128xi32, #tpu.memory_space<hbm>>) target(%arg7 : memref<158x128xi32, #tpu.memory_space<vmem>>) target_semaphore(%run_scoped3A : memref<!tpu.dma_semaphore, #tpu.memory_space<semaphore_mem>>)
      %dma_wait3A_51 = arith.constant 0 : i32
      %dma_wait3A_52 = arith.constant 0 : i32
      %dma_wait3A_53 = tpu.memref_slice %arg4[%arg1, %dma_wait3A_51, %dma_wait3A_52] : memref<16x158x128xi32, #tpu.memory_space<hbm>> -> memref<1x158x128xi32, #tpu.memory_space<hbm>>
      %dma_wait3A_54 = tpu.memref_squeeze %dma_wait3A_53 : memref<1x158x128xi32, #tpu.memory_space<hbm>> -> memref<158x128xi32, #tpu.memory_space<hbm>>
      %dma_wait3A_55 = arith.constant 0 : i32
      %dma_wait3A_56 = arith.constant 0 : i32
      %dma_wait3A_57 = tpu.memref_slice %arg4[%arg1, %dma_wait3A_55, %dma_wait3A_56] : memref<16x158x128xi32, #tpu.memory_space<hbm>> -> memref<1x158x128xi32, #tpu.memory_space<hbm>>
      %dma_wait3A_58 = tpu.memref_squeeze %dma_wait3A_57 : memref<1x158x128xi32, #tpu.memory_space<hbm>> -> memref<158x128xi32, #tpu.memory_space<hbm>>
      tpu.wait_dma2 semaphore(%run_scoped3A : memref<!tpu.dma_semaphore, #tpu.memory_space<semaphore_mem>>) src(%dma_wait3A_58 : memref<158x128xi32, #tpu.memory_space<hbm>>) dst(%arg7 : memref<158x128xi32, #tpu.memory_space<vmem>>)
      tpu.yield
    }) : () -> ()
    %scan3A = arith.constant 0 : i32
    %scan3A_0 = arith.constant 0 : i32
    %scan3A_1 = arith.constant 768 : i32
    %scan3A_2 = arith.addi %scan3A_0, %scan3A_1 : i32
    %scan3A_3 = arith.constant 1 : i32
    scf.for %scan3A_43 = %scan3A_0 to %scan3A_2 step %scan3A_3  : i32 {
      %broadcast_in_dim3A = arith.constant 0.000000e+00 : f32
      %broadcast_in_dim3A_44 = vector.broadcast %broadcast_in_dim3A : f32 to vector<16xf32>
      %jit3A = arith.constant 8 : i32
      %div3A = arith.divsi %scan3A_43, %jit3A : i32
      %sign3A = arith.constant 0 : i32
      %sign3A_45 = arith.cmpi sgt, %scan3A_43, %sign3A : i32
      %sign3A_46 = arith.extui %sign3A_45 : i1 to i32
      %sign3A_47 = arith.constant 0 : i32
      %sign3A_48 = arith.cmpi slt, %scan3A_43, %sign3A_47 : i32
      %sign3A_49 = arith.extui %sign3A_48 : i1 to i32
      %sign3A_50 = arith.subi %sign3A_46, %sign3A_49 : i32
      %sign3A_51 = arith.constant 0 : i32
      %sign3A_52 = arith.cmpi sgt, %jit3A, %sign3A_51 : i32
      %sign3A_53 = arith.extui %sign3A_52 : i1 to i32
      %sign3A_54 = arith.constant 0 : i32
      %sign3A_55 = arith.cmpi slt, %jit3A, %sign3A_54 : i32
      %sign3A_56 = arith.extui %sign3A_55 : i1 to i32
      %sign3A_57 = arith.subi %sign3A_53, %sign3A_56 : i32
      %ne3A = arith.cmpi ne, %sign3A_50, %sign3A_57 : i32
      %rem3A = arith.remsi %scan3A_43, %jit3A : i32
      %ne3A_58 = arith.constant 0 : i32
      %ne3A_59 = arith.cmpi ne, %rem3A, %ne3A_58 : i32
      %and3A = arith.andi %ne3A, %ne3A_59 : i1
      %sub3A = arith.constant 1 : i32
      %sub3A_60 = arith.subi %div3A, %sub3A : i32
      %select_n3A = arith.select %and3A, %sub3A_60, %div3A : i32
      %jit3A_61 = arith.constant 8 : i32
      %eq3A = arith.constant 0 : i32
      %eq3A_62 = arith.cmpi eq, %jit3A_61, %eq3A : i32
      %jit3A_63 = arith.constant 1 : i32
      %select_n3A_64 = arith.select %eq3A_62, %jit3A_63, %jit3A_61 : i32
      %rem3A_65 = arith.remsi %scan3A_43, %select_n3A_64 : i32
      %ne3A_66 = arith.constant 0 : i32
      %ne3A_67 = arith.cmpi ne, %rem3A_65, %ne3A_66 : i32
      %lt3A = arith.constant 0 : i32
      %lt3A_68 = arith.cmpi slt, %rem3A_65, %lt3A : i32
      %lt3A_69 = arith.constant 0 : i32
      %lt3A_70 = arith.cmpi slt, %select_n3A_64, %lt3A_69 : i32
      %ne3A_71 = arith.xori %lt3A_68, %lt3A_70 : i1
      %and3A_72 = arith.andi %ne3A_71, %ne3A_67 : i1
      %add3A_73 = arith.addi %rem3A_65, %select_n3A_64 : i32
      %select_n3A_74 = arith.select %and3A_72, %add3A_73, %rem3A_65 : i32
      %mul3A_75 = arith.constant 16 : i32
      %mul3A_76 = arith.muli %select_n3A_74, %mul3A_75 : i32
      %swap3A = arith.index_cast %select_n3A : i32 to index
      %swap3A_77 = arith.index_cast %mul3A_76 : i32 to index
      %swap3A_78 = tpu.vector_load %arg10[%swap3A, %swap3A_77] {strides = array<i32>} : memref<96x128xf32, #tpu.memory_space<vmem>>, vector<1x16xf32>,
      %swap3A_79 = vector.shape_cast %swap3A_78 : vector<1x16xf32> to vector<16xf32>
      %swap3A_80 = vector.shape_cast %broadcast_in_dim3A_44 : vector<16xf32> to vector<1x16xf32>
      tpu.vector_store %arg10[%swap3A, %swap3A_77], %swap3A_80 {strides = array<i32>} : memref<96x128xf32, #tpu.memory_space<vmem>>, vector<1x16xf32>,
    }
    %scan3A_4 = arith.constant 768 : i32
    %mul3A = arith.constant 324 : i32
    %mul3A_5 = arith.muli %arg1, %mul3A : i32
    "tpu.region"() ({
      %run_scoped3A = tpu.sem_alloc : memref<!tpu.dma_semaphore, #tpu.memory_space<semaphore_mem>>
      %dma_start3A_43 = arith.constant 0 : i32
      %dma_start3A_44 = tpu.memref_slice %arg11[%mul3A_5, %dma_start3A_43] : memref<5184x128xf32, #tpu.memory_space<vmem_shared>> -> memref<96x128xf32, #tpu.memory_space<vmem_shared>>
      %dma_start3A_45 = arith.constant 0 : i32
      %dma_start3A_46 = tpu.memref_slice %arg11[%mul3A_5, %dma_start3A_45] : memref<5184x128xf32, #tpu.memory_space<vmem_shared>> -> memref<96x128xf32, #tpu.memory_space<vmem_shared>>
      tpu.enqueue_dma source(%arg10 : memref<96x128xf32, #tpu.memory_space<vmem>>) target(%dma_start3A_46 : memref<96x128xf32, #tpu.memory_space<vmem_shared>>) target_semaphore(%run_scoped3A : memref<!tpu.dma_semaphore, #tpu.memory_space<semaphore_mem>>)
      %dma_wait3A_47 = arith.constant 0 : i32
      %dma_wait3A_48 = tpu.memref_slice %arg11[%mul3A_5, %dma_wait3A_47] : memref<5184x128xf32, #tpu.memory_space<vmem_shared>> -> memref<96x128xf32, #tpu.memory_space<vmem_shared>>
      %dma_wait3A_49 = arith.constant 0 : i32
      %dma_wait3A_50 = tpu.memref_slice %arg11[%mul3A_5, %dma_wait3A_49] : memref<5184x128xf32, #tpu.memory_space<vmem_shared>> -> memref<96x128xf32, #tpu.memory_space<vmem_shared>>
      tpu.wait_dma2 semaphore(%run_scoped3A : memref<!tpu.dma_semaphore, #tpu.memory_space<semaphore_mem>>) src(%arg10 : memref<96x128xf32, #tpu.memory_space<vmem>>) dst(%dma_wait3A_50 : memref<96x128xf32, #tpu.memory_space<vmem_shared>>)
      tpu.yield
    }) : () -> ()
    %add3A = arith.constant 96 : i32
    %add3A_6 = arith.addi %mul3A_5, %add3A : i32
    "tpu.region"() ({
      %run_scoped3A = tpu.sem_alloc : memref<!tpu.dma_semaphore, #tpu.memory_space<semaphore_mem>>
      %dma_start3A_43 = arith.constant 0 : i32
      %dma_start3A_44 = tpu.memref_slice %arg11[%add3A_6, %dma_start3A_43] : memref<5184x128xf32, #tpu.memory_space<vmem_shared>> -> memref<96x128xf32, #tpu.memory_space<vmem_shared>>
      %dma_start3A_45 = arith.constant 0 : i32
      %dma_start3A_46 = tpu.memref_slice %arg11[%add3A_6, %dma_start3A_45] : memref<5184x128xf32, #tpu.memory_space<vmem_shared>> -> memref<96x128xf32, #tpu.memory_space<vmem_shared>>
      tpu.enqueue_dma source(%arg10 : memref<96x128xf32, #tpu.memory_space<vmem>>) target(%dma_start3A_46 : memref<96x128xf32, #tpu.memory_space<vmem_shared>>) target_semaphore(%run_scoped3A : memref<!tpu.dma_semaphore, #tpu.memory_space<semaphore_mem>>)
      %dma_wait3A_47 = arith.constant 0 : i32
      %dma_wait3A_48 = tpu.memref_slice %arg11[%add3A_6, %dma_wait3A_47] : memref<5184x128xf32, #tpu.memory_space<vmem_shared>> -> memref<96x128xf32, #tpu.memory_space<vmem_shared>>
      %dma_wait3A_49 = arith.constant 0 : i32
      %dma_wait3A_50 = tpu.memref_slice %arg11[%add3A_6, %dma_wait3A_49] : memref<5184x128xf32, #tpu.memory_space<vmem_shared>> -> memref<96x128xf32, #tpu.memory_space<vmem_shared>>
      tpu.wait_dma2 semaphore(%run_scoped3A : memref<!tpu.dma_semaphore, #tpu.memory_space<semaphore_mem>>) src(%arg10 : memref<96x128xf32, #tpu.memory_space<vmem>>) dst(%dma_wait3A_50 : memref<96x128xf32, #tpu.memory_space<vmem_shared>>)
      tpu.yield
    }) : () -> ()
    %add3A_7 = arith.constant 192 : i32
    %add3A_8 = arith.addi %mul3A_5, %add3A_7 : i32
    "tpu.region"() ({
      %run_scoped3A = tpu.sem_alloc : memref<!tpu.dma_semaphore, #tpu.memory_space<semaphore_mem>>
      %dma_start3A_43 = arith.constant 0 : i32
      %dma_start3A_44 = tpu.memref_slice %arg11[%add3A_8, %dma_start3A_43] : memref<5184x128xf32, #tpu.memory_space<vmem_shared>> -> memref<96x128xf32, #tpu.memory_space<vmem_shared>>
      %dma_start3A_45 = arith.constant 0 : i32
      %dma_start3A_46 = tpu.memref_slice %arg11[%add3A_8, %dma_start3A_45] : memref<5184x128xf32, #tpu.memory_space<vmem_shared>> -> memref<96x128xf32, #tpu.memory_space<vmem_shared>>
      tpu.enqueue_dma source(%arg10 : memref<96x128xf32, #tpu.memory_space<vmem>>) target(%dma_start3A_46 : memref<96x128xf32, #tpu.memory_space<vmem_shared>>) target_semaphore(%run_scoped3A : memref<!tpu.dma_semaphore, #tpu.memory_space<semaphore_mem>>)
      %dma_wait3A_47 = arith.constant 0 : i32
      %dma_wait3A_48 = tpu.memref_slice %arg11[%add3A_8, %dma_wait3A_47] : memref<5184x128xf32, #tpu.memory_space<vmem_shared>> -> memref<96x128xf32, #tpu.memory_space<vmem_shared>>
      %dma_wait3A_49 = arith.constant 0 : i32
      %dma_wait3A_50 = tpu.memref_slice %arg11[%add3A_8, %dma_wait3A_49] : memref<5184x128xf32, #tpu.memory_space<vmem_shared>> -> memref<96x128xf32, #tpu.memory_space<vmem_shared>>
      tpu.wait_dma2 semaphore(%run_scoped3A : memref<!tpu.dma_semaphore, #tpu.memory_space<semaphore_mem>>) src(%arg10 : memref<96x128xf32, #tpu.memory_space<vmem>>) dst(%dma_wait3A_50 : memref<96x128xf32, #tpu.memory_space<vmem_shared>>)
      tpu.yield
    }) : () -> ()
    %add3A_9 = arith.constant 288 : i32
    %add3A_10 = arith.addi %mul3A_5, %add3A_9 : i32
    "tpu.region"() ({
      %run_scoped3A = tpu.sem_alloc : memref<!tpu.dma_semaphore, #tpu.memory_space<semaphore_mem>>
      %dma_start3A_43 = arith.constant 0 : i32
      %dma_start3A_44 = arith.constant 0 : i32
      %dma_start3A_45 = tpu.memref_slice %arg10[%dma_start3A_43, %dma_start3A_44] : memref<96x128xf32, #tpu.memory_space<vmem>> -> memref<36x128xf32, #tpu.memory_space<vmem>>
      %dma_start3A_46 = arith.constant 0 : i32
      %dma_start3A_47 = tpu.memref_slice %arg11[%add3A_10, %dma_start3A_46] : memref<5184x128xf32, #tpu.memory_space<vmem_shared>> -> memref<36x128xf32, #tpu.memory_space<vmem_shared>>
      %dma_start3A_48 = arith.constant 0 : i32
      %dma_start3A_49 = tpu.memref_slice %arg11[%add3A_10, %dma_start3A_48] : memref<5184x128xf32, #tpu.memory_space<vmem_shared>> -> memref<36x128xf32, #tpu.memory_space<vmem_shared>>
      %dma_start3A_50 = arith.constant 0 : i32
      %dma_start3A_51 = arith.constant 0 : i32
      %dma_start3A_52 = tpu.memref_slice %arg10[%dma_start3A_50, %dma_start3A_51] : memref<96x128xf32, #tpu.memory_space<vmem>> -> memref<36x128xf32, #tpu.memory_space<vmem>>
      tpu.enqueue_dma source(%dma_start3A_52 : memref<36x128xf32, #tpu.memory_space<vmem>>) target(%dma_start3A_49 : memref<36x128xf32, #tpu.memory_space<vmem_shared>>) target_semaphore(%run_scoped3A : memref<!tpu.dma_semaphore, #tpu.memory_space<semaphore_mem>>)
      %dma_wait3A_53 = arith.constant 0 : i32
      %dma_wait3A_54 = arith.constant 0 : i32
      %dma_wait3A_55 = tpu.memref_slice %arg10[%dma_wait3A_53, %dma_wait3A_54] : memref<96x128xf32, #tpu.memory_space<vmem>> -> memref<36x128xf32, #tpu.memory_space<vmem>>
      %dma_wait3A_56 = arith.constant 0 : i32
      %dma_wait3A_57 = tpu.memref_slice %arg11[%add3A_10, %dma_wait3A_56] : memref<5184x128xf32, #tpu.memory_space<vmem_shared>> -> memref<36x128xf32, #tpu.memory_space<vmem_shared>>
      %dma_wait3A_58 = arith.constant 0 : i32
      %dma_wait3A_59 = tpu.memref_slice %arg11[%add3A_10, %dma_wait3A_58] : memref<5184x128xf32, #tpu.memory_space<vmem_shared>> -> memref<36x128xf32, #tpu.memory_space<vmem_shared>>
      %dma_wait3A_60 = arith.constant 0 : i32
      %dma_wait3A_61 = arith.constant 0 : i32
      %dma_wait3A_62 = tpu.memref_slice %arg10[%dma_wait3A_60, %dma_wait3A_61] : memref<96x128xf32, #tpu.memory_space<vmem>> -> memref<36x128xf32, #tpu.memory_space<vmem>>
      tpu.wait_dma2 semaphore(%run_scoped3A : memref<!tpu.dma_semaphore, #tpu.memory_space<semaphore_mem>>) src(%dma_wait3A_62 : memref<36x128xf32, #tpu.memory_space<vmem>>) dst(%dma_wait3A_59 : memref<36x128xf32, #tpu.memory_space<vmem_shared>>)
      tpu.yield
    }) : () -> ()
    %mul3A_11 = arith.constant 5120 : i32
    %mul3A_12 = arith.muli %arg0, %mul3A_11 : i32
    %iota3A = tpu.iota {dimensions = array<i32: 0>} : vector<16xi32>
    %scan3A_13 = arith.constant 0 : i32
    %scan3A_14 = arith.constant 0 : i32
    %scan3A_15 = arith.constant 1264 : i32
    %scan3A_16 = arith.addi %scan3A_14, %scan3A_15 : i32
    %scan3A_17 = arith.constant 1 : i32
    scf.for %scan3A_43 = %scan3A_14 to %scan3A_16 step %scan3A_17  : i32 {
      %jit3A = arith.constant 8 : i32
      %div3A = arith.divsi %scan3A_43, %jit3A : i32
      %sign3A = arith.constant 0 : i32
      %sign3A_44 = arith.cmpi sgt, %scan3A_43, %sign3A : i32
      %sign3A_45 = arith.extui %sign3A_44 : i1 to i32
      %sign3A_46 = arith.constant 0 : i32
      %sign3A_47 = arith.cmpi slt, %scan3A_43, %sign3A_46 : i32
      %sign3A_48 = arith.extui %sign3A_47 : i1 to i32
      %sign3A_49 = arith.subi %sign3A_45, %sign3A_48 : i32
      %sign3A_50 = arith.constant 0 : i32
      %sign3A_51 = arith.cmpi sgt, %jit3A, %sign3A_50 : i32
      %sign3A_52 = arith.extui %sign3A_51 : i1 to i32
      %sign3A_53 = arith.constant 0 : i32
      %sign3A_54 = arith.cmpi slt, %jit3A, %sign3A_53 : i32
      %sign3A_55 = arith.extui %sign3A_54 : i1 to i32
      %sign3A_56 = arith.subi %sign3A_52, %sign3A_55 : i32
      %ne3A = arith.cmpi ne, %sign3A_49, %sign3A_56 : i32
      %rem3A = arith.remsi %scan3A_43, %jit3A : i32
      %ne3A_57 = arith.constant 0 : i32
      %ne3A_58 = arith.cmpi ne, %rem3A, %ne3A_57 : i32
      %and3A = arith.andi %ne3A, %ne3A_58 : i1
      %sub3A = arith.constant 1 : i32
      %sub3A_59 = arith.subi %div3A, %sub3A : i32
      %select_n3A = arith.select %and3A, %sub3A_59, %div3A : i32
      %jit3A_60 = arith.constant 8 : i32
      %eq3A = arith.constant 0 : i32
      %eq3A_61 = arith.cmpi eq, %jit3A_60, %eq3A : i32
      %jit3A_62 = arith.constant 1 : i32
      %select_n3A_63 = arith.select %eq3A_61, %jit3A_62, %jit3A_60 : i32
      %rem3A_64 = arith.remsi %scan3A_43, %select_n3A_63 : i32
      %ne3A_65 = arith.constant 0 : i32
      %ne3A_66 = arith.cmpi ne, %rem3A_64, %ne3A_65 : i32
      %lt3A = arith.constant 0 : i32
      %lt3A_67 = arith.cmpi slt, %rem3A_64, %lt3A : i32
      %lt3A_68 = arith.constant 0 : i32
      %lt3A_69 = arith.cmpi slt, %select_n3A_63, %lt3A_68 : i32
      %ne3A_70 = arith.xori %lt3A_67, %lt3A_69 : i1
      %and3A_71 = arith.andi %ne3A_70, %ne3A_66 : i1
      %add3A_72 = arith.addi %rem3A_64, %select_n3A_63 : i32
      %select_n3A_73 = arith.select %and3A_71, %add3A_72, %rem3A_64 : i32
      %mul3A_74 = arith.constant 16 : i32
      %mul3A_75 = arith.muli %select_n3A_73, %mul3A_74 : i32
      %get3A = arith.index_cast %select_n3A : i32 to index
      %get3A_76 = arith.index_cast %mul3A_75 : i32 to index
      %get3A_77 = tpu.vector_load %arg7[%get3A, %get3A_76] {strides = array<i32>} : memref<158x128xi32, #tpu.memory_space<vmem>>, vector<1x16xi32>,
      %get3A_78 = vector.shape_cast %get3A_77 : vector<1x16xi32> to vector<16xi32>
      %sub3A_79 = vector.broadcast %mul3A_12 : i32 to vector<16xi32>
      %sub3A_80 = arith.subi %get3A_78, %sub3A_79 : vector<16xi32>
      %mul3A_81 = arith.constant 16 : i32
      %mul3A_82 = arith.muli %select_n3A_73, %mul3A_81 : i32
      %add3A_83 = vector.broadcast %mul3A_82 : i32 to vector<16xi32>
      %add3A_84 = arith.addi %add3A_83, %iota3A : vector<16xi32>
      %and3A_85 = arith.constant 63 : i32
      %and3A_86 = vector.broadcast %and3A_85 : i32 to vector<16xi32>
      %and3A_87 = arith.andi %add3A_84, %and3A_86 : vector<16xi32>
      %add3A_88 = arith.constant 5120 : i32
      %add3A_89 = vector.broadcast %add3A_88 : i32 to vector<16xi32>
      %add3A_90 = arith.addi %add3A_89, %and3A_87 : vector<16xi32>
      %ge3A = arith.constant 0 : i32
      %ge3A_91 = vector.broadcast %ge3A : i32 to vector<16xi32>
      %ge3A_92 = arith.cmpi sge, %sub3A_80, %ge3A_91 : vector<16xi32>
      %lt3A_93 = arith.constant 5120 : i32
      %lt3A_94 = vector.broadcast %lt3A_93 : i32 to vector<16xi32>
      %lt3A_95 = arith.cmpi slt, %sub3A_80, %lt3A_94 : vector<16xi32>
      %and3A_96 = arith.andi %ge3A_92, %lt3A_95 : vector<16xi1>
      %select_n3A_97 = arith.select %and3A_96, %sub3A_80, %add3A_90 : vector<16xi1>, vector<16xi32>
      %mul3A_98 = arith.constant 16 : i32
      %mul3A_99 = arith.muli %select_n3A_73, %mul3A_98 : i32
      %swap3A = arith.index_cast %select_n3A : i32 to index
      %swap3A_100 = arith.index_cast %mul3A_99 : i32 to index
      %swap3A_101 = tpu.vector_load %arg7[%swap3A, %swap3A_100] {strides = array<i32>} : memref<158x128xi32, #tpu.memory_space<vmem>>, vector<1x16xi32>,
      %swap3A_102 = vector.shape_cast %swap3A_101 : vector<1x16xi32> to vector<16xi32>
      %swap3A_103 = vector.shape_cast %select_n3A_97 : vector<16xi32> to vector<1x16xi32>
      tpu.vector_store %arg7[%swap3A, %swap3A_100], %swap3A_103 {strides = array<i32>} : memref<158x128xi32, #tpu.memory_space<vmem>>, vector<1x16xi32>,
    }
    %scan3A_18 = arith.constant 1264 : i32
    %barrier3A = arith.constant 0 : index
    tpu.barrier barrier_id(%barrier3A)
    %dma_start3A = arith.constant 0 : i32
    %dma_start3A_19 = arith.constant 0 : i32
    %dma_start3A_20 = tpu.memref_slice %arg6[%dma_start3A, %dma_start3A_19] : memref<158x128xi32, #tpu.memory_space<vmem>> -> memref<1x128xi32, #tpu.memory_space<vmem>>
    %dma_start3A_21 = tpu.memref_squeeze %dma_start3A_20 : memref<1x128xi32, #tpu.memory_space<vmem>> -> memref<128xi32, #tpu.memory_space<vmem>>
    %dma_start3A_22 = arith.constant 0 : i32
    %dma_start3A_23 = arith.constant 0 : i32
    %dma_start3A_24 = tpu.memref_slice %arg2[%dma_start3A_22, %dma_start3A_23] : memref<10240x128xf32, #tpu.memory_space<hbm>> -> memref<10240x128xf32, #tpu.memory_space<hbm>>
    tpu.enqueue_indirect_dma source(%dma_start3A_24 : memref<10240x128xf32, #tpu.memory_space<hbm>>) target(%arg8 : memref<128x128xf32, #tpu.memory_space<vmem>>) offsets(%dma_start3A_21 : memref<128xi32, #tpu.memory_space<vmem>>) semaphore(%arg12 : memref<!tpu.dma_semaphore, #tpu.memory_space<semaphore_mem>>)
    %scan3A_25 = arith.constant 0 : i32
    %scan3A_26 = arith.constant 0 : i32
    %scan3A_27 = arith.constant 79 : i32
    %scan3A_28 = arith.addi %scan3A_26, %scan3A_27 : i32
    %scan3A_29 = arith.constant 1 : i32
    scf.for %scan3A_43 = %scan3A_26 to %scan3A_28 step %scan3A_29  : i32 {
      %mul3A_44 = arith.constant 2 : i32
      %mul3A_45 = arith.muli %scan3A_43, %mul3A_44 : i32
      %add3A_46 = arith.constant 1 : i32
      %add3A_47 = arith.addi %mul3A_45, %add3A_46 : i32
      %dma_start3A_48 = arith.constant 0 : i32
      %dma_start3A_49 = tpu.memref_slice %arg6[%add3A_47, %dma_start3A_48] : memref<158x128xi32, #tpu.memory_space<vmem>> -> memref<1x128xi32, #tpu.memory_space<vmem>>
      %dma_start3A_50 = tpu.memref_squeeze %dma_start3A_49 : memref<1x128xi32, #tpu.memory_space<vmem>> -> memref<128xi32, #tpu.memory_space<vmem>>
      %dma_start3A_51 = arith.constant 0 : i32
      %dma_start3A_52 = arith.constant 0 : i32
      %dma_start3A_53 = tpu.memref_slice %arg2[%dma_start3A_51, %dma_start3A_52] : memref<10240x128xf32, #tpu.memory_space<hbm>> -> memref<10240x128xf32, #tpu.memory_space<hbm>>
      tpu.enqueue_indirect_dma source(%dma_start3A_53 : memref<10240x128xf32, #tpu.memory_space<hbm>>) target(%arg9 : memref<128x128xf32, #tpu.memory_space<vmem>>) offsets(%dma_start3A_50 : memref<128xi32, #tpu.memory_space<vmem>>) semaphore(%arg13 : memref<!tpu.dma_semaphore, #tpu.memory_space<semaphore_mem>>)
      %dma_wait3A_54 = arith.constant 0 : i32
      %dma_wait3A_55 = tpu.memref_slice %arg6[%mul3A_45, %dma_wait3A_54] : memref<158x128xi32, #tpu.memory_space<vmem>> -> memref<1x128xi32, #tpu.memory_space<vmem>>
      %dma_wait3A_56 = tpu.memref_squeeze %dma_wait3A_55 : memref<1x128xi32, #tpu.memory_space<vmem>> -> memref<128xi32, #tpu.memory_space<vmem>>
      %dma_wait3A_57 = arith.constant 0 : i32
      %dma_wait3A_58 = arith.constant 0 : i32
      %dma_wait3A_59 = tpu.memref_slice %arg2[%dma_wait3A_57, %dma_wait3A_58] : memref<10240x128xf32, #tpu.memory_space<hbm>> -> memref<10240x128xf32, #tpu.memory_space<hbm>>
      tpu.wait_indirect_dma semaphore(%arg12 : memref<!tpu.dma_semaphore, #tpu.memory_space<semaphore_mem>>) src(%dma_wait3A_59 : memref<10240x128xf32, #tpu.memory_space<hbm>>) dst(%arg8 : memref<128x128xf32, #tpu.memory_space<vmem>>)
      "tpu.region"() ({
        %run_scoped3A = tpu.sem_alloc : memref<!tpu.dma_semaphore, #tpu.memory_space<semaphore_mem>>
        %dma_start3A_75 = arith.constant 0 : i32
        %dma_start3A_76 = tpu.memref_slice %arg7[%mul3A_45, %dma_start3A_75] : memref<158x128xi32, #tpu.memory_space<vmem>> -> memref<1x128xi32, #tpu.memory_space<vmem>>
        %dma_start3A_77 = tpu.memref_squeeze %dma_start3A_76 : memref<1x128xi32, #tpu.memory_space<vmem>> -> memref<128xi32, #tpu.memory_space<vmem>>
        %dma_start3A_78 = arith.constant 0 : i32
        %dma_start3A_79 = arith.constant 0 : i32
        %dma_start3A_80 = tpu.memref_slice %arg11[%dma_start3A_78, %dma_start3A_79] : memref<5184x128xf32, #tpu.memory_space<vmem_shared>> -> memref<5184x128xf32, #tpu.memory_space<vmem_shared>>
        tpu.enqueue_indirect_dma source(%arg8 : memref<128x128xf32, #tpu.memory_space<vmem>>) target(%dma_start3A_80 : memref<5184x128xf32, #tpu.memory_space<vmem_shared>>) offsets(%dma_start3A_77 : memref<128xi32, #tpu.memory_space<vmem>>) semaphore(%run_scoped3A : memref<!tpu.dma_semaphore, #tpu.memory_space<semaphore_mem>>) {add = true}
        %dma_wait3A_81 = arith.constant 0 : i32
        %dma_wait3A_82 = tpu.memref_slice %arg7[%mul3A_45, %dma_wait3A_81] : memref<158x128xi32, #tpu.memory_space<vmem>> -> memref<1x128xi32, #tpu.memory_space<vmem>>
        %dma_wait3A_83 = tpu.memref_squeeze %dma_wait3A_82 : memref<1x128xi32, #tpu.memory_space<vmem>> -> memref<128xi32, #tpu.memory_space<vmem>>
        %dma_wait3A_84 = arith.constant 0 : i32
        %dma_wait3A_85 = arith.constant 0 : i32
        %dma_wait3A_86 = tpu.memref_slice %arg11[%dma_wait3A_84, %dma_wait3A_85] : memref<5184x128xf32, #tpu.memory_space<vmem_shared>> -> memref<5184x128xf32, #tpu.memory_space<vmem_shared>>
        tpu.wait_indirect_dma semaphore(%run_scoped3A : memref<!tpu.dma_semaphore, #tpu.memory_space<semaphore_mem>>) src(%arg8 : memref<128x128xf32, #tpu.memory_space<vmem>>) dst(%dma_wait3A_86 : memref<5184x128xf32, #tpu.memory_space<vmem_shared>>)
        tpu.yield
      }) : () -> ()
      %add3A_60 = arith.constant 2 : i32
      %add3A_61 = arith.addi %mul3A_45, %add3A_60 : i32
      %min3A = arith.constant 156 : i32
      %min3A_62 = arith.minsi %add3A_61, %min3A : i32
      %dma_start3A_63 = arith.constant 0 : i32
      %dma_start3A_64 = tpu.memref_slice %arg6[%min3A_62, %dma_start3A_63] : memref<158x128xi32, #tpu.memory_space<vmem>> -> memref<1x128xi32, #tpu.memory_space<vmem>>
      %dma_start3A_65 = tpu.memref_squeeze %dma_start3A_64 : memref<1x128xi32, #tpu.memory_space<vmem>> -> memref<128xi32, #tpu.memory_space<vmem>>
      %dma_start3A_66 = arith.constant 0 : i32
      %dma_start3A_67 = arith.constant 0 : i32
      %dma_start3A_68 = tpu.memref_slice %arg2[%dma_start3A_66, %dma_start3A_67] : memref<10240x128xf32, #tpu.memory_space<hbm>> -> memref<10240x128xf32, #tpu.memory_space<hbm>>
      tpu.enqueue_indirect_dma source(%dma_start3A_68 : memref<10240x128xf32, #tpu.memory_space<hbm>>) target(%arg8 : memref<128x128xf32, #tpu.memory_space<vmem>>) offsets(%dma_start3A_65 : memref<128xi32, #tpu.memory_space<vmem>>) semaphore(%arg12 : memref<!tpu.dma_semaphore, #tpu.memory_space<semaphore_mem>>)
      %dma_wait3A_69 = arith.constant 0 : i32
      %dma_wait3A_70 = tpu.memref_slice %arg6[%add3A_47, %dma_wait3A_69] : memref<158x128xi32, #tpu.memory_space<vmem>> -> memref<1x128xi32, #tpu.memory_space<vmem>>
      %dma_wait3A_71 = tpu.memref_squeeze %dma_wait3A_70 : memref<1x128xi32, #tpu.memory_space<vmem>> -> memref<128xi32, #tpu.memory_space<vmem>>
      %dma_wait3A_72 = arith.constant 0 : i32
      %dma_wait3A_73 = arith.constant 0 : i32
      %dma_wait3A_74 = tpu.memref_slice %arg2[%dma_wait3A_72, %dma_wait3A_73] : memref<10240x128xf32, #tpu.memory_space<hbm>> -> memref<10240x128xf32, #tpu.memory_space<hbm>>
      tpu.wait_indirect_dma semaphore(%arg13 : memref<!tpu.dma_semaphore, #tpu.memory_space<semaphore_mem>>) src(%dma_wait3A_74 : memref<10240x128xf32, #tpu.memory_space<hbm>>) dst(%arg9 : memref<128x128xf32, #tpu.memory_space<vmem>>)
      "tpu.region"() ({
        %run_scoped3A = tpu.sem_alloc : memref<!tpu.dma_semaphore, #tpu.memory_space<semaphore_mem>>
        %dma_start3A_75 = arith.constant 0 : i32
        %dma_start3A_76 = tpu.memref_slice %arg7[%add3A_47, %dma_start3A_75] : memref<158x128xi32, #tpu.memory_space<vmem>> -> memref<1x128xi32, #tpu.memory_space<vmem>>
        %dma_start3A_77 = tpu.memref_squeeze %dma_start3A_76 : memref<1x128xi32, #tpu.memory_space<vmem>> -> memref<128xi32, #tpu.memory_space<vmem>>
        %dma_start3A_78 = arith.constant 0 : i32
        %dma_start3A_79 = arith.constant 0 : i32
        %dma_start3A_80 = tpu.memref_slice %arg11[%dma_start3A_78, %dma_start3A_79] : memref<5184x128xf32, #tpu.memory_space<vmem_shared>> -> memref<5184x128xf32, #tpu.memory_space<vmem_shared>>
        tpu.enqueue_indirect_dma source(%arg9 : memref<128x128xf32, #tpu.memory_space<vmem>>) target(%dma_start3A_80 : memref<5184x128xf32, #tpu.memory_space<vmem_shared>>) offsets(%dma_start3A_77 : memref<128xi32, #tpu.memory_space<vmem>>) semaphore(%run_scoped3A : memref<!tpu.dma_semaphore, #tpu.memory_space<semaphore_mem>>) {add = true}
        %dma_wait3A_81 = arith.constant 0 : i32
        %dma_wait3A_82 = tpu.memref_slice %arg7[%add3A_47, %dma_wait3A_81] : memref<158x128xi32, #tpu.memory_space<vmem>> -> memref<1x128xi32, #tpu.memory_space<vmem>>
        %dma_wait3A_83 = tpu.memref_squeeze %dma_wait3A_82 : memref<1x128xi32, #tpu.memory_space<vmem>> -> memref<128xi32, #tpu.memory_space<vmem>>
        %dma_wait3A_84 = arith.constant 0 : i32
        %dma_wait3A_85 = arith.constant 0 : i32
        %dma_wait3A_86 = tpu.memref_slice %arg11[%dma_wait3A_84, %dma_wait3A_85] : memref<5184x128xf32, #tpu.memory_space<vmem_shared>> -> memref<5184x128xf32, #tpu.memory_space<vmem_shared>>
        tpu.wait_indirect_dma semaphore(%run_scoped3A : memref<!tpu.dma_semaphore, #tpu.memory_space<semaphore_mem>>) src(%arg9 : memref<128x128xf32, #tpu.memory_space<vmem>>) dst(%dma_wait3A_86 : memref<5184x128xf32, #tpu.memory_space<vmem_shared>>)
        tpu.yield
      }) : () -> ()
    }
    %scan3A_30 = arith.constant 79 : i32
    %dma_wait3A = arith.constant 156 : i32
    %dma_wait3A_31 = arith.constant 0 : i32
    %dma_wait3A_32 = tpu.memref_slice %arg6[%dma_wait3A, %dma_wait3A_31] : memref<158x128xi32, #tpu.memory_space<vmem>> -> memref<1x128xi32, #tpu.memory_space<vmem>>
    %dma_wait3A_33 = tpu.memref_squeeze %dma_wait3A_32 : memref<1x128xi32, #tpu.memory_space<vmem>> -> memref<128xi32, #tpu.memory_space<vmem>>
    %dma_wait3A_34 = arith.constant 0 : i32
    %dma_wait3A_35 = arith.constant 0 : i32
    %dma_wait3A_36 = tpu.memref_slice %arg2[%dma_wait3A_34, %dma_wait3A_35] : memref<10240x128xf32, #tpu.memory_space<hbm>> -> memref<10240x128xf32, #tpu.memory_space<hbm>>
    tpu.wait_indirect_dma semaphore(%arg12 : memref<!tpu.dma_semaphore, #tpu.memory_space<semaphore_mem>>) src(%dma_wait3A_36 : memref<10240x128xf32, #tpu.memory_space<hbm>>) dst(%arg8 : memref<128x128xf32, #tpu.memory_space<vmem>>)
    %barrier3A_37 = arith.constant 0 : index
    tpu.barrier barrier_id(%barrier3A_37)
    %mul3A_38 = arith.constant 320 : i32
    %mul3A_39 = arith.muli %arg1, %mul3A_38 : i32
    %mul3A_40 = arith.constant 320 : i32
    %mul3A_41 = arith.muli %arg1, %mul3A_40 : i32
    %add3A_42 = arith.addi %mul3A_12, %mul3A_41 : i32
    "tpu.region"() ({
      %run_scoped3A = tpu.sem_alloc : memref<!tpu.dma_semaphore, #tpu.memory_space<semaphore_mem>>
      %dma_start3A_43 = arith.constant 0 : i32
      %dma_start3A_44 = tpu.memref_slice %arg5[%add3A_42, %dma_start3A_43] : memref<10240x128xf32, #tpu.memory_space<hbm>> -> memref<320x128xf32, #tpu.memory_space<hbm>>
      %dma_start3A_45 = arith.constant 0 : i32
      %dma_start3A_46 = tpu.memref_slice %arg11[%mul3A_39, %dma_start3A_45] : memref<5184x128xf32, #tpu.memory_space<vmem_shared>> -> memref<320x128xf32, #tpu.memory_space<vmem_shared>>
      tpu.enqueue_dma source(%dma_start3A_46 : memref<320x128xf32, #tpu.memory_space<vmem_shared>>) target(%dma_start3A_44 : memref<320x128xf32, #tpu.memory_space<hbm>>) target_semaphore(%run_scoped3A : memref<!tpu.dma_semaphore, #tpu.memory_space<semaphore_mem>>)
      %dma_wait3A_47 = arith.constant 0 : i32
      %dma_wait3A_48 = tpu.memref_slice %arg5[%add3A_42, %dma_wait3A_47] : memref<10240x128xf32, #tpu.memory_space<hbm>> -> memref<320x128xf32, #tpu.memory_space<hbm>>
      %dma_wait3A_49 = arith.constant 0 : i32
      %dma_wait3A_50 = tpu.memref_slice %arg11[%mul3A_39, %dma_wait3A_49] : memref<5184x128xf32, #tpu.memory_space<vmem_shared>> -> memref<320x128xf32, #tpu.memory_space<vmem_shared>>
      tpu.wait_dma2 semaphore(%run_scoped3A : memref<!tpu.dma_semaphore, #tpu.memory_space<semaphore_mem>>) src(%dma_wait3A_50 : memref<320x128xf32, #tpu.memory_space<vmem_shared>>) dst(%dma_wait3A_48 : memref<320x128xf32, #tpu.memory_space<hbm>>)
      tpu.yield
    }) : () -> ()
    return
  }
}

#map = affine_map<(d0, d1) -> (0, 0)>
#map1 = affine_map<(d0, d1) -> (0, 0, 0)>
module attributes {stable_mosaic.version = 14 : i64} {
  func.func @_segsum_body(%arg0: i32, %arg1: i32, %arg2: memref<10240x128xf32, #tpu.memory_space<hbm>>, %arg3: memref<16x158x128xi32, #tpu.memory_space<hbm>>, %arg4: memref<16x158x128xi32, #tpu.memory_space<hbm>>, %arg5: memref<10240x128xf32, #tpu.memory_space<hbm>>, %arg6: memref<158x128xi32, #tpu.memory_space<vmem>>, %arg7: memref<158x128xi32, #tpu.memory_space<vmem>>, %arg8: memref<128x128xf32, #tpu.memory_space<vmem>>, %arg9: memref<128x128xf32, #tpu.memory_space<vmem>>, %arg10: memref<96x128xf32, #tpu.memory_space<vmem>>, %arg11: memref<5184x128xf32, #tpu.memory_space<vmem_shared>>, %arg12: memref<!tpu.dma_semaphore, #tpu.memory_space<semaphore_mem>>, %arg13: memref<!tpu.dma_semaphore, #tpu.memory_space<semaphore_mem>>) attributes {dimension_semantics = [#tpu.dimension_semantics<core_parallel>, #tpu.dimension_semantics<subcore_parallel>], iteration_bounds = array<i64: 2, 16>, scalar_prefetch = 0 : i64, scratch_operands = 8 : i64, tpu.core_type = #tpu.core_type<sc_vector_subcore>, window_params = [{transform_indices = #map}, {transform_indices = #map1}, {transform_indices = #map1}, {transform_indices = #map}]} {
    "tpu.region"() ({
      %run_scoped3A = tpu.sem_alloc : memref<!tpu.dma_semaphore, #tpu.memory_space<semaphore_mem>>
      %dma_start3A_43 = arith.constant 0 : i32
      %dma_start3A_44 = arith.constant 0 : i32
      %dma_start3A_45 = tpu.memref_slice %arg3[%arg1, %dma_start3A_43, %dma_start3A_44] : memref<16x158x128xi32, #tpu.memory_space<hbm>> -> memref<1x158x128xi32, #tpu.memory_space<hbm>>
      %dma_start3A_46 = tpu.memref_squeeze %dma_start3A_45 : memref<1x158x128xi32, #tpu.memory_space<hbm>> -> memref<158x128xi32, #tpu.memory_space<hbm>>
      %dma_start3A_47 = arith.constant 0 : i32
      %dma_start3A_48 = arith.constant 0 : i32
      %dma_start3A_49 = tpu.memref_slice %arg3[%arg1, %dma_start3A_47, %dma_start3A_48] : memref<16x158x128xi32, #tpu.memory_space<hbm>> -> memref<1x158x128xi32, #tpu.memory_space<hbm>>
      %dma_start3A_50 = tpu.memref_squeeze %dma_start3A_49 : memref<1x158x128xi32, #tpu.memory_space<hbm>> -> memref<158x128xi32, #tpu.memory_space<hbm>>
      tpu.enqueue_dma source(%dma_start3A_50 : memref<158x128xi32, #tpu.memory_space<hbm>>) target(%arg6 : memref<158x128xi32, #tpu.memory_space<vmem>>) target_semaphore(%run_scoped3A : memref<!tpu.dma_semaphore, #tpu.memory_space<semaphore_mem>>)
      %dma_wait3A_51 = arith.constant 0 : i32
      %dma_wait3A_52 = arith.constant 0 : i32
      %dma_wait3A_53 = tpu.memref_slice %arg3[%arg1, %dma_wait3A_51, %dma_wait3A_52] : memref<16x158x128xi32, #tpu.memory_space<hbm>> -> memref<1x158x128xi32, #tpu.memory_space<hbm>>
      %dma_wait3A_54 = tpu.memref_squeeze %dma_wait3A_53 : memref<1x158x128xi32, #tpu.memory_space<hbm>> -> memref<158x128xi32, #tpu.memory_space<hbm>>
      %dma_wait3A_55 = arith.constant 0 : i32
      %dma_wait3A_56 = arith.constant 0 : i32
      %dma_wait3A_57 = tpu.memref_slice %arg3[%arg1, %dma_wait3A_55, %dma_wait3A_56] : memref<16x158x128xi32, #tpu.memory_space<hbm>> -> memref<1x158x128xi32, #tpu.memory_space<hbm>>
      %dma_wait3A_58 = tpu.memref_squeeze %dma_wait3A_57 : memref<1x158x128xi32, #tpu.memory_space<hbm>> -> memref<158x128xi32, #tpu.memory_space<hbm>>
      tpu.wait_dma2 semaphore(%run_scoped3A : memref<!tpu.dma_semaphore, #tpu.memory_space<semaphore_mem>>) src(%dma_wait3A_58 : memref<158x128xi32, #tpu.memory_space<hbm>>) dst(%arg6 : memref<158x128xi32, #tpu.memory_space<vmem>>)
      tpu.yield
    }) : () -> ()
    "tpu.region"() ({
      %run_scoped3A = tpu.sem_alloc : memref<!tpu.dma_semaphore, #tpu.memory_space<semaphore_mem>>
      %dma_start3A_43 = arith.constant 0 : i32
      %dma_start3A_44 = arith.constant 0 : i32
      %dma_start3A_45 = tpu.memref_slice %arg4[%arg1, %dma_start3A_43, %dma_start3A_44] : memref<16x158x128xi32, #tpu.memory_space<hbm>> -> memref<1x158x128xi32, #tpu.memory_space<hbm>>
      %dma_start3A_46 = tpu.memref_squeeze %dma_start3A_45 : memref<1x158x128xi32, #tpu.memory_space<hbm>> -> memref<158x128xi32, #tpu.memory_space<hbm>>
      %dma_start3A_47 = arith.constant 0 : i32
      %dma_start3A_48 = arith.constant 0 : i32
      %dma_start3A_49 = tpu.memref_slice %arg4[%arg1, %dma_start3A_47, %dma_start3A_48] : memref<16x158x128xi32, #tpu.memory_space<hbm>> -> memref<1x158x128xi32, #tpu.memory_space<hbm>>
      %dma_start3A_50 = tpu.memref_squeeze %dma_start3A_49 : memref<1x158x128xi32, #tpu.memory_space<hbm>> -> memref<158x128xi32, #tpu.memory_space<hbm>>
      tpu.enqueue_dma source(%dma_start3A_50 : memref<158x128xi32, #tpu.memory_space<hbm>>) target(%arg7 : memref<158x128xi32, #tpu.memory_space<vmem>>) target_semaphore(%run_scoped3A : memref<!tpu.dma_semaphore, #tpu.memory_space<semaphore_mem>>)
      %dma_wait3A_51 = arith.constant 0 : i32
      %dma_wait3A_52 = arith.constant 0 : i32
      %dma_wait3A_53 = tpu.memref_slice %arg4[%arg1, %dma_wait3A_51, %dma_wait3A_52] : memref<16x158x128xi32, #tpu.memory_space<hbm>> -> memref<1x158x128xi32, #tpu.memory_space<hbm>>
      %dma_wait3A_54 = tpu.memref_squeeze %dma_wait3A_53 : memref<1x158x128xi32, #tpu.memory_space<hbm>> -> memref<158x128xi32, #tpu.memory_space<hbm>>
      %dma_wait3A_55 = arith.constant 0 : i32
      %dma_wait3A_56 = arith.constant 0 : i32
      %dma_wait3A_57 = tpu.memref_slice %arg4[%arg1, %dma_wait3A_55, %dma_wait3A_56] : memref<16x158x128xi32, #tpu.memory_space<hbm>> -> memref<1x158x128xi32, #tpu.memory_space<hbm>>
      %dma_wait3A_58 = tpu.memref_squeeze %dma_wait3A_57 : memref<1x158x128xi32, #tpu.memory_space<hbm>> -> memref<158x128xi32, #tpu.memory_space<hbm>>
      tpu.wait_dma2 semaphore(%run_scoped3A : memref<!tpu.dma_semaphore, #tpu.memory_space<semaphore_mem>>) src(%dma_wait3A_58 : memref<158x128xi32, #tpu.memory_space<hbm>>) dst(%arg7 : memref<158x128xi32, #tpu.memory_space<vmem>>)
      tpu.yield
    }) : () -> ()
    %scan3A = arith.constant 0 : i32
    %scan3A_0 = arith.constant 0 : i32
    %scan3A_1 = arith.constant 768 : i32
    %scan3A_2 = arith.addi %scan3A_0, %scan3A_1 : i32
    %scan3A_3 = arith.constant 1 : i32
    scf.for %scan3A_43 = %scan3A_0 to %scan3A_2 step %scan3A_3  : i32 {
      %broadcast_in_dim3A = arith.constant 0.000000e+00 : f32
      %broadcast_in_dim3A_44 = vector.broadcast %broadcast_in_dim3A : f32 to vector<16xf32>
      %jit3A = arith.constant 8 : i32
      %div3A = arith.divsi %scan3A_43, %jit3A : i32
      %sign3A = arith.constant 0 : i32
      %sign3A_45 = arith.cmpi sgt, %scan3A_43, %sign3A : i32
      %sign3A_46 = arith.extui %sign3A_45 : i1 to i32
      %sign3A_47 = arith.constant 0 : i32
      %sign3A_48 = arith.cmpi slt, %scan3A_43, %sign3A_47 : i32
      %sign3A_49 = arith.extui %sign3A_48 : i1 to i32
      %sign3A_50 = arith.subi %sign3A_46, %sign3A_49 : i32
      %sign3A_51 = arith.constant 0 : i32
      %sign3A_52 = arith.cmpi sgt, %jit3A, %sign3A_51 : i32
      %sign3A_53 = arith.extui %sign3A_52 : i1 to i32
      %sign3A_54 = arith.constant 0 : i32
      %sign3A_55 = arith.cmpi slt, %jit3A, %sign3A_54 : i32
      %sign3A_56 = arith.extui %sign3A_55 : i1 to i32
      %sign3A_57 = arith.subi %sign3A_53, %sign3A_56 : i32
      %ne3A = arith.cmpi ne, %sign3A_50, %sign3A_57 : i32
      %rem3A = arith.remsi %scan3A_43, %jit3A : i32
      %ne3A_58 = arith.constant 0 : i32
      %ne3A_59 = arith.cmpi ne, %rem3A, %ne3A_58 : i32
      %and3A = arith.andi %ne3A, %ne3A_59 : i1
      %sub3A = arith.constant 1 : i32
      %sub3A_60 = arith.subi %div3A, %sub3A : i32
      %select_n3A = arith.select %and3A, %sub3A_60, %div3A : i32
      %jit3A_61 = arith.constant 8 : i32
      %eq3A = arith.constant 0 : i32
      %eq3A_62 = arith.cmpi eq, %jit3A_61, %eq3A : i32
      %jit3A_63 = arith.constant 1 : i32
      %select_n3A_64 = arith.select %eq3A_62, %jit3A_63, %jit3A_61 : i32
      %rem3A_65 = arith.remsi %scan3A_43, %select_n3A_64 : i32
      %ne3A_66 = arith.constant 0 : i32
      %ne3A_67 = arith.cmpi ne, %rem3A_65, %ne3A_66 : i32
      %lt3A = arith.constant 0 : i32
      %lt3A_68 = arith.cmpi slt, %rem3A_65, %lt3A : i32
      %lt3A_69 = arith.constant 0 : i32
      %lt3A_70 = arith.cmpi slt, %select_n3A_64, %lt3A_69 : i32
      %ne3A_71 = arith.xori %lt3A_68, %lt3A_70 : i1
      %and3A_72 = arith.andi %ne3A_71, %ne3A_67 : i1
      %add3A_73 = arith.addi %rem3A_65, %select_n3A_64 : i32
      %select_n3A_74 = arith.select %and3A_72, %add3A_73, %rem3A_65 : i32
      %mul3A_75 = arith.constant 16 : i32
      %mul3A_76 = arith.muli %select_n3A_74, %mul3A_75 : i32
      %swap3A = arith.index_cast %select_n3A : i32 to index
      %swap3A_77 = arith.index_cast %mul3A_76 : i32 to index
      %swap3A_78 = tpu.vector_load %arg10[%swap3A, %swap3A_77] {strides = array<i32>} : memref<96x128xf32, #tpu.memory_space<vmem>>, vector<1x16xf32>,
      %swap3A_79 = vector.shape_cast %swap3A_78 : vector<1x16xf32> to vector<16xf32>
      %swap3A_80 = vector.shape_cast %broadcast_in_dim3A_44 : vector<16xf32> to vector<1x16xf32>
      tpu.vector_store %arg10[%swap3A, %swap3A_77], %swap3A_80 {strides = array<i32>} : memref<96x128xf32, #tpu.memory_space<vmem>>, vector<1x16xf32>,
    }
    %scan3A_4 = arith.constant 768 : i32
    %mul3A = arith.constant 324 : i32
    %mul3A_5 = arith.muli %arg1, %mul3A : i32
    "tpu.region"() ({
      %run_scoped3A = tpu.sem_alloc : memref<!tpu.dma_semaphore, #tpu.memory_space<semaphore_mem>>
      %dma_start3A_43 = arith.constant 0 : i32
      %dma_start3A_44 = tpu.memref_slice %arg11[%mul3A_5, %dma_start3A_43] : memref<5184x128xf32, #tpu.memory_space<vmem_shared>> -> memref<96x128xf32, #tpu.memory_space<vmem_shared>>
      %dma_start3A_45 = arith.constant 0 : i32
      %dma_start3A_46 = tpu.memref_slice %arg11[%mul3A_5, %dma_start3A_45] : memref<5184x128xf32, #tpu.memory_space<vmem_shared>> -> memref<96x128xf32, #tpu.memory_space<vmem_shared>>
      tpu.enqueue_dma source(%arg10 : memref<96x128xf32, #tpu.memory_space<vmem>>) target(%dma_start3A_46 : memref<96x128xf32, #tpu.memory_space<vmem_shared>>) target_semaphore(%run_scoped3A : memref<!tpu.dma_semaphore, #tpu.memory_space<semaphore_mem>>)
      %dma_wait3A_47 = arith.constant 0 : i32
      %dma_wait3A_48 = tpu.memref_slice %arg11[%mul3A_5, %dma_wait3A_47] : memref<5184x128xf32, #tpu.memory_space<vmem_shared>> -> memref<96x128xf32, #tpu.memory_space<vmem_shared>>
      %dma_wait3A_49 = arith.constant 0 : i32
      %dma_wait3A_50 = tpu.memref_slice %arg11[%mul3A_5, %dma_wait3A_49] : memref<5184x128xf32, #tpu.memory_space<vmem_shared>> -> memref<96x128xf32, #tpu.memory_space<vmem_shared>>
      tpu.wait_dma2 semaphore(%run_scoped3A : memref<!tpu.dma_semaphore, #tpu.memory_space<semaphore_mem>>) src(%arg10 : memref<96x128xf32, #tpu.memory_space<vmem>>) dst(%dma_wait3A_50 : memref<96x128xf32, #tpu.memory_space<vmem_shared>>)
      tpu.yield
    }) : () -> ()
    %add3A = arith.constant 96 : i32
    %add3A_6 = arith.addi %mul3A_5, %add3A : i32
    "tpu.region"() ({
      %run_scoped3A = tpu.sem_alloc : memref<!tpu.dma_semaphore, #tpu.memory_space<semaphore_mem>>
      %dma_start3A_43 = arith.constant 0 : i32
      %dma_start3A_44 = tpu.memref_slice %arg11[%add3A_6, %dma_start3A_43] : memref<5184x128xf32, #tpu.memory_space<vmem_shared>> -> memref<96x128xf32, #tpu.memory_space<vmem_shared>>
      %dma_start3A_45 = arith.constant 0 : i32
      %dma_start3A_46 = tpu.memref_slice %arg11[%add3A_6, %dma_start3A_45] : memref<5184x128xf32, #tpu.memory_space<vmem_shared>> -> memref<96x128xf32, #tpu.memory_space<vmem_shared>>
      tpu.enqueue_dma source(%arg10 : memref<96x128xf32, #tpu.memory_space<vmem>>) target(%dma_start3A_46 : memref<96x128xf32, #tpu.memory_space<vmem_shared>>) target_semaphore(%run_scoped3A : memref<!tpu.dma_semaphore, #tpu.memory_space<semaphore_mem>>)
      %dma_wait3A_47 = arith.constant 0 : i32
      %dma_wait3A_48 = tpu.memref_slice %arg11[%add3A_6, %dma_wait3A_47] : memref<5184x128xf32, #tpu.memory_space<vmem_shared>> -> memref<96x128xf32, #tpu.memory_space<vmem_shared>>
      %dma_wait3A_49 = arith.constant 0 : i32
      %dma_wait3A_50 = tpu.memref_slice %arg11[%add3A_6, %dma_wait3A_49] : memref<5184x128xf32, #tpu.memory_space<vmem_shared>> -> memref<96x128xf32, #tpu.memory_space<vmem_shared>>
      tpu.wait_dma2 semaphore(%run_scoped3A : memref<!tpu.dma_semaphore, #tpu.memory_space<semaphore_mem>>) src(%arg10 : memref<96x128xf32, #tpu.memory_space<vmem>>) dst(%dma_wait3A_50 : memref<96x128xf32, #tpu.memory_space<vmem_shared>>)
      tpu.yield
    }) : () -> ()
    %add3A_7 = arith.constant 192 : i32
    %add3A_8 = arith.addi %mul3A_5, %add3A_7 : i32
    "tpu.region"() ({
      %run_scoped3A = tpu.sem_alloc : memref<!tpu.dma_semaphore, #tpu.memory_space<semaphore_mem>>
      %dma_start3A_43 = arith.constant 0 : i32
      %dma_start3A_44 = tpu.memref_slice %arg11[%add3A_8, %dma_start3A_43] : memref<5184x128xf32, #tpu.memory_space<vmem_shared>> -> memref<96x128xf32, #tpu.memory_space<vmem_shared>>
      %dma_start3A_45 = arith.constant 0 : i32
      %dma_start3A_46 = tpu.memref_slice %arg11[%add3A_8, %dma_start3A_45] : memref<5184x128xf32, #tpu.memory_space<vmem_shared>> -> memref<96x128xf32, #tpu.memory_space<vmem_shared>>
      tpu.enqueue_dma source(%arg10 : memref<96x128xf32, #tpu.memory_space<vmem>>) target(%dma_start3A_46 : memref<96x128xf32, #tpu.memory_space<vmem_shared>>) target_semaphore(%run_scoped3A : memref<!tpu.dma_semaphore, #tpu.memory_space<semaphore_mem>>)
      %dma_wait3A_47 = arith.constant 0 : i32
      %dma_wait3A_48 = tpu.memref_slice %arg11[%add3A_8, %dma_wait3A_47] : memref<5184x128xf32, #tpu.memory_space<vmem_shared>> -> memref<96x128xf32, #tpu.memory_space<vmem_shared>>
      %dma_wait3A_49 = arith.constant 0 : i32
      %dma_wait3A_50 = tpu.memref_slice %arg11[%add3A_8, %dma_wait3A_49] : memref<5184x128xf32, #tpu.memory_space<vmem_shared>> -> memref<96x128xf32, #tpu.memory_space<vmem_shared>>
      tpu.wait_dma2 semaphore(%run_scoped3A : memref<!tpu.dma_semaphore, #tpu.memory_space<semaphore_mem>>) src(%arg10 : memref<96x128xf32, #tpu.memory_space<vmem>>) dst(%dma_wait3A_50 : memref<96x128xf32, #tpu.memory_space<vmem_shared>>)
      tpu.yield
    }) : () -> ()
    %add3A_9 = arith.constant 288 : i32
    %add3A_10 = arith.addi %mul3A_5, %add3A_9 : i32
    "tpu.region"() ({
      %run_scoped3A = tpu.sem_alloc : memref<!tpu.dma_semaphore, #tpu.memory_space<semaphore_mem>>
      %dma_start3A_43 = arith.constant 0 : i32
      %dma_start3A_44 = arith.constant 0 : i32
      %dma_start3A_45 = tpu.memref_slice %arg10[%dma_start3A_43, %dma_start3A_44] : memref<96x128xf32, #tpu.memory_space<vmem>> -> memref<36x128xf32, #tpu.memory_space<vmem>>
      %dma_start3A_46 = arith.constant 0 : i32
      %dma_start3A_47 = tpu.memref_slice %arg11[%add3A_10, %dma_start3A_46] : memref<5184x128xf32, #tpu.memory_space<vmem_shared>> -> memref<36x128xf32, #tpu.memory_space<vmem_shared>>
      %dma_start3A_48 = arith.constant 0 : i32
      %dma_start3A_49 = tpu.memref_slice %arg11[%add3A_10, %dma_start3A_48] : memref<5184x128xf32, #tpu.memory_space<vmem_shared>> -> memref<36x128xf32, #tpu.memory_space<vmem_shared>>
      %dma_start3A_50 = arith.constant 0 : i32
      %dma_start3A_51 = arith.constant 0 : i32
      %dma_start3A_52 = tpu.memref_slice %arg10[%dma_start3A_50, %dma_start3A_51] : memref<96x128xf32, #tpu.memory_space<vmem>> -> memref<36x128xf32, #tpu.memory_space<vmem>>
      tpu.enqueue_dma source(%dma_start3A_52 : memref<36x128xf32, #tpu.memory_space<vmem>>) target(%dma_start3A_49 : memref<36x128xf32, #tpu.memory_space<vmem_shared>>) target_semaphore(%run_scoped3A : memref<!tpu.dma_semaphore, #tpu.memory_space<semaphore_mem>>)
      %dma_wait3A_53 = arith.constant 0 : i32
      %dma_wait3A_54 = arith.constant 0 : i32
      %dma_wait3A_55 = tpu.memref_slice %arg10[%dma_wait3A_53, %dma_wait3A_54] : memref<96x128xf32, #tpu.memory_space<vmem>> -> memref<36x128xf32, #tpu.memory_space<vmem>>
      %dma_wait3A_56 = arith.constant 0 : i32
      %dma_wait3A_57 = tpu.memref_slice %arg11[%add3A_10, %dma_wait3A_56] : memref<5184x128xf32, #tpu.memory_space<vmem_shared>> -> memref<36x128xf32, #tpu.memory_space<vmem_shared>>
      %dma_wait3A_58 = arith.constant 0 : i32
      %dma_wait3A_59 = tpu.memref_slice %arg11[%add3A_10, %dma_wait3A_58] : memref<5184x128xf32, #tpu.memory_space<vmem_shared>> -> memref<36x128xf32, #tpu.memory_space<vmem_shared>>
      %dma_wait3A_60 = arith.constant 0 : i32
      %dma_wait3A_61 = arith.constant 0 : i32
      %dma_wait3A_62 = tpu.memref_slice %arg10[%dma_wait3A_60, %dma_wait3A_61] : memref<96x128xf32, #tpu.memory_space<vmem>> -> memref<36x128xf32, #tpu.memory_space<vmem>>
      tpu.wait_dma2 semaphore(%run_scoped3A : memref<!tpu.dma_semaphore, #tpu.memory_space<semaphore_mem>>) src(%dma_wait3A_62 : memref<36x128xf32, #tpu.memory_space<vmem>>) dst(%dma_wait3A_59 : memref<36x128xf32, #tpu.memory_space<vmem_shared>>)
      tpu.yield
    }) : () -> ()
    %mul3A_11 = arith.constant 5120 : i32
    %mul3A_12 = arith.muli %arg0, %mul3A_11 : i32
    %iota3A = tpu.iota {dimensions = array<i32: 0>} : vector<16xi32>
    %scan3A_13 = arith.constant 0 : i32
    %scan3A_14 = arith.constant 0 : i32
    %scan3A_15 = arith.constant 1264 : i32
    %scan3A_16 = arith.addi %scan3A_14, %scan3A_15 : i32
    %scan3A_17 = arith.constant 1 : i32
    scf.for %scan3A_43 = %scan3A_14 to %scan3A_16 step %scan3A_17  : i32 {
      %jit3A = arith.constant 8 : i32
      %div3A = arith.divsi %scan3A_43, %jit3A : i32
      %sign3A = arith.constant 0 : i32
      %sign3A_44 = arith.cmpi sgt, %scan3A_43, %sign3A : i32
      %sign3A_45 = arith.extui %sign3A_44 : i1 to i32
      %sign3A_46 = arith.constant 0 : i32
      %sign3A_47 = arith.cmpi slt, %scan3A_43, %sign3A_46 : i32
      %sign3A_48 = arith.extui %sign3A_47 : i1 to i32
      %sign3A_49 = arith.subi %sign3A_45, %sign3A_48 : i32
      %sign3A_50 = arith.constant 0 : i32
      %sign3A_51 = arith.cmpi sgt, %jit3A, %sign3A_50 : i32
      %sign3A_52 = arith.extui %sign3A_51 : i1 to i32
      %sign3A_53 = arith.constant 0 : i32
      %sign3A_54 = arith.cmpi slt, %jit3A, %sign3A_53 : i32
      %sign3A_55 = arith.extui %sign3A_54 : i1 to i32
      %sign3A_56 = arith.subi %sign3A_52, %sign3A_55 : i32
      %ne3A = arith.cmpi ne, %sign3A_49, %sign3A_56 : i32
      %rem3A = arith.remsi %scan3A_43, %jit3A : i32
      %ne3A_57 = arith.constant 0 : i32
      %ne3A_58 = arith.cmpi ne, %rem3A, %ne3A_57 : i32
      %and3A = arith.andi %ne3A, %ne3A_58 : i1
      %sub3A = arith.constant 1 : i32
      %sub3A_59 = arith.subi %div3A, %sub3A : i32
      %select_n3A = arith.select %and3A, %sub3A_59, %div3A : i32
      %jit3A_60 = arith.constant 8 : i32
      %eq3A = arith.constant 0 : i32
      %eq3A_61 = arith.cmpi eq, %jit3A_60, %eq3A : i32
      %jit3A_62 = arith.constant 1 : i32
      %select_n3A_63 = arith.select %eq3A_61, %jit3A_62, %jit3A_60 : i32
      %rem3A_64 = arith.remsi %scan3A_43, %select_n3A_63 : i32
      %ne3A_65 = arith.constant 0 : i32
      %ne3A_66 = arith.cmpi ne, %rem3A_64, %ne3A_65 : i32
      %lt3A = arith.constant 0 : i32
      %lt3A_67 = arith.cmpi slt, %rem3A_64, %lt3A : i32
      %lt3A_68 = arith.constant 0 : i32
      %lt3A_69 = arith.cmpi slt, %select_n3A_63, %lt3A_68 : i32
      %ne3A_70 = arith.xori %lt3A_67, %lt3A_69 : i1
      %and3A_71 = arith.andi %ne3A_70, %ne3A_66 : i1
      %add3A_72 = arith.addi %rem3A_64, %select_n3A_63 : i32
      %select_n3A_73 = arith.select %and3A_71, %add3A_72, %rem3A_64 : i32
      %mul3A_74 = arith.constant 16 : i32
      %mul3A_75 = arith.muli %select_n3A_73, %mul3A_74 : i32
      %get3A = arith.index_cast %select_n3A : i32 to index
      %get3A_76 = arith.index_cast %mul3A_75 : i32 to index
      %get3A_77 = tpu.vector_load %arg7[%get3A, %get3A_76] {strides = array<i32>} : memref<158x128xi32, #tpu.memory_space<vmem>>, vector<1x16xi32>,
      %get3A_78 = vector.shape_cast %get3A_77 : vector<1x16xi32> to vector<16xi32>
      %sub3A_79 = vector.broadcast %mul3A_12 : i32 to vector<16xi32>
      %sub3A_80 = arith.subi %get3A_78, %sub3A_79 : vector<16xi32>
      %mul3A_81 = arith.constant 16 : i32
      %mul3A_82 = arith.muli %select_n3A_73, %mul3A_81 : i32
      %add3A_83 = vector.broadcast %mul3A_82 : i32 to vector<16xi32>
      %add3A_84 = arith.addi %add3A_83, %iota3A : vector<16xi32>
      %and3A_85 = arith.constant 63 : i32
      %and3A_86 = vector.broadcast %and3A_85 : i32 to vector<16xi32>
      %and3A_87 = arith.andi %add3A_84, %and3A_86 : vector<16xi32>
      %add3A_88 = arith.constant 5120 : i32
      %add3A_89 = vector.broadcast %add3A_88 : i32 to vector<16xi32>
      %add3A_90 = arith.addi %add3A_89, %and3A_87 : vector<16xi32>
      %ge3A = arith.constant 0 : i32
      %ge3A_91 = vector.broadcast %ge3A : i32 to vector<16xi32>
      %ge3A_92 = arith.cmpi sge, %sub3A_80, %ge3A_91 : vector<16xi32>
      %lt3A_93 = arith.constant 5120 : i32
      %lt3A_94 = vector.broadcast %lt3A_93 : i32 to vector<16xi32>
      %lt3A_95 = arith.cmpi slt, %sub3A_80, %lt3A_94 : vector<16xi32>
      %and3A_96 = arith.andi %ge3A_92, %lt3A_95 : vector<16xi1>
      %select_n3A_97 = arith.select %and3A_96, %sub3A_80, %add3A_90 : vector<16xi1>, vector<16xi32>
      %mul3A_98 = arith.constant 16 : i32
      %mul3A_99 = arith.muli %select_n3A_73, %mul3A_98 : i32
      %swap3A = arith.index_cast %select_n3A : i32 to index
      %swap3A_100 = arith.index_cast %mul3A_99 : i32 to index
      %swap3A_101 = tpu.vector_load %arg7[%swap3A, %swap3A_100] {strides = array<i32>} : memref<158x128xi32, #tpu.memory_space<vmem>>, vector<1x16xi32>,
      %swap3A_102 = vector.shape_cast %swap3A_101 : vector<1x16xi32> to vector<16xi32>
      %swap3A_103 = vector.shape_cast %select_n3A_97 : vector<16xi32> to vector<1x16xi32>
      tpu.vector_store %arg7[%swap3A, %swap3A_100], %swap3A_103 {strides = array<i32>} : memref<158x128xi32, #tpu.memory_space<vmem>>, vector<1x16xi32>,
    }
    %scan3A_18 = arith.constant 1264 : i32
    %barrier3A = arith.constant 0 : index
    tpu.barrier barrier_id(%barrier3A)
    %dma_start3A = arith.constant 0 : i32
    %dma_start3A_19 = arith.constant 0 : i32
    %dma_start3A_20 = tpu.memref_slice %arg6[%dma_start3A, %dma_start3A_19] : memref<158x128xi32, #tpu.memory_space<vmem>> -> memref<1x128xi32, #tpu.memory_space<vmem>>
    %dma_start3A_21 = tpu.memref_squeeze %dma_start3A_20 : memref<1x128xi32, #tpu.memory_space<vmem>> -> memref<128xi32, #tpu.memory_space<vmem>>
    %dma_start3A_22 = arith.constant 0 : i32
    %dma_start3A_23 = arith.constant 0 : i32
    %dma_start3A_24 = tpu.memref_slice %arg2[%dma_start3A_22, %dma_start3A_23] : memref<10240x128xf32, #tpu.memory_space<hbm>> -> memref<10240x128xf32, #tpu.memory_space<hbm>>
    tpu.enqueue_indirect_dma source(%dma_start3A_24 : memref<10240x128xf32, #tpu.memory_space<hbm>>) target(%arg8 : memref<128x128xf32, #tpu.memory_space<vmem>>) offsets(%dma_start3A_21 : memref<128xi32, #tpu.memory_space<vmem>>) semaphore(%arg12 : memref<!tpu.dma_semaphore, #tpu.memory_space<semaphore_mem>>)
    %scan3A_25 = arith.constant 0 : i32
    %scan3A_26 = arith.constant 0 : i32
    %scan3A_27 = arith.constant 79 : i32
    %scan3A_28 = arith.addi %scan3A_26, %scan3A_27 : i32
    %scan3A_29 = arith.constant 1 : i32
    scf.for %scan3A_43 = %scan3A_26 to %scan3A_28 step %scan3A_29  : i32 {
      %mul3A_44 = arith.constant 2 : i32
      %mul3A_45 = arith.muli %scan3A_43, %mul3A_44 : i32
      %add3A_46 = arith.constant 1 : i32
      %add3A_47 = arith.addi %mul3A_45, %add3A_46 : i32
      %dma_start3A_48 = arith.constant 0 : i32
      %dma_start3A_49 = tpu.memref_slice %arg6[%add3A_47, %dma_start3A_48] : memref<158x128xi32, #tpu.memory_space<vmem>> -> memref<1x128xi32, #tpu.memory_space<vmem>>
      %dma_start3A_50 = tpu.memref_squeeze %dma_start3A_49 : memref<1x128xi32, #tpu.memory_space<vmem>> -> memref<128xi32, #tpu.memory_space<vmem>>
      %dma_start3A_51 = arith.constant 0 : i32
      %dma_start3A_52 = arith.constant 0 : i32
      %dma_start3A_53 = tpu.memref_slice %arg2[%dma_start3A_51, %dma_start3A_52] : memref<10240x128xf32, #tpu.memory_space<hbm>> -> memref<10240x128xf32, #tpu.memory_space<hbm>>
      tpu.enqueue_indirect_dma source(%dma_start3A_53 : memref<10240x128xf32, #tpu.memory_space<hbm>>) target(%arg9 : memref<128x128xf32, #tpu.memory_space<vmem>>) offsets(%dma_start3A_50 : memref<128xi32, #tpu.memory_space<vmem>>) semaphore(%arg13 : memref<!tpu.dma_semaphore, #tpu.memory_space<semaphore_mem>>)
      %dma_wait3A_54 = arith.constant 0 : i32
      %dma_wait3A_55 = tpu.memref_slice %arg6[%mul3A_45, %dma_wait3A_54] : memref<158x128xi32, #tpu.memory_space<vmem>> -> memref<1x128xi32, #tpu.memory_space<vmem>>
      %dma_wait3A_56 = tpu.memref_squeeze %dma_wait3A_55 : memref<1x128xi32, #tpu.memory_space<vmem>> -> memref<128xi32, #tpu.memory_space<vmem>>
      %dma_wait3A_57 = arith.constant 0 : i32
      %dma_wait3A_58 = arith.constant 0 : i32
      %dma_wait3A_59 = tpu.memref_slice %arg2[%dma_wait3A_57, %dma_wait3A_58] : memref<10240x128xf32, #tpu.memory_space<hbm>> -> memref<10240x128xf32, #tpu.memory_space<hbm>>
      tpu.wait_indirect_dma semaphore(%arg12 : memref<!tpu.dma_semaphore, #tpu.memory_space<semaphore_mem>>) src(%dma_wait3A_59 : memref<10240x128xf32, #tpu.memory_space<hbm>>) dst(%arg8 : memref<128x128xf32, #tpu.memory_space<vmem>>)
      "tpu.region"() ({
        %run_scoped3A = tpu.sem_alloc : memref<!tpu.dma_semaphore, #tpu.memory_space<semaphore_mem>>
        %dma_start3A_75 = arith.constant 0 : i32
        %dma_start3A_76 = tpu.memref_slice %arg7[%mul3A_45, %dma_start3A_75] : memref<158x128xi32, #tpu.memory_space<vmem>> -> memref<1x128xi32, #tpu.memory_space<vmem>>
        %dma_start3A_77 = tpu.memref_squeeze %dma_start3A_76 : memref<1x128xi32, #tpu.memory_space<vmem>> -> memref<128xi32, #tpu.memory_space<vmem>>
        %dma_start3A_78 = arith.constant 0 : i32
        %dma_start3A_79 = arith.constant 0 : i32
        %dma_start3A_80 = tpu.memref_slice %arg11[%dma_start3A_78, %dma_start3A_79] : memref<5184x128xf32, #tpu.memory_space<vmem_shared>> -> memref<5184x128xf32, #tpu.memory_space<vmem_shared>>
        tpu.enqueue_indirect_dma source(%arg8 : memref<128x128xf32, #tpu.memory_space<vmem>>) target(%dma_start3A_80 : memref<5184x128xf32, #tpu.memory_space<vmem_shared>>) offsets(%dma_start3A_77 : memref<128xi32, #tpu.memory_space<vmem>>) semaphore(%run_scoped3A : memref<!tpu.dma_semaphore, #tpu.memory_space<semaphore_mem>>) {add = true}
        %dma_wait3A_81 = arith.constant 0 : i32
        %dma_wait3A_82 = tpu.memref_slice %arg7[%mul3A_45, %dma_wait3A_81] : memref<158x128xi32, #tpu.memory_space<vmem>> -> memref<1x128xi32, #tpu.memory_space<vmem>>
        %dma_wait3A_83 = tpu.memref_squeeze %dma_wait3A_82 : memref<1x128xi32, #tpu.memory_space<vmem>> -> memref<128xi32, #tpu.memory_space<vmem>>
        %dma_wait3A_84 = arith.constant 0 : i32
        %dma_wait3A_85 = arith.constant 0 : i32
        %dma_wait3A_86 = tpu.memref_slice %arg11[%dma_wait3A_84, %dma_wait3A_85] : memref<5184x128xf32, #tpu.memory_space<vmem_shared>> -> memref<5184x128xf32, #tpu.memory_space<vmem_shared>>
        tpu.wait_indirect_dma semaphore(%run_scoped3A : memref<!tpu.dma_semaphore, #tpu.memory_space<semaphore_mem>>) src(%arg8 : memref<128x128xf32, #tpu.memory_space<vmem>>) dst(%dma_wait3A_86 : memref<5184x128xf32, #tpu.memory_space<vmem_shared>>)
        tpu.yield
      }) : () -> ()
      %add3A_60 = arith.constant 2 : i32
      %add3A_61 = arith.addi %mul3A_45, %add3A_60 : i32
      %min3A = arith.constant 156 : i32
      %min3A_62 = arith.minsi %add3A_61, %min3A : i32
      %dma_start3A_63 = arith.constant 0 : i32
      %dma_start3A_64 = tpu.memref_slice %arg6[%min3A_62, %dma_start3A_63] : memref<158x128xi32, #tpu.memory_space<vmem>> -> memref<1x128xi32, #tpu.memory_space<vmem>>
      %dma_start3A_65 = tpu.memref_squeeze %dma_start3A_64 : memref<1x128xi32, #tpu.memory_space<vmem>> -> memref<128xi32, #tpu.memory_space<vmem>>
      %dma_start3A_66 = arith.constant 0 : i32
      %dma_start3A_67 = arith.constant 0 : i32
      %dma_start3A_68 = tpu.memref_slice %arg2[%dma_start3A_66, %dma_start3A_67] : memref<10240x128xf32, #tpu.memory_space<hbm>> -> memref<10240x128xf32, #tpu.memory_space<hbm>>
      tpu.enqueue_indirect_dma source(%dma_start3A_68 : memref<10240x128xf32, #tpu.memory_space<hbm>>) target(%arg8 : memref<128x128xf32, #tpu.memory_space<vmem>>) offsets(%dma_start3A_65 : memref<128xi32, #tpu.memory_space<vmem>>) semaphore(%arg12 : memref<!tpu.dma_semaphore, #tpu.memory_space<semaphore_mem>>)
      %dma_wait3A_69 = arith.constant 0 : i32
      %dma_wait3A_70 = tpu.memref_slice %arg6[%add3A_47, %dma_wait3A_69] : memref<158x128xi32, #tpu.memory_space<vmem>> -> memref<1x128xi32, #tpu.memory_space<vmem>>
      %dma_wait3A_71 = tpu.memref_squeeze %dma_wait3A_70 : memref<1x128xi32, #tpu.memory_space<vmem>> -> memref<128xi32, #tpu.memory_space<vmem>>
      %dma_wait3A_72 = arith.constant 0 : i32
      %dma_wait3A_73 = arith.constant 0 : i32
      %dma_wait3A_74 = tpu.memref_slice %arg2[%dma_wait3A_72, %dma_wait3A_73] : memref<10240x128xf32, #tpu.memory_space<hbm>> -> memref<10240x128xf32, #tpu.memory_space<hbm>>
      tpu.wait_indirect_dma semaphore(%arg13 : memref<!tpu.dma_semaphore, #tpu.memory_space<semaphore_mem>>) src(%dma_wait3A_74 : memref<10240x128xf32, #tpu.memory_space<hbm>>) dst(%arg9 : memref<128x128xf32, #tpu.memory_space<vmem>>)
      "tpu.region"() ({
        %run_scoped3A = tpu.sem_alloc : memref<!tpu.dma_semaphore, #tpu.memory_space<semaphore_mem>>
        %dma_start3A_75 = arith.constant 0 : i32
        %dma_start3A_76 = tpu.memref_slice %arg7[%add3A_47, %dma_start3A_75] : memref<158x128xi32, #tpu.memory_space<vmem>> -> memref<1x128xi32, #tpu.memory_space<vmem>>
        %dma_start3A_77 = tpu.memref_squeeze %dma_start3A_76 : memref<1x128xi32, #tpu.memory_space<vmem>> -> memref<128xi32, #tpu.memory_space<vmem>>
        %dma_start3A_78 = arith.constant 0 : i32
        %dma_start3A_79 = arith.constant 0 : i32
        %dma_start3A_80 = tpu.memref_slice %arg11[%dma_start3A_78, %dma_start3A_79] : memref<5184x128xf32, #tpu.memory_space<vmem_shared>> -> memref<5184x128xf32, #tpu.memory_space<vmem_shared>>
        tpu.enqueue_indirect_dma source(%arg9 : memref<128x128xf32, #tpu.memory_space<vmem>>) target(%dma_start3A_80 : memref<5184x128xf32, #tpu.memory_space<vmem_shared>>) offsets(%dma_start3A_77 : memref<128xi32, #tpu.memory_space<vmem>>) semaphore(%run_scoped3A : memref<!tpu.dma_semaphore, #tpu.memory_space<semaphore_mem>>) {add = true}
        %dma_wait3A_81 = arith.constant 0 : i32
        %dma_wait3A_82 = tpu.memref_slice %arg7[%add3A_47, %dma_wait3A_81] : memref<158x128xi32, #tpu.memory_space<vmem>> -> memref<1x128xi32, #tpu.memory_space<vmem>>
        %dma_wait3A_83 = tpu.memref_squeeze %dma_wait3A_82 : memref<1x128xi32, #tpu.memory_space<vmem>> -> memref<128xi32, #tpu.memory_space<vmem>>
        %dma_wait3A_84 = arith.constant 0 : i32
        %dma_wait3A_85 = arith.constant 0 : i32
        %dma_wait3A_86 = tpu.memref_slice %arg11[%dma_wait3A_84, %dma_wait3A_85] : memref<5184x128xf32, #tpu.memory_space<vmem_shared>> -> memref<5184x128xf32, #tpu.memory_space<vmem_shared>>
        tpu.wait_indirect_dma semaphore(%run_scoped3A : memref<!tpu.dma_semaphore, #tpu.memory_space<semaphore_mem>>) src(%arg9 : memref<128x128xf32, #tpu.memory_space<vmem>>) dst(%dma_wait3A_86 : memref<5184x128xf32, #tpu.memory_space<vmem_shared>>)
        tpu.yield
      }) : () -> ()
    }
    %scan3A_30 = arith.constant 79 : i32
    %dma_wait3A = arith.constant 156 : i32
    %dma_wait3A_31 = arith.constant 0 : i32
    %dma_wait3A_32 = tpu.memref_slice %arg6[%dma_wait3A, %dma_wait3A_31] : memref<158x128xi32, #tpu.memory_space<vmem>> -> memref<1x128xi32, #tpu.memory_space<vmem>>
    %dma_wait3A_33 = tpu.memref_squeeze %dma_wait3A_32 : memref<1x128xi32, #tpu.memory_space<vmem>> -> memref<128xi32, #tpu.memory_space<vmem>>
    %dma_wait3A_34 = arith.constant 0 : i32
    %dma_wait3A_35 = arith.constant 0 : i32
    %dma_wait3A_36 = tpu.memref_slice %arg2[%dma_wait3A_34, %dma_wait3A_35] : memref<10240x128xf32, #tpu.memory_space<hbm>> -> memref<10240x128xf32, #tpu.memory_space<hbm>>
    tpu.wait_indirect_dma semaphore(%arg12 : memref<!tpu.dma_semaphore, #tpu.memory_space<semaphore_mem>>) src(%dma_wait3A_36 : memref<10240x128xf32, #tpu.memory_space<hbm>>) dst(%arg8 : memref<128x128xf32, #tpu.memory_space<vmem>>)
    %barrier3A_37 = arith.constant 0 : index
    tpu.barrier barrier_id(%barrier3A_37)
    %mul3A_38 = arith.constant 320 : i32
    %mul3A_39 = arith.muli %arg1, %mul3A_38 : i32
    %mul3A_40 = arith.constant 320 : i32
    %mul3A_41 = arith.muli %arg1, %mul3A_40 : i32
    %add3A_42 = arith.addi %mul3A_12, %mul3A_41 : i32
    "tpu.region"() ({
      %run_scoped3A = tpu.sem_alloc : memref<!tpu.dma_semaphore, #tpu.memory_space<semaphore_mem>>
      %dma_start3A_43 = arith.constant 0 : i32
      %dma_start3A_44 = tpu.memref_slice %arg5[%add3A_42, %dma_start3A_43] : memref<10240x128xf32, #tpu.memory_space<hbm>> -> memref<320x128xf32, #tpu.memory_space<hbm>>
      %dma_start3A_45 = arith.constant 0 : i32
      %dma_start3A_46 = tpu.memref_slice %arg11[%mul3A_39, %dma_start3A_45] : memref<5184x128xf32, #tpu.memory_space<vmem_shared>> -> memref<320x128xf32, #tpu.memory_space<vmem_shared>>
      tpu.enqueue_dma source(%dma_start3A_46 : memref<320x128xf32, #tpu.memory_space<vmem_shared>>) target(%dma_start3A_44 : memref<320x128xf32, #tpu.memory_space<hbm>>) target_semaphore(%run_scoped3A : memref<!tpu.dma_semaphore, #tpu.memory_space<semaphore_mem>>)
      %dma_wait3A_47 = arith.constant 0 : i32
      %dma_wait3A_48 = tpu.memref_slice %arg5[%add3A_42, %dma_wait3A_47] : memref<10240x128xf32, #tpu.memory_space<hbm>> -> memref<320x128xf32, #tpu.memory_space<hbm>>
      %dma_wait3A_49 = arith.constant 0 : i32
      %dma_wait3A_50 = tpu.memref_slice %arg11[%mul3A_39, %dma_wait3A_49] : memref<5184x128xf32, #tpu.memory_space<vmem_shared>> -> memref<320x128xf32, #tpu.memory_space<vmem_shared>>
      tpu.wait_dma2 semaphore(%run_scoped3A : memref<!tpu.dma_semaphore, #tpu.memory_space<semaphore_mem>>) src(%dma_wait3A_50 : memref<320x128xf32, #tpu.memory_space<vmem_shared>>) dst(%dma_wait3A_48 : memref<320x128xf32, #tpu.memory_space<hbm>>)
      tpu.yield
    }) : () -> ()
    return
  }
}

#map = affine_map<(d0, d1) -> (0, 0)>
#map1 = affine_map<(d0, d1) -> (0, 0, 0)>
module attributes {stable_mosaic.version = 14 : i64} {
  func.func @_segsum_body(%arg0: i32, %arg1: i32, %arg2: memref<10240x128xf32, #tpu.memory_space<hbm>>, %arg3: memref<16x158x128xi32, #tpu.memory_space<hbm>>, %arg4: memref<16x158x128xi32, #tpu.memory_space<hbm>>, %arg5: memref<10240x128xf32, #tpu.memory_space<hbm>>, %arg6: memref<158x128xi32, #tpu.memory_space<vmem>>, %arg7: memref<158x128xi32, #tpu.memory_space<vmem>>, %arg8: memref<128x128xf32, #tpu.memory_space<vmem>>, %arg9: memref<128x128xf32, #tpu.memory_space<vmem>>, %arg10: memref<96x128xf32, #tpu.memory_space<vmem>>, %arg11: memref<5184x128xf32, #tpu.memory_space<vmem_shared>>, %arg12: memref<!tpu.dma_semaphore, #tpu.memory_space<semaphore_mem>>, %arg13: memref<!tpu.dma_semaphore, #tpu.memory_space<semaphore_mem>>) attributes {dimension_semantics = [#tpu.dimension_semantics<core_parallel>, #tpu.dimension_semantics<subcore_parallel>], iteration_bounds = array<i64: 2, 16>, scalar_prefetch = 0 : i64, scratch_operands = 8 : i64, tpu.core_type = #tpu.core_type<sc_vector_subcore>, window_params = [{transform_indices = #map}, {transform_indices = #map1}, {transform_indices = #map1}, {transform_indices = #map}]} {
    "tpu.region"() ({
      %run_scoped3A = tpu.sem_alloc : memref<!tpu.dma_semaphore, #tpu.memory_space<semaphore_mem>>
      %dma_start3A_43 = arith.constant 0 : i32
      %dma_start3A_44 = arith.constant 0 : i32
      %dma_start3A_45 = tpu.memref_slice %arg3[%arg1, %dma_start3A_43, %dma_start3A_44] : memref<16x158x128xi32, #tpu.memory_space<hbm>> -> memref<1x158x128xi32, #tpu.memory_space<hbm>>
      %dma_start3A_46 = tpu.memref_squeeze %dma_start3A_45 : memref<1x158x128xi32, #tpu.memory_space<hbm>> -> memref<158x128xi32, #tpu.memory_space<hbm>>
      %dma_start3A_47 = arith.constant 0 : i32
      %dma_start3A_48 = arith.constant 0 : i32
      %dma_start3A_49 = tpu.memref_slice %arg3[%arg1, %dma_start3A_47, %dma_start3A_48] : memref<16x158x128xi32, #tpu.memory_space<hbm>> -> memref<1x158x128xi32, #tpu.memory_space<hbm>>
      %dma_start3A_50 = tpu.memref_squeeze %dma_start3A_49 : memref<1x158x128xi32, #tpu.memory_space<hbm>> -> memref<158x128xi32, #tpu.memory_space<hbm>>
      tpu.enqueue_dma source(%dma_start3A_50 : memref<158x128xi32, #tpu.memory_space<hbm>>) target(%arg6 : memref<158x128xi32, #tpu.memory_space<vmem>>) target_semaphore(%run_scoped3A : memref<!tpu.dma_semaphore, #tpu.memory_space<semaphore_mem>>)
      %dma_wait3A_51 = arith.constant 0 : i32
      %dma_wait3A_52 = arith.constant 0 : i32
      %dma_wait3A_53 = tpu.memref_slice %arg3[%arg1, %dma_wait3A_51, %dma_wait3A_52] : memref<16x158x128xi32, #tpu.memory_space<hbm>> -> memref<1x158x128xi32, #tpu.memory_space<hbm>>
      %dma_wait3A_54 = tpu.memref_squeeze %dma_wait3A_53 : memref<1x158x128xi32, #tpu.memory_space<hbm>> -> memref<158x128xi32, #tpu.memory_space<hbm>>
      %dma_wait3A_55 = arith.constant 0 : i32
      %dma_wait3A_56 = arith.constant 0 : i32
      %dma_wait3A_57 = tpu.memref_slice %arg3[%arg1, %dma_wait3A_55, %dma_wait3A_56] : memref<16x158x128xi32, #tpu.memory_space<hbm>> -> memref<1x158x128xi32, #tpu.memory_space<hbm>>
      %dma_wait3A_58 = tpu.memref_squeeze %dma_wait3A_57 : memref<1x158x128xi32, #tpu.memory_space<hbm>> -> memref<158x128xi32, #tpu.memory_space<hbm>>
      tpu.wait_dma2 semaphore(%run_scoped3A : memref<!tpu.dma_semaphore, #tpu.memory_space<semaphore_mem>>) src(%dma_wait3A_58 : memref<158x128xi32, #tpu.memory_space<hbm>>) dst(%arg6 : memref<158x128xi32, #tpu.memory_space<vmem>>)
      tpu.yield
    }) : () -> ()
    "tpu.region"() ({
      %run_scoped3A = tpu.sem_alloc : memref<!tpu.dma_semaphore, #tpu.memory_space<semaphore_mem>>
      %dma_start3A_43 = arith.constant 0 : i32
      %dma_start3A_44 = arith.constant 0 : i32
      %dma_start3A_45 = tpu.memref_slice %arg4[%arg1, %dma_start3A_43, %dma_start3A_44] : memref<16x158x128xi32, #tpu.memory_space<hbm>> -> memref<1x158x128xi32, #tpu.memory_space<hbm>>
      %dma_start3A_46 = tpu.memref_squeeze %dma_start3A_45 : memref<1x158x128xi32, #tpu.memory_space<hbm>> -> memref<158x128xi32, #tpu.memory_space<hbm>>
      %dma_start3A_47 = arith.constant 0 : i32
      %dma_start3A_48 = arith.constant 0 : i32
      %dma_start3A_49 = tpu.memref_slice %arg4[%arg1, %dma_start3A_47, %dma_start3A_48] : memref<16x158x128xi32, #tpu.memory_space<hbm>> -> memref<1x158x128xi32, #tpu.memory_space<hbm>>
      %dma_start3A_50 = tpu.memref_squeeze %dma_start3A_49 : memref<1x158x128xi32, #tpu.memory_space<hbm>> -> memref<158x128xi32, #tpu.memory_space<hbm>>
      tpu.enqueue_dma source(%dma_start3A_50 : memref<158x128xi32, #tpu.memory_space<hbm>>) target(%arg7 : memref<158x128xi32, #tpu.memory_space<vmem>>) target_semaphore(%run_scoped3A : memref<!tpu.dma_semaphore, #tpu.memory_space<semaphore_mem>>)
      %dma_wait3A_51 = arith.constant 0 : i32
      %dma_wait3A_52 = arith.constant 0 : i32
      %dma_wait3A_53 = tpu.memref_slice %arg4[%arg1, %dma_wait3A_51, %dma_wait3A_52] : memref<16x158x128xi32, #tpu.memory_space<hbm>> -> memref<1x158x128xi32, #tpu.memory_space<hbm>>
      %dma_wait3A_54 = tpu.memref_squeeze %dma_wait3A_53 : memref<1x158x128xi32, #tpu.memory_space<hbm>> -> memref<158x128xi32, #tpu.memory_space<hbm>>
      %dma_wait3A_55 = arith.constant 0 : i32
      %dma_wait3A_56 = arith.constant 0 : i32
      %dma_wait3A_57 = tpu.memref_slice %arg4[%arg1, %dma_wait3A_55, %dma_wait3A_56] : memref<16x158x128xi32, #tpu.memory_space<hbm>> -> memref<1x158x128xi32, #tpu.memory_space<hbm>>
      %dma_wait3A_58 = tpu.memref_squeeze %dma_wait3A_57 : memref<1x158x128xi32, #tpu.memory_space<hbm>> -> memref<158x128xi32, #tpu.memory_space<hbm>>
      tpu.wait_dma2 semaphore(%run_scoped3A : memref<!tpu.dma_semaphore, #tpu.memory_space<semaphore_mem>>) src(%dma_wait3A_58 : memref<158x128xi32, #tpu.memory_space<hbm>>) dst(%arg7 : memref<158x128xi32, #tpu.memory_space<vmem>>)
      tpu.yield
    }) : () -> ()
    %scan3A = arith.constant 0 : i32
    %scan3A_0 = arith.constant 0 : i32
    %scan3A_1 = arith.constant 768 : i32
    %scan3A_2 = arith.addi %scan3A_0, %scan3A_1 : i32
    %scan3A_3 = arith.constant 1 : i32
    scf.for %scan3A_43 = %scan3A_0 to %scan3A_2 step %scan3A_3  : i32 {
      %broadcast_in_dim3A = arith.constant 0.000000e+00 : f32
      %broadcast_in_dim3A_44 = vector.broadcast %broadcast_in_dim3A : f32 to vector<16xf32>
      %jit3A = arith.constant 8 : i32
      %div3A = arith.divsi %scan3A_43, %jit3A : i32
      %sign3A = arith.constant 0 : i32
      %sign3A_45 = arith.cmpi sgt, %scan3A_43, %sign3A : i32
      %sign3A_46 = arith.extui %sign3A_45 : i1 to i32
      %sign3A_47 = arith.constant 0 : i32
      %sign3A_48 = arith.cmpi slt, %scan3A_43, %sign3A_47 : i32
      %sign3A_49 = arith.extui %sign3A_48 : i1 to i32
      %sign3A_50 = arith.subi %sign3A_46, %sign3A_49 : i32
      %sign3A_51 = arith.constant 0 : i32
      %sign3A_52 = arith.cmpi sgt, %jit3A, %sign3A_51 : i32
      %sign3A_53 = arith.extui %sign3A_52 : i1 to i32
      %sign3A_54 = arith.constant 0 : i32
      %sign3A_55 = arith.cmpi slt, %jit3A, %sign3A_54 : i32
      %sign3A_56 = arith.extui %sign3A_55 : i1 to i32
      %sign3A_57 = arith.subi %sign3A_53, %sign3A_56 : i32
      %ne3A = arith.cmpi ne, %sign3A_50, %sign3A_57 : i32
      %rem3A = arith.remsi %scan3A_43, %jit3A : i32
      %ne3A_58 = arith.constant 0 : i32
      %ne3A_59 = arith.cmpi ne, %rem3A, %ne3A_58 : i32
      %and3A = arith.andi %ne3A, %ne3A_59 : i1
      %sub3A = arith.constant 1 : i32
      %sub3A_60 = arith.subi %div3A, %sub3A : i32
      %select_n3A = arith.select %and3A, %sub3A_60, %div3A : i32
      %jit3A_61 = arith.constant 8 : i32
      %eq3A = arith.constant 0 : i32
      %eq3A_62 = arith.cmpi eq, %jit3A_61, %eq3A : i32
      %jit3A_63 = arith.constant 1 : i32
      %select_n3A_64 = arith.select %eq3A_62, %jit3A_63, %jit3A_61 : i32
      %rem3A_65 = arith.remsi %scan3A_43, %select_n3A_64 : i32
      %ne3A_66 = arith.constant 0 : i32
      %ne3A_67 = arith.cmpi ne, %rem3A_65, %ne3A_66 : i32
      %lt3A = arith.constant 0 : i32
      %lt3A_68 = arith.cmpi slt, %rem3A_65, %lt3A : i32
      %lt3A_69 = arith.constant 0 : i32
      %lt3A_70 = arith.cmpi slt, %select_n3A_64, %lt3A_69 : i32
      %ne3A_71 = arith.xori %lt3A_68, %lt3A_70 : i1
      %and3A_72 = arith.andi %ne3A_71, %ne3A_67 : i1
      %add3A_73 = arith.addi %rem3A_65, %select_n3A_64 : i32
      %select_n3A_74 = arith.select %and3A_72, %add3A_73, %rem3A_65 : i32
      %mul3A_75 = arith.constant 16 : i32
      %mul3A_76 = arith.muli %select_n3A_74, %mul3A_75 : i32
      %swap3A = arith.index_cast %select_n3A : i32 to index
      %swap3A_77 = arith.index_cast %mul3A_76 : i32 to index
      %swap3A_78 = tpu.vector_load %arg10[%swap3A, %swap3A_77] {strides = array<i32>} : memref<96x128xf32, #tpu.memory_space<vmem>>, vector<1x16xf32>,
      %swap3A_79 = vector.shape_cast %swap3A_78 : vector<1x16xf32> to vector<16xf32>
      %swap3A_80 = vector.shape_cast %broadcast_in_dim3A_44 : vector<16xf32> to vector<1x16xf32>
      tpu.vector_store %arg10[%swap3A, %swap3A_77], %swap3A_80 {strides = array<i32>} : memref<96x128xf32, #tpu.memory_space<vmem>>, vector<1x16xf32>,
    }
    %scan3A_4 = arith.constant 768 : i32
    %mul3A = arith.constant 324 : i32
    %mul3A_5 = arith.muli %arg1, %mul3A : i32
    "tpu.region"() ({
      %run_scoped3A = tpu.sem_alloc : memref<!tpu.dma_semaphore, #tpu.memory_space<semaphore_mem>>
      %dma_start3A_43 = arith.constant 0 : i32
      %dma_start3A_44 = tpu.memref_slice %arg11[%mul3A_5, %dma_start3A_43] : memref<5184x128xf32, #tpu.memory_space<vmem_shared>> -> memref<96x128xf32, #tpu.memory_space<vmem_shared>>
      %dma_start3A_45 = arith.constant 0 : i32
      %dma_start3A_46 = tpu.memref_slice %arg11[%mul3A_5, %dma_start3A_45] : memref<5184x128xf32, #tpu.memory_space<vmem_shared>> -> memref<96x128xf32, #tpu.memory_space<vmem_shared>>
      tpu.enqueue_dma source(%arg10 : memref<96x128xf32, #tpu.memory_space<vmem>>) target(%dma_start3A_46 : memref<96x128xf32, #tpu.memory_space<vmem_shared>>) target_semaphore(%run_scoped3A : memref<!tpu.dma_semaphore, #tpu.memory_space<semaphore_mem>>)
      %dma_wait3A_47 = arith.constant 0 : i32
      %dma_wait3A_48 = tpu.memref_slice %arg11[%mul3A_5, %dma_wait3A_47] : memref<5184x128xf32, #tpu.memory_space<vmem_shared>> -> memref<96x128xf32, #tpu.memory_space<vmem_shared>>
      %dma_wait3A_49 = arith.constant 0 : i32
      %dma_wait3A_50 = tpu.memref_slice %arg11[%mul3A_5, %dma_wait3A_49] : memref<5184x128xf32, #tpu.memory_space<vmem_shared>> -> memref<96x128xf32, #tpu.memory_space<vmem_shared>>
      tpu.wait_dma2 semaphore(%run_scoped3A : memref<!tpu.dma_semaphore, #tpu.memory_space<semaphore_mem>>) src(%arg10 : memref<96x128xf32, #tpu.memory_space<vmem>>) dst(%dma_wait3A_50 : memref<96x128xf32, #tpu.memory_space<vmem_shared>>)
      tpu.yield
    }) : () -> ()
    %add3A = arith.constant 96 : i32
    %add3A_6 = arith.addi %mul3A_5, %add3A : i32
    "tpu.region"() ({
      %run_scoped3A = tpu.sem_alloc : memref<!tpu.dma_semaphore, #tpu.memory_space<semaphore_mem>>
      %dma_start3A_43 = arith.constant 0 : i32
      %dma_start3A_44 = tpu.memref_slice %arg11[%add3A_6, %dma_start3A_43] : memref<5184x128xf32, #tpu.memory_space<vmem_shared>> -> memref<96x128xf32, #tpu.memory_space<vmem_shared>>
      %dma_start3A_45 = arith.constant 0 : i32
      %dma_start3A_46 = tpu.memref_slice %arg11[%add3A_6, %dma_start3A_45] : memref<5184x128xf32, #tpu.memory_space<vmem_shared>> -> memref<96x128xf32, #tpu.memory_space<vmem_shared>>
      tpu.enqueue_dma source(%arg10 : memref<96x128xf32, #tpu.memory_space<vmem>>) target(%dma_start3A_46 : memref<96x128xf32, #tpu.memory_space<vmem_shared>>) target_semaphore(%run_scoped3A : memref<!tpu.dma_semaphore, #tpu.memory_space<semaphore_mem>>)
      %dma_wait3A_47 = arith.constant 0 : i32
      %dma_wait3A_48 = tpu.memref_slice %arg11[%add3A_6, %dma_wait3A_47] : memref<5184x128xf32, #tpu.memory_space<vmem_shared>> -> memref<96x128xf32, #tpu.memory_space<vmem_shared>>
      %dma_wait3A_49 = arith.constant 0 : i32
      %dma_wait3A_50 = tpu.memref_slice %arg11[%add3A_6, %dma_wait3A_49] : memref<5184x128xf32, #tpu.memory_space<vmem_shared>> -> memref<96x128xf32, #tpu.memory_space<vmem_shared>>
      tpu.wait_dma2 semaphore(%run_scoped3A : memref<!tpu.dma_semaphore, #tpu.memory_space<semaphore_mem>>) src(%arg10 : memref<96x128xf32, #tpu.memory_space<vmem>>) dst(%dma_wait3A_50 : memref<96x128xf32, #tpu.memory_space<vmem_shared>>)
      tpu.yield
    }) : () -> ()
    %add3A_7 = arith.constant 192 : i32
    %add3A_8 = arith.addi %mul3A_5, %add3A_7 : i32
    "tpu.region"() ({
      %run_scoped3A = tpu.sem_alloc : memref<!tpu.dma_semaphore, #tpu.memory_space<semaphore_mem>>
      %dma_start3A_43 = arith.constant 0 : i32
      %dma_start3A_44 = tpu.memref_slice %arg11[%add3A_8, %dma_start3A_43] : memref<5184x128xf32, #tpu.memory_space<vmem_shared>> -> memref<96x128xf32, #tpu.memory_space<vmem_shared>>
      %dma_start3A_45 = arith.constant 0 : i32
      %dma_start3A_46 = tpu.memref_slice %arg11[%add3A_8, %dma_start3A_45] : memref<5184x128xf32, #tpu.memory_space<vmem_shared>> -> memref<96x128xf32, #tpu.memory_space<vmem_shared>>
      tpu.enqueue_dma source(%arg10 : memref<96x128xf32, #tpu.memory_space<vmem>>) target(%dma_start3A_46 : memref<96x128xf32, #tpu.memory_space<vmem_shared>>) target_semaphore(%run_scoped3A : memref<!tpu.dma_semaphore, #tpu.memory_space<semaphore_mem>>)
      %dma_wait3A_47 = arith.constant 0 : i32
      %dma_wait3A_48 = tpu.memref_slice %arg11[%add3A_8, %dma_wait3A_47] : memref<5184x128xf32, #tpu.memory_space<vmem_shared>> -> memref<96x128xf32, #tpu.memory_space<vmem_shared>>
      %dma_wait3A_49 = arith.constant 0 : i32
      %dma_wait3A_50 = tpu.memref_slice %arg11[%add3A_8, %dma_wait3A_49] : memref<5184x128xf32, #tpu.memory_space<vmem_shared>> -> memref<96x128xf32, #tpu.memory_space<vmem_shared>>
      tpu.wait_dma2 semaphore(%run_scoped3A : memref<!tpu.dma_semaphore, #tpu.memory_space<semaphore_mem>>) src(%arg10 : memref<96x128xf32, #tpu.memory_space<vmem>>) dst(%dma_wait3A_50 : memref<96x128xf32, #tpu.memory_space<vmem_shared>>)
      tpu.yield
    }) : () -> ()
    %add3A_9 = arith.constant 288 : i32
    %add3A_10 = arith.addi %mul3A_5, %add3A_9 : i32
    "tpu.region"() ({
      %run_scoped3A = tpu.sem_alloc : memref<!tpu.dma_semaphore, #tpu.memory_space<semaphore_mem>>
      %dma_start3A_43 = arith.constant 0 : i32
      %dma_start3A_44 = arith.constant 0 : i32
      %dma_start3A_45 = tpu.memref_slice %arg10[%dma_start3A_43, %dma_start3A_44] : memref<96x128xf32, #tpu.memory_space<vmem>> -> memref<36x128xf32, #tpu.memory_space<vmem>>
      %dma_start3A_46 = arith.constant 0 : i32
      %dma_start3A_47 = tpu.memref_slice %arg11[%add3A_10, %dma_start3A_46] : memref<5184x128xf32, #tpu.memory_space<vmem_shared>> -> memref<36x128xf32, #tpu.memory_space<vmem_shared>>
      %dma_start3A_48 = arith.constant 0 : i32
      %dma_start3A_49 = tpu.memref_slice %arg11[%add3A_10, %dma_start3A_48] : memref<5184x128xf32, #tpu.memory_space<vmem_shared>> -> memref<36x128xf32, #tpu.memory_space<vmem_shared>>
      %dma_start3A_50 = arith.constant 0 : i32
      %dma_start3A_51 = arith.constant 0 : i32
      %dma_start3A_52 = tpu.memref_slice %arg10[%dma_start3A_50, %dma_start3A_51] : memref<96x128xf32, #tpu.memory_space<vmem>> -> memref<36x128xf32, #tpu.memory_space<vmem>>
      tpu.enqueue_dma source(%dma_start3A_52 : memref<36x128xf32, #tpu.memory_space<vmem>>) target(%dma_start3A_49 : memref<36x128xf32, #tpu.memory_space<vmem_shared>>) target_semaphore(%run_scoped3A : memref<!tpu.dma_semaphore, #tpu.memory_space<semaphore_mem>>)
      %dma_wait3A_53 = arith.constant 0 : i32
      %dma_wait3A_54 = arith.constant 0 : i32
      %dma_wait3A_55 = tpu.memref_slice %arg10[%dma_wait3A_53, %dma_wait3A_54] : memref<96x128xf32, #tpu.memory_space<vmem>> -> memref<36x128xf32, #tpu.memory_space<vmem>>
      %dma_wait3A_56 = arith.constant 0 : i32
      %dma_wait3A_57 = tpu.memref_slice %arg11[%add3A_10, %dma_wait3A_56] : memref<5184x128xf32, #tpu.memory_space<vmem_shared>> -> memref<36x128xf32, #tpu.memory_space<vmem_shared>>
      %dma_wait3A_58 = arith.constant 0 : i32
      %dma_wait3A_59 = tpu.memref_slice %arg11[%add3A_10, %dma_wait3A_58] : memref<5184x128xf32, #tpu.memory_space<vmem_shared>> -> memref<36x128xf32, #tpu.memory_space<vmem_shared>>
      %dma_wait3A_60 = arith.constant 0 : i32
      %dma_wait3A_61 = arith.constant 0 : i32
      %dma_wait3A_62 = tpu.memref_slice %arg10[%dma_wait3A_60, %dma_wait3A_61] : memref<96x128xf32, #tpu.memory_space<vmem>> -> memref<36x128xf32, #tpu.memory_space<vmem>>
      tpu.wait_dma2 semaphore(%run_scoped3A : memref<!tpu.dma_semaphore, #tpu.memory_space<semaphore_mem>>) src(%dma_wait3A_62 : memref<36x128xf32, #tpu.memory_space<vmem>>) dst(%dma_wait3A_59 : memref<36x128xf32, #tpu.memory_space<vmem_shared>>)
      tpu.yield
    }) : () -> ()
    %mul3A_11 = arith.constant 5120 : i32
    %mul3A_12 = arith.muli %arg0, %mul3A_11 : i32
    %iota3A = tpu.iota {dimensions = array<i32: 0>} : vector<16xi32>
    %scan3A_13 = arith.constant 0 : i32
    %scan3A_14 = arith.constant 0 : i32
    %scan3A_15 = arith.constant 1264 : i32
    %scan3A_16 = arith.addi %scan3A_14, %scan3A_15 : i32
    %scan3A_17 = arith.constant 1 : i32
    scf.for %scan3A_43 = %scan3A_14 to %scan3A_16 step %scan3A_17  : i32 {
      %jit3A = arith.constant 8 : i32
      %div3A = arith.divsi %scan3A_43, %jit3A : i32
      %sign3A = arith.constant 0 : i32
      %sign3A_44 = arith.cmpi sgt, %scan3A_43, %sign3A : i32
      %sign3A_45 = arith.extui %sign3A_44 : i1 to i32
      %sign3A_46 = arith.constant 0 : i32
      %sign3A_47 = arith.cmpi slt, %scan3A_43, %sign3A_46 : i32
      %sign3A_48 = arith.extui %sign3A_47 : i1 to i32
      %sign3A_49 = arith.subi %sign3A_45, %sign3A_48 : i32
      %sign3A_50 = arith.constant 0 : i32
      %sign3A_51 = arith.cmpi sgt, %jit3A, %sign3A_50 : i32
      %sign3A_52 = arith.extui %sign3A_51 : i1 to i32
      %sign3A_53 = arith.constant 0 : i32
      %sign3A_54 = arith.cmpi slt, %jit3A, %sign3A_53 : i32
      %sign3A_55 = arith.extui %sign3A_54 : i1 to i32
      %sign3A_56 = arith.subi %sign3A_52, %sign3A_55 : i32
      %ne3A = arith.cmpi ne, %sign3A_49, %sign3A_56 : i32
      %rem3A = arith.remsi %scan3A_43, %jit3A : i32
      %ne3A_57 = arith.constant 0 : i32
      %ne3A_58 = arith.cmpi ne, %rem3A, %ne3A_57 : i32
      %and3A = arith.andi %ne3A, %ne3A_58 : i1
      %sub3A = arith.constant 1 : i32
      %sub3A_59 = arith.subi %div3A, %sub3A : i32
      %select_n3A = arith.select %and3A, %sub3A_59, %div3A : i32
      %jit3A_60 = arith.constant 8 : i32
      %eq3A = arith.constant 0 : i32
      %eq3A_61 = arith.cmpi eq, %jit3A_60, %eq3A : i32
      %jit3A_62 = arith.constant 1 : i32
      %select_n3A_63 = arith.select %eq3A_61, %jit3A_62, %jit3A_60 : i32
      %rem3A_64 = arith.remsi %scan3A_43, %select_n3A_63 : i32
      %ne3A_65 = arith.constant 0 : i32
      %ne3A_66 = arith.cmpi ne, %rem3A_64, %ne3A_65 : i32
      %lt3A = arith.constant 0 : i32
      %lt3A_67 = arith.cmpi slt, %rem3A_64, %lt3A : i32
      %lt3A_68 = arith.constant 0 : i32
      %lt3A_69 = arith.cmpi slt, %select_n3A_63, %lt3A_68 : i32
      %ne3A_70 = arith.xori %lt3A_67, %lt3A_69 : i1
      %and3A_71 = arith.andi %ne3A_70, %ne3A_66 : i1
      %add3A_72 = arith.addi %rem3A_64, %select_n3A_63 : i32
      %select_n3A_73 = arith.select %and3A_71, %add3A_72, %rem3A_64 : i32
      %mul3A_74 = arith.constant 16 : i32
      %mul3A_75 = arith.muli %select_n3A_73, %mul3A_74 : i32
      %get3A = arith.index_cast %select_n3A : i32 to index
      %get3A_76 = arith.index_cast %mul3A_75 : i32 to index
      %get3A_77 = tpu.vector_load %arg7[%get3A, %get3A_76] {strides = array<i32>} : memref<158x128xi32, #tpu.memory_space<vmem>>, vector<1x16xi32>,
      %get3A_78 = vector.shape_cast %get3A_77 : vector<1x16xi32> to vector<16xi32>
      %sub3A_79 = vector.broadcast %mul3A_12 : i32 to vector<16xi32>
      %sub3A_80 = arith.subi %get3A_78, %sub3A_79 : vector<16xi32>
      %mul3A_81 = arith.constant 16 : i32
      %mul3A_82 = arith.muli %select_n3A_73, %mul3A_81 : i32
      %add3A_83 = vector.broadcast %mul3A_82 : i32 to vector<16xi32>
      %add3A_84 = arith.addi %add3A_83, %iota3A : vector<16xi32>
      %and3A_85 = arith.constant 63 : i32
      %and3A_86 = vector.broadcast %and3A_85 : i32 to vector<16xi32>
      %and3A_87 = arith.andi %add3A_84, %and3A_86 : vector<16xi32>
      %add3A_88 = arith.constant 5120 : i32
      %add3A_89 = vector.broadcast %add3A_88 : i32 to vector<16xi32>
      %add3A_90 = arith.addi %add3A_89, %and3A_87 : vector<16xi32>
      %ge3A = arith.constant 0 : i32
      %ge3A_91 = vector.broadcast %ge3A : i32 to vector<16xi32>
      %ge3A_92 = arith.cmpi sge, %sub3A_80, %ge3A_91 : vector<16xi32>
      %lt3A_93 = arith.constant 5120 : i32
      %lt3A_94 = vector.broadcast %lt3A_93 : i32 to vector<16xi32>
      %lt3A_95 = arith.cmpi slt, %sub3A_80, %lt3A_94 : vector<16xi32>
      %and3A_96 = arith.andi %ge3A_92, %lt3A_95 : vector<16xi1>
      %select_n3A_97 = arith.select %and3A_96, %sub3A_80, %add3A_90 : vector<16xi1>, vector<16xi32>
      %mul3A_98 = arith.constant 16 : i32
      %mul3A_99 = arith.muli %select_n3A_73, %mul3A_98 : i32
      %swap3A = arith.index_cast %select_n3A : i32 to index
      %swap3A_100 = arith.index_cast %mul3A_99 : i32 to index
      %swap3A_101 = tpu.vector_load %arg7[%swap3A, %swap3A_100] {strides = array<i32>} : memref<158x128xi32, #tpu.memory_space<vmem>>, vector<1x16xi32>,
      %swap3A_102 = vector.shape_cast %swap3A_101 : vector<1x16xi32> to vector<16xi32>
      %swap3A_103 = vector.shape_cast %select_n3A_97 : vector<16xi32> to vector<1x16xi32>
      tpu.vector_store %arg7[%swap3A, %swap3A_100], %swap3A_103 {strides = array<i32>} : memref<158x128xi32, #tpu.memory_space<vmem>>, vector<1x16xi32>,
    }
    %scan3A_18 = arith.constant 1264 : i32
    %barrier3A = arith.constant 0 : index
    tpu.barrier barrier_id(%barrier3A)
    %dma_start3A = arith.constant 0 : i32
    %dma_start3A_19 = arith.constant 0 : i32
    %dma_start3A_20 = tpu.memref_slice %arg6[%dma_start3A, %dma_start3A_19] : memref<158x128xi32, #tpu.memory_space<vmem>> -> memref<1x128xi32, #tpu.memory_space<vmem>>
    %dma_start3A_21 = tpu.memref_squeeze %dma_start3A_20 : memref<1x128xi32, #tpu.memory_space<vmem>> -> memref<128xi32, #tpu.memory_space<vmem>>
    %dma_start3A_22 = arith.constant 0 : i32
    %dma_start3A_23 = arith.constant 0 : i32
    %dma_start3A_24 = tpu.memref_slice %arg2[%dma_start3A_22, %dma_start3A_23] : memref<10240x128xf32, #tpu.memory_space<hbm>> -> memref<10240x128xf32, #tpu.memory_space<hbm>>
    tpu.enqueue_indirect_dma source(%dma_start3A_24 : memref<10240x128xf32, #tpu.memory_space<hbm>>) target(%arg8 : memref<128x128xf32, #tpu.memory_space<vmem>>) offsets(%dma_start3A_21 : memref<128xi32, #tpu.memory_space<vmem>>) semaphore(%arg12 : memref<!tpu.dma_semaphore, #tpu.memory_space<semaphore_mem>>)
    %scan3A_25 = arith.constant 0 : i32
    %scan3A_26 = arith.constant 0 : i32
    %scan3A_27 = arith.constant 79 : i32
    %scan3A_28 = arith.addi %scan3A_26, %scan3A_27 : i32
    %scan3A_29 = arith.constant 1 : i32
    scf.for %scan3A_43 = %scan3A_26 to %scan3A_28 step %scan3A_29  : i32 {
      %mul3A_44 = arith.constant 2 : i32
      %mul3A_45 = arith.muli %scan3A_43, %mul3A_44 : i32
      %add3A_46 = arith.constant 1 : i32
      %add3A_47 = arith.addi %mul3A_45, %add3A_46 : i32
      %dma_start3A_48 = arith.constant 0 : i32
      %dma_start3A_49 = tpu.memref_slice %arg6[%add3A_47, %dma_start3A_48] : memref<158x128xi32, #tpu.memory_space<vmem>> -> memref<1x128xi32, #tpu.memory_space<vmem>>
      %dma_start3A_50 = tpu.memref_squeeze %dma_start3A_49 : memref<1x128xi32, #tpu.memory_space<vmem>> -> memref<128xi32, #tpu.memory_space<vmem>>
      %dma_start3A_51 = arith.constant 0 : i32
      %dma_start3A_52 = arith.constant 0 : i32
      %dma_start3A_53 = tpu.memref_slice %arg2[%dma_start3A_51, %dma_start3A_52] : memref<10240x128xf32, #tpu.memory_space<hbm>> -> memref<10240x128xf32, #tpu.memory_space<hbm>>
      tpu.enqueue_indirect_dma source(%dma_start3A_53 : memref<10240x128xf32, #tpu.memory_space<hbm>>) target(%arg9 : memref<128x128xf32, #tpu.memory_space<vmem>>) offsets(%dma_start3A_50 : memref<128xi32, #tpu.memory_space<vmem>>) semaphore(%arg13 : memref<!tpu.dma_semaphore, #tpu.memory_space<semaphore_mem>>)
      %dma_wait3A_54 = arith.constant 0 : i32
      %dma_wait3A_55 = tpu.memref_slice %arg6[%mul3A_45, %dma_wait3A_54] : memref<158x128xi32, #tpu.memory_space<vmem>> -> memref<1x128xi32, #tpu.memory_space<vmem>>
      %dma_wait3A_56 = tpu.memref_squeeze %dma_wait3A_55 : memref<1x128xi32, #tpu.memory_space<vmem>> -> memref<128xi32, #tpu.memory_space<vmem>>
      %dma_wait3A_57 = arith.constant 0 : i32
      %dma_wait3A_58 = arith.constant 0 : i32
      %dma_wait3A_59 = tpu.memref_slice %arg2[%dma_wait3A_57, %dma_wait3A_58] : memref<10240x128xf32, #tpu.memory_space<hbm>> -> memref<10240x128xf32, #tpu.memory_space<hbm>>
      tpu.wait_indirect_dma semaphore(%arg12 : memref<!tpu.dma_semaphore, #tpu.memory_space<semaphore_mem>>) src(%dma_wait3A_59 : memref<10240x128xf32, #tpu.memory_space<hbm>>) dst(%arg8 : memref<128x128xf32, #tpu.memory_space<vmem>>)
      "tpu.region"() ({
        %run_scoped3A = tpu.sem_alloc : memref<!tpu.dma_semaphore, #tpu.memory_space<semaphore_mem>>
        %dma_start3A_75 = arith.constant 0 : i32
        %dma_start3A_76 = tpu.memref_slice %arg7[%mul3A_45, %dma_start3A_75] : memref<158x128xi32, #tpu.memory_space<vmem>> -> memref<1x128xi32, #tpu.memory_space<vmem>>
        %dma_start3A_77 = tpu.memref_squeeze %dma_start3A_76 : memref<1x128xi32, #tpu.memory_space<vmem>> -> memref<128xi32, #tpu.memory_space<vmem>>
        %dma_start3A_78 = arith.constant 0 : i32
        %dma_start3A_79 = arith.constant 0 : i32
        %dma_start3A_80 = tpu.memref_slice %arg11[%dma_start3A_78, %dma_start3A_79] : memref<5184x128xf32, #tpu.memory_space<vmem_shared>> -> memref<5184x128xf32, #tpu.memory_space<vmem_shared>>
        tpu.enqueue_indirect_dma source(%arg8 : memref<128x128xf32, #tpu.memory_space<vmem>>) target(%dma_start3A_80 : memref<5184x128xf32, #tpu.memory_space<vmem_shared>>) offsets(%dma_start3A_77 : memref<128xi32, #tpu.memory_space<vmem>>) semaphore(%run_scoped3A : memref<!tpu.dma_semaphore, #tpu.memory_space<semaphore_mem>>) {add = true}
        %dma_wait3A_81 = arith.constant 0 : i32
        %dma_wait3A_82 = tpu.memref_slice %arg7[%mul3A_45, %dma_wait3A_81] : memref<158x128xi32, #tpu.memory_space<vmem>> -> memref<1x128xi32, #tpu.memory_space<vmem>>
        %dma_wait3A_83 = tpu.memref_squeeze %dma_wait3A_82 : memref<1x128xi32, #tpu.memory_space<vmem>> -> memref<128xi32, #tpu.memory_space<vmem>>
        %dma_wait3A_84 = arith.constant 0 : i32
        %dma_wait3A_85 = arith.constant 0 : i32
        %dma_wait3A_86 = tpu.memref_slice %arg11[%dma_wait3A_84, %dma_wait3A_85] : memref<5184x128xf32, #tpu.memory_space<vmem_shared>> -> memref<5184x128xf32, #tpu.memory_space<vmem_shared>>
        tpu.wait_indirect_dma semaphore(%run_scoped3A : memref<!tpu.dma_semaphore, #tpu.memory_space<semaphore_mem>>) src(%arg8 : memref<128x128xf32, #tpu.memory_space<vmem>>) dst(%dma_wait3A_86 : memref<5184x128xf32, #tpu.memory_space<vmem_shared>>)
        tpu.yield
      }) : () -> ()
      %add3A_60 = arith.constant 2 : i32
      %add3A_61 = arith.addi %mul3A_45, %add3A_60 : i32
      %min3A = arith.constant 156 : i32
      %min3A_62 = arith.minsi %add3A_61, %min3A : i32
      %dma_start3A_63 = arith.constant 0 : i32
      %dma_start3A_64 = tpu.memref_slice %arg6[%min3A_62, %dma_start3A_63] : memref<158x128xi32, #tpu.memory_space<vmem>> -> memref<1x128xi32, #tpu.memory_space<vmem>>
      %dma_start3A_65 = tpu.memref_squeeze %dma_start3A_64 : memref<1x128xi32, #tpu.memory_space<vmem>> -> memref<128xi32, #tpu.memory_space<vmem>>
      %dma_start3A_66 = arith.constant 0 : i32
      %dma_start3A_67 = arith.constant 0 : i32
      %dma_start3A_68 = tpu.memref_slice %arg2[%dma_start3A_66, %dma_start3A_67] : memref<10240x128xf32, #tpu.memory_space<hbm>> -> memref<10240x128xf32, #tpu.memory_space<hbm>>
      tpu.enqueue_indirect_dma source(%dma_start3A_68 : memref<10240x128xf32, #tpu.memory_space<hbm>>) target(%arg8 : memref<128x128xf32, #tpu.memory_space<vmem>>) offsets(%dma_start3A_65 : memref<128xi32, #tpu.memory_space<vmem>>) semaphore(%arg12 : memref<!tpu.dma_semaphore, #tpu.memory_space<semaphore_mem>>)
      %dma_wait3A_69 = arith.constant 0 : i32
      %dma_wait3A_70 = tpu.memref_slice %arg6[%add3A_47, %dma_wait3A_69] : memref<158x128xi32, #tpu.memory_space<vmem>> -> memref<1x128xi32, #tpu.memory_space<vmem>>
      %dma_wait3A_71 = tpu.memref_squeeze %dma_wait3A_70 : memref<1x128xi32, #tpu.memory_space<vmem>> -> memref<128xi32, #tpu.memory_space<vmem>>
      %dma_wait3A_72 = arith.constant 0 : i32
      %dma_wait3A_73 = arith.constant 0 : i32
      %dma_wait3A_74 = tpu.memref_slice %arg2[%dma_wait3A_72, %dma_wait3A_73] : memref<10240x128xf32, #tpu.memory_space<hbm>> -> memref<10240x128xf32, #tpu.memory_space<hbm>>
      tpu.wait_indirect_dma semaphore(%arg13 : memref<!tpu.dma_semaphore, #tpu.memory_space<semaphore_mem>>) src(%dma_wait3A_74 : memref<10240x128xf32, #tpu.memory_space<hbm>>) dst(%arg9 : memref<128x128xf32, #tpu.memory_space<vmem>>)
      "tpu.region"() ({
        %run_scoped3A = tpu.sem_alloc : memref<!tpu.dma_semaphore, #tpu.memory_space<semaphore_mem>>
        %dma_start3A_75 = arith.constant 0 : i32
        %dma_start3A_76 = tpu.memref_slice %arg7[%add3A_47, %dma_start3A_75] : memref<158x128xi32, #tpu.memory_space<vmem>> -> memref<1x128xi32, #tpu.memory_space<vmem>>
        %dma_start3A_77 = tpu.memref_squeeze %dma_start3A_76 : memref<1x128xi32, #tpu.memory_space<vmem>> -> memref<128xi32, #tpu.memory_space<vmem>>
        %dma_start3A_78 = arith.constant 0 : i32
        %dma_start3A_79 = arith.constant 0 : i32
        %dma_start3A_80 = tpu.memref_slice %arg11[%dma_start3A_78, %dma_start3A_79] : memref<5184x128xf32, #tpu.memory_space<vmem_shared>> -> memref<5184x128xf32, #tpu.memory_space<vmem_shared>>
        tpu.enqueue_indirect_dma source(%arg9 : memref<128x128xf32, #tpu.memory_space<vmem>>) target(%dma_start3A_80 : memref<5184x128xf32, #tpu.memory_space<vmem_shared>>) offsets(%dma_start3A_77 : memref<128xi32, #tpu.memory_space<vmem>>) semaphore(%run_scoped3A : memref<!tpu.dma_semaphore, #tpu.memory_space<semaphore_mem>>) {add = true}
        %dma_wait3A_81 = arith.constant 0 : i32
        %dma_wait3A_82 = tpu.memref_slice %arg7[%add3A_47, %dma_wait3A_81] : memref<158x128xi32, #tpu.memory_space<vmem>> -> memref<1x128xi32, #tpu.memory_space<vmem>>
        %dma_wait3A_83 = tpu.memref_squeeze %dma_wait3A_82 : memref<1x128xi32, #tpu.memory_space<vmem>> -> memref<128xi32, #tpu.memory_space<vmem>>
        %dma_wait3A_84 = arith.constant 0 : i32
        %dma_wait3A_85 = arith.constant 0 : i32
        %dma_wait3A_86 = tpu.memref_slice %arg11[%dma_wait3A_84, %dma_wait3A_85] : memref<5184x128xf32, #tpu.memory_space<vmem_shared>> -> memref<5184x128xf32, #tpu.memory_space<vmem_shared>>
        tpu.wait_indirect_dma semaphore(%run_scoped3A : memref<!tpu.dma_semaphore, #tpu.memory_space<semaphore_mem>>) src(%arg9 : memref<128x128xf32, #tpu.memory_space<vmem>>) dst(%dma_wait3A_86 : memref<5184x128xf32, #tpu.memory_space<vmem_shared>>)
        tpu.yield
      }) : () -> ()
    }
    %scan3A_30 = arith.constant 79 : i32
    %dma_wait3A = arith.constant 156 : i32
    %dma_wait3A_31 = arith.constant 0 : i32
    %dma_wait3A_32 = tpu.memref_slice %arg6[%dma_wait3A, %dma_wait3A_31] : memref<158x128xi32, #tpu.memory_space<vmem>> -> memref<1x128xi32, #tpu.memory_space<vmem>>
    %dma_wait3A_33 = tpu.memref_squeeze %dma_wait3A_32 : memref<1x128xi32, #tpu.memory_space<vmem>> -> memref<128xi32, #tpu.memory_space<vmem>>
    %dma_wait3A_34 = arith.constant 0 : i32
    %dma_wait3A_35 = arith.constant 0 : i32
    %dma_wait3A_36 = tpu.memref_slice %arg2[%dma_wait3A_34, %dma_wait3A_35] : memref<10240x128xf32, #tpu.memory_space<hbm>> -> memref<10240x128xf32, #tpu.memory_space<hbm>>
    tpu.wait_indirect_dma semaphore(%arg12 : memref<!tpu.dma_semaphore, #tpu.memory_space<semaphore_mem>>) src(%dma_wait3A_36 : memref<10240x128xf32, #tpu.memory_space<hbm>>) dst(%arg8 : memref<128x128xf32, #tpu.memory_space<vmem>>)
    %barrier3A_37 = arith.constant 0 : index
    tpu.barrier barrier_id(%barrier3A_37)
    %mul3A_38 = arith.constant 320 : i32
    %mul3A_39 = arith.muli %arg1, %mul3A_38 : i32
    %mul3A_40 = arith.constant 320 : i32
    %mul3A_41 = arith.muli %arg1, %mul3A_40 : i32
    %add3A_42 = arith.addi %mul3A_12, %mul3A_41 : i32
    "tpu.region"() ({
      %run_scoped3A = tpu.sem_alloc : memref<!tpu.dma_semaphore, #tpu.memory_space<semaphore_mem>>
      %dma_start3A_43 = arith.constant 0 : i32
      %dma_start3A_44 = tpu.memref_slice %arg5[%add3A_42, %dma_start3A_43] : memref<10240x128xf32, #tpu.memory_space<hbm>> -> memref<320x128xf32, #tpu.memory_space<hbm>>
      %dma_start3A_45 = arith.constant 0 : i32
      %dma_start3A_46 = tpu.memref_slice %arg11[%mul3A_39, %dma_start3A_45] : memref<5184x128xf32, #tpu.memory_space<vmem_shared>> -> memref<320x128xf32, #tpu.memory_space<vmem_shared>>
      tpu.enqueue_dma source(%dma_start3A_46 : memref<320x128xf32, #tpu.memory_space<vmem_shared>>) target(%dma_start3A_44 : memref<320x128xf32, #tpu.memory_space<hbm>>) target_semaphore(%run_scoped3A : memref<!tpu.dma_semaphore, #tpu.memory_space<semaphore_mem>>)
      %dma_wait3A_47 = arith.constant 0 : i32
      %dma_wait3A_48 = tpu.memref_slice %arg5[%add3A_42, %dma_wait3A_47] : memref<10240x128xf32, #tpu.memory_space<hbm>> -> memref<320x128xf32, #tpu.memory_space<hbm>>
      %dma_wait3A_49 = arith.constant 0 : i32
      %dma_wait3A_50 = tpu.memref_slice %arg11[%mul3A_39, %dma_wait3A_49] : memref<5184x128xf32, #tpu.memory_space<vmem_shared>> -> memref<320x128xf32, #tpu.memory_space<vmem_shared>>
      tpu.wait_dma2 semaphore(%run_scoped3A : memref<!tpu.dma_semaphore, #tpu.memory_space<semaphore_mem>>) src(%dma_wait3A_50 : memref<320x128xf32, #tpu.memory_space<vmem_shared>>) dst(%dma_wait3A_48 : memref<320x128xf32, #tpu.memory_space<hbm>>)
      tpu.yield
    }) : () -> ()
    return
  }
}

#map = affine_map<(d0, d1) -> (0, 0)>
#map1 = affine_map<(d0, d1) -> (0, 0, 0)>
module attributes {stable_mosaic.version = 14 : i64} {
  func.func @_segsum_body(%arg0: i32, %arg1: i32, %arg2: memref<10240x128xf32, #tpu.memory_space<hbm>>, %arg3: memref<16x158x128xi32, #tpu.memory_space<hbm>>, %arg4: memref<16x158x128xi32, #tpu.memory_space<hbm>>, %arg5: memref<10240x128xf32, #tpu.memory_space<hbm>>, %arg6: memref<158x128xi32, #tpu.memory_space<vmem>>, %arg7: memref<158x128xi32, #tpu.memory_space<vmem>>, %arg8: memref<128x128xf32, #tpu.memory_space<vmem>>, %arg9: memref<128x128xf32, #tpu.memory_space<vmem>>, %arg10: memref<96x128xf32, #tpu.memory_space<vmem>>, %arg11: memref<5184x128xf32, #tpu.memory_space<vmem_shared>>, %arg12: memref<!tpu.dma_semaphore, #tpu.memory_space<semaphore_mem>>, %arg13: memref<!tpu.dma_semaphore, #tpu.memory_space<semaphore_mem>>) attributes {dimension_semantics = [#tpu.dimension_semantics<core_parallel>, #tpu.dimension_semantics<subcore_parallel>], iteration_bounds = array<i64: 2, 16>, scalar_prefetch = 0 : i64, scratch_operands = 8 : i64, tpu.core_type = #tpu.core_type<sc_vector_subcore>, window_params = [{transform_indices = #map}, {transform_indices = #map1}, {transform_indices = #map1}, {transform_indices = #map}]} {
    "tpu.region"() ({
      %run_scoped3A = tpu.sem_alloc : memref<!tpu.dma_semaphore, #tpu.memory_space<semaphore_mem>>
      %dma_start3A_43 = arith.constant 0 : i32
      %dma_start3A_44 = arith.constant 0 : i32
      %dma_start3A_45 = tpu.memref_slice %arg3[%arg1, %dma_start3A_43, %dma_start3A_44] : memref<16x158x128xi32, #tpu.memory_space<hbm>> -> memref<1x158x128xi32, #tpu.memory_space<hbm>>
      %dma_start3A_46 = tpu.memref_squeeze %dma_start3A_45 : memref<1x158x128xi32, #tpu.memory_space<hbm>> -> memref<158x128xi32, #tpu.memory_space<hbm>>
      %dma_start3A_47 = arith.constant 0 : i32
      %dma_start3A_48 = arith.constant 0 : i32
      %dma_start3A_49 = tpu.memref_slice %arg3[%arg1, %dma_start3A_47, %dma_start3A_48] : memref<16x158x128xi32, #tpu.memory_space<hbm>> -> memref<1x158x128xi32, #tpu.memory_space<hbm>>
      %dma_start3A_50 = tpu.memref_squeeze %dma_start3A_49 : memref<1x158x128xi32, #tpu.memory_space<hbm>> -> memref<158x128xi32, #tpu.memory_space<hbm>>
      tpu.enqueue_dma source(%dma_start3A_50 : memref<158x128xi32, #tpu.memory_space<hbm>>) target(%arg6 : memref<158x128xi32, #tpu.memory_space<vmem>>) target_semaphore(%run_scoped3A : memref<!tpu.dma_semaphore, #tpu.memory_space<semaphore_mem>>)
      %dma_wait3A_51 = arith.constant 0 : i32
      %dma_wait3A_52 = arith.constant 0 : i32
      %dma_wait3A_53 = tpu.memref_slice %arg3[%arg1, %dma_wait3A_51, %dma_wait3A_52] : memref<16x158x128xi32, #tpu.memory_space<hbm>> -> memref<1x158x128xi32, #tpu.memory_space<hbm>>
      %dma_wait3A_54 = tpu.memref_squeeze %dma_wait3A_53 : memref<1x158x128xi32, #tpu.memory_space<hbm>> -> memref<158x128xi32, #tpu.memory_space<hbm>>
      %dma_wait3A_55 = arith.constant 0 : i32
      %dma_wait3A_56 = arith.constant 0 : i32
      %dma_wait3A_57 = tpu.memref_slice %arg3[%arg1, %dma_wait3A_55, %dma_wait3A_56] : memref<16x158x128xi32, #tpu.memory_space<hbm>> -> memref<1x158x128xi32, #tpu.memory_space<hbm>>
      %dma_wait3A_58 = tpu.memref_squeeze %dma_wait3A_57 : memref<1x158x128xi32, #tpu.memory_space<hbm>> -> memref<158x128xi32, #tpu.memory_space<hbm>>
      tpu.wait_dma2 semaphore(%run_scoped3A : memref<!tpu.dma_semaphore, #tpu.memory_space<semaphore_mem>>) src(%dma_wait3A_58 : memref<158x128xi32, #tpu.memory_space<hbm>>) dst(%arg6 : memref<158x128xi32, #tpu.memory_space<vmem>>)
      tpu.yield
    }) : () -> ()
    "tpu.region"() ({
      %run_scoped3A = tpu.sem_alloc : memref<!tpu.dma_semaphore, #tpu.memory_space<semaphore_mem>>
      %dma_start3A_43 = arith.constant 0 : i32
      %dma_start3A_44 = arith.constant 0 : i32
      %dma_start3A_45 = tpu.memref_slice %arg4[%arg1, %dma_start3A_43, %dma_start3A_44] : memref<16x158x128xi32, #tpu.memory_space<hbm>> -> memref<1x158x128xi32, #tpu.memory_space<hbm>>
      %dma_start3A_46 = tpu.memref_squeeze %dma_start3A_45 : memref<1x158x128xi32, #tpu.memory_space<hbm>> -> memref<158x128xi32, #tpu.memory_space<hbm>>
      %dma_start3A_47 = arith.constant 0 : i32
      %dma_start3A_48 = arith.constant 0 : i32
      %dma_start3A_49 = tpu.memref_slice %arg4[%arg1, %dma_start3A_47, %dma_start3A_48] : memref<16x158x128xi32, #tpu.memory_space<hbm>> -> memref<1x158x128xi32, #tpu.memory_space<hbm>>
      %dma_start3A_50 = tpu.memref_squeeze %dma_start3A_49 : memref<1x158x128xi32, #tpu.memory_space<hbm>> -> memref<158x128xi32, #tpu.memory_space<hbm>>
      tpu.enqueue_dma source(%dma_start3A_50 : memref<158x128xi32, #tpu.memory_space<hbm>>) target(%arg7 : memref<158x128xi32, #tpu.memory_space<vmem>>) target_semaphore(%run_scoped3A : memref<!tpu.dma_semaphore, #tpu.memory_space<semaphore_mem>>)
      %dma_wait3A_51 = arith.constant 0 : i32
      %dma_wait3A_52 = arith.constant 0 : i32
      %dma_wait3A_53 = tpu.memref_slice %arg4[%arg1, %dma_wait3A_51, %dma_wait3A_52] : memref<16x158x128xi32, #tpu.memory_space<hbm>> -> memref<1x158x128xi32, #tpu.memory_space<hbm>>
      %dma_wait3A_54 = tpu.memref_squeeze %dma_wait3A_53 : memref<1x158x128xi32, #tpu.memory_space<hbm>> -> memref<158x128xi32, #tpu.memory_space<hbm>>
      %dma_wait3A_55 = arith.constant 0 : i32
      %dma_wait3A_56 = arith.constant 0 : i32
      %dma_wait3A_57 = tpu.memref_slice %arg4[%arg1, %dma_wait3A_55, %dma_wait3A_56] : memref<16x158x128xi32, #tpu.memory_space<hbm>> -> memref<1x158x128xi32, #tpu.memory_space<hbm>>
      %dma_wait3A_58 = tpu.memref_squeeze %dma_wait3A_57 : memref<1x158x128xi32, #tpu.memory_space<hbm>> -> memref<158x128xi32, #tpu.memory_space<hbm>>
      tpu.wait_dma2 semaphore(%run_scoped3A : memref<!tpu.dma_semaphore, #tpu.memory_space<semaphore_mem>>) src(%dma_wait3A_58 : memref<158x128xi32, #tpu.memory_space<hbm>>) dst(%arg7 : memref<158x128xi32, #tpu.memory_space<vmem>>)
      tpu.yield
    }) : () -> ()
    %scan3A = arith.constant 0 : i32
    %scan3A_0 = arith.constant 0 : i32
    %scan3A_1 = arith.constant 768 : i32
    %scan3A_2 = arith.addi %scan3A_0, %scan3A_1 : i32
    %scan3A_3 = arith.constant 1 : i32
    scf.for %scan3A_43 = %scan3A_0 to %scan3A_2 step %scan3A_3  : i32 {
      %broadcast_in_dim3A = arith.constant 0.000000e+00 : f32
      %broadcast_in_dim3A_44 = vector.broadcast %broadcast_in_dim3A : f32 to vector<16xf32>
      %jit3A = arith.constant 8 : i32
      %div3A = arith.divsi %scan3A_43, %jit3A : i32
      %sign3A = arith.constant 0 : i32
      %sign3A_45 = arith.cmpi sgt, %scan3A_43, %sign3A : i32
      %sign3A_46 = arith.extui %sign3A_45 : i1 to i32
      %sign3A_47 = arith.constant 0 : i32
      %sign3A_48 = arith.cmpi slt, %scan3A_43, %sign3A_47 : i32
      %sign3A_49 = arith.extui %sign3A_48 : i1 to i32
      %sign3A_50 = arith.subi %sign3A_46, %sign3A_49 : i32
      %sign3A_51 = arith.constant 0 : i32
      %sign3A_52 = arith.cmpi sgt, %jit3A, %sign3A_51 : i32
      %sign3A_53 = arith.extui %sign3A_52 : i1 to i32
      %sign3A_54 = arith.constant 0 : i32
      %sign3A_55 = arith.cmpi slt, %jit3A, %sign3A_54 : i32
      %sign3A_56 = arith.extui %sign3A_55 : i1 to i32
      %sign3A_57 = arith.subi %sign3A_53, %sign3A_56 : i32
      %ne3A = arith.cmpi ne, %sign3A_50, %sign3A_57 : i32
      %rem3A = arith.remsi %scan3A_43, %jit3A : i32
      %ne3A_58 = arith.constant 0 : i32
      %ne3A_59 = arith.cmpi ne, %rem3A, %ne3A_58 : i32
      %and3A = arith.andi %ne3A, %ne3A_59 : i1
      %sub3A = arith.constant 1 : i32
      %sub3A_60 = arith.subi %div3A, %sub3A : i32
      %select_n3A = arith.select %and3A, %sub3A_60, %div3A : i32
      %jit3A_61 = arith.constant 8 : i32
      %eq3A = arith.constant 0 : i32
      %eq3A_62 = arith.cmpi eq, %jit3A_61, %eq3A : i32
      %jit3A_63 = arith.constant 1 : i32
      %select_n3A_64 = arith.select %eq3A_62, %jit3A_63, %jit3A_61 : i32
      %rem3A_65 = arith.remsi %scan3A_43, %select_n3A_64 : i32
      %ne3A_66 = arith.constant 0 : i32
      %ne3A_67 = arith.cmpi ne, %rem3A_65, %ne3A_66 : i32
      %lt3A = arith.constant 0 : i32
      %lt3A_68 = arith.cmpi slt, %rem3A_65, %lt3A : i32
      %lt3A_69 = arith.constant 0 : i32
      %lt3A_70 = arith.cmpi slt, %select_n3A_64, %lt3A_69 : i32
      %ne3A_71 = arith.xori %lt3A_68, %lt3A_70 : i1
      %and3A_72 = arith.andi %ne3A_71, %ne3A_67 : i1
      %add3A_73 = arith.addi %rem3A_65, %select_n3A_64 : i32
      %select_n3A_74 = arith.select %and3A_72, %add3A_73, %rem3A_65 : i32
      %mul3A_75 = arith.constant 16 : i32
      %mul3A_76 = arith.muli %select_n3A_74, %mul3A_75 : i32
      %swap3A = arith.index_cast %select_n3A : i32 to index
      %swap3A_77 = arith.index_cast %mul3A_76 : i32 to index
      %swap3A_78 = tpu.vector_load %arg10[%swap3A, %swap3A_77] {strides = array<i32>} : memref<96x128xf32, #tpu.memory_space<vmem>>, vector<1x16xf32>,
      %swap3A_79 = vector.shape_cast %swap3A_78 : vector<1x16xf32> to vector<16xf32>
      %swap3A_80 = vector.shape_cast %broadcast_in_dim3A_44 : vector<16xf32> to vector<1x16xf32>
      tpu.vector_store %arg10[%swap3A, %swap3A_77], %swap3A_80 {strides = array<i32>} : memref<96x128xf32, #tpu.memory_space<vmem>>, vector<1x16xf32>,
    }
    %scan3A_4 = arith.constant 768 : i32
    %mul3A = arith.constant 324 : i32
    %mul3A_5 = arith.muli %arg1, %mul3A : i32
    "tpu.region"() ({
      %run_scoped3A = tpu.sem_alloc : memref<!tpu.dma_semaphore, #tpu.memory_space<semaphore_mem>>
      %dma_start3A_43 = arith.constant 0 : i32
      %dma_start3A_44 = tpu.memref_slice %arg11[%mul3A_5, %dma_start3A_43] : memref<5184x128xf32, #tpu.memory_space<vmem_shared>> -> memref<96x128xf32, #tpu.memory_space<vmem_shared>>
      %dma_start3A_45 = arith.constant 0 : i32
      %dma_start3A_46 = tpu.memref_slice %arg11[%mul3A_5, %dma_start3A_45] : memref<5184x128xf32, #tpu.memory_space<vmem_shared>> -> memref<96x128xf32, #tpu.memory_space<vmem_shared>>
      tpu.enqueue_dma source(%arg10 : memref<96x128xf32, #tpu.memory_space<vmem>>) target(%dma_start3A_46 : memref<96x128xf32, #tpu.memory_space<vmem_shared>>) target_semaphore(%run_scoped3A : memref<!tpu.dma_semaphore, #tpu.memory_space<semaphore_mem>>)
      %dma_wait3A_47 = arith.constant 0 : i32
      %dma_wait3A_48 = tpu.memref_slice %arg11[%mul3A_5, %dma_wait3A_47] : memref<5184x128xf32, #tpu.memory_space<vmem_shared>> -> memref<96x128xf32, #tpu.memory_space<vmem_shared>>
      %dma_wait3A_49 = arith.constant 0 : i32
      %dma_wait3A_50 = tpu.memref_slice %arg11[%mul3A_5, %dma_wait3A_49] : memref<5184x128xf32, #tpu.memory_space<vmem_shared>> -> memref<96x128xf32, #tpu.memory_space<vmem_shared>>
      tpu.wait_dma2 semaphore(%run_scoped3A : memref<!tpu.dma_semaphore, #tpu.memory_space<semaphore_mem>>) src(%arg10 : memref<96x128xf32, #tpu.memory_space<vmem>>) dst(%dma_wait3A_50 : memref<96x128xf32, #tpu.memory_space<vmem_shared>>)
      tpu.yield
    }) : () -> ()
    %add3A = arith.constant 96 : i32
    %add3A_6 = arith.addi %mul3A_5, %add3A : i32
    "tpu.region"() ({
      %run_scoped3A = tpu.sem_alloc : memref<!tpu.dma_semaphore, #tpu.memory_space<semaphore_mem>>
      %dma_start3A_43 = arith.constant 0 : i32
      %dma_start3A_44 = tpu.memref_slice %arg11[%add3A_6, %dma_start3A_43] : memref<5184x128xf32, #tpu.memory_space<vmem_shared>> -> memref<96x128xf32, #tpu.memory_space<vmem_shared>>
      %dma_start3A_45 = arith.constant 0 : i32
      %dma_start3A_46 = tpu.memref_slice %arg11[%add3A_6, %dma_start3A_45] : memref<5184x128xf32, #tpu.memory_space<vmem_shared>> -> memref<96x128xf32, #tpu.memory_space<vmem_shared>>
      tpu.enqueue_dma source(%arg10 : memref<96x128xf32, #tpu.memory_space<vmem>>) target(%dma_start3A_46 : memref<96x128xf32, #tpu.memory_space<vmem_shared>>) target_semaphore(%run_scoped3A : memref<!tpu.dma_semaphore, #tpu.memory_space<semaphore_mem>>)
      %dma_wait3A_47 = arith.constant 0 : i32
      %dma_wait3A_48 = tpu.memref_slice %arg11[%add3A_6, %dma_wait3A_47] : memref<5184x128xf32, #tpu.memory_space<vmem_shared>> -> memref<96x128xf32, #tpu.memory_space<vmem_shared>>
      %dma_wait3A_49 = arith.constant 0 : i32
      %dma_wait3A_50 = tpu.memref_slice %arg11[%add3A_6, %dma_wait3A_49] : memref<5184x128xf32, #tpu.memory_space<vmem_shared>> -> memref<96x128xf32, #tpu.memory_space<vmem_shared>>
      tpu.wait_dma2 semaphore(%run_scoped3A : memref<!tpu.dma_semaphore, #tpu.memory_space<semaphore_mem>>) src(%arg10 : memref<96x128xf32, #tpu.memory_space<vmem>>) dst(%dma_wait3A_50 : memref<96x128xf32, #tpu.memory_space<vmem_shared>>)
      tpu.yield
    }) : () -> ()
    %add3A_7 = arith.constant 192 : i32
    %add3A_8 = arith.addi %mul3A_5, %add3A_7 : i32
    "tpu.region"() ({
      %run_scoped3A = tpu.sem_alloc : memref<!tpu.dma_semaphore, #tpu.memory_space<semaphore_mem>>
      %dma_start3A_43 = arith.constant 0 : i32
      %dma_start3A_44 = tpu.memref_slice %arg11[%add3A_8, %dma_start3A_43] : memref<5184x128xf32, #tpu.memory_space<vmem_shared>> -> memref<96x128xf32, #tpu.memory_space<vmem_shared>>
      %dma_start3A_45 = arith.constant 0 : i32
      %dma_start3A_46 = tpu.memref_slice %arg11[%add3A_8, %dma_start3A_45] : memref<5184x128xf32, #tpu.memory_space<vmem_shared>> -> memref<96x128xf32, #tpu.memory_space<vmem_shared>>
      tpu.enqueue_dma source(%arg10 : memref<96x128xf32, #tpu.memory_space<vmem>>) target(%dma_start3A_46 : memref<96x128xf32, #tpu.memory_space<vmem_shared>>) target_semaphore(%run_scoped3A : memref<!tpu.dma_semaphore, #tpu.memory_space<semaphore_mem>>)
      %dma_wait3A_47 = arith.constant 0 : i32
      %dma_wait3A_48 = tpu.memref_slice %arg11[%add3A_8, %dma_wait3A_47] : memref<5184x128xf32, #tpu.memory_space<vmem_shared>> -> memref<96x128xf32, #tpu.memory_space<vmem_shared>>
      %dma_wait3A_49 = arith.constant 0 : i32
      %dma_wait3A_50 = tpu.memref_slice %arg11[%add3A_8, %dma_wait3A_49] : memref<5184x128xf32, #tpu.memory_space<vmem_shared>> -> memref<96x128xf32, #tpu.memory_space<vmem_shared>>
      tpu.wait_dma2 semaphore(%run_scoped3A : memref<!tpu.dma_semaphore, #tpu.memory_space<semaphore_mem>>) src(%arg10 : memref<96x128xf32, #tpu.memory_space<vmem>>) dst(%dma_wait3A_50 : memref<96x128xf32, #tpu.memory_space<vmem_shared>>)
      tpu.yield
    }) : () -> ()
    %add3A_9 = arith.constant 288 : i32
    %add3A_10 = arith.addi %mul3A_5, %add3A_9 : i32
    "tpu.region"() ({
      %run_scoped3A = tpu.sem_alloc : memref<!tpu.dma_semaphore, #tpu.memory_space<semaphore_mem>>
      %dma_start3A_43 = arith.constant 0 : i32
      %dma_start3A_44 = arith.constant 0 : i32
      %dma_start3A_45 = tpu.memref_slice %arg10[%dma_start3A_43, %dma_start3A_44] : memref<96x128xf32, #tpu.memory_space<vmem>> -> memref<36x128xf32, #tpu.memory_space<vmem>>
      %dma_start3A_46 = arith.constant 0 : i32
      %dma_start3A_47 = tpu.memref_slice %arg11[%add3A_10, %dma_start3A_46] : memref<5184x128xf32, #tpu.memory_space<vmem_shared>> -> memref<36x128xf32, #tpu.memory_space<vmem_shared>>
      %dma_start3A_48 = arith.constant 0 : i32
      %dma_start3A_49 = tpu.memref_slice %arg11[%add3A_10, %dma_start3A_48] : memref<5184x128xf32, #tpu.memory_space<vmem_shared>> -> memref<36x128xf32, #tpu.memory_space<vmem_shared>>
      %dma_start3A_50 = arith.constant 0 : i32
      %dma_start3A_51 = arith.constant 0 : i32
      %dma_start3A_52 = tpu.memref_slice %arg10[%dma_start3A_50, %dma_start3A_51] : memref<96x128xf32, #tpu.memory_space<vmem>> -> memref<36x128xf32, #tpu.memory_space<vmem>>
      tpu.enqueue_dma source(%dma_start3A_52 : memref<36x128xf32, #tpu.memory_space<vmem>>) target(%dma_start3A_49 : memref<36x128xf32, #tpu.memory_space<vmem_shared>>) target_semaphore(%run_scoped3A : memref<!tpu.dma_semaphore, #tpu.memory_space<semaphore_mem>>)
      %dma_wait3A_53 = arith.constant 0 : i32
      %dma_wait3A_54 = arith.constant 0 : i32
      %dma_wait3A_55 = tpu.memref_slice %arg10[%dma_wait3A_53, %dma_wait3A_54] : memref<96x128xf32, #tpu.memory_space<vmem>> -> memref<36x128xf32, #tpu.memory_space<vmem>>
      %dma_wait3A_56 = arith.constant 0 : i32
      %dma_wait3A_57 = tpu.memref_slice %arg11[%add3A_10, %dma_wait3A_56] : memref<5184x128xf32, #tpu.memory_space<vmem_shared>> -> memref<36x128xf32, #tpu.memory_space<vmem_shared>>
      %dma_wait3A_58 = arith.constant 0 : i32
      %dma_wait3A_59 = tpu.memref_slice %arg11[%add3A_10, %dma_wait3A_58] : memref<5184x128xf32, #tpu.memory_space<vmem_shared>> -> memref<36x128xf32, #tpu.memory_space<vmem_shared>>
      %dma_wait3A_60 = arith.constant 0 : i32
      %dma_wait3A_61 = arith.constant 0 : i32
      %dma_wait3A_62 = tpu.memref_slice %arg10[%dma_wait3A_60, %dma_wait3A_61] : memref<96x128xf32, #tpu.memory_space<vmem>> -> memref<36x128xf32, #tpu.memory_space<vmem>>
      tpu.wait_dma2 semaphore(%run_scoped3A : memref<!tpu.dma_semaphore, #tpu.memory_space<semaphore_mem>>) src(%dma_wait3A_62 : memref<36x128xf32, #tpu.memory_space<vmem>>) dst(%dma_wait3A_59 : memref<36x128xf32, #tpu.memory_space<vmem_shared>>)
      tpu.yield
    }) : () -> ()
    %mul3A_11 = arith.constant 5120 : i32
    %mul3A_12 = arith.muli %arg0, %mul3A_11 : i32
    %iota3A = tpu.iota {dimensions = array<i32: 0>} : vector<16xi32>
    %scan3A_13 = arith.constant 0 : i32
    %scan3A_14 = arith.constant 0 : i32
    %scan3A_15 = arith.constant 1264 : i32
    %scan3A_16 = arith.addi %scan3A_14, %scan3A_15 : i32
    %scan3A_17 = arith.constant 1 : i32
    scf.for %scan3A_43 = %scan3A_14 to %scan3A_16 step %scan3A_17  : i32 {
      %jit3A = arith.constant 8 : i32
      %div3A = arith.divsi %scan3A_43, %jit3A : i32
      %sign3A = arith.constant 0 : i32
      %sign3A_44 = arith.cmpi sgt, %scan3A_43, %sign3A : i32
      %sign3A_45 = arith.extui %sign3A_44 : i1 to i32
      %sign3A_46 = arith.constant 0 : i32
      %sign3A_47 = arith.cmpi slt, %scan3A_43, %sign3A_46 : i32
      %sign3A_48 = arith.extui %sign3A_47 : i1 to i32
      %sign3A_49 = arith.subi %sign3A_45, %sign3A_48 : i32
      %sign3A_50 = arith.constant 0 : i32
      %sign3A_51 = arith.cmpi sgt, %jit3A, %sign3A_50 : i32
      %sign3A_52 = arith.extui %sign3A_51 : i1 to i32
      %sign3A_53 = arith.constant 0 : i32
      %sign3A_54 = arith.cmpi slt, %jit3A, %sign3A_53 : i32
      %sign3A_55 = arith.extui %sign3A_54 : i1 to i32
      %sign3A_56 = arith.subi %sign3A_52, %sign3A_55 : i32
      %ne3A = arith.cmpi ne, %sign3A_49, %sign3A_56 : i32
      %rem3A = arith.remsi %scan3A_43, %jit3A : i32
      %ne3A_57 = arith.constant 0 : i32
      %ne3A_58 = arith.cmpi ne, %rem3A, %ne3A_57 : i32
      %and3A = arith.andi %ne3A, %ne3A_58 : i1
      %sub3A = arith.constant 1 : i32
      %sub3A_59 = arith.subi %div3A, %sub3A : i32
      %select_n3A = arith.select %and3A, %sub3A_59, %div3A : i32
      %jit3A_60 = arith.constant 8 : i32
      %eq3A = arith.constant 0 : i32
      %eq3A_61 = arith.cmpi eq, %jit3A_60, %eq3A : i32
      %jit3A_62 = arith.constant 1 : i32
      %select_n3A_63 = arith.select %eq3A_61, %jit3A_62, %jit3A_60 : i32
      %rem3A_64 = arith.remsi %scan3A_43, %select_n3A_63 : i32
      %ne3A_65 = arith.constant 0 : i32
      %ne3A_66 = arith.cmpi ne, %rem3A_64, %ne3A_65 : i32
      %lt3A = arith.constant 0 : i32
      %lt3A_67 = arith.cmpi slt, %rem3A_64, %lt3A : i32
      %lt3A_68 = arith.constant 0 : i32
      %lt3A_69 = arith.cmpi slt, %select_n3A_63, %lt3A_68 : i32
      %ne3A_70 = arith.xori %lt3A_67, %lt3A_69 : i1
      %and3A_71 = arith.andi %ne3A_70, %ne3A_66 : i1
      %add3A_72 = arith.addi %rem3A_64, %select_n3A_63 : i32
      %select_n3A_73 = arith.select %and3A_71, %add3A_72, %rem3A_64 : i32
      %mul3A_74 = arith.constant 16 : i32
      %mul3A_75 = arith.muli %select_n3A_73, %mul3A_74 : i32
      %get3A = arith.index_cast %select_n3A : i32 to index
      %get3A_76 = arith.index_cast %mul3A_75 : i32 to index
      %get3A_77 = tpu.vector_load %arg7[%get3A, %get3A_76] {strides = array<i32>} : memref<158x128xi32, #tpu.memory_space<vmem>>, vector<1x16xi32>,
      %get3A_78 = vector.shape_cast %get3A_77 : vector<1x16xi32> to vector<16xi32>
      %sub3A_79 = vector.broadcast %mul3A_12 : i32 to vector<16xi32>
      %sub3A_80 = arith.subi %get3A_78, %sub3A_79 : vector<16xi32>
      %mul3A_81 = arith.constant 16 : i32
      %mul3A_82 = arith.muli %select_n3A_73, %mul3A_81 : i32
      %add3A_83 = vector.broadcast %mul3A_82 : i32 to vector<16xi32>
      %add3A_84 = arith.addi %add3A_83, %iota3A : vector<16xi32>
      %and3A_85 = arith.constant 63 : i32
      %and3A_86 = vector.broadcast %and3A_85 : i32 to vector<16xi32>
      %and3A_87 = arith.andi %add3A_84, %and3A_86 : vector<16xi32>
      %add3A_88 = arith.constant 5120 : i32
      %add3A_89 = vector.broadcast %add3A_88 : i32 to vector<16xi32>
      %add3A_90 = arith.addi %add3A_89, %and3A_87 : vector<16xi32>
      %ge3A = arith.constant 0 : i32
      %ge3A_91 = vector.broadcast %ge3A : i32 to vector<16xi32>
      %ge3A_92 = arith.cmpi sge, %sub3A_80, %ge3A_91 : vector<16xi32>
      %lt3A_93 = arith.constant 5120 : i32
      %lt3A_94 = vector.broadcast %lt3A_93 : i32 to vector<16xi32>
      %lt3A_95 = arith.cmpi slt, %sub3A_80, %lt3A_94 : vector<16xi32>
      %and3A_96 = arith.andi %ge3A_92, %lt3A_95 : vector<16xi1>
      %select_n3A_97 = arith.select %and3A_96, %sub3A_80, %add3A_90 : vector<16xi1>, vector<16xi32>
      %mul3A_98 = arith.constant 16 : i32
      %mul3A_99 = arith.muli %select_n3A_73, %mul3A_98 : i32
      %swap3A = arith.index_cast %select_n3A : i32 to index
      %swap3A_100 = arith.index_cast %mul3A_99 : i32 to index
      %swap3A_101 = tpu.vector_load %arg7[%swap3A, %swap3A_100] {strides = array<i32>} : memref<158x128xi32, #tpu.memory_space<vmem>>, vector<1x16xi32>,
      %swap3A_102 = vector.shape_cast %swap3A_101 : vector<1x16xi32> to vector<16xi32>
      %swap3A_103 = vector.shape_cast %select_n3A_97 : vector<16xi32> to vector<1x16xi32>
      tpu.vector_store %arg7[%swap3A, %swap3A_100], %swap3A_103 {strides = array<i32>} : memref<158x128xi32, #tpu.memory_space<vmem>>, vector<1x16xi32>,
    }
    %scan3A_18 = arith.constant 1264 : i32
    %barrier3A = arith.constant 0 : index
    tpu.barrier barrier_id(%barrier3A)
    %dma_start3A = arith.constant 0 : i32
    %dma_start3A_19 = arith.constant 0 : i32
    %dma_start3A_20 = tpu.memref_slice %arg6[%dma_start3A, %dma_start3A_19] : memref<158x128xi32, #tpu.memory_space<vmem>> -> memref<1x128xi32, #tpu.memory_space<vmem>>
    %dma_start3A_21 = tpu.memref_squeeze %dma_start3A_20 : memref<1x128xi32, #tpu.memory_space<vmem>> -> memref<128xi32, #tpu.memory_space<vmem>>
    %dma_start3A_22 = arith.constant 0 : i32
    %dma_start3A_23 = arith.constant 0 : i32
    %dma_start3A_24 = tpu.memref_slice %arg2[%dma_start3A_22, %dma_start3A_23] : memref<10240x128xf32, #tpu.memory_space<hbm>> -> memref<10240x128xf32, #tpu.memory_space<hbm>>
    tpu.enqueue_indirect_dma source(%dma_start3A_24 : memref<10240x128xf32, #tpu.memory_space<hbm>>) target(%arg8 : memref<128x128xf32, #tpu.memory_space<vmem>>) offsets(%dma_start3A_21 : memref<128xi32, #tpu.memory_space<vmem>>) semaphore(%arg12 : memref<!tpu.dma_semaphore, #tpu.memory_space<semaphore_mem>>)
    %scan3A_25 = arith.constant 0 : i32
    %scan3A_26 = arith.constant 0 : i32
    %scan3A_27 = arith.constant 79 : i32
    %scan3A_28 = arith.addi %scan3A_26, %scan3A_27 : i32
    %scan3A_29 = arith.constant 1 : i32
    scf.for %scan3A_43 = %scan3A_26 to %scan3A_28 step %scan3A_29  : i32 {
      %mul3A_44 = arith.constant 2 : i32
      %mul3A_45 = arith.muli %scan3A_43, %mul3A_44 : i32
      %add3A_46 = arith.constant 1 : i32
      %add3A_47 = arith.addi %mul3A_45, %add3A_46 : i32
      %dma_start3A_48 = arith.constant 0 : i32
      %dma_start3A_49 = tpu.memref_slice %arg6[%add3A_47, %dma_start3A_48] : memref<158x128xi32, #tpu.memory_space<vmem>> -> memref<1x128xi32, #tpu.memory_space<vmem>>
      %dma_start3A_50 = tpu.memref_squeeze %dma_start3A_49 : memref<1x128xi32, #tpu.memory_space<vmem>> -> memref<128xi32, #tpu.memory_space<vmem>>
      %dma_start3A_51 = arith.constant 0 : i32
      %dma_start3A_52 = arith.constant 0 : i32
      %dma_start3A_53 = tpu.memref_slice %arg2[%dma_start3A_51, %dma_start3A_52] : memref<10240x128xf32, #tpu.memory_space<hbm>> -> memref<10240x128xf32, #tpu.memory_space<hbm>>
      tpu.enqueue_indirect_dma source(%dma_start3A_53 : memref<10240x128xf32, #tpu.memory_space<hbm>>) target(%arg9 : memref<128x128xf32, #tpu.memory_space<vmem>>) offsets(%dma_start3A_50 : memref<128xi32, #tpu.memory_space<vmem>>) semaphore(%arg13 : memref<!tpu.dma_semaphore, #tpu.memory_space<semaphore_mem>>)
      %dma_wait3A_54 = arith.constant 0 : i32
      %dma_wait3A_55 = tpu.memref_slice %arg6[%mul3A_45, %dma_wait3A_54] : memref<158x128xi32, #tpu.memory_space<vmem>> -> memref<1x128xi32, #tpu.memory_space<vmem>>
      %dma_wait3A_56 = tpu.memref_squeeze %dma_wait3A_55 : memref<1x128xi32, #tpu.memory_space<vmem>> -> memref<128xi32, #tpu.memory_space<vmem>>
      %dma_wait3A_57 = arith.constant 0 : i32
      %dma_wait3A_58 = arith.constant 0 : i32
      %dma_wait3A_59 = tpu.memref_slice %arg2[%dma_wait3A_57, %dma_wait3A_58] : memref<10240x128xf32, #tpu.memory_space<hbm>> -> memref<10240x128xf32, #tpu.memory_space<hbm>>
      tpu.wait_indirect_dma semaphore(%arg12 : memref<!tpu.dma_semaphore, #tpu.memory_space<semaphore_mem>>) src(%dma_wait3A_59 : memref<10240x128xf32, #tpu.memory_space<hbm>>) dst(%arg8 : memref<128x128xf32, #tpu.memory_space<vmem>>)
      "tpu.region"() ({
        %run_scoped3A = tpu.sem_alloc : memref<!tpu.dma_semaphore, #tpu.memory_space<semaphore_mem>>
        %dma_start3A_75 = arith.constant 0 : i32
        %dma_start3A_76 = tpu.memref_slice %arg7[%mul3A_45, %dma_start3A_75] : memref<158x128xi32, #tpu.memory_space<vmem>> -> memref<1x128xi32, #tpu.memory_space<vmem>>
        %dma_start3A_77 = tpu.memref_squeeze %dma_start3A_76 : memref<1x128xi32, #tpu.memory_space<vmem>> -> memref<128xi32, #tpu.memory_space<vmem>>
        %dma_start3A_78 = arith.constant 0 : i32
        %dma_start3A_79 = arith.constant 0 : i32
        %dma_start3A_80 = tpu.memref_slice %arg11[%dma_start3A_78, %dma_start3A_79] : memref<5184x128xf32, #tpu.memory_space<vmem_shared>> -> memref<5184x128xf32, #tpu.memory_space<vmem_shared>>
        tpu.enqueue_indirect_dma source(%arg8 : memref<128x128xf32, #tpu.memory_space<vmem>>) target(%dma_start3A_80 : memref<5184x128xf32, #tpu.memory_space<vmem_shared>>) offsets(%dma_start3A_77 : memref<128xi32, #tpu.memory_space<vmem>>) semaphore(%run_scoped3A : memref<!tpu.dma_semaphore, #tpu.memory_space<semaphore_mem>>) {add = true}
        %dma_wait3A_81 = arith.constant 0 : i32
        %dma_wait3A_82 = tpu.memref_slice %arg7[%mul3A_45, %dma_wait3A_81] : memref<158x128xi32, #tpu.memory_space<vmem>> -> memref<1x128xi32, #tpu.memory_space<vmem>>
        %dma_wait3A_83 = tpu.memref_squeeze %dma_wait3A_82 : memref<1x128xi32, #tpu.memory_space<vmem>> -> memref<128xi32, #tpu.memory_space<vmem>>
        %dma_wait3A_84 = arith.constant 0 : i32
        %dma_wait3A_85 = arith.constant 0 : i32
        %dma_wait3A_86 = tpu.memref_slice %arg11[%dma_wait3A_84, %dma_wait3A_85] : memref<5184x128xf32, #tpu.memory_space<vmem_shared>> -> memref<5184x128xf32, #tpu.memory_space<vmem_shared>>
        tpu.wait_indirect_dma semaphore(%run_scoped3A : memref<!tpu.dma_semaphore, #tpu.memory_space<semaphore_mem>>) src(%arg8 : memref<128x128xf32, #tpu.memory_space<vmem>>) dst(%dma_wait3A_86 : memref<5184x128xf32, #tpu.memory_space<vmem_shared>>)
        tpu.yield
      }) : () -> ()
      %add3A_60 = arith.constant 2 : i32
      %add3A_61 = arith.addi %mul3A_45, %add3A_60 : i32
      %min3A = arith.constant 156 : i32
      %min3A_62 = arith.minsi %add3A_61, %min3A : i32
      %dma_start3A_63 = arith.constant 0 : i32
      %dma_start3A_64 = tpu.memref_slice %arg6[%min3A_62, %dma_start3A_63] : memref<158x128xi32, #tpu.memory_space<vmem>> -> memref<1x128xi32, #tpu.memory_space<vmem>>
      %dma_start3A_65 = tpu.memref_squeeze %dma_start3A_64 : memref<1x128xi32, #tpu.memory_space<vmem>> -> memref<128xi32, #tpu.memory_space<vmem>>
      %dma_start3A_66 = arith.constant 0 : i32
      %dma_start3A_67 = arith.constant 0 : i32
      %dma_start3A_68 = tpu.memref_slice %arg2[%dma_start3A_66, %dma_start3A_67] : memref<10240x128xf32, #tpu.memory_space<hbm>> -> memref<10240x128xf32, #tpu.memory_space<hbm>>
      tpu.enqueue_indirect_dma source(%dma_start3A_68 : memref<10240x128xf32, #tpu.memory_space<hbm>>) target(%arg8 : memref<128x128xf32, #tpu.memory_space<vmem>>) offsets(%dma_start3A_65 : memref<128xi32, #tpu.memory_space<vmem>>) semaphore(%arg12 : memref<!tpu.dma_semaphore, #tpu.memory_space<semaphore_mem>>)
      %dma_wait3A_69 = arith.constant 0 : i32
      %dma_wait3A_70 = tpu.memref_slice %arg6[%add3A_47, %dma_wait3A_69] : memref<158x128xi32, #tpu.memory_space<vmem>> -> memref<1x128xi32, #tpu.memory_space<vmem>>
      %dma_wait3A_71 = tpu.memref_squeeze %dma_wait3A_70 : memref<1x128xi32, #tpu.memory_space<vmem>> -> memref<128xi32, #tpu.memory_space<vmem>>
      %dma_wait3A_72 = arith.constant 0 : i32
      %dma_wait3A_73 = arith.constant 0 : i32
      %dma_wait3A_74 = tpu.memref_slice %arg2[%dma_wait3A_72, %dma_wait3A_73] : memref<10240x128xf32, #tpu.memory_space<hbm>> -> memref<10240x128xf32, #tpu.memory_space<hbm>>
      tpu.wait_indirect_dma semaphore(%arg13 : memref<!tpu.dma_semaphore, #tpu.memory_space<semaphore_mem>>) src(%dma_wait3A_74 : memref<10240x128xf32, #tpu.memory_space<hbm>>) dst(%arg9 : memref<128x128xf32, #tpu.memory_space<vmem>>)
      "tpu.region"() ({
        %run_scoped3A = tpu.sem_alloc : memref<!tpu.dma_semaphore, #tpu.memory_space<semaphore_mem>>
        %dma_start3A_75 = arith.constant 0 : i32
        %dma_start3A_76 = tpu.memref_slice %arg7[%add3A_47, %dma_start3A_75] : memref<158x128xi32, #tpu.memory_space<vmem>> -> memref<1x128xi32, #tpu.memory_space<vmem>>
        %dma_start3A_77 = tpu.memref_squeeze %dma_start3A_76 : memref<1x128xi32, #tpu.memory_space<vmem>> -> memref<128xi32, #tpu.memory_space<vmem>>
        %dma_start3A_78 = arith.constant 0 : i32
        %dma_start3A_79 = arith.constant 0 : i32
        %dma_start3A_80 = tpu.memref_slice %arg11[%dma_start3A_78, %dma_start3A_79] : memref<5184x128xf32, #tpu.memory_space<vmem_shared>> -> memref<5184x128xf32, #tpu.memory_space<vmem_shared>>
        tpu.enqueue_indirect_dma source(%arg9 : memref<128x128xf32, #tpu.memory_space<vmem>>) target(%dma_start3A_80 : memref<5184x128xf32, #tpu.memory_space<vmem_shared>>) offsets(%dma_start3A_77 : memref<128xi32, #tpu.memory_space<vmem>>) semaphore(%run_scoped3A : memref<!tpu.dma_semaphore, #tpu.memory_space<semaphore_mem>>) {add = true}
        %dma_wait3A_81 = arith.constant 0 : i32
        %dma_wait3A_82 = tpu.memref_slice %arg7[%add3A_47, %dma_wait3A_81] : memref<158x128xi32, #tpu.memory_space<vmem>> -> memref<1x128xi32, #tpu.memory_space<vmem>>
        %dma_wait3A_83 = tpu.memref_squeeze %dma_wait3A_82 : memref<1x128xi32, #tpu.memory_space<vmem>> -> memref<128xi32, #tpu.memory_space<vmem>>
        %dma_wait3A_84 = arith.constant 0 : i32
        %dma_wait3A_85 = arith.constant 0 : i32
        %dma_wait3A_86 = tpu.memref_slice %arg11[%dma_wait3A_84, %dma_wait3A_85] : memref<5184x128xf32, #tpu.memory_space<vmem_shared>> -> memref<5184x128xf32, #tpu.memory_space<vmem_shared>>
        tpu.wait_indirect_dma semaphore(%run_scoped3A : memref<!tpu.dma_semaphore, #tpu.memory_space<semaphore_mem>>) src(%arg9 : memref<128x128xf32, #tpu.memory_space<vmem>>) dst(%dma_wait3A_86 : memref<5184x128xf32, #tpu.memory_space<vmem_shared>>)
        tpu.yield
      }) : () -> ()
    }
    %scan3A_30 = arith.constant 79 : i32
    %dma_wait3A = arith.constant 156 : i32
    %dma_wait3A_31 = arith.constant 0 : i32
    %dma_wait3A_32 = tpu.memref_slice %arg6[%dma_wait3A, %dma_wait3A_31] : memref<158x128xi32, #tpu.memory_space<vmem>> -> memref<1x128xi32, #tpu.memory_space<vmem>>
    %dma_wait3A_33 = tpu.memref_squeeze %dma_wait3A_32 : memref<1x128xi32, #tpu.memory_space<vmem>> -> memref<128xi32, #tpu.memory_space<vmem>>
    %dma_wait3A_34 = arith.constant 0 : i32
    %dma_wait3A_35 = arith.constant 0 : i32
    %dma_wait3A_36 = tpu.memref_slice %arg2[%dma_wait3A_34, %dma_wait3A_35] : memref<10240x128xf32, #tpu.memory_space<hbm>> -> memref<10240x128xf32, #tpu.memory_space<hbm>>
    tpu.wait_indirect_dma semaphore(%arg12 : memref<!tpu.dma_semaphore, #tpu.memory_space<semaphore_mem>>) src(%dma_wait3A_36 : memref<10240x128xf32, #tpu.memory_space<hbm>>) dst(%arg8 : memref<128x128xf32, #tpu.memory_space<vmem>>)
    %barrier3A_37 = arith.constant 0 : index
    tpu.barrier barrier_id(%barrier3A_37)
    %mul3A_38 = arith.constant 320 : i32
    %mul3A_39 = arith.muli %arg1, %mul3A_38 : i32
    %mul3A_40 = arith.constant 320 : i32
    %mul3A_41 = arith.muli %arg1, %mul3A_40 : i32
    %add3A_42 = arith.addi %mul3A_12, %mul3A_41 : i32
    "tpu.region"() ({
      %run_scoped3A = tpu.sem_alloc : memref<!tpu.dma_semaphore, #tpu.memory_space<semaphore_mem>>
      %dma_start3A_43 = arith.constant 0 : i32
      %dma_start3A_44 = tpu.memref_slice %arg5[%add3A_42, %dma_start3A_43] : memref<10240x128xf32, #tpu.memory_space<hbm>> -> memref<320x128xf32, #tpu.memory_space<hbm>>
      %dma_start3A_45 = arith.constant 0 : i32
      %dma_start3A_46 = tpu.memref_slice %arg11[%mul3A_39, %dma_start3A_45] : memref<5184x128xf32, #tpu.memory_space<vmem_shared>> -> memref<320x128xf32, #tpu.memory_space<vmem_shared>>
      tpu.enqueue_dma source(%dma_start3A_46 : memref<320x128xf32, #tpu.memory_space<vmem_shared>>) target(%dma_start3A_44 : memref<320x128xf32, #tpu.memory_space<hbm>>) target_semaphore(%run_scoped3A : memref<!tpu.dma_semaphore, #tpu.memory_space<semaphore_mem>>)
      %dma_wait3A_47 = arith.constant 0 : i32
      %dma_wait3A_48 = tpu.memref_slice %arg5[%add3A_42, %dma_wait3A_47] : memref<10240x128xf32, #tpu.memory_space<hbm>> -> memref<320x128xf32, #tpu.memory_space<hbm>>
      %dma_wait3A_49 = arith.constant 0 : i32
      %dma_wait3A_50 = tpu.memref_slice %arg11[%mul3A_39, %dma_wait3A_49] : memref<5184x128xf32, #tpu.memory_space<vmem_shared>> -> memref<320x128xf32, #tpu.memory_space<vmem_shared>>
      tpu.wait_dma2 semaphore(%run_scoped3A : memref<!tpu.dma_semaphore, #tpu.memory_space<semaphore_mem>>) src(%dma_wait3A_50 : memref<320x128xf32, #tpu.memory_space<vmem_shared>>) dst(%dma_wait3A_48 : memref<320x128xf32, #tpu.memory_space<hbm>>)
      tpu.yield
    }) : () -> ()
    return
  }
}

#map = affine_map<(d0, d1) -> (0, 0)>
#map1 = affine_map<(d0, d1) -> (0, 0, 0)>
module attributes {stable_mosaic.version = 14 : i64} {
  func.func @_segsum_body(%arg0: i32, %arg1: i32, %arg2: memref<10240x128xf32, #tpu.memory_space<hbm>>, %arg3: memref<16x158x128xi32, #tpu.memory_space<hbm>>, %arg4: memref<16x158x128xi32, #tpu.memory_space<hbm>>, %arg5: memref<10240x128xf32, #tpu.memory_space<hbm>>, %arg6: memref<158x128xi32, #tpu.memory_space<vmem>>, %arg7: memref<158x128xi32, #tpu.memory_space<vmem>>, %arg8: memref<128x128xf32, #tpu.memory_space<vmem>>, %arg9: memref<128x128xf32, #tpu.memory_space<vmem>>, %arg10: memref<96x128xf32, #tpu.memory_space<vmem>>, %arg11: memref<5184x128xf32, #tpu.memory_space<vmem_shared>>, %arg12: memref<!tpu.dma_semaphore, #tpu.memory_space<semaphore_mem>>, %arg13: memref<!tpu.dma_semaphore, #tpu.memory_space<semaphore_mem>>) attributes {dimension_semantics = [#tpu.dimension_semantics<core_parallel>, #tpu.dimension_semantics<subcore_parallel>], iteration_bounds = array<i64: 2, 16>, scalar_prefetch = 0 : i64, scratch_operands = 8 : i64, tpu.core_type = #tpu.core_type<sc_vector_subcore>, window_params = [{transform_indices = #map}, {transform_indices = #map1}, {transform_indices = #map1}, {transform_indices = #map}]} {
    "tpu.region"() ({
      %run_scoped3A = tpu.sem_alloc : memref<!tpu.dma_semaphore, #tpu.memory_space<semaphore_mem>>
      %dma_start3A_43 = arith.constant 0 : i32
      %dma_start3A_44 = arith.constant 0 : i32
      %dma_start3A_45 = tpu.memref_slice %arg3[%arg1, %dma_start3A_43, %dma_start3A_44] : memref<16x158x128xi32, #tpu.memory_space<hbm>> -> memref<1x158x128xi32, #tpu.memory_space<hbm>>
      %dma_start3A_46 = tpu.memref_squeeze %dma_start3A_45 : memref<1x158x128xi32, #tpu.memory_space<hbm>> -> memref<158x128xi32, #tpu.memory_space<hbm>>
      %dma_start3A_47 = arith.constant 0 : i32
      %dma_start3A_48 = arith.constant 0 : i32
      %dma_start3A_49 = tpu.memref_slice %arg3[%arg1, %dma_start3A_47, %dma_start3A_48] : memref<16x158x128xi32, #tpu.memory_space<hbm>> -> memref<1x158x128xi32, #tpu.memory_space<hbm>>
      %dma_start3A_50 = tpu.memref_squeeze %dma_start3A_49 : memref<1x158x128xi32, #tpu.memory_space<hbm>> -> memref<158x128xi32, #tpu.memory_space<hbm>>
      tpu.enqueue_dma source(%dma_start3A_50 : memref<158x128xi32, #tpu.memory_space<hbm>>) target(%arg6 : memref<158x128xi32, #tpu.memory_space<vmem>>) target_semaphore(%run_scoped3A : memref<!tpu.dma_semaphore, #tpu.memory_space<semaphore_mem>>)
      %dma_wait3A_51 = arith.constant 0 : i32
      %dma_wait3A_52 = arith.constant 0 : i32
      %dma_wait3A_53 = tpu.memref_slice %arg3[%arg1, %dma_wait3A_51, %dma_wait3A_52] : memref<16x158x128xi32, #tpu.memory_space<hbm>> -> memref<1x158x128xi32, #tpu.memory_space<hbm>>
      %dma_wait3A_54 = tpu.memref_squeeze %dma_wait3A_53 : memref<1x158x128xi32, #tpu.memory_space<hbm>> -> memref<158x128xi32, #tpu.memory_space<hbm>>
      %dma_wait3A_55 = arith.constant 0 : i32
      %dma_wait3A_56 = arith.constant 0 : i32
      %dma_wait3A_57 = tpu.memref_slice %arg3[%arg1, %dma_wait3A_55, %dma_wait3A_56] : memref<16x158x128xi32, #tpu.memory_space<hbm>> -> memref<1x158x128xi32, #tpu.memory_space<hbm>>
      %dma_wait3A_58 = tpu.memref_squeeze %dma_wait3A_57 : memref<1x158x128xi32, #tpu.memory_space<hbm>> -> memref<158x128xi32, #tpu.memory_space<hbm>>
      tpu.wait_dma2 semaphore(%run_scoped3A : memref<!tpu.dma_semaphore, #tpu.memory_space<semaphore_mem>>) src(%dma_wait3A_58 : memref<158x128xi32, #tpu.memory_space<hbm>>) dst(%arg6 : memref<158x128xi32, #tpu.memory_space<vmem>>)
      tpu.yield
    }) : () -> ()
    "tpu.region"() ({
      %run_scoped3A = tpu.sem_alloc : memref<!tpu.dma_semaphore, #tpu.memory_space<semaphore_mem>>
      %dma_start3A_43 = arith.constant 0 : i32
      %dma_start3A_44 = arith.constant 0 : i32
      %dma_start3A_45 = tpu.memref_slice %arg4[%arg1, %dma_start3A_43, %dma_start3A_44] : memref<16x158x128xi32, #tpu.memory_space<hbm>> -> memref<1x158x128xi32, #tpu.memory_space<hbm>>
      %dma_start3A_46 = tpu.memref_squeeze %dma_start3A_45 : memref<1x158x128xi32, #tpu.memory_space<hbm>> -> memref<158x128xi32, #tpu.memory_space<hbm>>
      %dma_start3A_47 = arith.constant 0 : i32
      %dma_start3A_48 = arith.constant 0 : i32
      %dma_start3A_49 = tpu.memref_slice %arg4[%arg1, %dma_start3A_47, %dma_start3A_48] : memref<16x158x128xi32, #tpu.memory_space<hbm>> -> memref<1x158x128xi32, #tpu.memory_space<hbm>>
      %dma_start3A_50 = tpu.memref_squeeze %dma_start3A_49 : memref<1x158x128xi32, #tpu.memory_space<hbm>> -> memref<158x128xi32, #tpu.memory_space<hbm>>
      tpu.enqueue_dma source(%dma_start3A_50 : memref<158x128xi32, #tpu.memory_space<hbm>>) target(%arg7 : memref<158x128xi32, #tpu.memory_space<vmem>>) target_semaphore(%run_scoped3A : memref<!tpu.dma_semaphore, #tpu.memory_space<semaphore_mem>>)
      %dma_wait3A_51 = arith.constant 0 : i32
      %dma_wait3A_52 = arith.constant 0 : i32
      %dma_wait3A_53 = tpu.memref_slice %arg4[%arg1, %dma_wait3A_51, %dma_wait3A_52] : memref<16x158x128xi32, #tpu.memory_space<hbm>> -> memref<1x158x128xi32, #tpu.memory_space<hbm>>
      %dma_wait3A_54 = tpu.memref_squeeze %dma_wait3A_53 : memref<1x158x128xi32, #tpu.memory_space<hbm>> -> memref<158x128xi32, #tpu.memory_space<hbm>>
      %dma_wait3A_55 = arith.constant 0 : i32
      %dma_wait3A_56 = arith.constant 0 : i32
      %dma_wait3A_57 = tpu.memref_slice %arg4[%arg1, %dma_wait3A_55, %dma_wait3A_56] : memref<16x158x128xi32, #tpu.memory_space<hbm>> -> memref<1x158x128xi32, #tpu.memory_space<hbm>>
      %dma_wait3A_58 = tpu.memref_squeeze %dma_wait3A_57 : memref<1x158x128xi32, #tpu.memory_space<hbm>> -> memref<158x128xi32, #tpu.memory_space<hbm>>
      tpu.wait_dma2 semaphore(%run_scoped3A : memref<!tpu.dma_semaphore, #tpu.memory_space<semaphore_mem>>) src(%dma_wait3A_58 : memref<158x128xi32, #tpu.memory_space<hbm>>) dst(%arg7 : memref<158x128xi32, #tpu.memory_space<vmem>>)
      tpu.yield
    }) : () -> ()
    %scan3A = arith.constant 0 : i32
    %scan3A_0 = arith.constant 0 : i32
    %scan3A_1 = arith.constant 768 : i32
    %scan3A_2 = arith.addi %scan3A_0, %scan3A_1 : i32
    %scan3A_3 = arith.constant 1 : i32
    scf.for %scan3A_43 = %scan3A_0 to %scan3A_2 step %scan3A_3  : i32 {
      %broadcast_in_dim3A = arith.constant 0.000000e+00 : f32
      %broadcast_in_dim3A_44 = vector.broadcast %broadcast_in_dim3A : f32 to vector<16xf32>
      %jit3A = arith.constant 8 : i32
      %div3A = arith.divsi %scan3A_43, %jit3A : i32
      %sign3A = arith.constant 0 : i32
      %sign3A_45 = arith.cmpi sgt, %scan3A_43, %sign3A : i32
      %sign3A_46 = arith.extui %sign3A_45 : i1 to i32
      %sign3A_47 = arith.constant 0 : i32
      %sign3A_48 = arith.cmpi slt, %scan3A_43, %sign3A_47 : i32
      %sign3A_49 = arith.extui %sign3A_48 : i1 to i32
      %sign3A_50 = arith.subi %sign3A_46, %sign3A_49 : i32
      %sign3A_51 = arith.constant 0 : i32
      %sign3A_52 = arith.cmpi sgt, %jit3A, %sign3A_51 : i32
      %sign3A_53 = arith.extui %sign3A_52 : i1 to i32
      %sign3A_54 = arith.constant 0 : i32
      %sign3A_55 = arith.cmpi slt, %jit3A, %sign3A_54 : i32
      %sign3A_56 = arith.extui %sign3A_55 : i1 to i32
      %sign3A_57 = arith.subi %sign3A_53, %sign3A_56 : i32
      %ne3A = arith.cmpi ne, %sign3A_50, %sign3A_57 : i32
      %rem3A = arith.remsi %scan3A_43, %jit3A : i32
      %ne3A_58 = arith.constant 0 : i32
      %ne3A_59 = arith.cmpi ne, %rem3A, %ne3A_58 : i32
      %and3A = arith.andi %ne3A, %ne3A_59 : i1
      %sub3A = arith.constant 1 : i32
      %sub3A_60 = arith.subi %div3A, %sub3A : i32
      %select_n3A = arith.select %and3A, %sub3A_60, %div3A : i32
      %jit3A_61 = arith.constant 8 : i32
      %eq3A = arith.constant 0 : i32
      %eq3A_62 = arith.cmpi eq, %jit3A_61, %eq3A : i32
      %jit3A_63 = arith.constant 1 : i32
      %select_n3A_64 = arith.select %eq3A_62, %jit3A_63, %jit3A_61 : i32
      %rem3A_65 = arith.remsi %scan3A_43, %select_n3A_64 : i32
      %ne3A_66 = arith.constant 0 : i32
      %ne3A_67 = arith.cmpi ne, %rem3A_65, %ne3A_66 : i32
      %lt3A = arith.constant 0 : i32
      %lt3A_68 = arith.cmpi slt, %rem3A_65, %lt3A : i32
      %lt3A_69 = arith.constant 0 : i32
      %lt3A_70 = arith.cmpi slt, %select_n3A_64, %lt3A_69 : i32
      %ne3A_71 = arith.xori %lt3A_68, %lt3A_70 : i1
      %and3A_72 = arith.andi %ne3A_71, %ne3A_67 : i1
      %add3A_73 = arith.addi %rem3A_65, %select_n3A_64 : i32
      %select_n3A_74 = arith.select %and3A_72, %add3A_73, %rem3A_65 : i32
      %mul3A_75 = arith.constant 16 : i32
      %mul3A_76 = arith.muli %select_n3A_74, %mul3A_75 : i32
      %swap3A = arith.index_cast %select_n3A : i32 to index
      %swap3A_77 = arith.index_cast %mul3A_76 : i32 to index
      %swap3A_78 = tpu.vector_load %arg10[%swap3A, %swap3A_77] {strides = array<i32>} : memref<96x128xf32, #tpu.memory_space<vmem>>, vector<1x16xf32>,
      %swap3A_79 = vector.shape_cast %swap3A_78 : vector<1x16xf32> to vector<16xf32>
      %swap3A_80 = vector.shape_cast %broadcast_in_dim3A_44 : vector<16xf32> to vector<1x16xf32>
      tpu.vector_store %arg10[%swap3A, %swap3A_77], %swap3A_80 {strides = array<i32>} : memref<96x128xf32, #tpu.memory_space<vmem>>, vector<1x16xf32>,
    }
    %scan3A_4 = arith.constant 768 : i32
    %mul3A = arith.constant 324 : i32
    %mul3A_5 = arith.muli %arg1, %mul3A : i32
    "tpu.region"() ({
      %run_scoped3A = tpu.sem_alloc : memref<!tpu.dma_semaphore, #tpu.memory_space<semaphore_mem>>
      %dma_start3A_43 = arith.constant 0 : i32
      %dma_start3A_44 = tpu.memref_slice %arg11[%mul3A_5, %dma_start3A_43] : memref<5184x128xf32, #tpu.memory_space<vmem_shared>> -> memref<96x128xf32, #tpu.memory_space<vmem_shared>>
      %dma_start3A_45 = arith.constant 0 : i32
      %dma_start3A_46 = tpu.memref_slice %arg11[%mul3A_5, %dma_start3A_45] : memref<5184x128xf32, #tpu.memory_space<vmem_shared>> -> memref<96x128xf32, #tpu.memory_space<vmem_shared>>
      tpu.enqueue_dma source(%arg10 : memref<96x128xf32, #tpu.memory_space<vmem>>) target(%dma_start3A_46 : memref<96x128xf32, #tpu.memory_space<vmem_shared>>) target_semaphore(%run_scoped3A : memref<!tpu.dma_semaphore, #tpu.memory_space<semaphore_mem>>)
      %dma_wait3A_47 = arith.constant 0 : i32
      %dma_wait3A_48 = tpu.memref_slice %arg11[%mul3A_5, %dma_wait3A_47] : memref<5184x128xf32, #tpu.memory_space<vmem_shared>> -> memref<96x128xf32, #tpu.memory_space<vmem_shared>>
      %dma_wait3A_49 = arith.constant 0 : i32
      %dma_wait3A_50 = tpu.memref_slice %arg11[%mul3A_5, %dma_wait3A_49] : memref<5184x128xf32, #tpu.memory_space<vmem_shared>> -> memref<96x128xf32, #tpu.memory_space<vmem_shared>>
      tpu.wait_dma2 semaphore(%run_scoped3A : memref<!tpu.dma_semaphore, #tpu.memory_space<semaphore_mem>>) src(%arg10 : memref<96x128xf32, #tpu.memory_space<vmem>>) dst(%dma_wait3A_50 : memref<96x128xf32, #tpu.memory_space<vmem_shared>>)
      tpu.yield
    }) : () -> ()
    %add3A = arith.constant 96 : i32
    %add3A_6 = arith.addi %mul3A_5, %add3A : i32
    "tpu.region"() ({
      %run_scoped3A = tpu.sem_alloc : memref<!tpu.dma_semaphore, #tpu.memory_space<semaphore_mem>>
      %dma_start3A_43 = arith.constant 0 : i32
      %dma_start3A_44 = tpu.memref_slice %arg11[%add3A_6, %dma_start3A_43] : memref<5184x128xf32, #tpu.memory_space<vmem_shared>> -> memref<96x128xf32, #tpu.memory_space<vmem_shared>>
      %dma_start3A_45 = arith.constant 0 : i32
      %dma_start3A_46 = tpu.memref_slice %arg11[%add3A_6, %dma_start3A_45] : memref<5184x128xf32, #tpu.memory_space<vmem_shared>> -> memref<96x128xf32, #tpu.memory_space<vmem_shared>>
      tpu.enqueue_dma source(%arg10 : memref<96x128xf32, #tpu.memory_space<vmem>>) target(%dma_start3A_46 : memref<96x128xf32, #tpu.memory_space<vmem_shared>>) target_semaphore(%run_scoped3A : memref<!tpu.dma_semaphore, #tpu.memory_space<semaphore_mem>>)
      %dma_wait3A_47 = arith.constant 0 : i32
      %dma_wait3A_48 = tpu.memref_slice %arg11[%add3A_6, %dma_wait3A_47] : memref<5184x128xf32, #tpu.memory_space<vmem_shared>> -> memref<96x128xf32, #tpu.memory_space<vmem_shared>>
      %dma_wait3A_49 = arith.constant 0 : i32
      %dma_wait3A_50 = tpu.memref_slice %arg11[%add3A_6, %dma_wait3A_49] : memref<5184x128xf32, #tpu.memory_space<vmem_shared>> -> memref<96x128xf32, #tpu.memory_space<vmem_shared>>
      tpu.wait_dma2 semaphore(%run_scoped3A : memref<!tpu.dma_semaphore, #tpu.memory_space<semaphore_mem>>) src(%arg10 : memref<96x128xf32, #tpu.memory_space<vmem>>) dst(%dma_wait3A_50 : memref<96x128xf32, #tpu.memory_space<vmem_shared>>)
      tpu.yield
    }) : () -> ()
    %add3A_7 = arith.constant 192 : i32
    %add3A_8 = arith.addi %mul3A_5, %add3A_7 : i32
    "tpu.region"() ({
      %run_scoped3A = tpu.sem_alloc : memref<!tpu.dma_semaphore, #tpu.memory_space<semaphore_mem>>
      %dma_start3A_43 = arith.constant 0 : i32
      %dma_start3A_44 = tpu.memref_slice %arg11[%add3A_8, %dma_start3A_43] : memref<5184x128xf32, #tpu.memory_space<vmem_shared>> -> memref<96x128xf32, #tpu.memory_space<vmem_shared>>
      %dma_start3A_45 = arith.constant 0 : i32
      %dma_start3A_46 = tpu.memref_slice %arg11[%add3A_8, %dma_start3A_45] : memref<5184x128xf32, #tpu.memory_space<vmem_shared>> -> memref<96x128xf32, #tpu.memory_space<vmem_shared>>
      tpu.enqueue_dma source(%arg10 : memref<96x128xf32, #tpu.memory_space<vmem>>) target(%dma_start3A_46 : memref<96x128xf32, #tpu.memory_space<vmem_shared>>) target_semaphore(%run_scoped3A : memref<!tpu.dma_semaphore, #tpu.memory_space<semaphore_mem>>)
      %dma_wait3A_47 = arith.constant 0 : i32
      %dma_wait3A_48 = tpu.memref_slice %arg11[%add3A_8, %dma_wait3A_47] : memref<5184x128xf32, #tpu.memory_space<vmem_shared>> -> memref<96x128xf32, #tpu.memory_space<vmem_shared>>
      %dma_wait3A_49 = arith.constant 0 : i32
      %dma_wait3A_50 = tpu.memref_slice %arg11[%add3A_8, %dma_wait3A_49] : memref<5184x128xf32, #tpu.memory_space<vmem_shared>> -> memref<96x128xf32, #tpu.memory_space<vmem_shared>>
      tpu.wait_dma2 semaphore(%run_scoped3A : memref<!tpu.dma_semaphore, #tpu.memory_space<semaphore_mem>>) src(%arg10 : memref<96x128xf32, #tpu.memory_space<vmem>>) dst(%dma_wait3A_50 : memref<96x128xf32, #tpu.memory_space<vmem_shared>>)
      tpu.yield
    }) : () -> ()
    %add3A_9 = arith.constant 288 : i32
    %add3A_10 = arith.addi %mul3A_5, %add3A_9 : i32
    "tpu.region"() ({
      %run_scoped3A = tpu.sem_alloc : memref<!tpu.dma_semaphore, #tpu.memory_space<semaphore_mem>>
      %dma_start3A_43 = arith.constant 0 : i32
      %dma_start3A_44 = arith.constant 0 : i32
      %dma_start3A_45 = tpu.memref_slice %arg10[%dma_start3A_43, %dma_start3A_44] : memref<96x128xf32, #tpu.memory_space<vmem>> -> memref<36x128xf32, #tpu.memory_space<vmem>>
      %dma_start3A_46 = arith.constant 0 : i32
      %dma_start3A_47 = tpu.memref_slice %arg11[%add3A_10, %dma_start3A_46] : memref<5184x128xf32, #tpu.memory_space<vmem_shared>> -> memref<36x128xf32, #tpu.memory_space<vmem_shared>>
      %dma_start3A_48 = arith.constant 0 : i32
      %dma_start3A_49 = tpu.memref_slice %arg11[%add3A_10, %dma_start3A_48] : memref<5184x128xf32, #tpu.memory_space<vmem_shared>> -> memref<36x128xf32, #tpu.memory_space<vmem_shared>>
      %dma_start3A_50 = arith.constant 0 : i32
      %dma_start3A_51 = arith.constant 0 : i32
      %dma_start3A_52 = tpu.memref_slice %arg10[%dma_start3A_50, %dma_start3A_51] : memref<96x128xf32, #tpu.memory_space<vmem>> -> memref<36x128xf32, #tpu.memory_space<vmem>>
      tpu.enqueue_dma source(%dma_start3A_52 : memref<36x128xf32, #tpu.memory_space<vmem>>) target(%dma_start3A_49 : memref<36x128xf32, #tpu.memory_space<vmem_shared>>) target_semaphore(%run_scoped3A : memref<!tpu.dma_semaphore, #tpu.memory_space<semaphore_mem>>)
      %dma_wait3A_53 = arith.constant 0 : i32
      %dma_wait3A_54 = arith.constant 0 : i32
      %dma_wait3A_55 = tpu.memref_slice %arg10[%dma_wait3A_53, %dma_wait3A_54] : memref<96x128xf32, #tpu.memory_space<vmem>> -> memref<36x128xf32, #tpu.memory_space<vmem>>
      %dma_wait3A_56 = arith.constant 0 : i32
      %dma_wait3A_57 = tpu.memref_slice %arg11[%add3A_10, %dma_wait3A_56] : memref<5184x128xf32, #tpu.memory_space<vmem_shared>> -> memref<36x128xf32, #tpu.memory_space<vmem_shared>>
      %dma_wait3A_58 = arith.constant 0 : i32
      %dma_wait3A_59 = tpu.memref_slice %arg11[%add3A_10, %dma_wait3A_58] : memref<5184x128xf32, #tpu.memory_space<vmem_shared>> -> memref<36x128xf32, #tpu.memory_space<vmem_shared>>
      %dma_wait3A_60 = arith.constant 0 : i32
      %dma_wait3A_61 = arith.constant 0 : i32
      %dma_wait3A_62 = tpu.memref_slice %arg10[%dma_wait3A_60, %dma_wait3A_61] : memref<96x128xf32, #tpu.memory_space<vmem>> -> memref<36x128xf32, #tpu.memory_space<vmem>>
      tpu.wait_dma2 semaphore(%run_scoped3A : memref<!tpu.dma_semaphore, #tpu.memory_space<semaphore_mem>>) src(%dma_wait3A_62 : memref<36x128xf32, #tpu.memory_space<vmem>>) dst(%dma_wait3A_59 : memref<36x128xf32, #tpu.memory_space<vmem_shared>>)
      tpu.yield
    }) : () -> ()
    %mul3A_11 = arith.constant 5120 : i32
    %mul3A_12 = arith.muli %arg0, %mul3A_11 : i32
    %iota3A = tpu.iota {dimensions = array<i32: 0>} : vector<16xi32>
    %scan3A_13 = arith.constant 0 : i32
    %scan3A_14 = arith.constant 0 : i32
    %scan3A_15 = arith.constant 1264 : i32
    %scan3A_16 = arith.addi %scan3A_14, %scan3A_15 : i32
    %scan3A_17 = arith.constant 1 : i32
    scf.for %scan3A_43 = %scan3A_14 to %scan3A_16 step %scan3A_17  : i32 {
      %jit3A = arith.constant 8 : i32
      %div3A = arith.divsi %scan3A_43, %jit3A : i32
      %sign3A = arith.constant 0 : i32
      %sign3A_44 = arith.cmpi sgt, %scan3A_43, %sign3A : i32
      %sign3A_45 = arith.extui %sign3A_44 : i1 to i32
      %sign3A_46 = arith.constant 0 : i32
      %sign3A_47 = arith.cmpi slt, %scan3A_43, %sign3A_46 : i32
      %sign3A_48 = arith.extui %sign3A_47 : i1 to i32
      %sign3A_49 = arith.subi %sign3A_45, %sign3A_48 : i32
      %sign3A_50 = arith.constant 0 : i32
      %sign3A_51 = arith.cmpi sgt, %jit3A, %sign3A_50 : i32
      %sign3A_52 = arith.extui %sign3A_51 : i1 to i32
      %sign3A_53 = arith.constant 0 : i32
      %sign3A_54 = arith.cmpi slt, %jit3A, %sign3A_53 : i32
      %sign3A_55 = arith.extui %sign3A_54 : i1 to i32
      %sign3A_56 = arith.subi %sign3A_52, %sign3A_55 : i32
      %ne3A = arith.cmpi ne, %sign3A_49, %sign3A_56 : i32
      %rem3A = arith.remsi %scan3A_43, %jit3A : i32
      %ne3A_57 = arith.constant 0 : i32
      %ne3A_58 = arith.cmpi ne, %rem3A, %ne3A_57 : i32
      %and3A = arith.andi %ne3A, %ne3A_58 : i1
      %sub3A = arith.constant 1 : i32
      %sub3A_59 = arith.subi %div3A, %sub3A : i32
      %select_n3A = arith.select %and3A, %sub3A_59, %div3A : i32
      %jit3A_60 = arith.constant 8 : i32
      %eq3A = arith.constant 0 : i32
      %eq3A_61 = arith.cmpi eq, %jit3A_60, %eq3A : i32
      %jit3A_62 = arith.constant 1 : i32
      %select_n3A_63 = arith.select %eq3A_61, %jit3A_62, %jit3A_60 : i32
      %rem3A_64 = arith.remsi %scan3A_43, %select_n3A_63 : i32
      %ne3A_65 = arith.constant 0 : i32
      %ne3A_66 = arith.cmpi ne, %rem3A_64, %ne3A_65 : i32
      %lt3A = arith.constant 0 : i32
      %lt3A_67 = arith.cmpi slt, %rem3A_64, %lt3A : i32
      %lt3A_68 = arith.constant 0 : i32
      %lt3A_69 = arith.cmpi slt, %select_n3A_63, %lt3A_68 : i32
      %ne3A_70 = arith.xori %lt3A_67, %lt3A_69 : i1
      %and3A_71 = arith.andi %ne3A_70, %ne3A_66 : i1
      %add3A_72 = arith.addi %rem3A_64, %select_n3A_63 : i32
      %select_n3A_73 = arith.select %and3A_71, %add3A_72, %rem3A_64 : i32
      %mul3A_74 = arith.constant 16 : i32
      %mul3A_75 = arith.muli %select_n3A_73, %mul3A_74 : i32
      %get3A = arith.index_cast %select_n3A : i32 to index
      %get3A_76 = arith.index_cast %mul3A_75 : i32 to index
      %get3A_77 = tpu.vector_load %arg7[%get3A, %get3A_76] {strides = array<i32>} : memref<158x128xi32, #tpu.memory_space<vmem>>, vector<1x16xi32>,
      %get3A_78 = vector.shape_cast %get3A_77 : vector<1x16xi32> to vector<16xi32>
      %sub3A_79 = vector.broadcast %mul3A_12 : i32 to vector<16xi32>
      %sub3A_80 = arith.subi %get3A_78, %sub3A_79 : vector<16xi32>
      %mul3A_81 = arith.constant 16 : i32
      %mul3A_82 = arith.muli %select_n3A_73, %mul3A_81 : i32
      %add3A_83 = vector.broadcast %mul3A_82 : i32 to vector<16xi32>
      %add3A_84 = arith.addi %add3A_83, %iota3A : vector<16xi32>
      %and3A_85 = arith.constant 63 : i32
      %and3A_86 = vector.broadcast %and3A_85 : i32 to vector<16xi32>
      %and3A_87 = arith.andi %add3A_84, %and3A_86 : vector<16xi32>
      %add3A_88 = arith.constant 5120 : i32
      %add3A_89 = vector.broadcast %add3A_88 : i32 to vector<16xi32>
      %add3A_90 = arith.addi %add3A_89, %and3A_87 : vector<16xi32>
      %ge3A = arith.constant 0 : i32
      %ge3A_91 = vector.broadcast %ge3A : i32 to vector<16xi32>
      %ge3A_92 = arith.cmpi sge, %sub3A_80, %ge3A_91 : vector<16xi32>
      %lt3A_93 = arith.constant 5120 : i32
      %lt3A_94 = vector.broadcast %lt3A_93 : i32 to vector<16xi32>
      %lt3A_95 = arith.cmpi slt, %sub3A_80, %lt3A_94 : vector<16xi32>
      %and3A_96 = arith.andi %ge3A_92, %lt3A_95 : vector<16xi1>
      %select_n3A_97 = arith.select %and3A_96, %sub3A_80, %add3A_90 : vector<16xi1>, vector<16xi32>
      %mul3A_98 = arith.constant 16 : i32
      %mul3A_99 = arith.muli %select_n3A_73, %mul3A_98 : i32
      %swap3A = arith.index_cast %select_n3A : i32 to index
      %swap3A_100 = arith.index_cast %mul3A_99 : i32 to index
      %swap3A_101 = tpu.vector_load %arg7[%swap3A, %swap3A_100] {strides = array<i32>} : memref<158x128xi32, #tpu.memory_space<vmem>>, vector<1x16xi32>,
      %swap3A_102 = vector.shape_cast %swap3A_101 : vector<1x16xi32> to vector<16xi32>
      %swap3A_103 = vector.shape_cast %select_n3A_97 : vector<16xi32> to vector<1x16xi32>
      tpu.vector_store %arg7[%swap3A, %swap3A_100], %swap3A_103 {strides = array<i32>} : memref<158x128xi32, #tpu.memory_space<vmem>>, vector<1x16xi32>,
    }
    %scan3A_18 = arith.constant 1264 : i32
    %barrier3A = arith.constant 0 : index
    tpu.barrier barrier_id(%barrier3A)
    %dma_start3A = arith.constant 0 : i32
    %dma_start3A_19 = arith.constant 0 : i32
    %dma_start3A_20 = tpu.memref_slice %arg6[%dma_start3A, %dma_start3A_19] : memref<158x128xi32, #tpu.memory_space<vmem>> -> memref<1x128xi32, #tpu.memory_space<vmem>>
    %dma_start3A_21 = tpu.memref_squeeze %dma_start3A_20 : memref<1x128xi32, #tpu.memory_space<vmem>> -> memref<128xi32, #tpu.memory_space<vmem>>
    %dma_start3A_22 = arith.constant 0 : i32
    %dma_start3A_23 = arith.constant 0 : i32
    %dma_start3A_24 = tpu.memref_slice %arg2[%dma_start3A_22, %dma_start3A_23] : memref<10240x128xf32, #tpu.memory_space<hbm>> -> memref<10240x128xf32, #tpu.memory_space<hbm>>
    tpu.enqueue_indirect_dma source(%dma_start3A_24 : memref<10240x128xf32, #tpu.memory_space<hbm>>) target(%arg8 : memref<128x128xf32, #tpu.memory_space<vmem>>) offsets(%dma_start3A_21 : memref<128xi32, #tpu.memory_space<vmem>>) semaphore(%arg12 : memref<!tpu.dma_semaphore, #tpu.memory_space<semaphore_mem>>)
    %scan3A_25 = arith.constant 0 : i32
    %scan3A_26 = arith.constant 0 : i32
    %scan3A_27 = arith.constant 79 : i32
    %scan3A_28 = arith.addi %scan3A_26, %scan3A_27 : i32
    %scan3A_29 = arith.constant 1 : i32
    scf.for %scan3A_43 = %scan3A_26 to %scan3A_28 step %scan3A_29  : i32 {
      %mul3A_44 = arith.constant 2 : i32
      %mul3A_45 = arith.muli %scan3A_43, %mul3A_44 : i32
      %add3A_46 = arith.constant 1 : i32
      %add3A_47 = arith.addi %mul3A_45, %add3A_46 : i32
      %dma_start3A_48 = arith.constant 0 : i32
      %dma_start3A_49 = tpu.memref_slice %arg6[%add3A_47, %dma_start3A_48] : memref<158x128xi32, #tpu.memory_space<vmem>> -> memref<1x128xi32, #tpu.memory_space<vmem>>
      %dma_start3A_50 = tpu.memref_squeeze %dma_start3A_49 : memref<1x128xi32, #tpu.memory_space<vmem>> -> memref<128xi32, #tpu.memory_space<vmem>>
      %dma_start3A_51 = arith.constant 0 : i32
      %dma_start3A_52 = arith.constant 0 : i32
      %dma_start3A_53 = tpu.memref_slice %arg2[%dma_start3A_51, %dma_start3A_52] : memref<10240x128xf32, #tpu.memory_space<hbm>> -> memref<10240x128xf32, #tpu.memory_space<hbm>>
      tpu.enqueue_indirect_dma source(%dma_start3A_53 : memref<10240x128xf32, #tpu.memory_space<hbm>>) target(%arg9 : memref<128x128xf32, #tpu.memory_space<vmem>>) offsets(%dma_start3A_50 : memref<128xi32, #tpu.memory_space<vmem>>) semaphore(%arg13 : memref<!tpu.dma_semaphore, #tpu.memory_space<semaphore_mem>>)
      %dma_wait3A_54 = arith.constant 0 : i32
      %dma_wait3A_55 = tpu.memref_slice %arg6[%mul3A_45, %dma_wait3A_54] : memref<158x128xi32, #tpu.memory_space<vmem>> -> memref<1x128xi32, #tpu.memory_space<vmem>>
      %dma_wait3A_56 = tpu.memref_squeeze %dma_wait3A_55 : memref<1x128xi32, #tpu.memory_space<vmem>> -> memref<128xi32, #tpu.memory_space<vmem>>
      %dma_wait3A_57 = arith.constant 0 : i32
      %dma_wait3A_58 = arith.constant 0 : i32
      %dma_wait3A_59 = tpu.memref_slice %arg2[%dma_wait3A_57, %dma_wait3A_58] : memref<10240x128xf32, #tpu.memory_space<hbm>> -> memref<10240x128xf32, #tpu.memory_space<hbm>>
      tpu.wait_indirect_dma semaphore(%arg12 : memref<!tpu.dma_semaphore, #tpu.memory_space<semaphore_mem>>) src(%dma_wait3A_59 : memref<10240x128xf32, #tpu.memory_space<hbm>>) dst(%arg8 : memref<128x128xf32, #tpu.memory_space<vmem>>)
      "tpu.region"() ({
        %run_scoped3A = tpu.sem_alloc : memref<!tpu.dma_semaphore, #tpu.memory_space<semaphore_mem>>
        %dma_start3A_75 = arith.constant 0 : i32
        %dma_start3A_76 = tpu.memref_slice %arg7[%mul3A_45, %dma_start3A_75] : memref<158x128xi32, #tpu.memory_space<vmem>> -> memref<1x128xi32, #tpu.memory_space<vmem>>
        %dma_start3A_77 = tpu.memref_squeeze %dma_start3A_76 : memref<1x128xi32, #tpu.memory_space<vmem>> -> memref<128xi32, #tpu.memory_space<vmem>>
        %dma_start3A_78 = arith.constant 0 : i32
        %dma_start3A_79 = arith.constant 0 : i32
        %dma_start3A_80 = tpu.memref_slice %arg11[%dma_start3A_78, %dma_start3A_79] : memref<5184x128xf32, #tpu.memory_space<vmem_shared>> -> memref<5184x128xf32, #tpu.memory_space<vmem_shared>>
        tpu.enqueue_indirect_dma source(%arg8 : memref<128x128xf32, #tpu.memory_space<vmem>>) target(%dma_start3A_80 : memref<5184x128xf32, #tpu.memory_space<vmem_shared>>) offsets(%dma_start3A_77 : memref<128xi32, #tpu.memory_space<vmem>>) semaphore(%run_scoped3A : memref<!tpu.dma_semaphore, #tpu.memory_space<semaphore_mem>>) {add = true}
        %dma_wait3A_81 = arith.constant 0 : i32
        %dma_wait3A_82 = tpu.memref_slice %arg7[%mul3A_45, %dma_wait3A_81] : memref<158x128xi32, #tpu.memory_space<vmem>> -> memref<1x128xi32, #tpu.memory_space<vmem>>
        %dma_wait3A_83 = tpu.memref_squeeze %dma_wait3A_82 : memref<1x128xi32, #tpu.memory_space<vmem>> -> memref<128xi32, #tpu.memory_space<vmem>>
        %dma_wait3A_84 = arith.constant 0 : i32
        %dma_wait3A_85 = arith.constant 0 : i32
        %dma_wait3A_86 = tpu.memref_slice %arg11[%dma_wait3A_84, %dma_wait3A_85] : memref<5184x128xf32, #tpu.memory_space<vmem_shared>> -> memref<5184x128xf32, #tpu.memory_space<vmem_shared>>
        tpu.wait_indirect_dma semaphore(%run_scoped3A : memref<!tpu.dma_semaphore, #tpu.memory_space<semaphore_mem>>) src(%arg8 : memref<128x128xf32, #tpu.memory_space<vmem>>) dst(%dma_wait3A_86 : memref<5184x128xf32, #tpu.memory_space<vmem_shared>>)
        tpu.yield
      }) : () -> ()
      %add3A_60 = arith.constant 2 : i32
      %add3A_61 = arith.addi %mul3A_45, %add3A_60 : i32
      %min3A = arith.constant 156 : i32
      %min3A_62 = arith.minsi %add3A_61, %min3A : i32
      %dma_start3A_63 = arith.constant 0 : i32
      %dma_start3A_64 = tpu.memref_slice %arg6[%min3A_62, %dma_start3A_63] : memref<158x128xi32, #tpu.memory_space<vmem>> -> memref<1x128xi32, #tpu.memory_space<vmem>>
      %dma_start3A_65 = tpu.memref_squeeze %dma_start3A_64 : memref<1x128xi32, #tpu.memory_space<vmem>> -> memref<128xi32, #tpu.memory_space<vmem>>
      %dma_start3A_66 = arith.constant 0 : i32
      %dma_start3A_67 = arith.constant 0 : i32
      %dma_start3A_68 = tpu.memref_slice %arg2[%dma_start3A_66, %dma_start3A_67] : memref<10240x128xf32, #tpu.memory_space<hbm>> -> memref<10240x128xf32, #tpu.memory_space<hbm>>
      tpu.enqueue_indirect_dma source(%dma_start3A_68 : memref<10240x128xf32, #tpu.memory_space<hbm>>) target(%arg8 : memref<128x128xf32, #tpu.memory_space<vmem>>) offsets(%dma_start3A_65 : memref<128xi32, #tpu.memory_space<vmem>>) semaphore(%arg12 : memref<!tpu.dma_semaphore, #tpu.memory_space<semaphore_mem>>)
      %dma_wait3A_69 = arith.constant 0 : i32
      %dma_wait3A_70 = tpu.memref_slice %arg6[%add3A_47, %dma_wait3A_69] : memref<158x128xi32, #tpu.memory_space<vmem>> -> memref<1x128xi32, #tpu.memory_space<vmem>>
      %dma_wait3A_71 = tpu.memref_squeeze %dma_wait3A_70 : memref<1x128xi32, #tpu.memory_space<vmem>> -> memref<128xi32, #tpu.memory_space<vmem>>
      %dma_wait3A_72 = arith.constant 0 : i32
      %dma_wait3A_73 = arith.constant 0 : i32
      %dma_wait3A_74 = tpu.memref_slice %arg2[%dma_wait3A_72, %dma_wait3A_73] : memref<10240x128xf32, #tpu.memory_space<hbm>> -> memref<10240x128xf32, #tpu.memory_space<hbm>>
      tpu.wait_indirect_dma semaphore(%arg13 : memref<!tpu.dma_semaphore, #tpu.memory_space<semaphore_mem>>) src(%dma_wait3A_74 : memref<10240x128xf32, #tpu.memory_space<hbm>>) dst(%arg9 : memref<128x128xf32, #tpu.memory_space<vmem>>)
      "tpu.region"() ({
        %run_scoped3A = tpu.sem_alloc : memref<!tpu.dma_semaphore, #tpu.memory_space<semaphore_mem>>
        %dma_start3A_75 = arith.constant 0 : i32
        %dma_start3A_76 = tpu.memref_slice %arg7[%add3A_47, %dma_start3A_75] : memref<158x128xi32, #tpu.memory_space<vmem>> -> memref<1x128xi32, #tpu.memory_space<vmem>>
        %dma_start3A_77 = tpu.memref_squeeze %dma_start3A_76 : memref<1x128xi32, #tpu.memory_space<vmem>> -> memref<128xi32, #tpu.memory_space<vmem>>
        %dma_start3A_78 = arith.constant 0 : i32
        %dma_start3A_79 = arith.constant 0 : i32
        %dma_start3A_80 = tpu.memref_slice %arg11[%dma_start3A_78, %dma_start3A_79] : memref<5184x128xf32, #tpu.memory_space<vmem_shared>> -> memref<5184x128xf32, #tpu.memory_space<vmem_shared>>
        tpu.enqueue_indirect_dma source(%arg9 : memref<128x128xf32, #tpu.memory_space<vmem>>) target(%dma_start3A_80 : memref<5184x128xf32, #tpu.memory_space<vmem_shared>>) offsets(%dma_start3A_77 : memref<128xi32, #tpu.memory_space<vmem>>) semaphore(%run_scoped3A : memref<!tpu.dma_semaphore, #tpu.memory_space<semaphore_mem>>) {add = true}
        %dma_wait3A_81 = arith.constant 0 : i32
        %dma_wait3A_82 = tpu.memref_slice %arg7[%add3A_47, %dma_wait3A_81] : memref<158x128xi32, #tpu.memory_space<vmem>> -> memref<1x128xi32, #tpu.memory_space<vmem>>
        %dma_wait3A_83 = tpu.memref_squeeze %dma_wait3A_82 : memref<1x128xi32, #tpu.memory_space<vmem>> -> memref<128xi32, #tpu.memory_space<vmem>>
        %dma_wait3A_84 = arith.constant 0 : i32
        %dma_wait3A_85 = arith.constant 0 : i32
        %dma_wait3A_86 = tpu.memref_slice %arg11[%dma_wait3A_84, %dma_wait3A_85] : memref<5184x128xf32, #tpu.memory_space<vmem_shared>> -> memref<5184x128xf32, #tpu.memory_space<vmem_shared>>
        tpu.wait_indirect_dma semaphore(%run_scoped3A : memref<!tpu.dma_semaphore, #tpu.memory_space<semaphore_mem>>) src(%arg9 : memref<128x128xf32, #tpu.memory_space<vmem>>) dst(%dma_wait3A_86 : memref<5184x128xf32, #tpu.memory_space<vmem_shared>>)
        tpu.yield
      }) : () -> ()
    }
    %scan3A_30 = arith.constant 79 : i32
    %dma_wait3A = arith.constant 156 : i32
    %dma_wait3A_31 = arith.constant 0 : i32
    %dma_wait3A_32 = tpu.memref_slice %arg6[%dma_wait3A, %dma_wait3A_31] : memref<158x128xi32, #tpu.memory_space<vmem>> -> memref<1x128xi32, #tpu.memory_space<vmem>>
    %dma_wait3A_33 = tpu.memref_squeeze %dma_wait3A_32 : memref<1x128xi32, #tpu.memory_space<vmem>> -> memref<128xi32, #tpu.memory_space<vmem>>
    %dma_wait3A_34 = arith.constant 0 : i32
    %dma_wait3A_35 = arith.constant 0 : i32
    %dma_wait3A_36 = tpu.memref_slice %arg2[%dma_wait3A_34, %dma_wait3A_35] : memref<10240x128xf32, #tpu.memory_space<hbm>> -> memref<10240x128xf32, #tpu.memory_space<hbm>>
    tpu.wait_indirect_dma semaphore(%arg12 : memref<!tpu.dma_semaphore, #tpu.memory_space<semaphore_mem>>) src(%dma_wait3A_36 : memref<10240x128xf32, #tpu.memory_space<hbm>>) dst(%arg8 : memref<128x128xf32, #tpu.memory_space<vmem>>)
    %barrier3A_37 = arith.constant 0 : index
    tpu.barrier barrier_id(%barrier3A_37)
    %mul3A_38 = arith.constant 320 : i32
    %mul3A_39 = arith.muli %arg1, %mul3A_38 : i32
    %mul3A_40 = arith.constant 320 : i32
    %mul3A_41 = arith.muli %arg1, %mul3A_40 : i32
    %add3A_42 = arith.addi %mul3A_12, %mul3A_41 : i32
    "tpu.region"() ({
      %run_scoped3A = tpu.sem_alloc : memref<!tpu.dma_semaphore, #tpu.memory_space<semaphore_mem>>
      %dma_start3A_43 = arith.constant 0 : i32
      %dma_start3A_44 = tpu.memref_slice %arg5[%add3A_42, %dma_start3A_43] : memref<10240x128xf32, #tpu.memory_space<hbm>> -> memref<320x128xf32, #tpu.memory_space<hbm>>
      %dma_start3A_45 = arith.constant 0 : i32
      %dma_start3A_46 = tpu.memref_slice %arg11[%mul3A_39, %dma_start3A_45] : memref<5184x128xf32, #tpu.memory_space<vmem_shared>> -> memref<320x128xf32, #tpu.memory_space<vmem_shared>>
      tpu.enqueue_dma source(%dma_start3A_46 : memref<320x128xf32, #tpu.memory_space<vmem_shared>>) target(%dma_start3A_44 : memref<320x128xf32, #tpu.memory_space<hbm>>) target_semaphore(%run_scoped3A : memref<!tpu.dma_semaphore, #tpu.memory_space<semaphore_mem>>)
      %dma_wait3A_47 = arith.constant 0 : i32
      %dma_wait3A_48 = tpu.memref_slice %arg5[%add3A_42, %dma_wait3A_47] : memref<10240x128xf32, #tpu.memory_space<hbm>> -> memref<320x128xf32, #tpu.memory_space<hbm>>
      %dma_wait3A_49 = arith.constant 0 : i32
      %dma_wait3A_50 = tpu.memref_slice %arg11[%mul3A_39, %dma_wait3A_49] : memref<5184x128xf32, #tpu.memory_space<vmem_shared>> -> memref<320x128xf32, #tpu.memory_space<vmem_shared>>
      tpu.wait_dma2 semaphore(%run_scoped3A : memref<!tpu.dma_semaphore, #tpu.memory_space<semaphore_mem>>) src(%dma_wait3A_50 : memref<320x128xf32, #tpu.memory_space<vmem_shared>>) dst(%dma_wait3A_48 : memref<320x128xf32, #tpu.memory_space<hbm>>)
      tpu.yield
    }) : () -> ()
    return
  }
}

module attributes {stable_mosaic.version = 14 : i64} {
  func.func @_dense_body(%arg0: memref<10240x128xf32, #tpu.memory_space<vmem>>, %arg1: memref<10240x128xf32, #tpu.memory_space<vmem>>, %arg2: memref<128x128xf32, #tpu.memory_space<vmem>>, %arg3: memref<128x128xf32, #tpu.memory_space<vmem>>, %arg4: memref<1x128xf32, #tpu.memory_space<vmem>>, %arg5: memref<1x128xf32, #tpu.memory_space<vmem>>, %arg6: memref<1x128xf32, #tpu.memory_space<vmem>>, %arg7: memref<1x128xf32, #tpu.memory_space<vmem>>, %arg8: memref<10240x128xf32, #tpu.memory_space<vmem>>, %arg9: memref<10240x1xf32, #tpu.memory_space<vmem>>) attributes {dimension_semantics = [], scalar_prefetch = 0 : i64, scratch_operands = 0 : i64, tpu.core_type = #tpu.core_type<tc>} {
    %get3A = arith.constant 0 : index
    %get3A_0 = arith.constant 0 : index
    %get3A_1 = vector.load %arg0[%get3A, %get3A_0] : memref<10240x128xf32, #tpu.memory_space<vmem>>, vector<10240x128xf32>
    %get3A_2 = arith.constant 0 : index
    %get3A_3 = arith.constant 0 : index
    %get3A_4 = vector.load %arg1[%get3A_2, %get3A_3] : memref<10240x128xf32, #tpu.memory_space<vmem>>, vector<10240x128xf32>
    %get3A_5 = arith.constant 0 : index
    %get3A_6 = arith.constant 0 : index
    %get3A_7 = vector.load %arg2[%get3A_5, %get3A_6] : memref<128x128xf32, #tpu.memory_space<vmem>>, vector<128x128xf32>
    %dot_general3A = arith.constant dense<0.000000e+00> : vector<10240x128xf32>
    %dot_general3A_8 = tpu.matmul %get3A_4, %get3A_7, %dot_general3A {dimension_numbers = #tpu.dot_dimension_numbers<[1], [1], [0], [0], [0, 0, 1, 0], [], []>, transpose_lhs_hint = false} : vector<10240x128xf32>, vector<128x128xf32>, vector<10240x128xf32> -> vector<10240x128xf32>
    %get3A_9 = arith.constant 0 : index
    %get3A_10 = arith.constant 0 : index
    %get3A_11 = vector.load %arg4[%get3A_9, %get3A_10] : memref<1x128xf32, #tpu.memory_space<vmem>>, vector<1x128xf32>
    %add3A = vector.broadcast %get3A_11 : vector<1x128xf32> to vector<10240x128xf32>
    %add3A_12 = arith.addf %dot_general3A_8, %add3A : vector<10240x128xf32>
    %get3A_13 = arith.constant 0 : index
    %get3A_14 = arith.constant 0 : index
    %get3A_15 = vector.load %arg3[%get3A_13, %get3A_14] : memref<128x128xf32, #tpu.memory_space<vmem>>, vector<128x128xf32>
    %dot_general3A_16 = arith.constant dense<0.000000e+00> : vector<10240x128xf32>
    %dot_general3A_17 = tpu.matmul %get3A_1, %get3A_15, %dot_general3A_16 {dimension_numbers = #tpu.dot_dimension_numbers<[1], [1], [0], [0], [0, 0, 1, 0], [], []>, transpose_lhs_hint = false} : vector<10240x128xf32>, vector<128x128xf32>, vector<10240x128xf32> -> vector<10240x128xf32>
    %add3A_18 = arith.addf %add3A_12, %dot_general3A_17 : vector<10240x128xf32>
    %max3A = arith.constant 0.000000e+00 : f32
    %max3A_19 = vector.broadcast %max3A : f32 to vector<10240x128xf32>
    %max3A_20 = arith.maximumf %add3A_18, %max3A_19 : vector<10240x128xf32>
    %get3A_21 = arith.constant 0 : index
    %get3A_22 = arith.constant 0 : index
    %get3A_23 = vector.load %arg5[%get3A_21, %get3A_22] : memref<1x128xf32, #tpu.memory_space<vmem>>, vector<1x128xf32>
    %sqrt3A = arith.constant 1.000010e+00 : f32
    %sqrt3A_24 = math.sqrt %sqrt3A : f32
    %div3A = vector.broadcast %sqrt3A_24 : f32 to vector<10240x128xf32>
    %div3A_25 = arith.divf %max3A_20, %div3A : vector<10240x128xf32>
    %mul3A = vector.broadcast %get3A_23 : vector<1x128xf32> to vector<10240x128xf32>
    %mul3A_26 = arith.mulf %mul3A, %div3A_25 : vector<10240x128xf32>
    %get3A_27 = arith.constant 0 : index
    %get3A_28 = arith.constant 0 : index
    %get3A_29 = vector.load %arg6[%get3A_27, %get3A_28] : memref<1x128xf32, #tpu.memory_space<vmem>>, vector<1x128xf32>
    %add3A_30 = vector.broadcast %get3A_29 : vector<1x128xf32> to vector<10240x128xf32>
    %add3A_31 = arith.addf %mul3A_26, %add3A_30 : vector<10240x128xf32>
    %swap3A = arith.constant 0 : index
    %swap3A_32 = arith.constant 0 : index
    %swap3A_33 = vector.load %arg8[%swap3A, %swap3A_32] : memref<10240x128xf32, #tpu.memory_space<vmem>>, vector<10240x128xf32>
    tpu.vector_store %arg8[%swap3A, %swap3A_32], %add3A_31 {strides = array<i32>} : memref<10240x128xf32, #tpu.memory_space<vmem>>, vector<10240x128xf32>,
    %get3A_34 = arith.constant 0 : index
    %get3A_35 = arith.constant 0 : index
    %get3A_36 = vector.load %arg7[%get3A_34, %get3A_35] : memref<1x128xf32, #tpu.memory_space<vmem>>, vector<1x128xf32>
    %mul3A_37 = arith.mulf %get3A_36, %get3A_36 : vector<1x128xf32>
    %reduce_sum3A = vector.shape_cast %mul3A_37 : vector<1x128xf32> to vector<1x1x128xf32>
    %reduce_sum3A_38 = arith.constant dense<0.000000e+00> : vector<1xf32>
    %reduce_sum3A_39 = vector.multi_reduction <add>, %reduce_sum3A, %reduce_sum3A_38 [1, 2] : vector<1x1x128xf32> to vector<1xf32>
    %reduce_sum3A_40 = vector.shape_cast %reduce_sum3A_39 : vector<1xf32> to vector<1x1x1xf32>
    %reduce_sum3A_41 = vector.extract %reduce_sum3A_40[0, 0, 0] : f32 from vector<1x1x1xf32>
    %sqrt3A_42 = math.sqrt %reduce_sum3A_41 : f32
    %dot_general3A_43 = arith.constant dense<0.000000e+00> : vector<10240x1xf32>
    %dot_general3A_44 = tpu.matmul %add3A_31, %get3A_36, %dot_general3A_43 {dimension_numbers = #tpu.dot_dimension_numbers<[1], [1], [0], [0], [0, 0, 1, 0], [], []>, transpose_lhs_hint = false} : vector<10240x128xf32>, vector<1x128xf32>, vector<10240x1xf32> -> vector<10240x1xf32>
    %div3A_45 = vector.broadcast %sqrt3A_42 : f32 to vector<10240x1xf32>
    %div3A_46 = arith.divf %dot_general3A_44, %div3A_45 : vector<10240x1xf32>
    %tanh3A = math.tanh %div3A_46 : vector<10240x1xf32>
    %swap3A_47 = arith.constant 0 : index
    %swap3A_48 = arith.constant 0 : index
    %swap3A_49 = vector.load %arg9[%swap3A_47, %swap3A_48] : memref<10240x1xf32, #tpu.memory_space<vmem>>, vector<10240x1xf32>
    tpu.vector_store %arg9[%swap3A_47, %swap3A_48], %tanh3A {strides = array<i32>} : memref<10240x1xf32, #tpu.memory_space<vmem>>, vector<10240x1xf32>,
    return
  }
}

module attributes {stable_mosaic.version = 14 : i64} {
  func.func @_select_body(%arg0: memref<80x128xf32, #tpu.memory_space<vmem>>, %arg1: memref<1x80x128xf32, #tpu.memory_space<vmem>>, %arg2: memref<80x128xf32, #tpu.memory_space<vmem>>) attributes {dimension_semantics = [], scalar_prefetch = 0 : i64, scratch_operands = 0 : i64, tpu.core_type = #tpu.core_type<tc>} {
    %get3A = arith.constant 0 : index
    %get3A_0 = arith.constant 0 : index
    %get3A_1 = vector.load %arg0[%get3A, %get3A_0] : memref<80x128xf32, #tpu.memory_space<vmem>>, vector<80x128xf32>
    %ne3A = arith.constant 0.000000e+00 : f32
    %ne3A_2 = vector.broadcast %ne3A : f32 to vector<80x128xf32>
    %ne3A_3 = arith.cmpf one, %get3A_1, %ne3A_2 : vector<80x128xf32>
    %broadcast_in_dim3A = arith.constant false
    %broadcast_in_dim3A_4 = vector.broadcast %broadcast_in_dim3A : i1 to vector<80x128xi1>
    %get3A_5 = arith.constant 0 : index
    %get3A_6 = arith.constant 0 : index
    %get3A_7 = arith.constant 0 : index
    %get3A_8 = vector.load %arg1[%get3A_5, %get3A_6, %get3A_7] : memref<1x80x128xf32, #tpu.memory_space<vmem>>, vector<1x80x128xf32>
    %get3A_9 = vector.shape_cast %get3A_8 : vector<1x80x128xf32> to vector<80x128xf32>
    %bitcast_convert_type3A = tpu.bitcast %get3A_9 : vector<80x128xf32> -> vector<80x128xi32>
    %ge3A = arith.constant -2147483648 : i32
    %ge3A_10 = vector.broadcast %ge3A : i32 to vector<80x128xi32>
    %ge3A_11 = arith.cmpi uge, %bitcast_convert_type3A, %ge3A_10 : vector<80x128xi32>
    %not3A = arith.constant dense<-1> : vector<80x128xi32>
    %not3A_12 = arith.xori %bitcast_convert_type3A, %not3A : vector<80x128xi32>
    %or3A = arith.constant -2147483648 : i32
    %or3A_13 = vector.broadcast %or3A : i32 to vector<80x128xi32>
    %or3A_14 = arith.ori %bitcast_convert_type3A, %or3A_13 : vector<80x128xi32>
    %select_n3A = arith.select %ge3A_11, %not3A_12, %or3A_14 : vector<80x128xi1>, vector<80x128xi32>
    %iota3A = tpu.iota {dimensions = array<i32: 0>} : vector<80x128xi32>
    %iota3A_15 = tpu.iota {dimensions = array<i32: 1>} : vector<80x128xi32>
    %mul3A = arith.constant 128 : i32
    %mul3A_16 = vector.broadcast %mul3A : i32 to vector<80x128xi32>
    %mul3A_17 = arith.muli %iota3A, %mul3A_16 : vector<80x128xi32>
    %add3A = arith.addi %mul3A_17, %iota3A_15 : vector<80x128xi32>
    %not3A_18 = arith.constant dense<-1> : vector<80x128xi32>
    %not3A_19 = arith.xori %add3A, %not3A_18 : vector<80x128xi32>
    %scan3A = arith.constant 5000 : i32
    %scan3A_20 = arith.constant 0 : i32
    %scan3A_21 = arith.constant 0 : i32
    %scan3A_22 = arith.constant 32 : i32
    %scan3A_23 = arith.addi %scan3A_21, %scan3A_22 : i32
    %scan3A_24 = arith.constant 1 : i32
    %scan3A_25 = scf.for %scan3A_90 = %scan3A_21 to %scan3A_23 step %scan3A_24 iter_args(%scan3A_91 = %scan3A_20) -> (i32)  : i32 {
      %sub3A_92 = arith.constant 31 : i32
      %sub3A_93 = arith.subi %sub3A_92, %scan3A_90 : i32
      %shift_left3A = arith.constant 1 : i32
      %shift_left3A_94 = arith.shli %shift_left3A, %sub3A_93 : i32
      %or3A_95 = arith.ori %scan3A_91, %shift_left3A_94 : i32
      %ge3A_96 = vector.broadcast %or3A_95 : i32 to vector<80x128xi32>
      %ge3A_97 = arith.cmpi uge, %select_n3A, %ge3A_96 : vector<80x128xi32>
      %and3A_98 = arith.andi %ne3A_3, %ge3A_97 : vector<80x128xi1>
      %convert_element_type3A_99 = arith.extui %and3A_98 : vector<80x128xi1> to vector<80x128xi32>
      %reduce_sum3A_100 = vector.shape_cast %convert_element_type3A_99 : vector<80x128xi32> to vector<1x80x128xi32>
      %reduce_sum3A_101 = arith.constant dense<0> : vector<1xi32>
      %reduce_sum3A_102 = vector.multi_reduction <add>, %reduce_sum3A_100, %reduce_sum3A_101 [1, 2] : vector<1x80x128xi32> to vector<1xi32>
      %reduce_sum3A_103 = vector.shape_cast %reduce_sum3A_102 : vector<1xi32> to vector<1x1x1xi32>
      %reduce_sum3A_104 = vector.extract %reduce_sum3A_103[0, 0, 0] : i32 from vector<1x1x1xi32>
      %ge3A_105 = arith.cmpi sge, %reduce_sum3A_104, %scan3A : i32
      %select_n3A_106 = arith.select %ge3A_105, %or3A_95, %scan3A_91 : i32
      scf.yield %select_n3A_106 : i32
    }
    %scan3A_26 = arith.constant 32 : i32
    %eq3A = vector.broadcast %scan3A_25 : i32 to vector<80x128xi32>
    %eq3A_27 = arith.cmpi eq, %select_n3A, %eq3A : vector<80x128xi32>
    %and3A = arith.andi %ne3A_3, %eq3A_27 : vector<80x128xi1>
    %gt3A = vector.broadcast %scan3A_25 : i32 to vector<80x128xi32>
    %gt3A_28 = arith.cmpi ugt, %select_n3A, %gt3A : vector<80x128xi32>
    %and3A_29 = arith.andi %ne3A_3, %gt3A_28 : vector<80x128xi1>
    %convert_element_type3A = arith.extui %and3A_29 : vector<80x128xi1> to vector<80x128xi32>
    %reduce_sum3A = vector.shape_cast %convert_element_type3A : vector<80x128xi32> to vector<1x80x128xi32>
    %reduce_sum3A_30 = arith.constant dense<0> : vector<1xi32>
    %reduce_sum3A_31 = vector.multi_reduction <add>, %reduce_sum3A, %reduce_sum3A_30 [1, 2] : vector<1x80x128xi32> to vector<1xi32>
    %reduce_sum3A_32 = vector.shape_cast %reduce_sum3A_31 : vector<1xi32> to vector<1x1x1xi32>
    %reduce_sum3A_33 = vector.extract %reduce_sum3A_32[0, 0, 0] : i32 from vector<1x1x1xi32>
    %convert_element_type3A_34 = arith.extui %and3A : vector<80x128xi1> to vector<80x128xi32>
    %reduce_sum3A_35 = vector.shape_cast %convert_element_type3A_34 : vector<80x128xi32> to vector<1x80x128xi32>
    %reduce_sum3A_36 = arith.constant dense<0> : vector<1xi32>
    %reduce_sum3A_37 = vector.multi_reduction <add>, %reduce_sum3A_35, %reduce_sum3A_36 [1, 2] : vector<1x80x128xi32> to vector<1xi32>
    %reduce_sum3A_38 = vector.shape_cast %reduce_sum3A_37 : vector<1xi32> to vector<1x1x1xi32>
    %reduce_sum3A_39 = vector.extract %reduce_sum3A_38[0, 0, 0] : i32 from vector<1x1x1xi32>
    %add3A_40 = arith.addi %reduce_sum3A_33, %reduce_sum3A_39 : i32
    %eq3A_41 = arith.constant 5000 : i32
    %eq3A_42 = arith.cmpi eq, %add3A_40, %eq3A_41 : i32
    %or3A_43 = arith.ori %broadcast_in_dim3A_4, %and3A_29 : vector<80x128xi1>
    %and3A_44 = vector.broadcast %eq3A_42 : i1 to vector<80x128xi1>
    %and3A_45 = arith.andi %and3A, %and3A_44 : vector<80x128xi1>
    %or3A_46 = arith.ori %or3A_43, %and3A_45 : vector<80x128xi1>
    %sub3A = arith.constant 5000 : i32
    %sub3A_47 = arith.subi %sub3A, %reduce_sum3A_33 : i32
    %sub3A_48 = arith.subi %add3A_40, %reduce_sum3A_33 : i32
    %jit3A = arith.constant 0 : i32
    %select_n3A_49 = arith.select %eq3A_42, %sub3A_48, %jit3A : i32
    %sub3A_50 = arith.subi %sub3A_47, %select_n3A_49 : i32
    %not3A_51 = arith.constant true
    %not3A_52 = arith.xori %eq3A_42, %not3A_51 : i1
    %and3A_53 = vector.broadcast %not3A_52 : i1 to vector<80x128xi1>
    %and3A_54 = arith.andi %and3A, %and3A_53 : vector<80x128xi1>
    %scan3A_55 = arith.constant 0 : i32
    %scan3A_56 = arith.constant 0 : i32
    %scan3A_57 = arith.constant 32 : i32
    %scan3A_58 = arith.addi %scan3A_56, %scan3A_57 : i32
    %scan3A_59 = arith.constant 1 : i32
    %scan3A_60 = scf.for %scan3A_90 = %scan3A_56 to %scan3A_58 step %scan3A_59 iter_args(%scan3A_91 = %scan3A_55) -> (i32)  : i32 {
      %sub3A_92 = arith.constant 31 : i32
      %sub3A_93 = arith.subi %sub3A_92, %scan3A_90 : i32
      %shift_left3A = arith.constant 1 : i32
      %shift_left3A_94 = arith.shli %shift_left3A, %sub3A_93 : i32
      %or3A_95 = arith.ori %scan3A_91, %shift_left3A_94 : i32
      %ge3A_96 = vector.broadcast %or3A_95 : i32 to vector<80x128xi32>
      %ge3A_97 = arith.cmpi uge, %not3A_19, %ge3A_96 : vector<80x128xi32>
      %and3A_98 = arith.andi %and3A_54, %ge3A_97 : vector<80x128xi1>
      %convert_element_type3A_99 = arith.extui %and3A_98 : vector<80x128xi1> to vector<80x128xi32>
      %reduce_sum3A_100 = vector.shape_cast %convert_element_type3A_99 : vector<80x128xi32> to vector<1x80x128xi32>
      %reduce_sum3A_101 = arith.constant dense<0> : vector<1xi32>
      %reduce_sum3A_102 = vector.multi_reduction <add>, %reduce_sum3A_100, %reduce_sum3A_101 [1, 2] : vector<1x80x128xi32> to vector<1xi32>
      %reduce_sum3A_103 = vector.shape_cast %reduce_sum3A_102 : vector<1xi32> to vector<1x1x1xi32>
      %reduce_sum3A_104 = vector.extract %reduce_sum3A_103[0, 0, 0] : i32 from vector<1x1x1xi32>
      %ge3A_105 = arith.cmpi sge, %reduce_sum3A_104, %sub3A_50 : i32
      %select_n3A_106 = arith.select %ge3A_105, %or3A_95, %scan3A_91 : i32
      scf.yield %select_n3A_106 : i32
    }
    %scan3A_61 = arith.constant 32 : i32
    %eq3A_62 = vector.broadcast %scan3A_60 : i32 to vector<80x128xi32>
    %eq3A_63 = arith.cmpi eq, %not3A_19, %eq3A_62 : vector<80x128xi32>
    %and3A_64 = arith.andi %and3A_54, %eq3A_63 : vector<80x128xi1>
    %gt3A_65 = vector.broadcast %scan3A_60 : i32 to vector<80x128xi32>
    %gt3A_66 = arith.cmpi ugt, %not3A_19, %gt3A_65 : vector<80x128xi32>
    %and3A_67 = arith.andi %and3A_54, %gt3A_66 : vector<80x128xi1>
    %convert_element_type3A_68 = arith.extui %and3A_67 : vector<80x128xi1> to vector<80x128xi32>
    %reduce_sum3A_69 = vector.shape_cast %convert_element_type3A_68 : vector<80x128xi32> to vector<1x80x128xi32>
    %reduce_sum3A_70 = arith.constant dense<0> : vector<1xi32>
    %reduce_sum3A_71 = vector.multi_reduction <add>, %reduce_sum3A_69, %reduce_sum3A_70 [1, 2] : vector<1x80x128xi32> to vector<1xi32>
    %reduce_sum3A_72 = vector.shape_cast %reduce_sum3A_71 : vector<1xi32> to vector<1x1x1xi32>
    %reduce_sum3A_73 = vector.extract %reduce_sum3A_72[0, 0, 0] : i32 from vector<1x1x1xi32>
    %convert_element_type3A_74 = arith.extui %and3A_64 : vector<80x128xi1> to vector<80x128xi32>
    %reduce_sum3A_75 = vector.shape_cast %convert_element_type3A_74 : vector<80x128xi32> to vector<1x80x128xi32>
    %reduce_sum3A_76 = arith.constant dense<0> : vector<1xi32>
    %reduce_sum3A_77 = vector.multi_reduction <add>, %reduce_sum3A_75, %reduce_sum3A_76 [1, 2] : vector<1x80x128xi32> to vector<1xi32>
    %reduce_sum3A_78 = vector.shape_cast %reduce_sum3A_77 : vector<1xi32> to vector<1x1x1xi32>
    %reduce_sum3A_79 = vector.extract %reduce_sum3A_78[0, 0, 0] : i32 from vector<1x1x1xi32>
    %add3A_80 = arith.addi %reduce_sum3A_73, %reduce_sum3A_79 : i32
    %eq3A_81 = arith.cmpi eq, %add3A_80, %sub3A_50 : i32
    %or3A_82 = arith.ori %or3A_46, %and3A_67 : vector<80x128xi1>
    %and3A_83 = vector.broadcast %eq3A_81 : i1 to vector<80x128xi1>
    %and3A_84 = arith.andi %and3A_64, %and3A_83 : vector<80x128xi1>
    %or3A_85 = arith.ori %or3A_82, %and3A_84 : vector<80x128xi1>
    %convert_element_type3A_86 = arith.extui %or3A_85 : vector<80x128xi1> to vector<80x128xi32>
    %convert_element_type3A_87 = arith.sitofp %convert_element_type3A_86 : vector<80x128xi32> to vector<80x128xf32>
    %swap3A = arith.constant 0 : index
    %swap3A_88 = arith.constant 0 : index
    %swap3A_89 = vector.load %arg2[%swap3A, %swap3A_88] : memref<80x128xf32, #tpu.memory_space<vmem>>, vector<80x128xf32>
    tpu.vector_store %arg2[%swap3A, %swap3A_88], %convert_element_type3A_87 {strides = array<i32>} : memref<80x128xf32, #tpu.memory_space<vmem>>, vector<80x128xf32>,
    return
  }
}

module attributes {stable_mosaic.version = 14 : i64} {
  func.func @_apply_body(%arg0: memref<10240x128xf32, #tpu.memory_space<vmem>>, %arg1: memref<10240x1xf32, #tpu.memory_space<vmem>>, %arg2: memref<10240x1xf32, #tpu.memory_space<vmem>>, %arg3: memref<10240x128xf32, #tpu.memory_space<vmem>>, %arg4: memref<8x256xf32, #tpu.memory_space<vmem>>) attributes {dimension_semantics = [], scalar_prefetch = 0 : i64, scratch_operands = 0 : i64, tpu.core_type = #tpu.core_type<tc>} {
    %get3A = arith.constant 0 : index
    %get3A_0 = arith.constant 0 : index
    %get3A_1 = vector.load %arg1[%get3A, %get3A_0] : memref<10240x1xf32, #tpu.memory_space<vmem>>, vector<10240x1xf32>
    %get3A_2 = arith.constant 0 : index
    %get3A_3 = arith.constant 0 : index
    %get3A_4 = vector.load %arg0[%get3A_2, %get3A_3] : memref<10240x128xf32, #tpu.memory_space<vmem>>, vector<10240x128xf32>
    %get3A_5 = arith.constant 0 : index
    %get3A_6 = arith.constant 0 : index
    %get3A_7 = vector.load %arg2[%get3A_5, %get3A_6] : memref<10240x1xf32, #tpu.memory_space<vmem>>, vector<10240x1xf32>
    %mul3A = arith.mulf %get3A_1, %get3A_7 : vector<10240x1xf32>
    %mul3A_8 = vector.broadcast %mul3A : vector<10240x1xf32> to vector<10240x128xf32>
    %mul3A_9 = arith.mulf %get3A_4, %mul3A_8 : vector<10240x128xf32>
    %swap3A = arith.constant 0 : index
    %swap3A_10 = arith.constant 0 : index
    %swap3A_11 = vector.load %arg3[%swap3A, %swap3A_10] : memref<10240x128xf32, #tpu.memory_space<vmem>>, vector<10240x128xf32>
    tpu.vector_store %arg3[%swap3A, %swap3A_10], %mul3A_9 {strides = array<i32>} : memref<10240x128xf32, #tpu.memory_space<vmem>>, vector<10240x128xf32>,
    %gt3A = arith.constant 0.000000e+00 : f32
    %gt3A_12 = vector.broadcast %gt3A : f32 to vector<10240x1xf32>
    %gt3A_13 = arith.cmpf ogt, %get3A_1, %gt3A_12 : vector<10240x1xf32>
    %jit3A = arith.constant 0xFF800000 : f32
    %broadcast_in_dim3A = vector.shape_cast %gt3A_13 : vector<10240x1xi1> to vector<10240x1xi1>
    %broadcast_in_dim3A_14 = vector.broadcast %broadcast_in_dim3A : vector<10240x1xi1> to vector<10240x128xi1>
    %broadcast_in_dim3A_15 = vector.broadcast %jit3A : f32 to vector<10240x128xf32>
    %select_n3A = arith.select %broadcast_in_dim3A_14, %mul3A_9, %broadcast_in_dim3A_15 : vector<10240x128xi1>, vector<10240x128xf32>
    %reduce_max3A = arith.constant dense<0xFF800000> : vector<128xf32>
    %reduce_max3A_16 = vector.multi_reduction <maximumf>, %select_n3A, %reduce_max3A [0] : vector<10240x128xf32> to vector<128xf32>
    %broadcast_in_dim3A_17 = vector.shape_cast %reduce_max3A_16 : vector<128xf32> to vector<1x128xf32>
    %reduce_sum3A = arith.constant dense<0.000000e+00> : vector<128xf32>
    %reduce_sum3A_18 = vector.multi_reduction <add>, %mul3A_9, %reduce_sum3A [0] : vector<10240x128xf32> to vector<128xf32>
    %broadcast_in_dim3A_19 = vector.shape_cast %reduce_sum3A_18 : vector<128xf32> to vector<1x128xf32>
    %div3A = arith.constant 5.000000e+03 : f32
    %div3A_20 = vector.broadcast %div3A : f32 to vector<1x128xf32>
    %div3A_21 = arith.divf %broadcast_in_dim3A_19, %div3A_20 : vector<1x128xf32>
    %broadcast_in_dim3A_22 = arith.constant 0.000000e+00 : f32
    %broadcast_in_dim3A_23 = vector.broadcast %broadcast_in_dim3A_22 : f32 to vector<8x256xf32>
    %swap3A_24 = arith.constant 0 : index
    %swap3A_25 = arith.constant 0 : index
    %swap3A_26 = vector.load %arg4[%swap3A_24, %swap3A_25] : memref<8x256xf32, #tpu.memory_space<vmem>>, vector<8x256xf32>
    tpu.vector_store %arg4[%swap3A_24, %swap3A_25], %broadcast_in_dim3A_23 {strides = array<i32>} : memref<8x256xf32, #tpu.memory_space<vmem>>, vector<8x256xf32>,
    %swap3A_27 = arith.constant 0 : index
    %swap3A_28 = arith.constant 0 : index
    %swap3A_29 = vector.load %arg4[%swap3A_27, %swap3A_28] : memref<8x256xf32, #tpu.memory_space<vmem>>, vector<1x128xf32>
    tpu.vector_store %arg4[%swap3A_27, %swap3A_28], %broadcast_in_dim3A_17 {strides = array<i32>} : memref<8x256xf32, #tpu.memory_space<vmem>>, vector<1x128xf32>,
    %swap3A_30 = arith.constant 0 : index
    %swap3A_31 = arith.constant 128 : index
    %swap3A_32 = vector.load %arg4[%swap3A_30, %swap3A_31] : memref<8x256xf32, #tpu.memory_space<vmem>>, vector<1x128xf32>
    tpu.vector_store %arg4[%swap3A_30, %swap3A_31], %div3A_21 {strides = array<i32>} : memref<8x256xf32, #tpu.memory_space<vmem>>, vector<1x128xf32>,
    return
  }
}

module attributes {stable_mosaic.version = 14 : i64} {
  func.func @_select_body(%arg0: memref<80x128xf32, #tpu.memory_space<vmem>>, %arg1: memref<2x80x128xf32, #tpu.memory_space<vmem>>, %arg2: memref<80x128xf32, #tpu.memory_space<vmem>>) attributes {dimension_semantics = [], scalar_prefetch = 0 : i64, scratch_operands = 0 : i64, tpu.core_type = #tpu.core_type<tc>} {
    %get3A = arith.constant 0 : index
    %get3A_0 = arith.constant 0 : index
    %get3A_1 = vector.load %arg0[%get3A, %get3A_0] : memref<80x128xf32, #tpu.memory_space<vmem>>, vector<80x128xf32>
    %ne3A = arith.constant 0.000000e+00 : f32
    %ne3A_2 = vector.broadcast %ne3A : f32 to vector<80x128xf32>
    %ne3A_3 = arith.cmpf one, %get3A_1, %ne3A_2 : vector<80x128xf32>
    %broadcast_in_dim3A = arith.constant false
    %broadcast_in_dim3A_4 = vector.broadcast %broadcast_in_dim3A : i1 to vector<80x128xi1>
    %get3A_5 = arith.constant 0 : index
    %get3A_6 = arith.constant 0 : index
    %get3A_7 = arith.constant 0 : index
    %get3A_8 = vector.load %arg1[%get3A_5, %get3A_6, %get3A_7] : memref<2x80x128xf32, #tpu.memory_space<vmem>>, vector<1x80x128xf32>
    %get3A_9 = vector.shape_cast %get3A_8 : vector<1x80x128xf32> to vector<80x128xf32>
    %bitcast_convert_type3A = tpu.bitcast %get3A_9 : vector<80x128xf32> -> vector<80x128xi32>
    %ge3A = arith.constant -2147483648 : i32
    %ge3A_10 = vector.broadcast %ge3A : i32 to vector<80x128xi32>
    %ge3A_11 = arith.cmpi uge, %bitcast_convert_type3A, %ge3A_10 : vector<80x128xi32>
    %not3A = arith.constant dense<-1> : vector<80x128xi32>
    %not3A_12 = arith.xori %bitcast_convert_type3A, %not3A : vector<80x128xi32>
    %or3A = arith.constant -2147483648 : i32
    %or3A_13 = vector.broadcast %or3A : i32 to vector<80x128xi32>
    %or3A_14 = arith.ori %bitcast_convert_type3A, %or3A_13 : vector<80x128xi32>
    %select_n3A = arith.select %ge3A_11, %not3A_12, %or3A_14 : vector<80x128xi1>, vector<80x128xi32>
    %get3A_15 = arith.constant 1 : index
    %get3A_16 = arith.constant 0 : index
    %get3A_17 = arith.constant 0 : index
    %get3A_18 = vector.load %arg1[%get3A_15, %get3A_16, %get3A_17] : memref<2x80x128xf32, #tpu.memory_space<vmem>>, vector<1x80x128xf32>
    %get3A_19 = vector.shape_cast %get3A_18 : vector<1x80x128xf32> to vector<80x128xf32>
    %bitcast_convert_type3A_20 = tpu.bitcast %get3A_19 : vector<80x128xf32> -> vector<80x128xi32>
    %ge3A_21 = arith.constant -2147483648 : i32
    %ge3A_22 = vector.broadcast %ge3A_21 : i32 to vector<80x128xi32>
    %ge3A_23 = arith.cmpi uge, %bitcast_convert_type3A_20, %ge3A_22 : vector<80x128xi32>
    %not3A_24 = arith.constant dense<-1> : vector<80x128xi32>
    %not3A_25 = arith.xori %bitcast_convert_type3A_20, %not3A_24 : vector<80x128xi32>
    %or3A_26 = arith.constant -2147483648 : i32
    %or3A_27 = vector.broadcast %or3A_26 : i32 to vector<80x128xi32>
    %or3A_28 = arith.ori %bitcast_convert_type3A_20, %or3A_27 : vector<80x128xi32>
    %select_n3A_29 = arith.select %ge3A_23, %not3A_25, %or3A_28 : vector<80x128xi1>, vector<80x128xi32>
    %iota3A = tpu.iota {dimensions = array<i32: 0>} : vector<80x128xi32>
    %iota3A_30 = tpu.iota {dimensions = array<i32: 1>} : vector<80x128xi32>
    %mul3A = arith.constant 128 : i32
    %mul3A_31 = vector.broadcast %mul3A : i32 to vector<80x128xi32>
    %mul3A_32 = arith.muli %iota3A, %mul3A_31 : vector<80x128xi32>
    %add3A = arith.addi %mul3A_32, %iota3A_30 : vector<80x128xi32>
    %not3A_33 = arith.constant dense<-1> : vector<80x128xi32>
    %not3A_34 = arith.xori %add3A, %not3A_33 : vector<80x128xi32>
    %scan3A = arith.constant 2500 : i32
    %scan3A_35 = arith.constant 0 : i32
    %scan3A_36 = arith.constant 0 : i32
    %scan3A_37 = arith.constant 32 : i32
    %scan3A_38 = arith.addi %scan3A_36, %scan3A_37 : i32
    %scan3A_39 = arith.constant 1 : i32
    %scan3A_40 = scf.for %scan3A_145 = %scan3A_36 to %scan3A_38 step %scan3A_39 iter_args(%scan3A_146 = %scan3A_35) -> (i32)  : i32 {
      %sub3A_147 = arith.constant 31 : i32
      %sub3A_148 = arith.subi %sub3A_147, %scan3A_145 : i32
      %shift_left3A = arith.constant 1 : i32
      %shift_left3A_149 = arith.shli %shift_left3A, %sub3A_148 : i32
      %or3A_150 = arith.ori %scan3A_146, %shift_left3A_149 : i32
      %ge3A_151 = vector.broadcast %or3A_150 : i32 to vector<80x128xi32>
      %ge3A_152 = arith.cmpi uge, %select_n3A, %ge3A_151 : vector<80x128xi32>
      %and3A_153 = arith.andi %ne3A_3, %ge3A_152 : vector<80x128xi1>
      %convert_element_type3A_154 = arith.extui %and3A_153 : vector<80x128xi1> to vector<80x128xi32>
      %reduce_sum3A_155 = vector.shape_cast %convert_element_type3A_154 : vector<80x128xi32> to vector<1x80x128xi32>
      %reduce_sum3A_156 = arith.constant dense<0> : vector<1xi32>
      %reduce_sum3A_157 = vector.multi_reduction <add>, %reduce_sum3A_155, %reduce_sum3A_156 [1, 2] : vector<1x80x128xi32> to vector<1xi32>
      %reduce_sum3A_158 = vector.shape_cast %reduce_sum3A_157 : vector<1xi32> to vector<1x1x1xi32>
      %reduce_sum3A_159 = vector.extract %reduce_sum3A_158[0, 0, 0] : i32 from vector<1x1x1xi32>
      %ge3A_160 = arith.cmpi sge, %reduce_sum3A_159, %scan3A : i32
      %select_n3A_161 = arith.select %ge3A_160, %or3A_150, %scan3A_146 : i32
      scf.yield %select_n3A_161 : i32
    }
    %scan3A_41 = arith.constant 32 : i32
    %eq3A = vector.broadcast %scan3A_40 : i32 to vector<80x128xi32>
    %eq3A_42 = arith.cmpi eq, %select_n3A, %eq3A : vector<80x128xi32>
    %and3A = arith.andi %ne3A_3, %eq3A_42 : vector<80x128xi1>
    %gt3A = vector.broadcast %scan3A_40 : i32 to vector<80x128xi32>
    %gt3A_43 = arith.cmpi ugt, %select_n3A, %gt3A : vector<80x128xi32>
    %and3A_44 = arith.andi %ne3A_3, %gt3A_43 : vector<80x128xi1>
    %convert_element_type3A = arith.extui %and3A_44 : vector<80x128xi1> to vector<80x128xi32>
    %reduce_sum3A = vector.shape_cast %convert_element_type3A : vector<80x128xi32> to vector<1x80x128xi32>
    %reduce_sum3A_45 = arith.constant dense<0> : vector<1xi32>
    %reduce_sum3A_46 = vector.multi_reduction <add>, %reduce_sum3A, %reduce_sum3A_45 [1, 2] : vector<1x80x128xi32> to vector<1xi32>
    %reduce_sum3A_47 = vector.shape_cast %reduce_sum3A_46 : vector<1xi32> to vector<1x1x1xi32>
    %reduce_sum3A_48 = vector.extract %reduce_sum3A_47[0, 0, 0] : i32 from vector<1x1x1xi32>
    %convert_element_type3A_49 = arith.extui %and3A : vector<80x128xi1> to vector<80x128xi32>
    %reduce_sum3A_50 = vector.shape_cast %convert_element_type3A_49 : vector<80x128xi32> to vector<1x80x128xi32>
    %reduce_sum3A_51 = arith.constant dense<0> : vector<1xi32>
    %reduce_sum3A_52 = vector.multi_reduction <add>, %reduce_sum3A_50, %reduce_sum3A_51 [1, 2] : vector<1x80x128xi32> to vector<1xi32>
    %reduce_sum3A_53 = vector.shape_cast %reduce_sum3A_52 : vector<1xi32> to vector<1x1x1xi32>
    %reduce_sum3A_54 = vector.extract %reduce_sum3A_53[0, 0, 0] : i32 from vector<1x1x1xi32>
    %add3A_55 = arith.addi %reduce_sum3A_48, %reduce_sum3A_54 : i32
    %eq3A_56 = arith.constant 2500 : i32
    %eq3A_57 = arith.cmpi eq, %add3A_55, %eq3A_56 : i32
    %or3A_58 = arith.ori %broadcast_in_dim3A_4, %and3A_44 : vector<80x128xi1>
    %and3A_59 = vector.broadcast %eq3A_57 : i1 to vector<80x128xi1>
    %and3A_60 = arith.andi %and3A, %and3A_59 : vector<80x128xi1>
    %or3A_61 = arith.ori %or3A_58, %and3A_60 : vector<80x128xi1>
    %sub3A = arith.constant 2500 : i32
    %sub3A_62 = arith.subi %sub3A, %reduce_sum3A_48 : i32
    %sub3A_63 = arith.subi %add3A_55, %reduce_sum3A_48 : i32
    %jit3A = arith.constant 0 : i32
    %select_n3A_64 = arith.select %eq3A_57, %sub3A_63, %jit3A : i32
    %sub3A_65 = arith.subi %sub3A_62, %select_n3A_64 : i32
    %not3A_66 = arith.constant true
    %not3A_67 = arith.xori %eq3A_57, %not3A_66 : i1
    %and3A_68 = vector.broadcast %not3A_67 : i1 to vector<80x128xi1>
    %and3A_69 = arith.andi %and3A, %and3A_68 : vector<80x128xi1>
    %scan3A_70 = arith.constant 0 : i32
    %scan3A_71 = arith.constant 0 : i32
    %scan3A_72 = arith.constant 32 : i32
    %scan3A_73 = arith.addi %scan3A_71, %scan3A_72 : i32
    %scan3A_74 = arith.constant 1 : i32
    %scan3A_75 = scf.for %scan3A_145 = %scan3A_71 to %scan3A_73 step %scan3A_74 iter_args(%scan3A_146 = %scan3A_70) -> (i32)  : i32 {
      %sub3A_147 = arith.constant 31 : i32
      %sub3A_148 = arith.subi %sub3A_147, %scan3A_145 : i32
      %shift_left3A = arith.constant 1 : i32
      %shift_left3A_149 = arith.shli %shift_left3A, %sub3A_148 : i32
      %or3A_150 = arith.ori %scan3A_146, %shift_left3A_149 : i32
      %ge3A_151 = vector.broadcast %or3A_150 : i32 to vector<80x128xi32>
      %ge3A_152 = arith.cmpi uge, %select_n3A_29, %ge3A_151 : vector<80x128xi32>
      %and3A_153 = arith.andi %and3A_69, %ge3A_152 : vector<80x128xi1>
      %convert_element_type3A_154 = arith.extui %and3A_153 : vector<80x128xi1> to vector<80x128xi32>
      %reduce_sum3A_155 = vector.shape_cast %convert_element_type3A_154 : vector<80x128xi32> to vector<1x80x128xi32>
      %reduce_sum3A_156 = arith.constant dense<0> : vector<1xi32>
      %reduce_sum3A_157 = vector.multi_reduction <add>, %reduce_sum3A_155, %reduce_sum3A_156 [1, 2] : vector<1x80x128xi32> to vector<1xi32>
      %reduce_sum3A_158 = vector.shape_cast %reduce_sum3A_157 : vector<1xi32> to vector<1x1x1xi32>
      %reduce_sum3A_159 = vector.extract %reduce_sum3A_158[0, 0, 0] : i32 from vector<1x1x1xi32>
      %ge3A_160 = arith.cmpi sge, %reduce_sum3A_159, %sub3A_65 : i32
      %select_n3A_161 = arith.select %ge3A_160, %or3A_150, %scan3A_146 : i32
      scf.yield %select_n3A_161 : i32
    }
    %scan3A_76 = arith.constant 32 : i32
    %eq3A_77 = vector.broadcast %scan3A_75 : i32 to vector<80x128xi32>
    %eq3A_78 = arith.cmpi eq, %select_n3A_29, %eq3A_77 : vector<80x128xi32>
    %and3A_79 = arith.andi %and3A_69, %eq3A_78 : vector<80x128xi1>
    %gt3A_80 = vector.broadcast %scan3A_75 : i32 to vector<80x128xi32>
    %gt3A_81 = arith.cmpi ugt, %select_n3A_29, %gt3A_80 : vector<80x128xi32>
    %and3A_82 = arith.andi %and3A_69, %gt3A_81 : vector<80x128xi1>
    %convert_element_type3A_83 = arith.extui %and3A_82 : vector<80x128xi1> to vector<80x128xi32>
    %reduce_sum3A_84 = vector.shape_cast %convert_element_type3A_83 : vector<80x128xi32> to vector<1x80x128xi32>
    %reduce_sum3A_85 = arith.constant dense<0> : vector<1xi32>
    %reduce_sum3A_86 = vector.multi_reduction <add>, %reduce_sum3A_84, %reduce_sum3A_85 [1, 2] : vector<1x80x128xi32> to vector<1xi32>
    %reduce_sum3A_87 = vector.shape_cast %reduce_sum3A_86 : vector<1xi32> to vector<1x1x1xi32>
    %reduce_sum3A_88 = vector.extract %reduce_sum3A_87[0, 0, 0] : i32 from vector<1x1x1xi32>
    %convert_element_type3A_89 = arith.extui %and3A_79 : vector<80x128xi1> to vector<80x128xi32>
    %reduce_sum3A_90 = vector.shape_cast %convert_element_type3A_89 : vector<80x128xi32> to vector<1x80x128xi32>
    %reduce_sum3A_91 = arith.constant dense<0> : vector<1xi32>
    %reduce_sum3A_92 = vector.multi_reduction <add>, %reduce_sum3A_90, %reduce_sum3A_91 [1, 2] : vector<1x80x128xi32> to vector<1xi32>
    %reduce_sum3A_93 = vector.shape_cast %reduce_sum3A_92 : vector<1xi32> to vector<1x1x1xi32>
    %reduce_sum3A_94 = vector.extract %reduce_sum3A_93[0, 0, 0] : i32 from vector<1x1x1xi32>
    %add3A_95 = arith.addi %reduce_sum3A_88, %reduce_sum3A_94 : i32
    %eq3A_96 = arith.cmpi eq, %add3A_95, %sub3A_65 : i32
    %or3A_97 = arith.ori %or3A_61, %and3A_82 : vector<80x128xi1>
    %and3A_98 = vector.broadcast %eq3A_96 : i1 to vector<80x128xi1>
    %and3A_99 = arith.andi %and3A_79, %and3A_98 : vector<80x128xi1>
    %or3A_100 = arith.ori %or3A_97, %and3A_99 : vector<80x128xi1>
    %sub3A_101 = arith.subi %sub3A_65, %reduce_sum3A_88 : i32
    %sub3A_102 = arith.subi %add3A_95, %reduce_sum3A_88 : i32
    %jit3A_103 = arith.constant 0 : i32
    %select_n3A_104 = arith.select %eq3A_96, %sub3A_102, %jit3A_103 : i32
    %sub3A_105 = arith.subi %sub3A_101, %select_n3A_104 : i32
    %not3A_106 = arith.constant true
    %not3A_107 = arith.xori %eq3A_96, %not3A_106 : i1
    %and3A_108 = vector.broadcast %not3A_107 : i1 to vector<80x128xi1>
    %and3A_109 = arith.andi %and3A_79, %and3A_108 : vector<80x128xi1>
    %scan3A_110 = arith.constant 0 : i32
    %scan3A_111 = arith.constant 0 : i32
    %scan3A_112 = arith.constant 32 : i32
    %scan3A_113 = arith.addi %scan3A_111, %scan3A_112 : i32
    %scan3A_114 = arith.constant 1 : i32
    %scan3A_115 = scf.for %scan3A_145 = %scan3A_111 to %scan3A_113 step %scan3A_114 iter_args(%scan3A_146 = %scan3A_110) -> (i32)  : i32 {
      %sub3A_147 = arith.constant 31 : i32
      %sub3A_148 = arith.subi %sub3A_147, %scan3A_145 : i32
      %shift_left3A = arith.constant 1 : i32
      %shift_left3A_149 = arith.shli %shift_left3A, %sub3A_148 : i32
      %or3A_150 = arith.ori %scan3A_146, %shift_left3A_149 : i32
      %ge3A_151 = vector.broadcast %or3A_150 : i32 to vector<80x128xi32>
      %ge3A_152 = arith.cmpi uge, %not3A_34, %ge3A_151 : vector<80x128xi32>
      %and3A_153 = arith.andi %and3A_109, %ge3A_152 : vector<80x128xi1>
      %convert_element_type3A_154 = arith.extui %and3A_153 : vector<80x128xi1> to vector<80x128xi32>
      %reduce_sum3A_155 = vector.shape_cast %convert_element_type3A_154 : vector<80x128xi32> to vector<1x80x128xi32>
      %reduce_sum3A_156 = arith.constant dense<0> : vector<1xi32>
      %reduce_sum3A_157 = vector.multi_reduction <add>, %reduce_sum3A_155, %reduce_sum3A_156 [1, 2] : vector<1x80x128xi32> to vector<1xi32>
      %reduce_sum3A_158 = vector.shape_cast %reduce_sum3A_157 : vector<1xi32> to vector<1x1x1xi32>
      %reduce_sum3A_159 = vector.extract %reduce_sum3A_158[0, 0, 0] : i32 from vector<1x1x1xi32>
      %ge3A_160 = arith.cmpi sge, %reduce_sum3A_159, %sub3A_105 : i32
      %select_n3A_161 = arith.select %ge3A_160, %or3A_150, %scan3A_146 : i32
      scf.yield %select_n3A_161 : i32
    }
    %scan3A_116 = arith.constant 32 : i32
    %eq3A_117 = vector.broadcast %scan3A_115 : i32 to vector<80x128xi32>
    %eq3A_118 = arith.cmpi eq, %not3A_34, %eq3A_117 : vector<80x128xi32>
    %and3A_119 = arith.andi %and3A_109, %eq3A_118 : vector<80x128xi1>
    %gt3A_120 = vector.broadcast %scan3A_115 : i32 to vector<80x128xi32>
    %gt3A_121 = arith.cmpi ugt, %not3A_34, %gt3A_120 : vector<80x128xi32>
    %and3A_122 = arith.andi %and3A_109, %gt3A_121 : vector<80x128xi1>
    %convert_element_type3A_123 = arith.extui %and3A_122 : vector<80x128xi1> to vector<80x128xi32>
    %reduce_sum3A_124 = vector.shape_cast %convert_element_type3A_123 : vector<80x128xi32> to vector<1x80x128xi32>
    %reduce_sum3A_125 = arith.constant dense<0> : vector<1xi32>
    %reduce_sum3A_126 = vector.multi_reduction <add>, %reduce_sum3A_124, %reduce_sum3A_125 [1, 2] : vector<1x80x128xi32> to vector<1xi32>
    %reduce_sum3A_127 = vector.shape_cast %reduce_sum3A_126 : vector<1xi32> to vector<1x1x1xi32>
    %reduce_sum3A_128 = vector.extract %reduce_sum3A_127[0, 0, 0] : i32 from vector<1x1x1xi32>
    %convert_element_type3A_129 = arith.extui %and3A_119 : vector<80x128xi1> to vector<80x128xi32>
    %reduce_sum3A_130 = vector.shape_cast %convert_element_type3A_129 : vector<80x128xi32> to vector<1x80x128xi32>
    %reduce_sum3A_131 = arith.constant dense<0> : vector<1xi32>
    %reduce_sum3A_132 = vector.multi_reduction <add>, %reduce_sum3A_130, %reduce_sum3A_131 [1, 2] : vector<1x80x128xi32> to vector<1xi32>
    %reduce_sum3A_133 = vector.shape_cast %reduce_sum3A_132 : vector<1xi32> to vector<1x1x1xi32>
    %reduce_sum3A_134 = vector.extract %reduce_sum3A_133[0, 0, 0] : i32 from vector<1x1x1xi32>
    %add3A_135 = arith.addi %reduce_sum3A_128, %reduce_sum3A_134 : i32
    %eq3A_136 = arith.cmpi eq, %add3A_135, %sub3A_105 : i32
    %or3A_137 = arith.ori %or3A_100, %and3A_122 : vector<80x128xi1>
    %and3A_138 = vector.broadcast %eq3A_136 : i1 to vector<80x128xi1>
    %and3A_139 = arith.andi %and3A_119, %and3A_138 : vector<80x128xi1>
    %or3A_140 = arith.ori %or3A_137, %and3A_139 : vector<80x128xi1>
    %convert_element_type3A_141 = arith.extui %or3A_140 : vector<80x128xi1> to vector<80x128xi32>
    %convert_element_type3A_142 = arith.sitofp %convert_element_type3A_141 : vector<80x128xi32> to vector<80x128xf32>
    %swap3A = arith.constant 0 : index
    %swap3A_143 = arith.constant 0 : index
    %swap3A_144 = vector.load %arg2[%swap3A, %swap3A_143] : memref<80x128xf32, #tpu.memory_space<vmem>>, vector<80x128xf32>
    tpu.vector_store %arg2[%swap3A, %swap3A_143], %convert_element_type3A_142 {strides = array<i32>} : memref<80x128xf32, #tpu.memory_space<vmem>>, vector<80x128xf32>,
    return
  }
}

module attributes {stable_mosaic.version = 14 : i64} {
  func.func @_apply_body(%arg0: memref<10240x128xf32, #tpu.memory_space<vmem>>, %arg1: memref<10240x1xf32, #tpu.memory_space<vmem>>, %arg2: memref<10240x1xf32, #tpu.memory_space<vmem>>, %arg3: memref<10240x128xf32, #tpu.memory_space<vmem>>, %arg4: memref<8x256xf32, #tpu.memory_space<vmem>>) attributes {dimension_semantics = [], scalar_prefetch = 0 : i64, scratch_operands = 0 : i64, tpu.core_type = #tpu.core_type<tc>} {
    %get3A = arith.constant 0 : index
    %get3A_0 = arith.constant 0 : index
    %get3A_1 = vector.load %arg1[%get3A, %get3A_0] : memref<10240x1xf32, #tpu.memory_space<vmem>>, vector<10240x1xf32>
    %get3A_2 = arith.constant 0 : index
    %get3A_3 = arith.constant 0 : index
    %get3A_4 = vector.load %arg0[%get3A_2, %get3A_3] : memref<10240x128xf32, #tpu.memory_space<vmem>>, vector<10240x128xf32>
    %get3A_5 = arith.constant 0 : index
    %get3A_6 = arith.constant 0 : index
    %get3A_7 = vector.load %arg2[%get3A_5, %get3A_6] : memref<10240x1xf32, #tpu.memory_space<vmem>>, vector<10240x1xf32>
    %mul3A = arith.mulf %get3A_1, %get3A_7 : vector<10240x1xf32>
    %mul3A_8 = vector.broadcast %mul3A : vector<10240x1xf32> to vector<10240x128xf32>
    %mul3A_9 = arith.mulf %get3A_4, %mul3A_8 : vector<10240x128xf32>
    %swap3A = arith.constant 0 : index
    %swap3A_10 = arith.constant 0 : index
    %swap3A_11 = vector.load %arg3[%swap3A, %swap3A_10] : memref<10240x128xf32, #tpu.memory_space<vmem>>, vector<10240x128xf32>
    tpu.vector_store %arg3[%swap3A, %swap3A_10], %mul3A_9 {strides = array<i32>} : memref<10240x128xf32, #tpu.memory_space<vmem>>, vector<10240x128xf32>,
    %gt3A = arith.constant 0.000000e+00 : f32
    %gt3A_12 = vector.broadcast %gt3A : f32 to vector<10240x1xf32>
    %gt3A_13 = arith.cmpf ogt, %get3A_1, %gt3A_12 : vector<10240x1xf32>
    %jit3A = arith.constant 0xFF800000 : f32
    %broadcast_in_dim3A = vector.shape_cast %gt3A_13 : vector<10240x1xi1> to vector<10240x1xi1>
    %broadcast_in_dim3A_14 = vector.broadcast %broadcast_in_dim3A : vector<10240x1xi1> to vector<10240x128xi1>
    %broadcast_in_dim3A_15 = vector.broadcast %jit3A : f32 to vector<10240x128xf32>
    %select_n3A = arith.select %broadcast_in_dim3A_14, %mul3A_9, %broadcast_in_dim3A_15 : vector<10240x128xi1>, vector<10240x128xf32>
    %reduce_max3A = arith.constant dense<0xFF800000> : vector<128xf32>
    %reduce_max3A_16 = vector.multi_reduction <maximumf>, %select_n3A, %reduce_max3A [0] : vector<10240x128xf32> to vector<128xf32>
    %broadcast_in_dim3A_17 = vector.shape_cast %reduce_max3A_16 : vector<128xf32> to vector<1x128xf32>
    %reduce_sum3A = arith.constant dense<0.000000e+00> : vector<128xf32>
    %reduce_sum3A_18 = vector.multi_reduction <add>, %mul3A_9, %reduce_sum3A [0] : vector<10240x128xf32> to vector<128xf32>
    %broadcast_in_dim3A_19 = vector.shape_cast %reduce_sum3A_18 : vector<128xf32> to vector<1x128xf32>
    %div3A = arith.constant 2.500000e+03 : f32
    %div3A_20 = vector.broadcast %div3A : f32 to vector<1x128xf32>
    %div3A_21 = arith.divf %broadcast_in_dim3A_19, %div3A_20 : vector<1x128xf32>
    %broadcast_in_dim3A_22 = arith.constant 0.000000e+00 : f32
    %broadcast_in_dim3A_23 = vector.broadcast %broadcast_in_dim3A_22 : f32 to vector<8x256xf32>
    %swap3A_24 = arith.constant 0 : index
    %swap3A_25 = arith.constant 0 : index
    %swap3A_26 = vector.load %arg4[%swap3A_24, %swap3A_25] : memref<8x256xf32, #tpu.memory_space<vmem>>, vector<8x256xf32>
    tpu.vector_store %arg4[%swap3A_24, %swap3A_25], %broadcast_in_dim3A_23 {strides = array<i32>} : memref<8x256xf32, #tpu.memory_space<vmem>>, vector<8x256xf32>,
    %swap3A_27 = arith.constant 0 : index
    %swap3A_28 = arith.constant 0 : index
    %swap3A_29 = vector.load %arg4[%swap3A_27, %swap3A_28] : memref<8x256xf32, #tpu.memory_space<vmem>>, vector<1x128xf32>
    tpu.vector_store %arg4[%swap3A_27, %swap3A_28], %broadcast_in_dim3A_17 {strides = array<i32>} : memref<8x256xf32, #tpu.memory_space<vmem>>, vector<1x128xf32>,
    %swap3A_30 = arith.constant 0 : index
    %swap3A_31 = arith.constant 128 : index
    %swap3A_32 = vector.load %arg4[%swap3A_30, %swap3A_31] : memref<8x256xf32, #tpu.memory_space<vmem>>, vector<1x128xf32>
    tpu.vector_store %arg4[%swap3A_30, %swap3A_31], %div3A_21 {strides = array<i32>} : memref<8x256xf32, #tpu.memory_space<vmem>>, vector<1x128xf32>,
    return
  }
}

module attributes {stable_mosaic.version = 14 : i64} {
  func.func @_select_body(%arg0: memref<80x128xf32, #tpu.memory_space<vmem>>, %arg1: memref<3x80x128xf32, #tpu.memory_space<vmem>>, %arg2: memref<80x128xf32, #tpu.memory_space<vmem>>) attributes {dimension_semantics = [], scalar_prefetch = 0 : i64, scratch_operands = 0 : i64, tpu.core_type = #tpu.core_type<tc>} {
    %get3A = arith.constant 0 : index
    %get3A_0 = arith.constant 0 : index
    %get3A_1 = vector.load %arg0[%get3A, %get3A_0] : memref<80x128xf32, #tpu.memory_space<vmem>>, vector<80x128xf32>
    %ne3A = arith.constant 0.000000e+00 : f32
    %ne3A_2 = vector.broadcast %ne3A : f32 to vector<80x128xf32>
    %ne3A_3 = arith.cmpf one, %get3A_1, %ne3A_2 : vector<80x128xf32>
    %broadcast_in_dim3A = arith.constant false
    %broadcast_in_dim3A_4 = vector.broadcast %broadcast_in_dim3A : i1 to vector<80x128xi1>
    %get3A_5 = arith.constant 0 : index
    %get3A_6 = arith.constant 0 : index
    %get3A_7 = arith.constant 0 : index
    %get3A_8 = vector.load %arg1[%get3A_5, %get3A_6, %get3A_7] : memref<3x80x128xf32, #tpu.memory_space<vmem>>, vector<1x80x128xf32>
    %get3A_9 = vector.shape_cast %get3A_8 : vector<1x80x128xf32> to vector<80x128xf32>
    %bitcast_convert_type3A = tpu.bitcast %get3A_9 : vector<80x128xf32> -> vector<80x128xi32>
    %ge3A = arith.constant -2147483648 : i32
    %ge3A_10 = vector.broadcast %ge3A : i32 to vector<80x128xi32>
    %ge3A_11 = arith.cmpi uge, %bitcast_convert_type3A, %ge3A_10 : vector<80x128xi32>
    %not3A = arith.constant dense<-1> : vector<80x128xi32>
    %not3A_12 = arith.xori %bitcast_convert_type3A, %not3A : vector<80x128xi32>
    %or3A = arith.constant -2147483648 : i32
    %or3A_13 = vector.broadcast %or3A : i32 to vector<80x128xi32>
    %or3A_14 = arith.ori %bitcast_convert_type3A, %or3A_13 : vector<80x128xi32>
    %select_n3A = arith.select %ge3A_11, %not3A_12, %or3A_14 : vector<80x128xi1>, vector<80x128xi32>
    %get3A_15 = arith.constant 1 : index
    %get3A_16 = arith.constant 0 : index
    %get3A_17 = arith.constant 0 : index
    %get3A_18 = vector.load %arg1[%get3A_15, %get3A_16, %get3A_17] : memref<3x80x128xf32, #tpu.memory_space<vmem>>, vector<1x80x128xf32>
    %get3A_19 = vector.shape_cast %get3A_18 : vector<1x80x128xf32> to vector<80x128xf32>
    %bitcast_convert_type3A_20 = tpu.bitcast %get3A_19 : vector<80x128xf32> -> vector<80x128xi32>
    %ge3A_21 = arith.constant -2147483648 : i32
    %ge3A_22 = vector.broadcast %ge3A_21 : i32 to vector<80x128xi32>
    %ge3A_23 = arith.cmpi uge, %bitcast_convert_type3A_20, %ge3A_22 : vector<80x128xi32>
    %not3A_24 = arith.constant dense<-1> : vector<80x128xi32>
    %not3A_25 = arith.xori %bitcast_convert_type3A_20, %not3A_24 : vector<80x128xi32>
    %or3A_26 = arith.constant -2147483648 : i32
    %or3A_27 = vector.broadcast %or3A_26 : i32 to vector<80x128xi32>
    %or3A_28 = arith.ori %bitcast_convert_type3A_20, %or3A_27 : vector<80x128xi32>
    %select_n3A_29 = arith.select %ge3A_23, %not3A_25, %or3A_28 : vector<80x128xi1>, vector<80x128xi32>
    %get3A_30 = arith.constant 2 : index
    %get3A_31 = arith.constant 0 : index
    %get3A_32 = arith.constant 0 : index
    %get3A_33 = vector.load %arg1[%get3A_30, %get3A_31, %get3A_32] : memref<3x80x128xf32, #tpu.memory_space<vmem>>, vector<1x80x128xf32>
    %get3A_34 = vector.shape_cast %get3A_33 : vector<1x80x128xf32> to vector<80x128xf32>
    %bitcast_convert_type3A_35 = tpu.bitcast %get3A_34 : vector<80x128xf32> -> vector<80x128xi32>
    %ge3A_36 = arith.constant -2147483648 : i32
    %ge3A_37 = vector.broadcast %ge3A_36 : i32 to vector<80x128xi32>
    %ge3A_38 = arith.cmpi uge, %bitcast_convert_type3A_35, %ge3A_37 : vector<80x128xi32>
    %not3A_39 = arith.constant dense<-1> : vector<80x128xi32>
    %not3A_40 = arith.xori %bitcast_convert_type3A_35, %not3A_39 : vector<80x128xi32>
    %or3A_41 = arith.constant -2147483648 : i32
    %or3A_42 = vector.broadcast %or3A_41 : i32 to vector<80x128xi32>
    %or3A_43 = arith.ori %bitcast_convert_type3A_35, %or3A_42 : vector<80x128xi32>
    %select_n3A_44 = arith.select %ge3A_38, %not3A_40, %or3A_43 : vector<80x128xi1>, vector<80x128xi32>
    %iota3A = tpu.iota {dimensions = array<i32: 0>} : vector<80x128xi32>
    %iota3A_45 = tpu.iota {dimensions = array<i32: 1>} : vector<80x128xi32>
    %mul3A = arith.constant 128 : i32
    %mul3A_46 = vector.broadcast %mul3A : i32 to vector<80x128xi32>
    %mul3A_47 = arith.muli %iota3A, %mul3A_46 : vector<80x128xi32>
    %add3A = arith.addi %mul3A_47, %iota3A_45 : vector<80x128xi32>
    %not3A_48 = arith.constant dense<-1> : vector<80x128xi32>
    %not3A_49 = arith.xori %add3A, %not3A_48 : vector<80x128xi32>
    %scan3A = arith.constant 1250 : i32
    %scan3A_50 = arith.constant 0 : i32
    %scan3A_51 = arith.constant 0 : i32
    %scan3A_52 = arith.constant 32 : i32
    %scan3A_53 = arith.addi %scan3A_51, %scan3A_52 : i32
    %scan3A_54 = arith.constant 1 : i32
    %scan3A_55 = scf.for %scan3A_200 = %scan3A_51 to %scan3A_53 step %scan3A_54 iter_args(%scan3A_201 = %scan3A_50) -> (i32)  : i32 {
      %sub3A_202 = arith.constant 31 : i32
      %sub3A_203 = arith.subi %sub3A_202, %scan3A_200 : i32
      %shift_left3A = arith.constant 1 : i32
      %shift_left3A_204 = arith.shli %shift_left3A, %sub3A_203 : i32
      %or3A_205 = arith.ori %scan3A_201, %shift_left3A_204 : i32
      %ge3A_206 = vector.broadcast %or3A_205 : i32 to vector<80x128xi32>
      %ge3A_207 = arith.cmpi uge, %select_n3A, %ge3A_206 : vector<80x128xi32>
      %and3A_208 = arith.andi %ne3A_3, %ge3A_207 : vector<80x128xi1>
      %convert_element_type3A_209 = arith.extui %and3A_208 : vector<80x128xi1> to vector<80x128xi32>
      %reduce_sum3A_210 = vector.shape_cast %convert_element_type3A_209 : vector<80x128xi32> to vector<1x80x128xi32>
      %reduce_sum3A_211 = arith.constant dense<0> : vector<1xi32>
      %reduce_sum3A_212 = vector.multi_reduction <add>, %reduce_sum3A_210, %reduce_sum3A_211 [1, 2] : vector<1x80x128xi32> to vector<1xi32>
      %reduce_sum3A_213 = vector.shape_cast %reduce_sum3A_212 : vector<1xi32> to vector<1x1x1xi32>
      %reduce_sum3A_214 = vector.extract %reduce_sum3A_213[0, 0, 0] : i32 from vector<1x1x1xi32>
      %ge3A_215 = arith.cmpi sge, %reduce_sum3A_214, %scan3A : i32
      %select_n3A_216 = arith.select %ge3A_215, %or3A_205, %scan3A_201 : i32
      scf.yield %select_n3A_216 : i32
    }
    %scan3A_56 = arith.constant 32 : i32
    %eq3A = vector.broadcast %scan3A_55 : i32 to vector<80x128xi32>
    %eq3A_57 = arith.cmpi eq, %select_n3A, %eq3A : vector<80x128xi32>
    %and3A = arith.andi %ne3A_3, %eq3A_57 : vector<80x128xi1>
    %gt3A = vector.broadcast %scan3A_55 : i32 to vector<80x128xi32>
    %gt3A_58 = arith.cmpi ugt, %select_n3A, %gt3A : vector<80x128xi32>
    %and3A_59 = arith.andi %ne3A_3, %gt3A_58 : vector<80x128xi1>
    %convert_element_type3A = arith.extui %and3A_59 : vector<80x128xi1> to vector<80x128xi32>
    %reduce_sum3A = vector.shape_cast %convert_element_type3A : vector<80x128xi32> to vector<1x80x128xi32>
    %reduce_sum3A_60 = arith.constant dense<0> : vector<1xi32>
    %reduce_sum3A_61 = vector.multi_reduction <add>, %reduce_sum3A, %reduce_sum3A_60 [1, 2] : vector<1x80x128xi32> to vector<1xi32>
    %reduce_sum3A_62 = vector.shape_cast %reduce_sum3A_61 : vector<1xi32> to vector<1x1x1xi32>
    %reduce_sum3A_63 = vector.extract %reduce_sum3A_62[0, 0, 0] : i32 from vector<1x1x1xi32>
    %convert_element_type3A_64 = arith.extui %and3A : vector<80x128xi1> to vector<80x128xi32>
    %reduce_sum3A_65 = vector.shape_cast %convert_element_type3A_64 : vector<80x128xi32> to vector<1x80x128xi32>
    %reduce_sum3A_66 = arith.constant dense<0> : vector<1xi32>
    %reduce_sum3A_67 = vector.multi_reduction <add>, %reduce_sum3A_65, %reduce_sum3A_66 [1, 2] : vector<1x80x128xi32> to vector<1xi32>
    %reduce_sum3A_68 = vector.shape_cast %reduce_sum3A_67 : vector<1xi32> to vector<1x1x1xi32>
    %reduce_sum3A_69 = vector.extract %reduce_sum3A_68[0, 0, 0] : i32 from vector<1x1x1xi32>
    %add3A_70 = arith.addi %reduce_sum3A_63, %reduce_sum3A_69 : i32
    %eq3A_71 = arith.constant 1250 : i32
    %eq3A_72 = arith.cmpi eq, %add3A_70, %eq3A_71 : i32
    %or3A_73 = arith.ori %broadcast_in_dim3A_4, %and3A_59 : vector<80x128xi1>
    %and3A_74 = vector.broadcast %eq3A_72 : i1 to vector<80x128xi1>
    %and3A_75 = arith.andi %and3A, %and3A_74 : vector<80x128xi1>
    %or3A_76 = arith.ori %or3A_73, %and3A_75 : vector<80x128xi1>
    %sub3A = arith.constant 1250 : i32
    %sub3A_77 = arith.subi %sub3A, %reduce_sum3A_63 : i32
    %sub3A_78 = arith.subi %add3A_70, %reduce_sum3A_63 : i32
    %jit3A = arith.constant 0 : i32
    %select_n3A_79 = arith.select %eq3A_72, %sub3A_78, %jit3A : i32
    %sub3A_80 = arith.subi %sub3A_77, %select_n3A_79 : i32
    %not3A_81 = arith.constant true
    %not3A_82 = arith.xori %eq3A_72, %not3A_81 : i1
    %and3A_83 = vector.broadcast %not3A_82 : i1 to vector<80x128xi1>
    %and3A_84 = arith.andi %and3A, %and3A_83 : vector<80x128xi1>
    %scan3A_85 = arith.constant 0 : i32
    %scan3A_86 = arith.constant 0 : i32
    %scan3A_87 = arith.constant 32 : i32
    %scan3A_88 = arith.addi %scan3A_86, %scan3A_87 : i32
    %scan3A_89 = arith.constant 1 : i32
    %scan3A_90 = scf.for %scan3A_200 = %scan3A_86 to %scan3A_88 step %scan3A_89 iter_args(%scan3A_201 = %scan3A_85) -> (i32)  : i32 {
      %sub3A_202 = arith.constant 31 : i32
      %sub3A_203 = arith.subi %sub3A_202, %scan3A_200 : i32
      %shift_left3A = arith.constant 1 : i32
      %shift_left3A_204 = arith.shli %shift_left3A, %sub3A_203 : i32
      %or3A_205 = arith.ori %scan3A_201, %shift_left3A_204 : i32
      %ge3A_206 = vector.broadcast %or3A_205 : i32 to vector<80x128xi32>
      %ge3A_207 = arith.cmpi uge, %select_n3A_29, %ge3A_206 : vector<80x128xi32>
      %and3A_208 = arith.andi %and3A_84, %ge3A_207 : vector<80x128xi1>
      %convert_element_type3A_209 = arith.extui %and3A_208 : vector<80x128xi1> to vector<80x128xi32>
      %reduce_sum3A_210 = vector.shape_cast %convert_element_type3A_209 : vector<80x128xi32> to vector<1x80x128xi32>
      %reduce_sum3A_211 = arith.constant dense<0> : vector<1xi32>
      %reduce_sum3A_212 = vector.multi_reduction <add>, %reduce_sum3A_210, %reduce_sum3A_211 [1, 2] : vector<1x80x128xi32> to vector<1xi32>
      %reduce_sum3A_213 = vector.shape_cast %reduce_sum3A_212 : vector<1xi32> to vector<1x1x1xi32>
      %reduce_sum3A_214 = vector.extract %reduce_sum3A_213[0, 0, 0] : i32 from vector<1x1x1xi32>
      %ge3A_215 = arith.cmpi sge, %reduce_sum3A_214, %sub3A_80 : i32
      %select_n3A_216 = arith.select %ge3A_215, %or3A_205, %scan3A_201 : i32
      scf.yield %select_n3A_216 : i32
    }
    %scan3A_91 = arith.constant 32 : i32
    %eq3A_92 = vector.broadcast %scan3A_90 : i32 to vector<80x128xi32>
    %eq3A_93 = arith.cmpi eq, %select_n3A_29, %eq3A_92 : vector<80x128xi32>
    %and3A_94 = arith.andi %and3A_84, %eq3A_93 : vector<80x128xi1>
    %gt3A_95 = vector.broadcast %scan3A_90 : i32 to vector<80x128xi32>
    %gt3A_96 = arith.cmpi ugt, %select_n3A_29, %gt3A_95 : vector<80x128xi32>
    %and3A_97 = arith.andi %and3A_84, %gt3A_96 : vector<80x128xi1>
    %convert_element_type3A_98 = arith.extui %and3A_97 : vector<80x128xi1> to vector<80x128xi32>
    %reduce_sum3A_99 = vector.shape_cast %convert_element_type3A_98 : vector<80x128xi32> to vector<1x80x128xi32>
    %reduce_sum3A_100 = arith.constant dense<0> : vector<1xi32>
    %reduce_sum3A_101 = vector.multi_reduction <add>, %reduce_sum3A_99, %reduce_sum3A_100 [1, 2] : vector<1x80x128xi32> to vector<1xi32>
    %reduce_sum3A_102 = vector.shape_cast %reduce_sum3A_101 : vector<1xi32> to vector<1x1x1xi32>
    %reduce_sum3A_103 = vector.extract %reduce_sum3A_102[0, 0, 0] : i32 from vector<1x1x1xi32>
    %convert_element_type3A_104 = arith.extui %and3A_94 : vector<80x128xi1> to vector<80x128xi32>
    %reduce_sum3A_105 = vector.shape_cast %convert_element_type3A_104 : vector<80x128xi32> to vector<1x80x128xi32>
    %reduce_sum3A_106 = arith.constant dense<0> : vector<1xi32>
    %reduce_sum3A_107 = vector.multi_reduction <add>, %reduce_sum3A_105, %reduce_sum3A_106 [1, 2] : vector<1x80x128xi32> to vector<1xi32>
    %reduce_sum3A_108 = vector.shape_cast %reduce_sum3A_107 : vector<1xi32> to vector<1x1x1xi32>
    %reduce_sum3A_109 = vector.extract %reduce_sum3A_108[0, 0, 0] : i32 from vector<1x1x1xi32>
    %add3A_110 = arith.addi %reduce_sum3A_103, %reduce_sum3A_109 : i32
    %eq3A_111 = arith.cmpi eq, %add3A_110, %sub3A_80 : i32
    %or3A_112 = arith.ori %or3A_76, %and3A_97 : vector<80x128xi1>
    %and3A_113 = vector.broadcast %eq3A_111 : i1 to vector<80x128xi1>
    %and3A_114 = arith.andi %and3A_94, %and3A_113 : vector<80x128xi1>
    %or3A_115 = arith.ori %or3A_112, %and3A_114 : vector<80x128xi1>
    %sub3A_116 = arith.subi %sub3A_80, %reduce_sum3A_103 : i32
    %sub3A_117 = arith.subi %add3A_110, %reduce_sum3A_103 : i32
    %jit3A_118 = arith.constant 0 : i32
    %select_n3A_119 = arith.select %eq3A_111, %sub3A_117, %jit3A_118 : i32
    %sub3A_120 = arith.subi %sub3A_116, %select_n3A_119 : i32
    %not3A_121 = arith.constant true
    %not3A_122 = arith.xori %eq3A_111, %not3A_121 : i1
    %and3A_123 = vector.broadcast %not3A_122 : i1 to vector<80x128xi1>
    %and3A_124 = arith.andi %and3A_94, %and3A_123 : vector<80x128xi1>
    %scan3A_125 = arith.constant 0 : i32
    %scan3A_126 = arith.constant 0 : i32
    %scan3A_127 = arith.constant 32 : i32
    %scan3A_128 = arith.addi %scan3A_126, %scan3A_127 : i32
    %scan3A_129 = arith.constant 1 : i32
    %scan3A_130 = scf.for %scan3A_200 = %scan3A_126 to %scan3A_128 step %scan3A_129 iter_args(%scan3A_201 = %scan3A_125) -> (i32)  : i32 {
      %sub3A_202 = arith.constant 31 : i32
      %sub3A_203 = arith.subi %sub3A_202, %scan3A_200 : i32
      %shift_left3A = arith.constant 1 : i32
      %shift_left3A_204 = arith.shli %shift_left3A, %sub3A_203 : i32
      %or3A_205 = arith.ori %scan3A_201, %shift_left3A_204 : i32
      %ge3A_206 = vector.broadcast %or3A_205 : i32 to vector<80x128xi32>
      %ge3A_207 = arith.cmpi uge, %select_n3A_44, %ge3A_206 : vector<80x128xi32>
      %and3A_208 = arith.andi %and3A_124, %ge3A_207 : vector<80x128xi1>
      %convert_element_type3A_209 = arith.extui %and3A_208 : vector<80x128xi1> to vector<80x128xi32>
      %reduce_sum3A_210 = vector.shape_cast %convert_element_type3A_209 : vector<80x128xi32> to vector<1x80x128xi32>
      %reduce_sum3A_211 = arith.constant dense<0> : vector<1xi32>
      %reduce_sum3A_212 = vector.multi_reduction <add>, %reduce_sum3A_210, %reduce_sum3A_211 [1, 2] : vector<1x80x128xi32> to vector<1xi32>
      %reduce_sum3A_213 = vector.shape_cast %reduce_sum3A_212 : vector<1xi32> to vector<1x1x1xi32>
      %reduce_sum3A_214 = vector.extract %reduce_sum3A_213[0, 0, 0] : i32 from vector<1x1x1xi32>
      %ge3A_215 = arith.cmpi sge, %reduce_sum3A_214, %sub3A_120 : i32
      %select_n3A_216 = arith.select %ge3A_215, %or3A_205, %scan3A_201 : i32
      scf.yield %select_n3A_216 : i32
    }
    %scan3A_131 = arith.constant 32 : i32
    %eq3A_132 = vector.broadcast %scan3A_130 : i32 to vector<80x128xi32>
    %eq3A_133 = arith.cmpi eq, %select_n3A_44, %eq3A_132 : vector<80x128xi32>
    %and3A_134 = arith.andi %and3A_124, %eq3A_133 : vector<80x128xi1>
    %gt3A_135 = vector.broadcast %scan3A_130 : i32 to vector<80x128xi32>
    %gt3A_136 = arith.cmpi ugt, %select_n3A_44, %gt3A_135 : vector<80x128xi32>
    %and3A_137 = arith.andi %and3A_124, %gt3A_136 : vector<80x128xi1>
    %convert_element_type3A_138 = arith.extui %and3A_137 : vector<80x128xi1> to vector<80x128xi32>
    %reduce_sum3A_139 = vector.shape_cast %convert_element_type3A_138 : vector<80x128xi32> to vector<1x80x128xi32>
    %reduce_sum3A_140 = arith.constant dense<0> : vector<1xi32>
    %reduce_sum3A_141 = vector.multi_reduction <add>, %reduce_sum3A_139, %reduce_sum3A_140 [1, 2] : vector<1x80x128xi32> to vector<1xi32>
    %reduce_sum3A_142 = vector.shape_cast %reduce_sum3A_141 : vector<1xi32> to vector<1x1x1xi32>
    %reduce_sum3A_143 = vector.extract %reduce_sum3A_142[0, 0, 0] : i32 from vector<1x1x1xi32>
    %convert_element_type3A_144 = arith.extui %and3A_134 : vector<80x128xi1> to vector<80x128xi32>
    %reduce_sum3A_145 = vector.shape_cast %convert_element_type3A_144 : vector<80x128xi32> to vector<1x80x128xi32>
    %reduce_sum3A_146 = arith.constant dense<0> : vector<1xi32>
    %reduce_sum3A_147 = vector.multi_reduction <add>, %reduce_sum3A_145, %reduce_sum3A_146 [1, 2] : vector<1x80x128xi32> to vector<1xi32>
    %reduce_sum3A_148 = vector.shape_cast %reduce_sum3A_147 : vector<1xi32> to vector<1x1x1xi32>
    %reduce_sum3A_149 = vector.extract %reduce_sum3A_148[0, 0, 0] : i32 from vector<1x1x1xi32>
    %add3A_150 = arith.addi %reduce_sum3A_143, %reduce_sum3A_149 : i32
    %eq3A_151 = arith.cmpi eq, %add3A_150, %sub3A_120 : i32
    %or3A_152 = arith.ori %or3A_115, %and3A_137 : vector<80x128xi1>
    %and3A_153 = vector.broadcast %eq3A_151 : i1 to vector<80x128xi1>
    %and3A_154 = arith.andi %and3A_134, %and3A_153 : vector<80x128xi1>
    %or3A_155 = arith.ori %or3A_152, %and3A_154 : vector<80x128xi1>
    %sub3A_156 = arith.subi %sub3A_120, %reduce_sum3A_143 : i32
    %sub3A_157 = arith.subi %add3A_150, %reduce_sum3A_143 : i32
    %jit3A_158 = arith.constant 0 : i32
    %select_n3A_159 = arith.select %eq3A_151, %sub3A_157, %jit3A_158 : i32
    %sub3A_160 = arith.subi %sub3A_156, %select_n3A_159 : i32
    %not3A_161 = arith.constant true
    %not3A_162 = arith.xori %eq3A_151, %not3A_161 : i1
    %and3A_163 = vector.broadcast %not3A_162 : i1 to vector<80x128xi1>
    %and3A_164 = arith.andi %and3A_134, %and3A_163 : vector<80x128xi1>
    %scan3A_165 = arith.constant 0 : i32
    %scan3A_166 = arith.constant 0 : i32
    %scan3A_167 = arith.constant 32 : i32
    %scan3A_168 = arith.addi %scan3A_166, %scan3A_167 : i32
    %scan3A_169 = arith.constant 1 : i32
    %scan3A_170 = scf.for %scan3A_200 = %scan3A_166 to %scan3A_168 step %scan3A_169 iter_args(%scan3A_201 = %scan3A_165) -> (i32)  : i32 {
      %sub3A_202 = arith.constant 31 : i32
      %sub3A_203 = arith.subi %sub3A_202, %scan3A_200 : i32
      %shift_left3A = arith.constant 1 : i32
      %shift_left3A_204 = arith.shli %shift_left3A, %sub3A_203 : i32
      %or3A_205 = arith.ori %scan3A_201, %shift_left3A_204 : i32
      %ge3A_206 = vector.broadcast %or3A_205 : i32 to vector<80x128xi32>
      %ge3A_207 = arith.cmpi uge, %not3A_49, %ge3A_206 : vector<80x128xi32>
      %and3A_208 = arith.andi %and3A_164, %ge3A_207 : vector<80x128xi1>
      %convert_element_type3A_209 = arith.extui %and3A_208 : vector<80x128xi1> to vector<80x128xi32>
      %reduce_sum3A_210 = vector.shape_cast %convert_element_type3A_209 : vector<80x128xi32> to vector<1x80x128xi32>
      %reduce_sum3A_211 = arith.constant dense<0> : vector<1xi32>
      %reduce_sum3A_212 = vector.multi_reduction <add>, %reduce_sum3A_210, %reduce_sum3A_211 [1, 2] : vector<1x80x128xi32> to vector<1xi32>
      %reduce_sum3A_213 = vector.shape_cast %reduce_sum3A_212 : vector<1xi32> to vector<1x1x1xi32>
      %reduce_sum3A_214 = vector.extract %reduce_sum3A_213[0, 0, 0] : i32 from vector<1x1x1xi32>
      %ge3A_215 = arith.cmpi sge, %reduce_sum3A_214, %sub3A_160 : i32
      %select_n3A_216 = arith.select %ge3A_215, %or3A_205, %scan3A_201 : i32
      scf.yield %select_n3A_216 : i32
    }
    %scan3A_171 = arith.constant 32 : i32
    %eq3A_172 = vector.broadcast %scan3A_170 : i32 to vector<80x128xi32>
    %eq3A_173 = arith.cmpi eq, %not3A_49, %eq3A_172 : vector<80x128xi32>
    %and3A_174 = arith.andi %and3A_164, %eq3A_173 : vector<80x128xi1>
    %gt3A_175 = vector.broadcast %scan3A_170 : i32 to vector<80x128xi32>
    %gt3A_176 = arith.cmpi ugt, %not3A_49, %gt3A_175 : vector<80x128xi32>
    %and3A_177 = arith.andi %and3A_164, %gt3A_176 : vector<80x128xi1>
    %convert_element_type3A_178 = arith.extui %and3A_177 : vector<80x128xi1> to vector<80x128xi32>
    %reduce_sum3A_179 = vector.shape_cast %convert_element_type3A_178 : vector<80x128xi32> to vector<1x80x128xi32>
    %reduce_sum3A_180 = arith.constant dense<0> : vector<1xi32>
    %reduce_sum3A_181 = vector.multi_reduction <add>, %reduce_sum3A_179, %reduce_sum3A_180 [1, 2] : vector<1x80x128xi32> to vector<1xi32>
    %reduce_sum3A_182 = vector.shape_cast %reduce_sum3A_181 : vector<1xi32> to vector<1x1x1xi32>
    %reduce_sum3A_183 = vector.extract %reduce_sum3A_182[0, 0, 0] : i32 from vector<1x1x1xi32>
    %convert_element_type3A_184 = arith.extui %and3A_174 : vector<80x128xi1> to vector<80x128xi32>
    %reduce_sum3A_185 = vector.shape_cast %convert_element_type3A_184 : vector<80x128xi32> to vector<1x80x128xi32>
    %reduce_sum3A_186 = arith.constant dense<0> : vector<1xi32>
    %reduce_sum3A_187 = vector.multi_reduction <add>, %reduce_sum3A_185, %reduce_sum3A_186 [1, 2] : vector<1x80x128xi32> to vector<1xi32>
    %reduce_sum3A_188 = vector.shape_cast %reduce_sum3A_187 : vector<1xi32> to vector<1x1x1xi32>
    %reduce_sum3A_189 = vector.extract %reduce_sum3A_188[0, 0, 0] : i32 from vector<1x1x1xi32>
    %add3A_190 = arith.addi %reduce_sum3A_183, %reduce_sum3A_189 : i32
    %eq3A_191 = arith.cmpi eq, %add3A_190, %sub3A_160 : i32
    %or3A_192 = arith.ori %or3A_155, %and3A_177 : vector<80x128xi1>
    %and3A_193 = vector.broadcast %eq3A_191 : i1 to vector<80x128xi1>
    %and3A_194 = arith.andi %and3A_174, %and3A_193 : vector<80x128xi1>
    %or3A_195 = arith.ori %or3A_192, %and3A_194 : vector<80x128xi1>
    %convert_element_type3A_196 = arith.extui %or3A_195 : vector<80x128xi1> to vector<80x128xi32>
    %convert_element_type3A_197 = arith.sitofp %convert_element_type3A_196 : vector<80x128xi32> to vector<80x128xf32>
    %swap3A = arith.constant 0 : index
    %swap3A_198 = arith.constant 0 : index
    %swap3A_199 = vector.load %arg2[%swap3A, %swap3A_198] : memref<80x128xf32, #tpu.memory_space<vmem>>, vector<80x128xf32>
    tpu.vector_store %arg2[%swap3A, %swap3A_198], %convert_element_type3A_197 {strides = array<i32>} : memref<80x128xf32, #tpu.memory_space<vmem>>, vector<80x128xf32>,
    return
  }
}

module attributes {stable_mosaic.version = 14 : i64} {
  func.func @_apply_body(%arg0: memref<10240x128xf32, #tpu.memory_space<vmem>>, %arg1: memref<10240x1xf32, #tpu.memory_space<vmem>>, %arg2: memref<10240x1xf32, #tpu.memory_space<vmem>>, %arg3: memref<10240x128xf32, #tpu.memory_space<vmem>>, %arg4: memref<8x256xf32, #tpu.memory_space<vmem>>) attributes {dimension_semantics = [], scalar_prefetch = 0 : i64, scratch_operands = 0 : i64, tpu.core_type = #tpu.core_type<tc>} {
    %get3A = arith.constant 0 : index
    %get3A_0 = arith.constant 0 : index
    %get3A_1 = vector.load %arg1[%get3A, %get3A_0] : memref<10240x1xf32, #tpu.memory_space<vmem>>, vector<10240x1xf32>
    %get3A_2 = arith.constant 0 : index
    %get3A_3 = arith.constant 0 : index
    %get3A_4 = vector.load %arg0[%get3A_2, %get3A_3] : memref<10240x128xf32, #tpu.memory_space<vmem>>, vector<10240x128xf32>
    %get3A_5 = arith.constant 0 : index
    %get3A_6 = arith.constant 0 : index
    %get3A_7 = vector.load %arg2[%get3A_5, %get3A_6] : memref<10240x1xf32, #tpu.memory_space<vmem>>, vector<10240x1xf32>
    %mul3A = arith.mulf %get3A_1, %get3A_7 : vector<10240x1xf32>
    %mul3A_8 = vector.broadcast %mul3A : vector<10240x1xf32> to vector<10240x128xf32>
    %mul3A_9 = arith.mulf %get3A_4, %mul3A_8 : vector<10240x128xf32>
    %swap3A = arith.constant 0 : index
    %swap3A_10 = arith.constant 0 : index
    %swap3A_11 = vector.load %arg3[%swap3A, %swap3A_10] : memref<10240x128xf32, #tpu.memory_space<vmem>>, vector<10240x128xf32>
    tpu.vector_store %arg3[%swap3A, %swap3A_10], %mul3A_9 {strides = array<i32>} : memref<10240x128xf32, #tpu.memory_space<vmem>>, vector<10240x128xf32>,
    %gt3A = arith.constant 0.000000e+00 : f32
    %gt3A_12 = vector.broadcast %gt3A : f32 to vector<10240x1xf32>
    %gt3A_13 = arith.cmpf ogt, %get3A_1, %gt3A_12 : vector<10240x1xf32>
    %jit3A = arith.constant 0xFF800000 : f32
    %broadcast_in_dim3A = vector.shape_cast %gt3A_13 : vector<10240x1xi1> to vector<10240x1xi1>
    %broadcast_in_dim3A_14 = vector.broadcast %broadcast_in_dim3A : vector<10240x1xi1> to vector<10240x128xi1>
    %broadcast_in_dim3A_15 = vector.broadcast %jit3A : f32 to vector<10240x128xf32>
    %select_n3A = arith.select %broadcast_in_dim3A_14, %mul3A_9, %broadcast_in_dim3A_15 : vector<10240x128xi1>, vector<10240x128xf32>
    %reduce_max3A = arith.constant dense<0xFF800000> : vector<128xf32>
    %reduce_max3A_16 = vector.multi_reduction <maximumf>, %select_n3A, %reduce_max3A [0] : vector<10240x128xf32> to vector<128xf32>
    %broadcast_in_dim3A_17 = vector.shape_cast %reduce_max3A_16 : vector<128xf32> to vector<1x128xf32>
    %reduce_sum3A = arith.constant dense<0.000000e+00> : vector<128xf32>
    %reduce_sum3A_18 = vector.multi_reduction <add>, %mul3A_9, %reduce_sum3A [0] : vector<10240x128xf32> to vector<128xf32>
    %broadcast_in_dim3A_19 = vector.shape_cast %reduce_sum3A_18 : vector<128xf32> to vector<1x128xf32>
    %div3A = arith.constant 1.250000e+03 : f32
    %div3A_20 = vector.broadcast %div3A : f32 to vector<1x128xf32>
    %div3A_21 = arith.divf %broadcast_in_dim3A_19, %div3A_20 : vector<1x128xf32>
    %broadcast_in_dim3A_22 = arith.constant 0.000000e+00 : f32
    %broadcast_in_dim3A_23 = vector.broadcast %broadcast_in_dim3A_22 : f32 to vector<8x256xf32>
    %swap3A_24 = arith.constant 0 : index
    %swap3A_25 = arith.constant 0 : index
    %swap3A_26 = vector.load %arg4[%swap3A_24, %swap3A_25] : memref<8x256xf32, #tpu.memory_space<vmem>>, vector<8x256xf32>
    tpu.vector_store %arg4[%swap3A_24, %swap3A_25], %broadcast_in_dim3A_23 {strides = array<i32>} : memref<8x256xf32, #tpu.memory_space<vmem>>, vector<8x256xf32>,
    %swap3A_27 = arith.constant 0 : index
    %swap3A_28 = arith.constant 0 : index
    %swap3A_29 = vector.load %arg4[%swap3A_27, %swap3A_28] : memref<8x256xf32, #tpu.memory_space<vmem>>, vector<1x128xf32>
    tpu.vector_store %arg4[%swap3A_27, %swap3A_28], %broadcast_in_dim3A_17 {strides = array<i32>} : memref<8x256xf32, #tpu.memory_space<vmem>>, vector<1x128xf32>,
    %swap3A_30 = arith.constant 0 : index
    %swap3A_31 = arith.constant 128 : index
    %swap3A_32 = vector.load %arg4[%swap3A_30, %swap3A_31] : memref<8x256xf32, #tpu.memory_space<vmem>>, vector<1x128xf32>
    tpu.vector_store %arg4[%swap3A_30, %swap3A_31], %div3A_21 {strides = array<i32>} : memref<8x256xf32, #tpu.memory_space<vmem>>, vector<1x128xf32>,
    return
  }
}

module attributes {stable_mosaic.version = 14 : i64} {
  func.func @_select_body(%arg0: memref<80x128xf32, #tpu.memory_space<vmem>>, %arg1: memref<4x80x128xf32, #tpu.memory_space<vmem>>, %arg2: memref<80x128xf32, #tpu.memory_space<vmem>>) attributes {dimension_semantics = [], scalar_prefetch = 0 : i64, scratch_operands = 0 : i64, tpu.core_type = #tpu.core_type<tc>} {
    %get3A = arith.constant 0 : index
    %get3A_0 = arith.constant 0 : index
    %get3A_1 = vector.load %arg0[%get3A, %get3A_0] : memref<80x128xf32, #tpu.memory_space<vmem>>, vector<80x128xf32>
    %ne3A = arith.constant 0.000000e+00 : f32
    %ne3A_2 = vector.broadcast %ne3A : f32 to vector<80x128xf32>
    %ne3A_3 = arith.cmpf one, %get3A_1, %ne3A_2 : vector<80x128xf32>
    %broadcast_in_dim3A = arith.constant false
    %broadcast_in_dim3A_4 = vector.broadcast %broadcast_in_dim3A : i1 to vector<80x128xi1>
    %get3A_5 = arith.constant 0 : index
    %get3A_6 = arith.constant 0 : index
    %get3A_7 = arith.constant 0 : index
    %get3A_8 = vector.load %arg1[%get3A_5, %get3A_6, %get3A_7] : memref<4x80x128xf32, #tpu.memory_space<vmem>>, vector<1x80x128xf32>
    %get3A_9 = vector.shape_cast %get3A_8 : vector<1x80x128xf32> to vector<80x128xf32>
    %bitcast_convert_type3A = tpu.bitcast %get3A_9 : vector<80x128xf32> -> vector<80x128xi32>
    %ge3A = arith.constant -2147483648 : i32
    %ge3A_10 = vector.broadcast %ge3A : i32 to vector<80x128xi32>
    %ge3A_11 = arith.cmpi uge, %bitcast_convert_type3A, %ge3A_10 : vector<80x128xi32>
    %not3A = arith.constant dense<-1> : vector<80x128xi32>
    %not3A_12 = arith.xori %bitcast_convert_type3A, %not3A : vector<80x128xi32>
    %or3A = arith.constant -2147483648 : i32
    %or3A_13 = vector.broadcast %or3A : i32 to vector<80x128xi32>
    %or3A_14 = arith.ori %bitcast_convert_type3A, %or3A_13 : vector<80x128xi32>
    %select_n3A = arith.select %ge3A_11, %not3A_12, %or3A_14 : vector<80x128xi1>, vector<80x128xi32>
    %get3A_15 = arith.constant 1 : index
    %get3A_16 = arith.constant 0 : index
    %get3A_17 = arith.constant 0 : index
    %get3A_18 = vector.load %arg1[%get3A_15, %get3A_16, %get3A_17] : memref<4x80x128xf32, #tpu.memory_space<vmem>>, vector<1x80x128xf32>
    %get3A_19 = vector.shape_cast %get3A_18 : vector<1x80x128xf32> to vector<80x128xf32>
    %bitcast_convert_type3A_20 = tpu.bitcast %get3A_19 : vector<80x128xf32> -> vector<80x128xi32>
    %ge3A_21 = arith.constant -2147483648 : i32
    %ge3A_22 = vector.broadcast %ge3A_21 : i32 to vector<80x128xi32>
    %ge3A_23 = arith.cmpi uge, %bitcast_convert_type3A_20, %ge3A_22 : vector<80x128xi32>
    %not3A_24 = arith.constant dense<-1> : vector<80x128xi32>
    %not3A_25 = arith.xori %bitcast_convert_type3A_20, %not3A_24 : vector<80x128xi32>
    %or3A_26 = arith.constant -2147483648 : i32
    %or3A_27 = vector.broadcast %or3A_26 : i32 to vector<80x128xi32>
    %or3A_28 = arith.ori %bitcast_convert_type3A_20, %or3A_27 : vector<80x128xi32>
    %select_n3A_29 = arith.select %ge3A_23, %not3A_25, %or3A_28 : vector<80x128xi1>, vector<80x128xi32>
    %get3A_30 = arith.constant 2 : index
    %get3A_31 = arith.constant 0 : index
    %get3A_32 = arith.constant 0 : index
    %get3A_33 = vector.load %arg1[%get3A_30, %get3A_31, %get3A_32] : memref<4x80x128xf32, #tpu.memory_space<vmem>>, vector<1x80x128xf32>
    %get3A_34 = vector.shape_cast %get3A_33 : vector<1x80x128xf32> to vector<80x128xf32>
    %bitcast_convert_type3A_35 = tpu.bitcast %get3A_34 : vector<80x128xf32> -> vector<80x128xi32>
    %ge3A_36 = arith.constant -2147483648 : i32
    %ge3A_37 = vector.broadcast %ge3A_36 : i32 to vector<80x128xi32>
    %ge3A_38 = arith.cmpi uge, %bitcast_convert_type3A_35, %ge3A_37 : vector<80x128xi32>
    %not3A_39 = arith.constant dense<-1> : vector<80x128xi32>
    %not3A_40 = arith.xori %bitcast_convert_type3A_35, %not3A_39 : vector<80x128xi32>
    %or3A_41 = arith.constant -2147483648 : i32
    %or3A_42 = vector.broadcast %or3A_41 : i32 to vector<80x128xi32>
    %or3A_43 = arith.ori %bitcast_convert_type3A_35, %or3A_42 : vector<80x128xi32>
    %select_n3A_44 = arith.select %ge3A_38, %not3A_40, %or3A_43 : vector<80x128xi1>, vector<80x128xi32>
    %get3A_45 = arith.constant 3 : index
    %get3A_46 = arith.constant 0 : index
    %get3A_47 = arith.constant 0 : index
    %get3A_48 = vector.load %arg1[%get3A_45, %get3A_46, %get3A_47] : memref<4x80x128xf32, #tpu.memory_space<vmem>>, vector<1x80x128xf32>
    %get3A_49 = vector.shape_cast %get3A_48 : vector<1x80x128xf32> to vector<80x128xf32>
    %bitcast_convert_type3A_50 = tpu.bitcast %get3A_49 : vector<80x128xf32> -> vector<80x128xi32>
    %ge3A_51 = arith.constant -2147483648 : i32
    %ge3A_52 = vector.broadcast %ge3A_51 : i32 to vector<80x128xi32>
    %ge3A_53 = arith.cmpi uge, %bitcast_convert_type3A_50, %ge3A_52 : vector<80x128xi32>
    %not3A_54 = arith.constant dense<-1> : vector<80x128xi32>
    %not3A_55 = arith.xori %bitcast_convert_type3A_50, %not3A_54 : vector<80x128xi32>
    %or3A_56 = arith.constant -2147483648 : i32
    %or3A_57 = vector.broadcast %or3A_56 : i32 to vector<80x128xi32>
    %or3A_58 = arith.ori %bitcast_convert_type3A_50, %or3A_57 : vector<80x128xi32>
    %select_n3A_59 = arith.select %ge3A_53, %not3A_55, %or3A_58 : vector<80x128xi1>, vector<80x128xi32>
    %iota3A = tpu.iota {dimensions = array<i32: 0>} : vector<80x128xi32>
    %iota3A_60 = tpu.iota {dimensions = array<i32: 1>} : vector<80x128xi32>
    %mul3A = arith.constant 128 : i32
    %mul3A_61 = vector.broadcast %mul3A : i32 to vector<80x128xi32>
    %mul3A_62 = arith.muli %iota3A, %mul3A_61 : vector<80x128xi32>
    %add3A = arith.addi %mul3A_62, %iota3A_60 : vector<80x128xi32>
    %not3A_63 = arith.constant dense<-1> : vector<80x128xi32>
    %not3A_64 = arith.xori %add3A, %not3A_63 : vector<80x128xi32>
    %scan3A = arith.constant 625 : i32
    %scan3A_65 = arith.constant 0 : i32
    %scan3A_66 = arith.constant 0 : i32
    %scan3A_67 = arith.constant 32 : i32
    %scan3A_68 = arith.addi %scan3A_66, %scan3A_67 : i32
    %scan3A_69 = arith.constant 1 : i32
    %scan3A_70 = scf.for %scan3A_255 = %scan3A_66 to %scan3A_68 step %scan3A_69 iter_args(%scan3A_256 = %scan3A_65) -> (i32)  : i32 {
      %sub3A_257 = arith.constant 31 : i32
      %sub3A_258 = arith.subi %sub3A_257, %scan3A_255 : i32
      %shift_left3A = arith.constant 1 : i32
      %shift_left3A_259 = arith.shli %shift_left3A, %sub3A_258 : i32
      %or3A_260 = arith.ori %scan3A_256, %shift_left3A_259 : i32
      %ge3A_261 = vector.broadcast %or3A_260 : i32 to vector<80x128xi32>
      %ge3A_262 = arith.cmpi uge, %select_n3A, %ge3A_261 : vector<80x128xi32>
      %and3A_263 = arith.andi %ne3A_3, %ge3A_262 : vector<80x128xi1>
      %convert_element_type3A_264 = arith.extui %and3A_263 : vector<80x128xi1> to vector<80x128xi32>
      %reduce_sum3A_265 = vector.shape_cast %convert_element_type3A_264 : vector<80x128xi32> to vector<1x80x128xi32>
      %reduce_sum3A_266 = arith.constant dense<0> : vector<1xi32>
      %reduce_sum3A_267 = vector.multi_reduction <add>, %reduce_sum3A_265, %reduce_sum3A_266 [1, 2] : vector<1x80x128xi32> to vector<1xi32>
      %reduce_sum3A_268 = vector.shape_cast %reduce_sum3A_267 : vector<1xi32> to vector<1x1x1xi32>
      %reduce_sum3A_269 = vector.extract %reduce_sum3A_268[0, 0, 0] : i32 from vector<1x1x1xi32>
      %ge3A_270 = arith.cmpi sge, %reduce_sum3A_269, %scan3A : i32
      %select_n3A_271 = arith.select %ge3A_270, %or3A_260, %scan3A_256 : i32
      scf.yield %select_n3A_271 : i32
    }
    %scan3A_71 = arith.constant 32 : i32
    %eq3A = vector.broadcast %scan3A_70 : i32 to vector<80x128xi32>
    %eq3A_72 = arith.cmpi eq, %select_n3A, %eq3A : vector<80x128xi32>
    %and3A = arith.andi %ne3A_3, %eq3A_72 : vector<80x128xi1>
    %gt3A = vector.broadcast %scan3A_70 : i32 to vector<80x128xi32>
    %gt3A_73 = arith.cmpi ugt, %select_n3A, %gt3A : vector<80x128xi32>
    %and3A_74 = arith.andi %ne3A_3, %gt3A_73 : vector<80x128xi1>
    %convert_element_type3A = arith.extui %and3A_74 : vector<80x128xi1> to vector<80x128xi32>
    %reduce_sum3A = vector.shape_cast %convert_element_type3A : vector<80x128xi32> to vector<1x80x128xi32>
    %reduce_sum3A_75 = arith.constant dense<0> : vector<1xi32>
    %reduce_sum3A_76 = vector.multi_reduction <add>, %reduce_sum3A, %reduce_sum3A_75 [1, 2] : vector<1x80x128xi32> to vector<1xi32>
    %reduce_sum3A_77 = vector.shape_cast %reduce_sum3A_76 : vector<1xi32> to vector<1x1x1xi32>
    %reduce_sum3A_78 = vector.extract %reduce_sum3A_77[0, 0, 0] : i32 from vector<1x1x1xi32>
    %convert_element_type3A_79 = arith.extui %and3A : vector<80x128xi1> to vector<80x128xi32>
    %reduce_sum3A_80 = vector.shape_cast %convert_element_type3A_79 : vector<80x128xi32> to vector<1x80x128xi32>
    %reduce_sum3A_81 = arith.constant dense<0> : vector<1xi32>
    %reduce_sum3A_82 = vector.multi_reduction <add>, %reduce_sum3A_80, %reduce_sum3A_81 [1, 2] : vector<1x80x128xi32> to vector<1xi32>
    %reduce_sum3A_83 = vector.shape_cast %reduce_sum3A_82 : vector<1xi32> to vector<1x1x1xi32>
    %reduce_sum3A_84 = vector.extract %reduce_sum3A_83[0, 0, 0] : i32 from vector<1x1x1xi32>
    %add3A_85 = arith.addi %reduce_sum3A_78, %reduce_sum3A_84 : i32
    %eq3A_86 = arith.constant 625 : i32
    %eq3A_87 = arith.cmpi eq, %add3A_85, %eq3A_86 : i32
    %or3A_88 = arith.ori %broadcast_in_dim3A_4, %and3A_74 : vector<80x128xi1>
    %and3A_89 = vector.broadcast %eq3A_87 : i1 to vector<80x128xi1>
    %and3A_90 = arith.andi %and3A, %and3A_89 : vector<80x128xi1>
    %or3A_91 = arith.ori %or3A_88, %and3A_90 : vector<80x128xi1>
    %sub3A = arith.constant 625 : i32
    %sub3A_92 = arith.subi %sub3A, %reduce_sum3A_78 : i32
    %sub3A_93 = arith.subi %add3A_85, %reduce_sum3A_78 : i32
    %jit3A = arith.constant 0 : i32
    %select_n3A_94 = arith.select %eq3A_87, %sub3A_93, %jit3A : i32
    %sub3A_95 = arith.subi %sub3A_92, %select_n3A_94 : i32
    %not3A_96 = arith.constant true
    %not3A_97 = arith.xori %eq3A_87, %not3A_96 : i1
    %and3A_98 = vector.broadcast %not3A_97 : i1 to vector<80x128xi1>
    %and3A_99 = arith.andi %and3A, %and3A_98 : vector<80x128xi1>
    %scan3A_100 = arith.constant 0 : i32
    %scan3A_101 = arith.constant 0 : i32
    %scan3A_102 = arith.constant 32 : i32
    %scan3A_103 = arith.addi %scan3A_101, %scan3A_102 : i32
    %scan3A_104 = arith.constant 1 : i32
    %scan3A_105 = scf.for %scan3A_255 = %scan3A_101 to %scan3A_103 step %scan3A_104 iter_args(%scan3A_256 = %scan3A_100) -> (i32)  : i32 {
      %sub3A_257 = arith.constant 31 : i32
      %sub3A_258 = arith.subi %sub3A_257, %scan3A_255 : i32
      %shift_left3A = arith.constant 1 : i32
      %shift_left3A_259 = arith.shli %shift_left3A, %sub3A_258 : i32
      %or3A_260 = arith.ori %scan3A_256, %shift_left3A_259 : i32
      %ge3A_261 = vector.broadcast %or3A_260 : i32 to vector<80x128xi32>
      %ge3A_262 = arith.cmpi uge, %select_n3A_29, %ge3A_261 : vector<80x128xi32>
      %and3A_263 = arith.andi %and3A_99, %ge3A_262 : vector<80x128xi1>
      %convert_element_type3A_264 = arith.extui %and3A_263 : vector<80x128xi1> to vector<80x128xi32>
      %reduce_sum3A_265 = vector.shape_cast %convert_element_type3A_264 : vector<80x128xi32> to vector<1x80x128xi32>
      %reduce_sum3A_266 = arith.constant dense<0> : vector<1xi32>
      %reduce_sum3A_267 = vector.multi_reduction <add>, %reduce_sum3A_265, %reduce_sum3A_266 [1, 2] : vector<1x80x128xi32> to vector<1xi32>
      %reduce_sum3A_268 = vector.shape_cast %reduce_sum3A_267 : vector<1xi32> to vector<1x1x1xi32>
      %reduce_sum3A_269 = vector.extract %reduce_sum3A_268[0, 0, 0] : i32 from vector<1x1x1xi32>
      %ge3A_270 = arith.cmpi sge, %reduce_sum3A_269, %sub3A_95 : i32
      %select_n3A_271 = arith.select %ge3A_270, %or3A_260, %scan3A_256 : i32
      scf.yield %select_n3A_271 : i32
    }
    %scan3A_106 = arith.constant 32 : i32
    %eq3A_107 = vector.broadcast %scan3A_105 : i32 to vector<80x128xi32>
    %eq3A_108 = arith.cmpi eq, %select_n3A_29, %eq3A_107 : vector<80x128xi32>
    %and3A_109 = arith.andi %and3A_99, %eq3A_108 : vector<80x128xi1>
    %gt3A_110 = vector.broadcast %scan3A_105 : i32 to vector<80x128xi32>
    %gt3A_111 = arith.cmpi ugt, %select_n3A_29, %gt3A_110 : vector<80x128xi32>
    %and3A_112 = arith.andi %and3A_99, %gt3A_111 : vector<80x128xi1>
    %convert_element_type3A_113 = arith.extui %and3A_112 : vector<80x128xi1> to vector<80x128xi32>
    %reduce_sum3A_114 = vector.shape_cast %convert_element_type3A_113 : vector<80x128xi32> to vector<1x80x128xi32>
    %reduce_sum3A_115 = arith.constant dense<0> : vector<1xi32>
    %reduce_sum3A_116 = vector.multi_reduction <add>, %reduce_sum3A_114, %reduce_sum3A_115 [1, 2] : vector<1x80x128xi32> to vector<1xi32>
    %reduce_sum3A_117 = vector.shape_cast %reduce_sum3A_116 : vector<1xi32> to vector<1x1x1xi32>
    %reduce_sum3A_118 = vector.extract %reduce_sum3A_117[0, 0, 0] : i32 from vector<1x1x1xi32>
    %convert_element_type3A_119 = arith.extui %and3A_109 : vector<80x128xi1> to vector<80x128xi32>
    %reduce_sum3A_120 = vector.shape_cast %convert_element_type3A_119 : vector<80x128xi32> to vector<1x80x128xi32>
    %reduce_sum3A_121 = arith.constant dense<0> : vector<1xi32>
    %reduce_sum3A_122 = vector.multi_reduction <add>, %reduce_sum3A_120, %reduce_sum3A_121 [1, 2] : vector<1x80x128xi32> to vector<1xi32>
    %reduce_sum3A_123 = vector.shape_cast %reduce_sum3A_122 : vector<1xi32> to vector<1x1x1xi32>
    %reduce_sum3A_124 = vector.extract %reduce_sum3A_123[0, 0, 0] : i32 from vector<1x1x1xi32>
    %add3A_125 = arith.addi %reduce_sum3A_118, %reduce_sum3A_124 : i32
    %eq3A_126 = arith.cmpi eq, %add3A_125, %sub3A_95 : i32
    %or3A_127 = arith.ori %or3A_91, %and3A_112 : vector<80x128xi1>
    %and3A_128 = vector.broadcast %eq3A_126 : i1 to vector<80x128xi1>
    %and3A_129 = arith.andi %and3A_109, %and3A_128 : vector<80x128xi1>
    %or3A_130 = arith.ori %or3A_127, %and3A_129 : vector<80x128xi1>
    %sub3A_131 = arith.subi %sub3A_95, %reduce_sum3A_118 : i32
    %sub3A_132 = arith.subi %add3A_125, %reduce_sum3A_118 : i32
    %jit3A_133 = arith.constant 0 : i32
    %select_n3A_134 = arith.select %eq3A_126, %sub3A_132, %jit3A_133 : i32
    %sub3A_135 = arith.subi %sub3A_131, %select_n3A_134 : i32
    %not3A_136 = arith.constant true
    %not3A_137 = arith.xori %eq3A_126, %not3A_136 : i1
    %and3A_138 = vector.broadcast %not3A_137 : i1 to vector<80x128xi1>
    %and3A_139 = arith.andi %and3A_109, %and3A_138 : vector<80x128xi1>
    %scan3A_140 = arith.constant 0 : i32
    %scan3A_141 = arith.constant 0 : i32
    %scan3A_142 = arith.constant 32 : i32
    %scan3A_143 = arith.addi %scan3A_141, %scan3A_142 : i32
    %scan3A_144 = arith.constant 1 : i32
    %scan3A_145 = scf.for %scan3A_255 = %scan3A_141 to %scan3A_143 step %scan3A_144 iter_args(%scan3A_256 = %scan3A_140) -> (i32)  : i32 {
      %sub3A_257 = arith.constant 31 : i32
      %sub3A_258 = arith.subi %sub3A_257, %scan3A_255 : i32
      %shift_left3A = arith.constant 1 : i32
      %shift_left3A_259 = arith.shli %shift_left3A, %sub3A_258 : i32
      %or3A_260 = arith.ori %scan3A_256, %shift_left3A_259 : i32
      %ge3A_261 = vector.broadcast %or3A_260 : i32 to vector<80x128xi32>
      %ge3A_262 = arith.cmpi uge, %select_n3A_44, %ge3A_261 : vector<80x128xi32>
      %and3A_263 = arith.andi %and3A_139, %ge3A_262 : vector<80x128xi1>
      %convert_element_type3A_264 = arith.extui %and3A_263 : vector<80x128xi1> to vector<80x128xi32>
      %reduce_sum3A_265 = vector.shape_cast %convert_element_type3A_264 : vector<80x128xi32> to vector<1x80x128xi32>
      %reduce_sum3A_266 = arith.constant dense<0> : vector<1xi32>
      %reduce_sum3A_267 = vector.multi_reduction <add>, %reduce_sum3A_265, %reduce_sum3A_266 [1, 2] : vector<1x80x128xi32> to vector<1xi32>
      %reduce_sum3A_268 = vector.shape_cast %reduce_sum3A_267 : vector<1xi32> to vector<1x1x1xi32>
      %reduce_sum3A_269 = vector.extract %reduce_sum3A_268[0, 0, 0] : i32 from vector<1x1x1xi32>
      %ge3A_270 = arith.cmpi sge, %reduce_sum3A_269, %sub3A_135 : i32
      %select_n3A_271 = arith.select %ge3A_270, %or3A_260, %scan3A_256 : i32
      scf.yield %select_n3A_271 : i32
    }
    %scan3A_146 = arith.constant 32 : i32
    %eq3A_147 = vector.broadcast %scan3A_145 : i32 to vector<80x128xi32>
    %eq3A_148 = arith.cmpi eq, %select_n3A_44, %eq3A_147 : vector<80x128xi32>
    %and3A_149 = arith.andi %and3A_139, %eq3A_148 : vector<80x128xi1>
    %gt3A_150 = vector.broadcast %scan3A_145 : i32 to vector<80x128xi32>
    %gt3A_151 = arith.cmpi ugt, %select_n3A_44, %gt3A_150 : vector<80x128xi32>
    %and3A_152 = arith.andi %and3A_139, %gt3A_151 : vector<80x128xi1>
    %convert_element_type3A_153 = arith.extui %and3A_152 : vector<80x128xi1> to vector<80x128xi32>
    %reduce_sum3A_154 = vector.shape_cast %convert_element_type3A_153 : vector<80x128xi32> to vector<1x80x128xi32>
    %reduce_sum3A_155 = arith.constant dense<0> : vector<1xi32>
    %reduce_sum3A_156 = vector.multi_reduction <add>, %reduce_sum3A_154, %reduce_sum3A_155 [1, 2] : vector<1x80x128xi32> to vector<1xi32>
    %reduce_sum3A_157 = vector.shape_cast %reduce_sum3A_156 : vector<1xi32> to vector<1x1x1xi32>
    %reduce_sum3A_158 = vector.extract %reduce_sum3A_157[0, 0, 0] : i32 from vector<1x1x1xi32>
    %convert_element_type3A_159 = arith.extui %and3A_149 : vector<80x128xi1> to vector<80x128xi32>
    %reduce_sum3A_160 = vector.shape_cast %convert_element_type3A_159 : vector<80x128xi32> to vector<1x80x128xi32>
    %reduce_sum3A_161 = arith.constant dense<0> : vector<1xi32>
    %reduce_sum3A_162 = vector.multi_reduction <add>, %reduce_sum3A_160, %reduce_sum3A_161 [1, 2] : vector<1x80x128xi32> to vector<1xi32>
    %reduce_sum3A_163 = vector.shape_cast %reduce_sum3A_162 : vector<1xi32> to vector<1x1x1xi32>
    %reduce_sum3A_164 = vector.extract %reduce_sum3A_163[0, 0, 0] : i32 from vector<1x1x1xi32>
    %add3A_165 = arith.addi %reduce_sum3A_158, %reduce_sum3A_164 : i32
    %eq3A_166 = arith.cmpi eq, %add3A_165, %sub3A_135 : i32
    %or3A_167 = arith.ori %or3A_130, %and3A_152 : vector<80x128xi1>
    %and3A_168 = vector.broadcast %eq3A_166 : i1 to vector<80x128xi1>
    %and3A_169 = arith.andi %and3A_149, %and3A_168 : vector<80x128xi1>
    %or3A_170 = arith.ori %or3A_167, %and3A_169 : vector<80x128xi1>
    %sub3A_171 = arith.subi %sub3A_135, %reduce_sum3A_158 : i32
    %sub3A_172 = arith.subi %add3A_165, %reduce_sum3A_158 : i32
    %jit3A_173 = arith.constant 0 : i32
    %select_n3A_174 = arith.select %eq3A_166, %sub3A_172, %jit3A_173 : i32
    %sub3A_175 = arith.subi %sub3A_171, %select_n3A_174 : i32
    %not3A_176 = arith.constant true
    %not3A_177 = arith.xori %eq3A_166, %not3A_176 : i1
    %and3A_178 = vector.broadcast %not3A_177 : i1 to vector<80x128xi1>
    %and3A_179 = arith.andi %and3A_149, %and3A_178 : vector<80x128xi1>
    %scan3A_180 = arith.constant 0 : i32
    %scan3A_181 = arith.constant 0 : i32
    %scan3A_182 = arith.constant 32 : i32
    %scan3A_183 = arith.addi %scan3A_181, %scan3A_182 : i32
    %scan3A_184 = arith.constant 1 : i32
    %scan3A_185 = scf.for %scan3A_255 = %scan3A_181 to %scan3A_183 step %scan3A_184 iter_args(%scan3A_256 = %scan3A_180) -> (i32)  : i32 {
      %sub3A_257 = arith.constant 31 : i32
      %sub3A_258 = arith.subi %sub3A_257, %scan3A_255 : i32
      %shift_left3A = arith.constant 1 : i32
      %shift_left3A_259 = arith.shli %shift_left3A, %sub3A_258 : i32
      %or3A_260 = arith.ori %scan3A_256, %shift_left3A_259 : i32
      %ge3A_261 = vector.broadcast %or3A_260 : i32 to vector<80x128xi32>
      %ge3A_262 = arith.cmpi uge, %select_n3A_59, %ge3A_261 : vector<80x128xi32>
      %and3A_263 = arith.andi %and3A_179, %ge3A_262 : vector<80x128xi1>
      %convert_element_type3A_264 = arith.extui %and3A_263 : vector<80x128xi1> to vector<80x128xi32>
      %reduce_sum3A_265 = vector.shape_cast %convert_element_type3A_264 : vector<80x128xi32> to vector<1x80x128xi32>
      %reduce_sum3A_266 = arith.constant dense<0> : vector<1xi32>
      %reduce_sum3A_267 = vector.multi_reduction <add>, %reduce_sum3A_265, %reduce_sum3A_266 [1, 2] : vector<1x80x128xi32> to vector<1xi32>
      %reduce_sum3A_268 = vector.shape_cast %reduce_sum3A_267 : vector<1xi32> to vector<1x1x1xi32>
      %reduce_sum3A_269 = vector.extract %reduce_sum3A_268[0, 0, 0] : i32 from vector<1x1x1xi32>
      %ge3A_270 = arith.cmpi sge, %reduce_sum3A_269, %sub3A_175 : i32
      %select_n3A_271 = arith.select %ge3A_270, %or3A_260, %scan3A_256 : i32
      scf.yield %select_n3A_271 : i32
    }
    %scan3A_186 = arith.constant 32 : i32
    %eq3A_187 = vector.broadcast %scan3A_185 : i32 to vector<80x128xi32>
    %eq3A_188 = arith.cmpi eq, %select_n3A_59, %eq3A_187 : vector<80x128xi32>
    %and3A_189 = arith.andi %and3A_179, %eq3A_188 : vector<80x128xi1>
    %gt3A_190 = vector.broadcast %scan3A_185 : i32 to vector<80x128xi32>
    %gt3A_191 = arith.cmpi ugt, %select_n3A_59, %gt3A_190 : vector<80x128xi32>
    %and3A_192 = arith.andi %and3A_179, %gt3A_191 : vector<80x128xi1>
    %convert_element_type3A_193 = arith.extui %and3A_192 : vector<80x128xi1> to vector<80x128xi32>
    %reduce_sum3A_194 = vector.shape_cast %convert_element_type3A_193 : vector<80x128xi32> to vector<1x80x128xi32>
    %reduce_sum3A_195 = arith.constant dense<0> : vector<1xi32>
    %reduce_sum3A_196 = vector.multi_reduction <add>, %reduce_sum3A_194, %reduce_sum3A_195 [1, 2] : vector<1x80x128xi32> to vector<1xi32>
    %reduce_sum3A_197 = vector.shape_cast %reduce_sum3A_196 : vector<1xi32> to vector<1x1x1xi32>
    %reduce_sum3A_198 = vector.extract %reduce_sum3A_197[0, 0, 0] : i32 from vector<1x1x1xi32>
    %convert_element_type3A_199 = arith.extui %and3A_189 : vector<80x128xi1> to vector<80x128xi32>
    %reduce_sum3A_200 = vector.shape_cast %convert_element_type3A_199 : vector<80x128xi32> to vector<1x80x128xi32>
    %reduce_sum3A_201 = arith.constant dense<0> : vector<1xi32>
    %reduce_sum3A_202 = vector.multi_reduction <add>, %reduce_sum3A_200, %reduce_sum3A_201 [1, 2] : vector<1x80x128xi32> to vector<1xi32>
    %reduce_sum3A_203 = vector.shape_cast %reduce_sum3A_202 : vector<1xi32> to vector<1x1x1xi32>
    %reduce_sum3A_204 = vector.extract %reduce_sum3A_203[0, 0, 0] : i32 from vector<1x1x1xi32>
    %add3A_205 = arith.addi %reduce_sum3A_198, %reduce_sum3A_204 : i32
    %eq3A_206 = arith.cmpi eq, %add3A_205, %sub3A_175 : i32
    %or3A_207 = arith.ori %or3A_170, %and3A_192 : vector<80x128xi1>
    %and3A_208 = vector.broadcast %eq3A_206 : i1 to vector<80x128xi1>
    %and3A_209 = arith.andi %and3A_189, %and3A_208 : vector<80x128xi1>
    %or3A_210 = arith.ori %or3A_207, %and3A_209 : vector<80x128xi1>
    %sub3A_211 = arith.subi %sub3A_175, %reduce_sum3A_198 : i32
    %sub3A_212 = arith.subi %add3A_205, %reduce_sum3A_198 : i32
    %jit3A_213 = arith.constant 0 : i32
    %select_n3A_214 = arith.select %eq3A_206, %sub3A_212, %jit3A_213 : i32
    %sub3A_215 = arith.subi %sub3A_211, %select_n3A_214 : i32
    %not3A_216 = arith.constant true
    %not3A_217 = arith.xori %eq3A_206, %not3A_216 : i1
    %and3A_218 = vector.broadcast %not3A_217 : i1 to vector<80x128xi1>
    %and3A_219 = arith.andi %and3A_189, %and3A_218 : vector<80x128xi1>
    %scan3A_220 = arith.constant 0 : i32
    %scan3A_221 = arith.constant 0 : i32
    %scan3A_222 = arith.constant 32 : i32
    %scan3A_223 = arith.addi %scan3A_221, %scan3A_222 : i32
    %scan3A_224 = arith.constant 1 : i32
    %scan3A_225 = scf.for %scan3A_255 = %scan3A_221 to %scan3A_223 step %scan3A_224 iter_args(%scan3A_256 = %scan3A_220) -> (i32)  : i32 {
      %sub3A_257 = arith.constant 31 : i32
      %sub3A_258 = arith.subi %sub3A_257, %scan3A_255 : i32
      %shift_left3A = arith.constant 1 : i32
      %shift_left3A_259 = arith.shli %shift_left3A, %sub3A_258 : i32
      %or3A_260 = arith.ori %scan3A_256, %shift_left3A_259 : i32
      %ge3A_261 = vector.broadcast %or3A_260 : i32 to vector<80x128xi32>
      %ge3A_262 = arith.cmpi uge, %not3A_64, %ge3A_261 : vector<80x128xi32>
      %and3A_263 = arith.andi %and3A_219, %ge3A_262 : vector<80x128xi1>
      %convert_element_type3A_264 = arith.extui %and3A_263 : vector<80x128xi1> to vector<80x128xi32>
      %reduce_sum3A_265 = vector.shape_cast %convert_element_type3A_264 : vector<80x128xi32> to vector<1x80x128xi32>
      %reduce_sum3A_266 = arith.constant dense<0> : vector<1xi32>
      %reduce_sum3A_267 = vector.multi_reduction <add>, %reduce_sum3A_265, %reduce_sum3A_266 [1, 2] : vector<1x80x128xi32> to vector<1xi32>
      %reduce_sum3A_268 = vector.shape_cast %reduce_sum3A_267 : vector<1xi32> to vector<1x1x1xi32>
      %reduce_sum3A_269 = vector.extract %reduce_sum3A_268[0, 0, 0] : i32 from vector<1x1x1xi32>
      %ge3A_270 = arith.cmpi sge, %reduce_sum3A_269, %sub3A_215 : i32
      %select_n3A_271 = arith.select %ge3A_270, %or3A_260, %scan3A_256 : i32
      scf.yield %select_n3A_271 : i32
    }
    %scan3A_226 = arith.constant 32 : i32
    %eq3A_227 = vector.broadcast %scan3A_225 : i32 to vector<80x128xi32>
    %eq3A_228 = arith.cmpi eq, %not3A_64, %eq3A_227 : vector<80x128xi32>
    %and3A_229 = arith.andi %and3A_219, %eq3A_228 : vector<80x128xi1>
    %gt3A_230 = vector.broadcast %scan3A_225 : i32 to vector<80x128xi32>
    %gt3A_231 = arith.cmpi ugt, %not3A_64, %gt3A_230 : vector<80x128xi32>
    %and3A_232 = arith.andi %and3A_219, %gt3A_231 : vector<80x128xi1>
    %convert_element_type3A_233 = arith.extui %and3A_232 : vector<80x128xi1> to vector<80x128xi32>
    %reduce_sum3A_234 = vector.shape_cast %convert_element_type3A_233 : vector<80x128xi32> to vector<1x80x128xi32>
    %reduce_sum3A_235 = arith.constant dense<0> : vector<1xi32>
    %reduce_sum3A_236 = vector.multi_reduction <add>, %reduce_sum3A_234, %reduce_sum3A_235 [1, 2] : vector<1x80x128xi32> to vector<1xi32>
    %reduce_sum3A_237 = vector.shape_cast %reduce_sum3A_236 : vector<1xi32> to vector<1x1x1xi32>
    %reduce_sum3A_238 = vector.extract %reduce_sum3A_237[0, 0, 0] : i32 from vector<1x1x1xi32>
    %convert_element_type3A_239 = arith.extui %and3A_229 : vector<80x128xi1> to vector<80x128xi32>
    %reduce_sum3A_240 = vector.shape_cast %convert_element_type3A_239 : vector<80x128xi32> to vector<1x80x128xi32>
    %reduce_sum3A_241 = arith.constant dense<0> : vector<1xi32>
    %reduce_sum3A_242 = vector.multi_reduction <add>, %reduce_sum3A_240, %reduce_sum3A_241 [1, 2] : vector<1x80x128xi32> to vector<1xi32>
    %reduce_sum3A_243 = vector.shape_cast %reduce_sum3A_242 : vector<1xi32> to vector<1x1x1xi32>
    %reduce_sum3A_244 = vector.extract %reduce_sum3A_243[0, 0, 0] : i32 from vector<1x1x1xi32>
    %add3A_245 = arith.addi %reduce_sum3A_238, %reduce_sum3A_244 : i32
    %eq3A_246 = arith.cmpi eq, %add3A_245, %sub3A_215 : i32
    %or3A_247 = arith.ori %or3A_210, %and3A_232 : vector<80x128xi1>
    %and3A_248 = vector.broadcast %eq3A_246 : i1 to vector<80x128xi1>
    %and3A_249 = arith.andi %and3A_229, %and3A_248 : vector<80x128xi1>
    %or3A_250 = arith.ori %or3A_247, %and3A_249 : vector<80x128xi1>
    %convert_element_type3A_251 = arith.extui %or3A_250 : vector<80x128xi1> to vector<80x128xi32>
    %convert_element_type3A_252 = arith.sitofp %convert_element_type3A_251 : vector<80x128xi32> to vector<80x128xf32>
    %swap3A = arith.constant 0 : index
    %swap3A_253 = arith.constant 0 : index
    %swap3A_254 = vector.load %arg2[%swap3A, %swap3A_253] : memref<80x128xf32, #tpu.memory_space<vmem>>, vector<80x128xf32>
    tpu.vector_store %arg2[%swap3A, %swap3A_253], %convert_element_type3A_252 {strides = array<i32>} : memref<80x128xf32, #tpu.memory_space<vmem>>, vector<80x128xf32>,
    return
  }
}

module attributes {stable_mosaic.version = 14 : i64} {
  func.func @_apply_body(%arg0: memref<10240x128xf32, #tpu.memory_space<vmem>>, %arg1: memref<10240x1xf32, #tpu.memory_space<vmem>>, %arg2: memref<10240x1xf32, #tpu.memory_space<vmem>>, %arg3: memref<10240x128xf32, #tpu.memory_space<vmem>>, %arg4: memref<8x256xf32, #tpu.memory_space<vmem>>) attributes {dimension_semantics = [], scalar_prefetch = 0 : i64, scratch_operands = 0 : i64, tpu.core_type = #tpu.core_type<tc>} {
    %get3A = arith.constant 0 : index
    %get3A_0 = arith.constant 0 : index
    %get3A_1 = vector.load %arg1[%get3A, %get3A_0] : memref<10240x1xf32, #tpu.memory_space<vmem>>, vector<10240x1xf32>
    %get3A_2 = arith.constant 0 : index
    %get3A_3 = arith.constant 0 : index
    %get3A_4 = vector.load %arg0[%get3A_2, %get3A_3] : memref<10240x128xf32, #tpu.memory_space<vmem>>, vector<10240x128xf32>
    %get3A_5 = arith.constant 0 : index
    %get3A_6 = arith.constant 0 : index
    %get3A_7 = vector.load %arg2[%get3A_5, %get3A_6] : memref<10240x1xf32, #tpu.memory_space<vmem>>, vector<10240x1xf32>
    %mul3A = arith.mulf %get3A_1, %get3A_7 : vector<10240x1xf32>
    %mul3A_8 = vector.broadcast %mul3A : vector<10240x1xf32> to vector<10240x128xf32>
    %mul3A_9 = arith.mulf %get3A_4, %mul3A_8 : vector<10240x128xf32>
    %swap3A = arith.constant 0 : index
    %swap3A_10 = arith.constant 0 : index
    %swap3A_11 = vector.load %arg3[%swap3A, %swap3A_10] : memref<10240x128xf32, #tpu.memory_space<vmem>>, vector<10240x128xf32>
    tpu.vector_store %arg3[%swap3A, %swap3A_10], %mul3A_9 {strides = array<i32>} : memref<10240x128xf32, #tpu.memory_space<vmem>>, vector<10240x128xf32>,
    %gt3A = arith.constant 0.000000e+00 : f32
    %gt3A_12 = vector.broadcast %gt3A : f32 to vector<10240x1xf32>
    %gt3A_13 = arith.cmpf ogt, %get3A_1, %gt3A_12 : vector<10240x1xf32>
    %jit3A = arith.constant 0xFF800000 : f32
    %broadcast_in_dim3A = vector.shape_cast %gt3A_13 : vector<10240x1xi1> to vector<10240x1xi1>
    %broadcast_in_dim3A_14 = vector.broadcast %broadcast_in_dim3A : vector<10240x1xi1> to vector<10240x128xi1>
    %broadcast_in_dim3A_15 = vector.broadcast %jit3A : f32 to vector<10240x128xf32>
    %select_n3A = arith.select %broadcast_in_dim3A_14, %mul3A_9, %broadcast_in_dim3A_15 : vector<10240x128xi1>, vector<10240x128xf32>
    %reduce_max3A = arith.constant dense<0xFF800000> : vector<128xf32>
    %reduce_max3A_16 = vector.multi_reduction <maximumf>, %select_n3A, %reduce_max3A [0] : vector<10240x128xf32> to vector<128xf32>
    %broadcast_in_dim3A_17 = vector.shape_cast %reduce_max3A_16 : vector<128xf32> to vector<1x128xf32>
    %reduce_sum3A = arith.constant dense<0.000000e+00> : vector<128xf32>
    %reduce_sum3A_18 = vector.multi_reduction <add>, %mul3A_9, %reduce_sum3A [0] : vector<10240x128xf32> to vector<128xf32>
    %broadcast_in_dim3A_19 = vector.shape_cast %reduce_sum3A_18 : vector<128xf32> to vector<1x128xf32>
    %div3A = arith.constant 6.250000e+02 : f32
    %div3A_20 = vector.broadcast %div3A : f32 to vector<1x128xf32>
    %div3A_21 = arith.divf %broadcast_in_dim3A_19, %div3A_20 : vector<1x128xf32>
    %broadcast_in_dim3A_22 = arith.constant 0.000000e+00 : f32
    %broadcast_in_dim3A_23 = vector.broadcast %broadcast_in_dim3A_22 : f32 to vector<8x256xf32>
    %swap3A_24 = arith.constant 0 : index
    %swap3A_25 = arith.constant 0 : index
    %swap3A_26 = vector.load %arg4[%swap3A_24, %swap3A_25] : memref<8x256xf32, #tpu.memory_space<vmem>>, vector<8x256xf32>
    tpu.vector_store %arg4[%swap3A_24, %swap3A_25], %broadcast_in_dim3A_23 {strides = array<i32>} : memref<8x256xf32, #tpu.memory_space<vmem>>, vector<8x256xf32>,
    %swap3A_27 = arith.constant 0 : index
    %swap3A_28 = arith.constant 0 : index
    %swap3A_29 = vector.load %arg4[%swap3A_27, %swap3A_28] : memref<8x256xf32, #tpu.memory_space<vmem>>, vector<1x128xf32>
    tpu.vector_store %arg4[%swap3A_27, %swap3A_28], %broadcast_in_dim3A_17 {strides = array<i32>} : memref<8x256xf32, #tpu.memory_space<vmem>>, vector<1x128xf32>,
    %swap3A_30 = arith.constant 0 : index
    %swap3A_31 = arith.constant 128 : index
    %swap3A_32 = vector.load %arg4[%swap3A_30, %swap3A_31] : memref<8x256xf32, #tpu.memory_space<vmem>>, vector<1x128xf32>
    tpu.vector_store %arg4[%swap3A_30, %swap3A_31], %div3A_21 {strides = array<i32>} : memref<8x256xf32, #tpu.memory_space<vmem>>, vector<1x128xf32>,
    return
  }
}

module attributes {stable_mosaic.version = 14 : i64} {
  func.func @_select_body(%arg0: memref<80x128xf32, #tpu.memory_space<vmem>>, %arg1: memref<5x80x128xf32, #tpu.memory_space<vmem>>, %arg2: memref<80x128xf32, #tpu.memory_space<vmem>>) attributes {dimension_semantics = [], scalar_prefetch = 0 : i64, scratch_operands = 0 : i64, tpu.core_type = #tpu.core_type<tc>} {
    %get3A = arith.constant 0 : index
    %get3A_0 = arith.constant 0 : index
    %get3A_1 = vector.load %arg0[%get3A, %get3A_0] : memref<80x128xf32, #tpu.memory_space<vmem>>, vector<80x128xf32>
    %ne3A = arith.constant 0.000000e+00 : f32
    %ne3A_2 = vector.broadcast %ne3A : f32 to vector<80x128xf32>
    %ne3A_3 = arith.cmpf one, %get3A_1, %ne3A_2 : vector<80x128xf32>
    %broadcast_in_dim3A = arith.constant false
    %broadcast_in_dim3A_4 = vector.broadcast %broadcast_in_dim3A : i1 to vector<80x128xi1>
    %get3A_5 = arith.constant 0 : index
    %get3A_6 = arith.constant 0 : index
    %get3A_7 = arith.constant 0 : index
    %get3A_8 = vector.load %arg1[%get3A_5, %get3A_6, %get3A_7] : memref<5x80x128xf32, #tpu.memory_space<vmem>>, vector<1x80x128xf32>
    %get3A_9 = vector.shape_cast %get3A_8 : vector<1x80x128xf32> to vector<80x128xf32>
    %bitcast_convert_type3A = tpu.bitcast %get3A_9 : vector<80x128xf32> -> vector<80x128xi32>
    %ge3A = arith.constant -2147483648 : i32
    %ge3A_10 = vector.broadcast %ge3A : i32 to vector<80x128xi32>
    %ge3A_11 = arith.cmpi uge, %bitcast_convert_type3A, %ge3A_10 : vector<80x128xi32>
    %not3A = arith.constant dense<-1> : vector<80x128xi32>
    %not3A_12 = arith.xori %bitcast_convert_type3A, %not3A : vector<80x128xi32>
    %or3A = arith.constant -2147483648 : i32
    %or3A_13 = vector.broadcast %or3A : i32 to vector<80x128xi32>
    %or3A_14 = arith.ori %bitcast_convert_type3A, %or3A_13 : vector<80x128xi32>
    %select_n3A = arith.select %ge3A_11, %not3A_12, %or3A_14 : vector<80x128xi1>, vector<80x128xi32>
    %get3A_15 = arith.constant 1 : index
    %get3A_16 = arith.constant 0 : index
    %get3A_17 = arith.constant 0 : index
    %get3A_18 = vector.load %arg1[%get3A_15, %get3A_16, %get3A_17] : memref<5x80x128xf32, #tpu.memory_space<vmem>>, vector<1x80x128xf32>
    %get3A_19 = vector.shape_cast %get3A_18 : vector<1x80x128xf32> to vector<80x128xf32>
    %bitcast_convert_type3A_20 = tpu.bitcast %get3A_19 : vector<80x128xf32> -> vector<80x128xi32>
    %ge3A_21 = arith.constant -2147483648 : i32
    %ge3A_22 = vector.broadcast %ge3A_21 : i32 to vector<80x128xi32>
    %ge3A_23 = arith.cmpi uge, %bitcast_convert_type3A_20, %ge3A_22 : vector<80x128xi32>
    %not3A_24 = arith.constant dense<-1> : vector<80x128xi32>
    %not3A_25 = arith.xori %bitcast_convert_type3A_20, %not3A_24 : vector<80x128xi32>
    %or3A_26 = arith.constant -2147483648 : i32
    %or3A_27 = vector.broadcast %or3A_26 : i32 to vector<80x128xi32>
    %or3A_28 = arith.ori %bitcast_convert_type3A_20, %or3A_27 : vector<80x128xi32>
    %select_n3A_29 = arith.select %ge3A_23, %not3A_25, %or3A_28 : vector<80x128xi1>, vector<80x128xi32>
    %get3A_30 = arith.constant 2 : index
    %get3A_31 = arith.constant 0 : index
    %get3A_32 = arith.constant 0 : index
    %get3A_33 = vector.load %arg1[%get3A_30, %get3A_31, %get3A_32] : memref<5x80x128xf32, #tpu.memory_space<vmem>>, vector<1x80x128xf32>
    %get3A_34 = vector.shape_cast %get3A_33 : vector<1x80x128xf32> to vector<80x128xf32>
    %bitcast_convert_type3A_35 = tpu.bitcast %get3A_34 : vector<80x128xf32> -> vector<80x128xi32>
    %ge3A_36 = arith.constant -2147483648 : i32
    %ge3A_37 = vector.broadcast %ge3A_36 : i32 to vector<80x128xi32>
    %ge3A_38 = arith.cmpi uge, %bitcast_convert_type3A_35, %ge3A_37 : vector<80x128xi32>
    %not3A_39 = arith.constant dense<-1> : vector<80x128xi32>
    %not3A_40 = arith.xori %bitcast_convert_type3A_35, %not3A_39 : vector<80x128xi32>
    %or3A_41 = arith.constant -2147483648 : i32
    %or3A_42 = vector.broadcast %or3A_41 : i32 to vector<80x128xi32>
    %or3A_43 = arith.ori %bitcast_convert_type3A_35, %or3A_42 : vector<80x128xi32>
    %select_n3A_44 = arith.select %ge3A_38, %not3A_40, %or3A_43 : vector<80x128xi1>, vector<80x128xi32>
    %get3A_45 = arith.constant 3 : index
    %get3A_46 = arith.constant 0 : index
    %get3A_47 = arith.constant 0 : index
    %get3A_48 = vector.load %arg1[%get3A_45, %get3A_46, %get3A_47] : memref<5x80x128xf32, #tpu.memory_space<vmem>>, vector<1x80x128xf32>
    %get3A_49 = vector.shape_cast %get3A_48 : vector<1x80x128xf32> to vector<80x128xf32>
    %bitcast_convert_type3A_50 = tpu.bitcast %get3A_49 : vector<80x128xf32> -> vector<80x128xi32>
    %ge3A_51 = arith.constant -2147483648 : i32
    %ge3A_52 = vector.broadcast %ge3A_51 : i32 to vector<80x128xi32>
    %ge3A_53 = arith.cmpi uge, %bitcast_convert_type3A_50, %ge3A_52 : vector<80x128xi32>
    %not3A_54 = arith.constant dense<-1> : vector<80x128xi32>
    %not3A_55 = arith.xori %bitcast_convert_type3A_50, %not3A_54 : vector<80x128xi32>
    %or3A_56 = arith.constant -2147483648 : i32
    %or3A_57 = vector.broadcast %or3A_56 : i32 to vector<80x128xi32>
    %or3A_58 = arith.ori %bitcast_convert_type3A_50, %or3A_57 : vector<80x128xi32>
    %select_n3A_59 = arith.select %ge3A_53, %not3A_55, %or3A_58 : vector<80x128xi1>, vector<80x128xi32>
    %get3A_60 = arith.constant 4 : index
    %get3A_61 = arith.constant 0 : index
    %get3A_62 = arith.constant 0 : index
    %get3A_63 = vector.load %arg1[%get3A_60, %get3A_61, %get3A_62] : memref<5x80x128xf32, #tpu.memory_space<vmem>>, vector<1x80x128xf32>
    %get3A_64 = vector.shape_cast %get3A_63 : vector<1x80x128xf32> to vector<80x128xf32>
    %bitcast_convert_type3A_65 = tpu.bitcast %get3A_64 : vector<80x128xf32> -> vector<80x128xi32>
    %ge3A_66 = arith.constant -2147483648 : i32
    %ge3A_67 = vector.broadcast %ge3A_66 : i32 to vector<80x128xi32>
    %ge3A_68 = arith.cmpi uge, %bitcast_convert_type3A_65, %ge3A_67 : vector<80x128xi32>
    %not3A_69 = arith.constant dense<-1> : vector<80x128xi32>
    %not3A_70 = arith.xori %bitcast_convert_type3A_65, %not3A_69 : vector<80x128xi32>
    %or3A_71 = arith.constant -2147483648 : i32
    %or3A_72 = vector.broadcast %or3A_71 : i32 to vector<80x128xi32>
    %or3A_73 = arith.ori %bitcast_convert_type3A_65, %or3A_72 : vector<80x128xi32>
    %select_n3A_74 = arith.select %ge3A_68, %not3A_70, %or3A_73 : vector<80x128xi1>, vector<80x128xi32>
    %iota3A = tpu.iota {dimensions = array<i32: 0>} : vector<80x128xi32>
    %iota3A_75 = tpu.iota {dimensions = array<i32: 1>} : vector<80x128xi32>
    %mul3A = arith.constant 128 : i32
    %mul3A_76 = vector.broadcast %mul3A : i32 to vector<80x128xi32>
    %mul3A_77 = arith.muli %iota3A, %mul3A_76 : vector<80x128xi32>
    %add3A = arith.addi %mul3A_77, %iota3A_75 : vector<80x128xi32>
    %not3A_78 = arith.constant dense<-1> : vector<80x128xi32>
    %not3A_79 = arith.xori %add3A, %not3A_78 : vector<80x128xi32>
    %scan3A = arith.constant 313 : i32
    %scan3A_80 = arith.constant 0 : i32
    %scan3A_81 = arith.constant 0 : i32
    %scan3A_82 = arith.constant 32 : i32
    %scan3A_83 = arith.addi %scan3A_81, %scan3A_82 : i32
    %scan3A_84 = arith.constant 1 : i32
    %scan3A_85 = scf.for %scan3A_310 = %scan3A_81 to %scan3A_83 step %scan3A_84 iter_args(%scan3A_311 = %scan3A_80) -> (i32)  : i32 {
      %sub3A_312 = arith.constant 31 : i32
      %sub3A_313 = arith.subi %sub3A_312, %scan3A_310 : i32
      %shift_left3A = arith.constant 1 : i32
      %shift_left3A_314 = arith.shli %shift_left3A, %sub3A_313 : i32
      %or3A_315 = arith.ori %scan3A_311, %shift_left3A_314 : i32
      %ge3A_316 = vector.broadcast %or3A_315 : i32 to vector<80x128xi32>
      %ge3A_317 = arith.cmpi uge, %select_n3A, %ge3A_316 : vector<80x128xi32>
      %and3A_318 = arith.andi %ne3A_3, %ge3A_317 : vector<80x128xi1>
      %convert_element_type3A_319 = arith.extui %and3A_318 : vector<80x128xi1> to vector<80x128xi32>
      %reduce_sum3A_320 = vector.shape_cast %convert_element_type3A_319 : vector<80x128xi32> to vector<1x80x128xi32>
      %reduce_sum3A_321 = arith.constant dense<0> : vector<1xi32>
      %reduce_sum3A_322 = vector.multi_reduction <add>, %reduce_sum3A_320, %reduce_sum3A_321 [1, 2] : vector<1x80x128xi32> to vector<1xi32>
      %reduce_sum3A_323 = vector.shape_cast %reduce_sum3A_322 : vector<1xi32> to vector<1x1x1xi32>
      %reduce_sum3A_324 = vector.extract %reduce_sum3A_323[0, 0, 0] : i32 from vector<1x1x1xi32>
      %ge3A_325 = arith.cmpi sge, %reduce_sum3A_324, %scan3A : i32
      %select_n3A_326 = arith.select %ge3A_325, %or3A_315, %scan3A_311 : i32
      scf.yield %select_n3A_326 : i32
    }
    %scan3A_86 = arith.constant 32 : i32
    %eq3A = vector.broadcast %scan3A_85 : i32 to vector<80x128xi32>
    %eq3A_87 = arith.cmpi eq, %select_n3A, %eq3A : vector<80x128xi32>
    %and3A = arith.andi %ne3A_3, %eq3A_87 : vector<80x128xi1>
    %gt3A = vector.broadcast %scan3A_85 : i32 to vector<80x128xi32>
    %gt3A_88 = arith.cmpi ugt, %select_n3A, %gt3A : vector<80x128xi32>
    %and3A_89 = arith.andi %ne3A_3, %gt3A_88 : vector<80x128xi1>
    %convert_element_type3A = arith.extui %and3A_89 : vector<80x128xi1> to vector<80x128xi32>
    %reduce_sum3A = vector.shape_cast %convert_element_type3A : vector<80x128xi32> to vector<1x80x128xi32>
    %reduce_sum3A_90 = arith.constant dense<0> : vector<1xi32>
    %reduce_sum3A_91 = vector.multi_reduction <add>, %reduce_sum3A, %reduce_sum3A_90 [1, 2] : vector<1x80x128xi32> to vector<1xi32>
    %reduce_sum3A_92 = vector.shape_cast %reduce_sum3A_91 : vector<1xi32> to vector<1x1x1xi32>
    %reduce_sum3A_93 = vector.extract %reduce_sum3A_92[0, 0, 0] : i32 from vector<1x1x1xi32>
    %convert_element_type3A_94 = arith.extui %and3A : vector<80x128xi1> to vector<80x128xi32>
    %reduce_sum3A_95 = vector.shape_cast %convert_element_type3A_94 : vector<80x128xi32> to vector<1x80x128xi32>
    %reduce_sum3A_96 = arith.constant dense<0> : vector<1xi32>
    %reduce_sum3A_97 = vector.multi_reduction <add>, %reduce_sum3A_95, %reduce_sum3A_96 [1, 2] : vector<1x80x128xi32> to vector<1xi32>
    %reduce_sum3A_98 = vector.shape_cast %reduce_sum3A_97 : vector<1xi32> to vector<1x1x1xi32>
    %reduce_sum3A_99 = vector.extract %reduce_sum3A_98[0, 0, 0] : i32 from vector<1x1x1xi32>
    %add3A_100 = arith.addi %reduce_sum3A_93, %reduce_sum3A_99 : i32
    %eq3A_101 = arith.constant 313 : i32
    %eq3A_102 = arith.cmpi eq, %add3A_100, %eq3A_101 : i32
    %or3A_103 = arith.ori %broadcast_in_dim3A_4, %and3A_89 : vector<80x128xi1>
    %and3A_104 = vector.broadcast %eq3A_102 : i1 to vector<80x128xi1>
    %and3A_105 = arith.andi %and3A, %and3A_104 : vector<80x128xi1>
    %or3A_106 = arith.ori %or3A_103, %and3A_105 : vector<80x128xi1>
    %sub3A = arith.constant 313 : i32
    %sub3A_107 = arith.subi %sub3A, %reduce_sum3A_93 : i32
    %sub3A_108 = arith.subi %add3A_100, %reduce_sum3A_93 : i32
    %jit3A = arith.constant 0 : i32
    %select_n3A_109 = arith.select %eq3A_102, %sub3A_108, %jit3A : i32
    %sub3A_110 = arith.subi %sub3A_107, %select_n3A_109 : i32
    %not3A_111 = arith.constant true
    %not3A_112 = arith.xori %eq3A_102, %not3A_111 : i1
    %and3A_113 = vector.broadcast %not3A_112 : i1 to vector<80x128xi1>
    %and3A_114 = arith.andi %and3A, %and3A_113 : vector<80x128xi1>
    %scan3A_115 = arith.constant 0 : i32
    %scan3A_116 = arith.constant 0 : i32
    %scan3A_117 = arith.constant 32 : i32
    %scan3A_118 = arith.addi %scan3A_116, %scan3A_117 : i32
    %scan3A_119 = arith.constant 1 : i32
    %scan3A_120 = scf.for %scan3A_310 = %scan3A_116 to %scan3A_118 step %scan3A_119 iter_args(%scan3A_311 = %scan3A_115) -> (i32)  : i32 {
      %sub3A_312 = arith.constant 31 : i32
      %sub3A_313 = arith.subi %sub3A_312, %scan3A_310 : i32
      %shift_left3A = arith.constant 1 : i32
      %shift_left3A_314 = arith.shli %shift_left3A, %sub3A_313 : i32
      %or3A_315 = arith.ori %scan3A_311, %shift_left3A_314 : i32
      %ge3A_316 = vector.broadcast %or3A_315 : i32 to vector<80x128xi32>
      %ge3A_317 = arith.cmpi uge, %select_n3A_29, %ge3A_316 : vector<80x128xi32>
      %and3A_318 = arith.andi %and3A_114, %ge3A_317 : vector<80x128xi1>
      %convert_element_type3A_319 = arith.extui %and3A_318 : vector<80x128xi1> to vector<80x128xi32>
      %reduce_sum3A_320 = vector.shape_cast %convert_element_type3A_319 : vector<80x128xi32> to vector<1x80x128xi32>
      %reduce_sum3A_321 = arith.constant dense<0> : vector<1xi32>
      %reduce_sum3A_322 = vector.multi_reduction <add>, %reduce_sum3A_320, %reduce_sum3A_321 [1, 2] : vector<1x80x128xi32> to vector<1xi32>
      %reduce_sum3A_323 = vector.shape_cast %reduce_sum3A_322 : vector<1xi32> to vector<1x1x1xi32>
      %reduce_sum3A_324 = vector.extract %reduce_sum3A_323[0, 0, 0] : i32 from vector<1x1x1xi32>
      %ge3A_325 = arith.cmpi sge, %reduce_sum3A_324, %sub3A_110 : i32
      %select_n3A_326 = arith.select %ge3A_325, %or3A_315, %scan3A_311 : i32
      scf.yield %select_n3A_326 : i32
    }
    %scan3A_121 = arith.constant 32 : i32
    %eq3A_122 = vector.broadcast %scan3A_120 : i32 to vector<80x128xi32>
    %eq3A_123 = arith.cmpi eq, %select_n3A_29, %eq3A_122 : vector<80x128xi32>
    %and3A_124 = arith.andi %and3A_114, %eq3A_123 : vector<80x128xi1>
    %gt3A_125 = vector.broadcast %scan3A_120 : i32 to vector<80x128xi32>
    %gt3A_126 = arith.cmpi ugt, %select_n3A_29, %gt3A_125 : vector<80x128xi32>
    %and3A_127 = arith.andi %and3A_114, %gt3A_126 : vector<80x128xi1>
    %convert_element_type3A_128 = arith.extui %and3A_127 : vector<80x128xi1> to vector<80x128xi32>
    %reduce_sum3A_129 = vector.shape_cast %convert_element_type3A_128 : vector<80x128xi32> to vector<1x80x128xi32>
    %reduce_sum3A_130 = arith.constant dense<0> : vector<1xi32>
    %reduce_sum3A_131 = vector.multi_reduction <add>, %reduce_sum3A_129, %reduce_sum3A_130 [1, 2] : vector<1x80x128xi32> to vector<1xi32>
    %reduce_sum3A_132 = vector.shape_cast %reduce_sum3A_131 : vector<1xi32> to vector<1x1x1xi32>
    %reduce_sum3A_133 = vector.extract %reduce_sum3A_132[0, 0, 0] : i32 from vector<1x1x1xi32>
    %convert_element_type3A_134 = arith.extui %and3A_124 : vector<80x128xi1> to vector<80x128xi32>
    %reduce_sum3A_135 = vector.shape_cast %convert_element_type3A_134 : vector<80x128xi32> to vector<1x80x128xi32>
    %reduce_sum3A_136 = arith.constant dense<0> : vector<1xi32>
    %reduce_sum3A_137 = vector.multi_reduction <add>, %reduce_sum3A_135, %reduce_sum3A_136 [1, 2] : vector<1x80x128xi32> to vector<1xi32>
    %reduce_sum3A_138 = vector.shape_cast %reduce_sum3A_137 : vector<1xi32> to vector<1x1x1xi32>
    %reduce_sum3A_139 = vector.extract %reduce_sum3A_138[0, 0, 0] : i32 from vector<1x1x1xi32>
    %add3A_140 = arith.addi %reduce_sum3A_133, %reduce_sum3A_139 : i32
    %eq3A_141 = arith.cmpi eq, %add3A_140, %sub3A_110 : i32
    %or3A_142 = arith.ori %or3A_106, %and3A_127 : vector<80x128xi1>
    %and3A_143 = vector.broadcast %eq3A_141 : i1 to vector<80x128xi1>
    %and3A_144 = arith.andi %and3A_124, %and3A_143 : vector<80x128xi1>
    %or3A_145 = arith.ori %or3A_142, %and3A_144 : vector<80x128xi1>
    %sub3A_146 = arith.subi %sub3A_110, %reduce_sum3A_133 : i32
    %sub3A_147 = arith.subi %add3A_140, %reduce_sum3A_133 : i32
    %jit3A_148 = arith.constant 0 : i32
    %select_n3A_149 = arith.select %eq3A_141, %sub3A_147, %jit3A_148 : i32
    %sub3A_150 = arith.subi %sub3A_146, %select_n3A_149 : i32
    %not3A_151 = arith.constant true
    %not3A_152 = arith.xori %eq3A_141, %not3A_151 : i1
    %and3A_153 = vector.broadcast %not3A_152 : i1 to vector<80x128xi1>
    %and3A_154 = arith.andi %and3A_124, %and3A_153 : vector<80x128xi1>
    %scan3A_155 = arith.constant 0 : i32
    %scan3A_156 = arith.constant 0 : i32
    %scan3A_157 = arith.constant 32 : i32
    %scan3A_158 = arith.addi %scan3A_156, %scan3A_157 : i32
    %scan3A_159 = arith.constant 1 : i32
    %scan3A_160 = scf.for %scan3A_310 = %scan3A_156 to %scan3A_158 step %scan3A_159 iter_args(%scan3A_311 = %scan3A_155) -> (i32)  : i32 {
      %sub3A_312 = arith.constant 31 : i32
      %sub3A_313 = arith.subi %sub3A_312, %scan3A_310 : i32
      %shift_left3A = arith.constant 1 : i32
      %shift_left3A_314 = arith.shli %shift_left3A, %sub3A_313 : i32
      %or3A_315 = arith.ori %scan3A_311, %shift_left3A_314 : i32
      %ge3A_316 = vector.broadcast %or3A_315 : i32 to vector<80x128xi32>
      %ge3A_317 = arith.cmpi uge, %select_n3A_44, %ge3A_316 : vector<80x128xi32>
      %and3A_318 = arith.andi %and3A_154, %ge3A_317 : vector<80x128xi1>
      %convert_element_type3A_319 = arith.extui %and3A_318 : vector<80x128xi1> to vector<80x128xi32>
      %reduce_sum3A_320 = vector.shape_cast %convert_element_type3A_319 : vector<80x128xi32> to vector<1x80x128xi32>
      %reduce_sum3A_321 = arith.constant dense<0> : vector<1xi32>
      %reduce_sum3A_322 = vector.multi_reduction <add>, %reduce_sum3A_320, %reduce_sum3A_321 [1, 2] : vector<1x80x128xi32> to vector<1xi32>
      %reduce_sum3A_323 = vector.shape_cast %reduce_sum3A_322 : vector<1xi32> to vector<1x1x1xi32>
      %reduce_sum3A_324 = vector.extract %reduce_sum3A_323[0, 0, 0] : i32 from vector<1x1x1xi32>
      %ge3A_325 = arith.cmpi sge, %reduce_sum3A_324, %sub3A_150 : i32
      %select_n3A_326 = arith.select %ge3A_325, %or3A_315, %scan3A_311 : i32
      scf.yield %select_n3A_326 : i32
    }
    %scan3A_161 = arith.constant 32 : i32
    %eq3A_162 = vector.broadcast %scan3A_160 : i32 to vector<80x128xi32>
    %eq3A_163 = arith.cmpi eq, %select_n3A_44, %eq3A_162 : vector<80x128xi32>
    %and3A_164 = arith.andi %and3A_154, %eq3A_163 : vector<80x128xi1>
    %gt3A_165 = vector.broadcast %scan3A_160 : i32 to vector<80x128xi32>
    %gt3A_166 = arith.cmpi ugt, %select_n3A_44, %gt3A_165 : vector<80x128xi32>
    %and3A_167 = arith.andi %and3A_154, %gt3A_166 : vector<80x128xi1>
    %convert_element_type3A_168 = arith.extui %and3A_167 : vector<80x128xi1> to vector<80x128xi32>
    %reduce_sum3A_169 = vector.shape_cast %convert_element_type3A_168 : vector<80x128xi32> to vector<1x80x128xi32>
    %reduce_sum3A_170 = arith.constant dense<0> : vector<1xi32>
    %reduce_sum3A_171 = vector.multi_reduction <add>, %reduce_sum3A_169, %reduce_sum3A_170 [1, 2] : vector<1x80x128xi32> to vector<1xi32>
    %reduce_sum3A_172 = vector.shape_cast %reduce_sum3A_171 : vector<1xi32> to vector<1x1x1xi32>
    %reduce_sum3A_173 = vector.extract %reduce_sum3A_172[0, 0, 0] : i32 from vector<1x1x1xi32>
    %convert_element_type3A_174 = arith.extui %and3A_164 : vector<80x128xi1> to vector<80x128xi32>
    %reduce_sum3A_175 = vector.shape_cast %convert_element_type3A_174 : vector<80x128xi32> to vector<1x80x128xi32>
    %reduce_sum3A_176 = arith.constant dense<0> : vector<1xi32>
    %reduce_sum3A_177 = vector.multi_reduction <add>, %reduce_sum3A_175, %reduce_sum3A_176 [1, 2] : vector<1x80x128xi32> to vector<1xi32>
    %reduce_sum3A_178 = vector.shape_cast %reduce_sum3A_177 : vector<1xi32> to vector<1x1x1xi32>
    %reduce_sum3A_179 = vector.extract %reduce_sum3A_178[0, 0, 0] : i32 from vector<1x1x1xi32>
    %add3A_180 = arith.addi %reduce_sum3A_173, %reduce_sum3A_179 : i32
    %eq3A_181 = arith.cmpi eq, %add3A_180, %sub3A_150 : i32
    %or3A_182 = arith.ori %or3A_145, %and3A_167 : vector<80x128xi1>
    %and3A_183 = vector.broadcast %eq3A_181 : i1 to vector<80x128xi1>
    %and3A_184 = arith.andi %and3A_164, %and3A_183 : vector<80x128xi1>
    %or3A_185 = arith.ori %or3A_182, %and3A_184 : vector<80x128xi1>
    %sub3A_186 = arith.subi %sub3A_150, %reduce_sum3A_173 : i32
    %sub3A_187 = arith.subi %add3A_180, %reduce_sum3A_173 : i32
    %jit3A_188 = arith.constant 0 : i32
    %select_n3A_189 = arith.select %eq3A_181, %sub3A_187, %jit3A_188 : i32
    %sub3A_190 = arith.subi %sub3A_186, %select_n3A_189 : i32
    %not3A_191 = arith.constant true
    %not3A_192 = arith.xori %eq3A_181, %not3A_191 : i1
    %and3A_193 = vector.broadcast %not3A_192 : i1 to vector<80x128xi1>
    %and3A_194 = arith.andi %and3A_164, %and3A_193 : vector<80x128xi1>
    %scan3A_195 = arith.constant 0 : i32
    %scan3A_196 = arith.constant 0 : i32
    %scan3A_197 = arith.constant 32 : i32
    %scan3A_198 = arith.addi %scan3A_196, %scan3A_197 : i32
    %scan3A_199 = arith.constant 1 : i32
    %scan3A_200 = scf.for %scan3A_310 = %scan3A_196 to %scan3A_198 step %scan3A_199 iter_args(%scan3A_311 = %scan3A_195) -> (i32)  : i32 {
      %sub3A_312 = arith.constant 31 : i32
      %sub3A_313 = arith.subi %sub3A_312, %scan3A_310 : i32
      %shift_left3A = arith.constant 1 : i32
      %shift_left3A_314 = arith.shli %shift_left3A, %sub3A_313 : i32
      %or3A_315 = arith.ori %scan3A_311, %shift_left3A_314 : i32
      %ge3A_316 = vector.broadcast %or3A_315 : i32 to vector<80x128xi32>
      %ge3A_317 = arith.cmpi uge, %select_n3A_59, %ge3A_316 : vector<80x128xi32>
      %and3A_318 = arith.andi %and3A_194, %ge3A_317 : vector<80x128xi1>
      %convert_element_type3A_319 = arith.extui %and3A_318 : vector<80x128xi1> to vector<80x128xi32>
      %reduce_sum3A_320 = vector.shape_cast %convert_element_type3A_319 : vector<80x128xi32> to vector<1x80x128xi32>
      %reduce_sum3A_321 = arith.constant dense<0> : vector<1xi32>
      %reduce_sum3A_322 = vector.multi_reduction <add>, %reduce_sum3A_320, %reduce_sum3A_321 [1, 2] : vector<1x80x128xi32> to vector<1xi32>
      %reduce_sum3A_323 = vector.shape_cast %reduce_sum3A_322 : vector<1xi32> to vector<1x1x1xi32>
      %reduce_sum3A_324 = vector.extract %reduce_sum3A_323[0, 0, 0] : i32 from vector<1x1x1xi32>
      %ge3A_325 = arith.cmpi sge, %reduce_sum3A_324, %sub3A_190 : i32
      %select_n3A_326 = arith.select %ge3A_325, %or3A_315, %scan3A_311 : i32
      scf.yield %select_n3A_326 : i32
    }
    %scan3A_201 = arith.constant 32 : i32
    %eq3A_202 = vector.broadcast %scan3A_200 : i32 to vector<80x128xi32>
    %eq3A_203 = arith.cmpi eq, %select_n3A_59, %eq3A_202 : vector<80x128xi32>
    %and3A_204 = arith.andi %and3A_194, %eq3A_203 : vector<80x128xi1>
    %gt3A_205 = vector.broadcast %scan3A_200 : i32 to vector<80x128xi32>
    %gt3A_206 = arith.cmpi ugt, %select_n3A_59, %gt3A_205 : vector<80x128xi32>
    %and3A_207 = arith.andi %and3A_194, %gt3A_206 : vector<80x128xi1>
    %convert_element_type3A_208 = arith.extui %and3A_207 : vector<80x128xi1> to vector<80x128xi32>
    %reduce_sum3A_209 = vector.shape_cast %convert_element_type3A_208 : vector<80x128xi32> to vector<1x80x128xi32>
    %reduce_sum3A_210 = arith.constant dense<0> : vector<1xi32>
    %reduce_sum3A_211 = vector.multi_reduction <add>, %reduce_sum3A_209, %reduce_sum3A_210 [1, 2] : vector<1x80x128xi32> to vector<1xi32>
    %reduce_sum3A_212 = vector.shape_cast %reduce_sum3A_211 : vector<1xi32> to vector<1x1x1xi32>
    %reduce_sum3A_213 = vector.extract %reduce_sum3A_212[0, 0, 0] : i32 from vector<1x1x1xi32>
    %convert_element_type3A_214 = arith.extui %and3A_204 : vector<80x128xi1> to vector<80x128xi32>
    %reduce_sum3A_215 = vector.shape_cast %convert_element_type3A_214 : vector<80x128xi32> to vector<1x80x128xi32>
    %reduce_sum3A_216 = arith.constant dense<0> : vector<1xi32>
    %reduce_sum3A_217 = vector.multi_reduction <add>, %reduce_sum3A_215, %reduce_sum3A_216 [1, 2] : vector<1x80x128xi32> to vector<1xi32>
    %reduce_sum3A_218 = vector.shape_cast %reduce_sum3A_217 : vector<1xi32> to vector<1x1x1xi32>
    %reduce_sum3A_219 = vector.extract %reduce_sum3A_218[0, 0, 0] : i32 from vector<1x1x1xi32>
    %add3A_220 = arith.addi %reduce_sum3A_213, %reduce_sum3A_219 : i32
    %eq3A_221 = arith.cmpi eq, %add3A_220, %sub3A_190 : i32
    %or3A_222 = arith.ori %or3A_185, %and3A_207 : vector<80x128xi1>
    %and3A_223 = vector.broadcast %eq3A_221 : i1 to vector<80x128xi1>
    %and3A_224 = arith.andi %and3A_204, %and3A_223 : vector<80x128xi1>
    %or3A_225 = arith.ori %or3A_222, %and3A_224 : vector<80x128xi1>
    %sub3A_226 = arith.subi %sub3A_190, %reduce_sum3A_213 : i32
    %sub3A_227 = arith.subi %add3A_220, %reduce_sum3A_213 : i32
    %jit3A_228 = arith.constant 0 : i32
    %select_n3A_229 = arith.select %eq3A_221, %sub3A_227, %jit3A_228 : i32
    %sub3A_230 = arith.subi %sub3A_226, %select_n3A_229 : i32
    %not3A_231 = arith.constant true
    %not3A_232 = arith.xori %eq3A_221, %not3A_231 : i1
    %and3A_233 = vector.broadcast %not3A_232 : i1 to vector<80x128xi1>
    %and3A_234 = arith.andi %and3A_204, %and3A_233 : vector<80x128xi1>
    %scan3A_235 = arith.constant 0 : i32
    %scan3A_236 = arith.constant 0 : i32
    %scan3A_237 = arith.constant 32 : i32
    %scan3A_238 = arith.addi %scan3A_236, %scan3A_237 : i32
    %scan3A_239 = arith.constant 1 : i32
    %scan3A_240 = scf.for %scan3A_310 = %scan3A_236 to %scan3A_238 step %scan3A_239 iter_args(%scan3A_311 = %scan3A_235) -> (i32)  : i32 {
      %sub3A_312 = arith.constant 31 : i32
      %sub3A_313 = arith.subi %sub3A_312, %scan3A_310 : i32
      %shift_left3A = arith.constant 1 : i32
      %shift_left3A_314 = arith.shli %shift_left3A, %sub3A_313 : i32
      %or3A_315 = arith.ori %scan3A_311, %shift_left3A_314 : i32
      %ge3A_316 = vector.broadcast %or3A_315 : i32 to vector<80x128xi32>
      %ge3A_317 = arith.cmpi uge, %select_n3A_74, %ge3A_316 : vector<80x128xi32>
      %and3A_318 = arith.andi %and3A_234, %ge3A_317 : vector<80x128xi1>
      %convert_element_type3A_319 = arith.extui %and3A_318 : vector<80x128xi1> to vector<80x128xi32>
      %reduce_sum3A_320 = vector.shape_cast %convert_element_type3A_319 : vector<80x128xi32> to vector<1x80x128xi32>
      %reduce_sum3A_321 = arith.constant dense<0> : vector<1xi32>
      %reduce_sum3A_322 = vector.multi_reduction <add>, %reduce_sum3A_320, %reduce_sum3A_321 [1, 2] : vector<1x80x128xi32> to vector<1xi32>
      %reduce_sum3A_323 = vector.shape_cast %reduce_sum3A_322 : vector<1xi32> to vector<1x1x1xi32>
      %reduce_sum3A_324 = vector.extract %reduce_sum3A_323[0, 0, 0] : i32 from vector<1x1x1xi32>
      %ge3A_325 = arith.cmpi sge, %reduce_sum3A_324, %sub3A_230 : i32
      %select_n3A_326 = arith.select %ge3A_325, %or3A_315, %scan3A_311 : i32
      scf.yield %select_n3A_326 : i32
    }
    %scan3A_241 = arith.constant 32 : i32
    %eq3A_242 = vector.broadcast %scan3A_240 : i32 to vector<80x128xi32>
    %eq3A_243 = arith.cmpi eq, %select_n3A_74, %eq3A_242 : vector<80x128xi32>
    %and3A_244 = arith.andi %and3A_234, %eq3A_243 : vector<80x128xi1>
    %gt3A_245 = vector.broadcast %scan3A_240 : i32 to vector<80x128xi32>
    %gt3A_246 = arith.cmpi ugt, %select_n3A_74, %gt3A_245 : vector<80x128xi32>
    %and3A_247 = arith.andi %and3A_234, %gt3A_246 : vector<80x128xi1>
    %convert_element_type3A_248 = arith.extui %and3A_247 : vector<80x128xi1> to vector<80x128xi32>
    %reduce_sum3A_249 = vector.shape_cast %convert_element_type3A_248 : vector<80x128xi32> to vector<1x80x128xi32>
    %reduce_sum3A_250 = arith.constant dense<0> : vector<1xi32>
    %reduce_sum3A_251 = vector.multi_reduction <add>, %reduce_sum3A_249, %reduce_sum3A_250 [1, 2] : vector<1x80x128xi32> to vector<1xi32>
    %reduce_sum3A_252 = vector.shape_cast %reduce_sum3A_251 : vector<1xi32> to vector<1x1x1xi32>
    %reduce_sum3A_253 = vector.extract %reduce_sum3A_252[0, 0, 0] : i32 from vector<1x1x1xi32>
    %convert_element_type3A_254 = arith.extui %and3A_244 : vector<80x128xi1> to vector<80x128xi32>
    %reduce_sum3A_255 = vector.shape_cast %convert_element_type3A_254 : vector<80x128xi32> to vector<1x80x128xi32>
    %reduce_sum3A_256 = arith.constant dense<0> : vector<1xi32>
    %reduce_sum3A_257 = vector.multi_reduction <add>, %reduce_sum3A_255, %reduce_sum3A_256 [1, 2] : vector<1x80x128xi32> to vector<1xi32>
    %reduce_sum3A_258 = vector.shape_cast %reduce_sum3A_257 : vector<1xi32> to vector<1x1x1xi32>
    %reduce_sum3A_259 = vector.extract %reduce_sum3A_258[0, 0, 0] : i32 from vector<1x1x1xi32>
    %add3A_260 = arith.addi %reduce_sum3A_253, %reduce_sum3A_259 : i32
    %eq3A_261 = arith.cmpi eq, %add3A_260, %sub3A_230 : i32
    %or3A_262 = arith.ori %or3A_225, %and3A_247 : vector<80x128xi1>
    %and3A_263 = vector.broadcast %eq3A_261 : i1 to vector<80x128xi1>
    %and3A_264 = arith.andi %and3A_244, %and3A_263 : vector<80x128xi1>
    %or3A_265 = arith.ori %or3A_262, %and3A_264 : vector<80x128xi1>
    %sub3A_266 = arith.subi %sub3A_230, %reduce_sum3A_253 : i32
    %sub3A_267 = arith.subi %add3A_260, %reduce_sum3A_253 : i32
    %jit3A_268 = arith.constant 0 : i32
    %select_n3A_269 = arith.select %eq3A_261, %sub3A_267, %jit3A_268 : i32
    %sub3A_270 = arith.subi %sub3A_266, %select_n3A_269 : i32
    %not3A_271 = arith.constant true
    %not3A_272 = arith.xori %eq3A_261, %not3A_271 : i1
    %and3A_273 = vector.broadcast %not3A_272 : i1 to vector<80x128xi1>
    %and3A_274 = arith.andi %and3A_244, %and3A_273 : vector<80x128xi1>
    %scan3A_275 = arith.constant 0 : i32
    %scan3A_276 = arith.constant 0 : i32
    %scan3A_277 = arith.constant 32 : i32
    %scan3A_278 = arith.addi %scan3A_276, %scan3A_277 : i32
    %scan3A_279 = arith.constant 1 : i32
    %scan3A_280 = scf.for %scan3A_310 = %scan3A_276 to %scan3A_278 step %scan3A_279 iter_args(%scan3A_311 = %scan3A_275) -> (i32)  : i32 {
      %sub3A_312 = arith.constant 31 : i32
      %sub3A_313 = arith.subi %sub3A_312, %scan3A_310 : i32
      %shift_left3A = arith.constant 1 : i32
      %shift_left3A_314 = arith.shli %shift_left3A, %sub3A_313 : i32
      %or3A_315 = arith.ori %scan3A_311, %shift_left3A_314 : i32
      %ge3A_316 = vector.broadcast %or3A_315 : i32 to vector<80x128xi32>
      %ge3A_317 = arith.cmpi uge, %not3A_79, %ge3A_316 : vector<80x128xi32>
      %and3A_318 = arith.andi %and3A_274, %ge3A_317 : vector<80x128xi1>
      %convert_element_type3A_319 = arith.extui %and3A_318 : vector<80x128xi1> to vector<80x128xi32>
      %reduce_sum3A_320 = vector.shape_cast %convert_element_type3A_319 : vector<80x128xi32> to vector<1x80x128xi32>
      %reduce_sum3A_321 = arith.constant dense<0> : vector<1xi32>
      %reduce_sum3A_322 = vector.multi_reduction <add>, %reduce_sum3A_320, %reduce_sum3A_321 [1, 2] : vector<1x80x128xi32> to vector<1xi32>
      %reduce_sum3A_323 = vector.shape_cast %reduce_sum3A_322 : vector<1xi32> to vector<1x1x1xi32>
      %reduce_sum3A_324 = vector.extract %reduce_sum3A_323[0, 0, 0] : i32 from vector<1x1x1xi32>
      %ge3A_325 = arith.cmpi sge, %reduce_sum3A_324, %sub3A_270 : i32
      %select_n3A_326 = arith.select %ge3A_325, %or3A_315, %scan3A_311 : i32
      scf.yield %select_n3A_326 : i32
    }
    %scan3A_281 = arith.constant 32 : i32
    %eq3A_282 = vector.broadcast %scan3A_280 : i32 to vector<80x128xi32>
    %eq3A_283 = arith.cmpi eq, %not3A_79, %eq3A_282 : vector<80x128xi32>
    %and3A_284 = arith.andi %and3A_274, %eq3A_283 : vector<80x128xi1>
    %gt3A_285 = vector.broadcast %scan3A_280 : i32 to vector<80x128xi32>
    %gt3A_286 = arith.cmpi ugt, %not3A_79, %gt3A_285 : vector<80x128xi32>
    %and3A_287 = arith.andi %and3A_274, %gt3A_286 : vector<80x128xi1>
    %convert_element_type3A_288 = arith.extui %and3A_287 : vector<80x128xi1> to vector<80x128xi32>
    %reduce_sum3A_289 = vector.shape_cast %convert_element_type3A_288 : vector<80x128xi32> to vector<1x80x128xi32>
    %reduce_sum3A_290 = arith.constant dense<0> : vector<1xi32>
    %reduce_sum3A_291 = vector.multi_reduction <add>, %reduce_sum3A_289, %reduce_sum3A_290 [1, 2] : vector<1x80x128xi32> to vector<1xi32>
    %reduce_sum3A_292 = vector.shape_cast %reduce_sum3A_291 : vector<1xi32> to vector<1x1x1xi32>
    %reduce_sum3A_293 = vector.extract %reduce_sum3A_292[0, 0, 0] : i32 from vector<1x1x1xi32>
    %convert_element_type3A_294 = arith.extui %and3A_284 : vector<80x128xi1> to vector<80x128xi32>
    %reduce_sum3A_295 = vector.shape_cast %convert_element_type3A_294 : vector<80x128xi32> to vector<1x80x128xi32>
    %reduce_sum3A_296 = arith.constant dense<0> : vector<1xi32>
    %reduce_sum3A_297 = vector.multi_reduction <add>, %reduce_sum3A_295, %reduce_sum3A_296 [1, 2] : vector<1x80x128xi32> to vector<1xi32>
    %reduce_sum3A_298 = vector.shape_cast %reduce_sum3A_297 : vector<1xi32> to vector<1x1x1xi32>
    %reduce_sum3A_299 = vector.extract %reduce_sum3A_298[0, 0, 0] : i32 from vector<1x1x1xi32>
    %add3A_300 = arith.addi %reduce_sum3A_293, %reduce_sum3A_299 : i32
    %eq3A_301 = arith.cmpi eq, %add3A_300, %sub3A_270 : i32
    %or3A_302 = arith.ori %or3A_265, %and3A_287 : vector<80x128xi1>
    %and3A_303 = vector.broadcast %eq3A_301 : i1 to vector<80x128xi1>
    %and3A_304 = arith.andi %and3A_284, %and3A_303 : vector<80x128xi1>
    %or3A_305 = arith.ori %or3A_302, %and3A_304 : vector<80x128xi1>
    %convert_element_type3A_306 = arith.extui %or3A_305 : vector<80x128xi1> to vector<80x128xi32>
    %convert_element_type3A_307 = arith.sitofp %convert_element_type3A_306 : vector<80x128xi32> to vector<80x128xf32>
    %swap3A = arith.constant 0 : index
    %swap3A_308 = arith.constant 0 : index
    %swap3A_309 = vector.load %arg2[%swap3A, %swap3A_308] : memref<80x128xf32, #tpu.memory_space<vmem>>, vector<80x128xf32>
    tpu.vector_store %arg2[%swap3A, %swap3A_308], %convert_element_type3A_307 {strides = array<i32>} : memref<80x128xf32, #tpu.memory_space<vmem>>, vector<80x128xf32>,
    return
  }
}

module attributes {stable_mosaic.version = 14 : i64} {
  func.func @_apply_body(%arg0: memref<10240x128xf32, #tpu.memory_space<vmem>>, %arg1: memref<10240x1xf32, #tpu.memory_space<vmem>>, %arg2: memref<10240x1xf32, #tpu.memory_space<vmem>>, %arg3: memref<10240x128xf32, #tpu.memory_space<vmem>>, %arg4: memref<8x256xf32, #tpu.memory_space<vmem>>) attributes {dimension_semantics = [], scalar_prefetch = 0 : i64, scratch_operands = 0 : i64, tpu.core_type = #tpu.core_type<tc>} {
    %get3A = arith.constant 0 : index
    %get3A_0 = arith.constant 0 : index
    %get3A_1 = vector.load %arg1[%get3A, %get3A_0] : memref<10240x1xf32, #tpu.memory_space<vmem>>, vector<10240x1xf32>
    %get3A_2 = arith.constant 0 : index
    %get3A_3 = arith.constant 0 : index
    %get3A_4 = vector.load %arg0[%get3A_2, %get3A_3] : memref<10240x128xf32, #tpu.memory_space<vmem>>, vector<10240x128xf32>
    %get3A_5 = arith.constant 0 : index
    %get3A_6 = arith.constant 0 : index
    %get3A_7 = vector.load %arg2[%get3A_5, %get3A_6] : memref<10240x1xf32, #tpu.memory_space<vmem>>, vector<10240x1xf32>
    %mul3A = arith.mulf %get3A_1, %get3A_7 : vector<10240x1xf32>
    %mul3A_8 = vector.broadcast %mul3A : vector<10240x1xf32> to vector<10240x128xf32>
    %mul3A_9 = arith.mulf %get3A_4, %mul3A_8 : vector<10240x128xf32>
    %swap3A = arith.constant 0 : index
    %swap3A_10 = arith.constant 0 : index
    %swap3A_11 = vector.load %arg3[%swap3A, %swap3A_10] : memref<10240x128xf32, #tpu.memory_space<vmem>>, vector<10240x128xf32>
    tpu.vector_store %arg3[%swap3A, %swap3A_10], %mul3A_9 {strides = array<i32>} : memref<10240x128xf32, #tpu.memory_space<vmem>>, vector<10240x128xf32>,
    %gt3A = arith.constant 0.000000e+00 : f32
    %gt3A_12 = vector.broadcast %gt3A : f32 to vector<10240x1xf32>
    %gt3A_13 = arith.cmpf ogt, %get3A_1, %gt3A_12 : vector<10240x1xf32>
    %jit3A = arith.constant 0xFF800000 : f32
    %broadcast_in_dim3A = vector.shape_cast %gt3A_13 : vector<10240x1xi1> to vector<10240x1xi1>
    %broadcast_in_dim3A_14 = vector.broadcast %broadcast_in_dim3A : vector<10240x1xi1> to vector<10240x128xi1>
    %broadcast_in_dim3A_15 = vector.broadcast %jit3A : f32 to vector<10240x128xf32>
    %select_n3A = arith.select %broadcast_in_dim3A_14, %mul3A_9, %broadcast_in_dim3A_15 : vector<10240x128xi1>, vector<10240x128xf32>
    %reduce_max3A = arith.constant dense<0xFF800000> : vector<128xf32>
    %reduce_max3A_16 = vector.multi_reduction <maximumf>, %select_n3A, %reduce_max3A [0] : vector<10240x128xf32> to vector<128xf32>
    %broadcast_in_dim3A_17 = vector.shape_cast %reduce_max3A_16 : vector<128xf32> to vector<1x128xf32>
    %reduce_sum3A = arith.constant dense<0.000000e+00> : vector<128xf32>
    %reduce_sum3A_18 = vector.multi_reduction <add>, %mul3A_9, %reduce_sum3A [0] : vector<10240x128xf32> to vector<128xf32>
    %broadcast_in_dim3A_19 = vector.shape_cast %reduce_sum3A_18 : vector<128xf32> to vector<1x128xf32>
    %div3A = arith.constant 3.130000e+02 : f32
    %div3A_20 = vector.broadcast %div3A : f32 to vector<1x128xf32>
    %div3A_21 = arith.divf %broadcast_in_dim3A_19, %div3A_20 : vector<1x128xf32>
    %broadcast_in_dim3A_22 = arith.constant 0.000000e+00 : f32
    %broadcast_in_dim3A_23 = vector.broadcast %broadcast_in_dim3A_22 : f32 to vector<8x256xf32>
    %swap3A_24 = arith.constant 0 : index
    %swap3A_25 = arith.constant 0 : index
    %swap3A_26 = vector.load %arg4[%swap3A_24, %swap3A_25] : memref<8x256xf32, #tpu.memory_space<vmem>>, vector<8x256xf32>
    tpu.vector_store %arg4[%swap3A_24, %swap3A_25], %broadcast_in_dim3A_23 {strides = array<i32>} : memref<8x256xf32, #tpu.memory_space<vmem>>, vector<8x256xf32>,
    %swap3A_27 = arith.constant 0 : index
    %swap3A_28 = arith.constant 0 : index
    %swap3A_29 = vector.load %arg4[%swap3A_27, %swap3A_28] : memref<8x256xf32, #tpu.memory_space<vmem>>, vector<1x128xf32>
    tpu.vector_store %arg4[%swap3A_27, %swap3A_28], %broadcast_in_dim3A_17 {strides = array<i32>} : memref<8x256xf32, #tpu.memory_space<vmem>>, vector<1x128xf32>,
    %swap3A_30 = arith.constant 0 : index
    %swap3A_31 = arith.constant 128 : index
    %swap3A_32 = vector.load %arg4[%swap3A_30, %swap3A_31] : memref<8x256xf32, #tpu.memory_space<vmem>>, vector<1x128xf32>
    tpu.vector_store %arg4[%swap3A_30, %swap3A_31], %div3A_21 {strides = array<i32>} : memref<8x256xf32, #tpu.memory_space<vmem>>, vector<1x128xf32>,
    return
  }
}

module attributes {stable_mosaic.version = 14 : i64} {
  func.func @_head_body(%arg0: memref<8x256xf32, #tpu.memory_space<vmem>>, %arg1: memref<8x256xf32, #tpu.memory_space<vmem>>, %arg2: memref<8x256xf32, #tpu.memory_space<vmem>>, %arg3: memref<8x256xf32, #tpu.memory_space<vmem>>, %arg4: memref<8x256xf32, #tpu.memory_space<vmem>>, %arg5: memref<128x256xf32, #tpu.memory_space<vmem>>, %arg6: memref<1x128xf32, #tpu.memory_space<vmem>>, %arg7: memref<64x128xf32, #tpu.memory_space<vmem>>, %arg8: memref<1x64xf32, #tpu.memory_space<vmem>>, %arg9: memref<10x64xf32, #tpu.memory_space<vmem>>, %arg10: memref<1x10xf32, #tpu.memory_space<vmem>>, %arg11: memref<1x10xf32, #tpu.memory_space<vmem>>) attributes {dimension_semantics = [], scalar_prefetch = 0 : i64, scratch_operands = 0 : i64, tpu.core_type = #tpu.core_type<tc>} {
    %get3A = arith.constant 0 : index
    %get3A_0 = arith.constant 0 : index
    %get3A_1 = vector.load %arg0[%get3A, %get3A_0] : memref<8x256xf32, #tpu.memory_space<vmem>>, vector<8x256xf32>
    %get3A_2 = arith.constant 0 : index
    %get3A_3 = arith.constant 0 : index
    %get3A_4 = vector.load %arg1[%get3A_2, %get3A_3] : memref<8x256xf32, #tpu.memory_space<vmem>>, vector<8x256xf32>
    %add3A = arith.addf %get3A_1, %get3A_4 : vector<8x256xf32>
    %get3A_5 = arith.constant 0 : index
    %get3A_6 = arith.constant 0 : index
    %get3A_7 = vector.load %arg2[%get3A_5, %get3A_6] : memref<8x256xf32, #tpu.memory_space<vmem>>, vector<8x256xf32>
    %add3A_8 = arith.addf %add3A, %get3A_7 : vector<8x256xf32>
    %get3A_9 = arith.constant 0 : index
    %get3A_10 = arith.constant 0 : index
    %get3A_11 = vector.load %arg3[%get3A_9, %get3A_10] : memref<8x256xf32, #tpu.memory_space<vmem>>, vector<8x256xf32>
    %add3A_12 = arith.addf %add3A_8, %get3A_11 : vector<8x256xf32>
    %get3A_13 = arith.constant 0 : index
    %get3A_14 = arith.constant 0 : index
    %get3A_15 = vector.load %arg4[%get3A_13, %get3A_14] : memref<8x256xf32, #tpu.memory_space<vmem>>, vector<8x256xf32>
    %add3A_16 = arith.addf %add3A_12, %get3A_15 : vector<8x256xf32>
    %get3A_17 = arith.constant 0 : index
    %get3A_18 = arith.constant 0 : index
    %get3A_19 = vector.load %arg5[%get3A_17, %get3A_18] : memref<128x256xf32, #tpu.memory_space<vmem>>, vector<128x256xf32>
    %dot_general3A = arith.constant dense<0.000000e+00> : vector<8x128xf32>
    %dot_general3A_20 = tpu.matmul %add3A_16, %get3A_19, %dot_general3A {dimension_numbers = #tpu.dot_dimension_numbers<[1], [1], [0], [0], [0, 0, 1, 0], [], []>, transpose_lhs_hint = false} : vector<8x256xf32>, vector<128x256xf32>, vector<8x128xf32> -> vector<8x128xf32>
    %get3A_21 = arith.constant 0 : index
    %get3A_22 = arith.constant 0 : index
    %get3A_23 = vector.load %arg6[%get3A_21, %get3A_22] : memref<1x128xf32, #tpu.memory_space<vmem>>, vector<1x128xf32>
    %add3A_24 = vector.broadcast %get3A_23 : vector<1x128xf32> to vector<8x128xf32>
    %add3A_25 = arith.addf %dot_general3A_20, %add3A_24 : vector<8x128xf32>
    %max3A = arith.constant 0.000000e+00 : f32
    %max3A_26 = vector.broadcast %max3A : f32 to vector<8x128xf32>
    %max3A_27 = arith.maximumf %add3A_25, %max3A_26 : vector<8x128xf32>
    %get3A_28 = arith.constant 0 : index
    %get3A_29 = arith.constant 0 : index
    %get3A_30 = vector.load %arg7[%get3A_28, %get3A_29] : memref<64x128xf32, #tpu.memory_space<vmem>>, vector<64x128xf32>
    %dot_general3A_31 = arith.constant dense<0.000000e+00> : vector<8x64xf32>
    %dot_general3A_32 = tpu.matmul %max3A_27, %get3A_30, %dot_general3A_31 {dimension_numbers = #tpu.dot_dimension_numbers<[1], [1], [0], [0], [0, 0, 1, 0], [], []>, transpose_lhs_hint = false} : vector<8x128xf32>, vector<64x128xf32>, vector<8x64xf32> -> vector<8x64xf32>
    %get3A_33 = arith.constant 0 : index
    %get3A_34 = arith.constant 0 : index
    %get3A_35 = vector.load %arg8[%get3A_33, %get3A_34] : memref<1x64xf32, #tpu.memory_space<vmem>>, vector<1x64xf32>
    %add3A_36 = vector.broadcast %get3A_35 : vector<1x64xf32> to vector<8x64xf32>
    %add3A_37 = arith.addf %dot_general3A_32, %add3A_36 : vector<8x64xf32>
    %max3A_38 = arith.constant 0.000000e+00 : f32
    %max3A_39 = vector.broadcast %max3A_38 : f32 to vector<8x64xf32>
    %max3A_40 = arith.maximumf %add3A_37, %max3A_39 : vector<8x64xf32>
    %get3A_41 = arith.constant 0 : index
    %get3A_42 = arith.constant 0 : index
    %get3A_43 = vector.load %arg9[%get3A_41, %get3A_42] : memref<10x64xf32, #tpu.memory_space<vmem>>, vector<10x64xf32>
    %dot_general3A_44 = arith.constant dense<0.000000e+00> : vector<8x10xf32>
    %dot_general3A_45 = tpu.matmul %max3A_40, %get3A_43, %dot_general3A_44 {dimension_numbers = #tpu.dot_dimension_numbers<[1], [1], [0], [0], [0, 0, 1, 0], [], []>, transpose_lhs_hint = false} : vector<8x64xf32>, vector<10x64xf32>, vector<8x10xf32> -> vector<8x10xf32>
    %get3A_46 = arith.constant 0 : index
    %get3A_47 = arith.constant 0 : index
    %get3A_48 = vector.load %arg10[%get3A_46, %get3A_47] : memref<1x10xf32, #tpu.memory_space<vmem>>, vector<1x10xf32>
    %add3A_49 = vector.broadcast %get3A_48 : vector<1x10xf32> to vector<8x10xf32>
    %add3A_50 = arith.addf %dot_general3A_45, %add3A_49 : vector<8x10xf32>
    %reduce_max3A = arith.constant dense<0xFF800000> : vector<8xf32>
    %reduce_max3A_51 = vector.multi_reduction <maximumf>, %add3A_50, %reduce_max3A [1] : vector<8x10xf32> to vector<8xf32>
    %broadcast_in_dim3A = vector.shape_cast %reduce_max3A_51 : vector<8xf32> to vector<8x1xf32>
    %sub3A = vector.broadcast %broadcast_in_dim3A : vector<8x1xf32> to vector<8x10xf32>
    %sub3A_52 = arith.subf %add3A_50, %sub3A : vector<8x10xf32>
    %exp3A = math.exp %sub3A_52 : vector<8x10xf32>
    %reduce_sum3A = arith.constant dense<0.000000e+00> : vector<8xf32>
    %reduce_sum3A_53 = vector.multi_reduction <add>, %exp3A, %reduce_sum3A [1] : vector<8x10xf32> to vector<8xf32>
    %broadcast_in_dim3A_54 = vector.shape_cast %reduce_sum3A_53 : vector<8xf32> to vector<8x1xf32>
    %log3A = math.log %broadcast_in_dim3A_54 : vector<8x1xf32>
    %sub3A_55 = vector.broadcast %broadcast_in_dim3A : vector<8x1xf32> to vector<8x10xf32>
    %sub3A_56 = arith.subf %add3A_50, %sub3A_55 : vector<8x10xf32>
    %sub3A_57 = vector.broadcast %log3A : vector<8x1xf32> to vector<8x10xf32>
    %sub3A_58 = arith.subf %sub3A_56, %sub3A_57 : vector<8x10xf32>
    %slice3A = vector.extract_strided_slice %sub3A_58 {offsets = [0, 0], sizes = [1, 10], strides = [1, 1]} : vector<8x10xf32> to vector<1x10xf32>
    %swap3A = arith.constant 0 : index
    %swap3A_59 = arith.constant 0 : index
    %swap3A_60 = vector.load %arg11[%swap3A, %swap3A_59] : memref<1x10xf32, #tpu.memory_space<vmem>>, vector<1x10xf32>
    tpu.vector_store %arg11[%swap3A, %swap3A_59], %slice3A {strides = array<i32>} : memref<1x10xf32, #tpu.memory_space<vmem>>, vector<1x10xf32>,
    return
  }
}

</mosaic_0001>

<sc_bundles>
// kernel: gather_offload_async_start.1
scs
__scs_entry_jumppad:
0x0: {  	(pc) =	sbr.rel $0x88, $3  }
0x1: {  	(tag) =	ssettag $0x0;
	lr =	simm.s32 $0x1  }
0x2: {  	[smem:$0x3F7B] =	sst lr;
	_ =	strace $0xD0000000  }
0x3: {  	_ = 	snop  }
0x4: {  	_ = 	snop  }
0x5: {  	_ = 	snop  }
0x6: {  	_ = 	snop  }
0x7: {  	_ = 	snop  }
__scs_overlays_trampoline_lowered:
0x8: {  	[smem:$0x3F8A] =	sst s0  }
0x9: {  	[smem:$0x3F8B] =	sst s1  }
0xa: {  	[smem:$0x3F8C] =	sst s2  }
0xb: {  	[smem:$0x3F8D] =	sst s3  }
0xc: {  	[smem:$0x3F8E] =	sst s4  }
0xd: {  	[smem:$0x3F8F] =	sst s5  }
0xe: {  	[smem:$0x3F90] =	sst s6  }
0xf: {  	[smem:$0x3F91] =	sst s7  }
0x10: {  	[smem:$0x3F92] =	sst s8  }
0x11: {  	[smem:$0x3F93] =	sst s9;
	s0 =	simm.s32 @!p0 $0x0  }
0x12: {  	s1 =	sld [smem:$0x3F79];
	s0 =	simm.s32 @p0 $0x1  }
0x13: {  	[smem:$0x3F94] =	sst s0;
	s0 =	simm.s32 @!p1 $0x0  }
0x14: {  	s2 =	sld [smem:$0x3F78];
	s0 =	simm.s32 @p1 $0x1  }
0x15: {  	[smem:$0x3F95] =	sst s0;
	s0 =	simm.s32 @!p2 $0x0  }
0x16: {  	s3 =	sld [smem:$0x3FDB];
	s0 =	simm.s32 @p2 $0x1  }
0x17: {  	s4 =	simm.s32 $0x1BF5;
	[smem:$0x3F97] =	sst s0  }
0x18: {  	s0 =	sld [smem:$0x3F7A];
	_ =	swait.ge [sflag:s4], $0x0  }
0x19: {  	s7 =	sld [smem:$0x3F7B]  }
0x1a: {  	s8 =	sadd.s32 $0xFFFFE003, lr  }
0x1b: {  	s9 =	sadd.s32 $0xFFFFFEF7, lr;
	s5 =	simm.s32 $0xFFFFFFFF;
	p2 =	slt.u32 s8, $0xFFFFF086  }
0x1c: {  	p1 =	slt.u32 s9, $0xF7A;
	s5 =	simm.s32 @!p2 $0x0  }
0x1d: {  	s5 =	simm.s32 @p1 $0x1;
	p0 =	seq.s32 s7, s2  }
0x1e: {  	s7 =	smul.u32 @!p0 $0xF7A, s2;
	p2 =	seq.s32 @!p0 s5, $0x0  }
0x1f: {  	s9 =	smul.u32 $0xF7A, s1;
	s8 =	simm.s32 @!p0 $0x1BF5;
	p2 =	por !p2, p0  }
0x20: {  	[sflag:s8] =	ssyncset.s32 @!p0 $0xFFFFF086;
	s6 =	sadd.s32 @!p0 s3, s7;
	s7 =	simm.s32 @!p0 $0x108  }
0x21: {  	s3 =	sadd.s32 s3, s9;
	s6 =	sadd.s32 @!p0 $0x88, s6;
	s7 =	simm.s32 @p2 $0x1082  }
0x22: {  	[simem:s7], [sflag:s8] =	dma.local @!p0 [hbm:s6], $0xF7A  }
0x23: {  	s9 =	sor.u32 $0xD0000000, s2;
	s6 =	simm.s32 $0x108;
	_ =	swait.ge @!p0 [sflag:s8], $0x0  }
0x24: {  	s3 =	sadd.s32 $0x88, s3;
	s6 =	simm.s32 @!p1 $0x1082;
	[sflag:s4] =	ssyncset.s32 $0xFFFFF086  }
0x25: {  	[simem:s6], [sflag:s4] =	dma.local [hbm:s3], $0xF7A  }
0x26: {  	[smem:$0x3F7B] =	sst s1;
	(tag) =	ssettag s2;
	_ =	strace s9  }
0x27: {  	s1 =	sld [smem:$0x3F8B]  }
0x28: {  	s2 =	sld [smem:$0x3F8C]  }
0x29: {  	s4 =	sld [smem:$0x3F8E]  }
0x2a: {  	p0 =	seq.s32 s5, $0x0;
	s5 =	sld [smem:$0x3F8F]  }
0x2b: {  	s6 =	sld [smem:$0x3F90]  }
0x2c: {  	s7 =	sld [smem:$0x3F91]  }
0x2d: {  	s3 =	simm.s32 $0x108;
	s8 =	sld [smem:$0x3F92]  }
0x2e: {  	s3 =	simm.s32 @!p0 $0x1082;
	s9 =	sld [smem:$0x3F93]  }
0x2f: {  	lr =	sadd.s32 s0, s3;
	s0 =	sld [smem:$0x3F8A]  }
0x30: {  	s3 =	sld [smem:$0x3F8D]  }
0x31: {  	[smem:$0x3F96] =	sst s10  }
0x32: {  	s10 =	sld [smem:$0x3F94];
	_ =	sdelay $0x3  }
0x33: {  	p0 =	seq.s32 s10, $0x1;
	s10 =	sld [smem:$0x3F96];
	_ =	sdelay $0x3  }
0x34: {  	[smem:$0x3F96] =	sst s10  }
0x35: {  	s10 =	sld [smem:$0x3F95];
	_ =	sdelay $0x3  }
0x36: {  	p1 =	seq.s32 s10, $0x1;
	s10 =	sld [smem:$0x3F96];
	_ =	sdelay $0x3  }
0x37: {  	[smem:$0x3F96] =	sst s10  }
0x38: {  	s10 =	sld [smem:$0x3F97]  }
0x39: {  	_ = 	snop;
	(pc) =	sbr.ind lr, $3  }
0x3a: {  	_ = 	snop  }
0x3b: {  	_ = 	snop  }
0x3c: {  	p2 =	seq.s32 s10, $0x1;
	s10 =	sld [smem:$0x3F96]  }
0x3d: {  	_ =	shalt  }
0x3e: {  	_ =	shalt  }
0x3f: {  	_ =	shalt  }
0x40: {  	_ =	shalt  }
0x41: {  	_ =	shalt  }
0x42: {  	_ =	shalt  }
0x43: {  	_ =	shalt  }
0x44: {  	_ =	shalt  }
0x45: {  	_ =	shalt  }
0x46: {  	_ =	shalt  }
0x47: {  	_ =	shalt  }
0x48: {  	_ =	shalt  }
0x49: {  	_ =	shalt  }
0x4a: {  	_ =	shalt  }
0x4b: {  	_ =	shalt  }
0x4c: {  	_ =	shalt  }
0x4d: {  	_ =	shalt  }
0x4e: {  	_ =	shalt  }
0x4f: {  	_ =	shalt  }
0x50: {  	_ =	shalt  }
0x51: {  	_ =	shalt  }
0x52: {  	_ =	shalt  }
0x53: {  	_ =	shalt  }
0x54: {  	_ =	shalt  }
0x55: {  	_ =	shalt  }
0x56: {  	_ =	shalt  }
0x57: {  	_ =	shalt  }
0x58: {  	_ =	shalt  }
0x59: {  	_ =	shalt  }
0x5a: {  	_ =	shalt  }
0x5b: {  	_ =	shalt  }
0x5c: {  	_ =	shalt  }
0x5d: {  	_ =	shalt  }
0x5e: {  	_ =	shalt  }
0x5f: {  	_ =	shalt  }
0x60: {  	_ =	shalt  }
0x61: {  	_ =	shalt  }
0x62: {  	_ =	shalt  }
0x63: {  	_ =	shalt  }
0x64: {  	_ =	shalt  }
0x65: {  	_ =	shalt  }
0x66: {  	_ =	shalt  }
0x67: {  	_ =	shalt  }
0x68: {  	_ =	shalt  }
0x69: {  	_ =	shalt  }
0x6a: {  	_ =	shalt  }
0x6b: {  	_ =	shalt  }
0x6c: {  	_ =	shalt  }
0x6d: {  	_ =	shalt  }
0x6e: {  	_ =	shalt  }
0x6f: {  	_ =	shalt  }
0x70: {  	_ =	shalt  }
0x71: {  	_ =	shalt  }
0x72: {  	_ =	shalt  }
0x73: {  	_ =	shalt  }
0x74: {  	_ =	shalt  }
0x75: {  	_ =	shalt  }
0x76: {  	_ =	shalt  }
0x77: {  	_ =	shalt  }
0x78: {  	_ =	shalt  }
0x79: {  	_ =	shalt  }
0x7a: {  	_ =	shalt  }
0x7b: {  	_ =	shalt  }
0x7c: {  	_ =	shalt  }
0x7d: {  	_ =	shalt  }
0x7e: {  	_ =	shalt  }
0x7f: {  	_ =	shalt  }
0x80: {  	_ =	shalt  }
0x81: {  	_ =	shalt  }
0x82: {  	_ =	shalt  }
0x83: {  	_ =	shalt  }
0x84: {  	_ =	shalt  }
0x85: {  	_ =	shalt  }
0x86: {  	_ =	shalt  }
0x87: {  	_ =	shalt  }
.Lfunc_end0:
.L_simem_size_0:
called_computation.1_lowered:
.L_overlay_start_0:
0x88: {  	s2 =	sld [smem:$0x3FD9]  }
0x89: {  	s3 =	sld [smem:$0x3FFE];
	_ =	sdelay $0x1  }
0x8a: {  	s1 =	srdreg.scid  }
0x8b: {  	s0 =	sand.u32 $0x1, s1  }
0x8c: {  	s16 =	sshll.u32 s0, $0xA;
	s2 =	sadd.s32 s3, s2  }
0x8d: {  	s2 =	sadd.s32 s2, s16  }
0x8e: {  	[smem:$0x3FA2] =	sst s2  }
0x8f: {  	_ = 	snop  }
0x90: {  	(tm) =	ssettm $0x1  }
0x91: {  	s17 =	sld [smem:$0x3FFB];
	_ =	sdelay $0x3  }
0x92: {  	_ =	strace s17  }
0x93: {  	s2 =	sld [smem:$0x3FFC];
	_ =	sdelay $0x3  }
0x94: {  	_ =	strace s2  }
0x95: {  	s2 =	sld [smem:$0x3FFD];
	_ =	sdelay $0x3  }
0x96: {  	_ =	strace s2  }
0x97: {  	_ =	strace $0x8FFFFFFF  }
0x98: {  	s18 =	sld [smem:$0x3FDB];
	_ =	sdelay $0x1  }
0x99: {  	s19 =	simm.s32 $_scs_section_size  }
0x9a: {  	s4 =	simm.s32 $_size__tile_overlayer_lowered;
	s5 =	simm.s32 $_tile_overlayer_lowered  }
0x9b: {  	s22 =	simm.s32 $0x1BFF;
	s21 =	sshll.u32 s5, $0x1;
	s2 =	sadd.s32 s19, s18  }
0x9c: {  	s6 =	simm.s32 $0x0;
	s20 =	sshll.u32 s4, $0x1;
	s4 =	sadd.s32 s21, s2  }
0x9d: {  	[timem:s6], [sflag:s22] =	dma.local [hbm:s4], s20  }
0x9e: {  	_ =	swait.ge [sflag:s22], s20  }
0x9f: {  	s3 =	ssub.s32 $0x0, s20;
	[sflag:s22] =	ssyncset.done $0x0  }
0xa0: {  	[sflag:s22] =	ssyncadd.s32 s3;
	_ =	sdelay $0x1  }
0xa1: {  	s23 =	simm.s32 $0x1B8B  }
0xa2: {  	_ =	swait.ge [sflag:s23], $0x1  }
0xa3: {  	[sflag:s23] =	ssyncset.done $0x0  }
0xa4: {  	s25 =	simm.s32 $0x1B8E;
	s24 =	sld [smem:$0x3FFE];
	[sflag:s23] =	ssyncadd.s32 $0xFFFFFFFF  }
0xa5: {  	s26 =	simm.s32 $execute0_lowered;
	[smem:$0x3FD2] =	sst s25  }
0xa6: {  	s4 =	sshll.u32 s26, $0x1;
	_ =	strace $0x80000046;
	[dreg:$0x1] =	wrdreg $0xFFFFFFFF  }
0xa7: {  	s28 =	simm.s32 $_size_execute0_lowered;
	s2 =	sadd.s32 s2, s4;
	[dreg:$0x0] =	wrdreg $0x0  }
0xa8: {  	s4 =	sshll.u32 s28, $0x1;
	[dreg:$0x2] =	wrdreg s2  }
0xa9: {  	[dreg:$0x3] =	wrdreg s4  }
0xaa: {  	[dreg:$0x4] =	wrdreg $0xC0  }
0xab: {  	_ =	task [dreg:s6], $0x5FFFF  }
0xac: {  	[dreg:$0x1] =	wrdreg $0xFFFFFFFF  }
0xad: {  	[dreg:$0x0] =	wrdreg $0x60  }
0xae: {  	[dreg:$0x2] =	wrdreg s24  }
0xaf: {  	[dreg:$0x3] =	wrdreg $0x9  }
0xb0: {  	_ =	task.clear_ibuf [dreg:s6], $0x4FFFF;
	_ =	strace $0x90000046  }
0xb1: {  	s29 =	simm.s32 $0x9;
	_ =	strace $0x80000048  }
0xb2: {  	_ =	swait.ge [sflag:s29], $0x1  }
0xb3: {  	[sflag:s29] =	ssyncadd.s32 $0xFFFFFFFF  }
0xb4: {  	_ =	strace $0x90000048  }
0xb5: {  	_ =	sfence  }
0xb6: {  	s30 =	sld [smem:$0x0];
	_ =	sdelay $0x2  }
0xb7: {  	s31 =	sshll.u32 s1, $0xD;
	s1 =	sshrl.u32 s1, $0x2  }
0xb8: {  	s3 =	sand.u32 $0x4000, s31;
	s1 =	sadd.s32 s1, s30  }
0xb9: {  	s0 =	sor.u32 s3, s0;
	s1 =	sshll.u32 s1, $0x11  }
0xba: {  	s0 =	sor.u32 s1, s0  }
0xbb: {  	s0 =	sadd.s32 $0x8F2B, s0  }
0xbc: {  	[sflag:s0] =	ssyncadd.remote.s32 $0x1  }
0xbd: {  	_ =	sfence.sel $0xFFFF  }
0xbe: {  	[dreg:$0x0] =	wrdreg $0xFFFFFFFF;
	(pc) =	sbr.abs _section_cstart, $3  }
0xbf: {  	[dreg:$0x1] =	wrdreg $0xFFFFFFFF  }
0xc0: {  	_ =	task.clear_ibuf [dreg:s6], $0x2FFFF;
	_ =	strace $0x9FFFFFFF  }
0xc1: {  	(tm) =	ssettm $0x7FFFFFFF  }
tec
execute0_lowered:
.L_overlay_start_1:
0x0: {  	(tag) =	ssettag $0x1  }
0x1: {  	s8 =	rddreg [dreg:$0x0]  }
0x2: {  	s0 =	rddreg [dreg:$0x1];
	_ =	strace $0x80000047;
	s1 =	stileid.u32  }
0x3: {  	s3 =	srdreg.scid;
	s4 =	simm.s32 $0x1;
	s7 =	simm.s32 $0x1  }
0x4: {  	s9 =	simm.s32 $0x1;
	s10 =	simm.s32 $0x3;
	s13 =	simm.s32 $0x0  }
0x5: {  	s12 =	simm.s32 $0x0;
	s5 =	sand.u32 $0x1, s3;
	s6 =	sshll.u32 s1, $0x1  }
0x6: {  	s2 =	sadd.s32 $0x12200, s8;
	s3 =	sadd.s32 $0x1C000, s8;
	s5 =	sor.u32 s6, s5  }
.Ltmp0:
0x7: {  	[sflag:s4] =	ssyncpa.u1 $0x0;
	p0 =	slt.u32 s5, $0x9;
	(pc) =	sbr.rel .LBB2_1-.Ltmp0, $4  }
0x8: {  	s6 =	simm.s32 $0x2;
	s7 =	simm.s32 @!p0 $0x0;
	p0 =	sne.s32 s5, $0x8  }
0x9: {  	[sflag:s6] =	ssyncpa.u1 $0x0;
	s5 =	smul.u32 $0x1F40, s5;
	s9 =	simm.s32 @!p0 $0x0  }
0xa: {  	s8 =	sadd.s32 $0x25E00, s8;
	[sflag:s10] =	ssyncpa.u1 $0x0;
	s7 =	sadd.s32 s9, s7  }
0xb: {  	vm0 =	vmmov $0xffff;
	s10 =	simm.s32 $0x0;
	s11 =	smov.u32 s5;
	s9 =	sadd.s32 $0x1, s7  }
.LBB2_4:
0xc: {  	v2 =	vnsel vm1, $0x0, v2  }
0xd: {  	vm1 =	vgt.s32 v0, $0x0;
	v2 =	vmin.u32 v2, $0x4E1FF  }
0xe: {  	v0 =	vnsel vm1, $0x0, v0  }
0xf: {  	v0 =	vmin.u32 v0, $0x4E1FF  }
0x10: {  	[tilespmem:s18], [sflag:$0x1] =	stream.indirect_vreg.gather [hbm4b:s2+s10], $0x1, v1, vm0, $0x4038;
	[tilespmem:$0x7D00] =	vst v63  }
0x11: {  	(ifvalue) =	ssetifvalue $0x7FFFFFFF  }
0x12: {  	[tilespmem:s15], [sflag:$0x1] =	stream.indirect_vreg.gather [hbm4b:s2+s10], $0x1, v2, vm0, $0x4038;
	[tilespmem:$0x7D00] =	vst v63  }
0x13: {  	s29 =	sadd.s32 $0x10, s15;
	(ifvalue) =	ssetifvalue $0x7FFFFFFF  }
0x14: {  	[tilespmem:s29], [sflag:$0x1] =	stream.indirect_vreg.gather [hbm4b:s2+s10], $0x1, v0, vm0, $0x4038;
	[tilespmem:$0x7D00] =	vst v63  }
0x15: {  	_ =	swait.ge [sflag:s4], $0x1F40  }
0x16: {  	s30 =	sshrl.u32 s13, $0x3;
	[sflag:s4] =	ssyncset.done $0x0  }
0x17: {  	s31 =	sand.u32 $0x7, s13;
	s15 =	sadd.s32 s8, s30;
	[sflag:s4] =	ssyncadd.s32 $0xFFFFE0C0  }
0x18: {  	[hbm4b:s15+s31] =	stream.linear.scatter [tilespmem:s14], [sflag:$0x3], $0x1F40, $0x38;
	[tilespmem:$0x7D00] =	vst v63  }
.LBB2_5:
0x19: {  	s15 =	sadd.s32 $0x3E800, s11  }
0x1a: {  	p1 =	sgt.s32 s15, $0x4E1FF  }
0x1b: {  	s15 =	smov.u32 @p1 s5;
	p1 =	sne.s32 s12, s9  }
.Ltmp1:
0x1c: {  	p0 =	slt.u32 s12, $0x2;
	(pc) =	sbr.rel @!p1 .LBB2_6-.Ltmp1, $4  }
0x1d: {  	s14 =	simm.s32 @!p0 $0x3  }
0x1e: {  	_ =	swait.ge @!p0 [sflag:s14], $0x1F40  }
0x1f: {  	s16 =	sadd.s32 $0x1, s12;
	s13 =	smov.u32 s11;
	[sflag:s14] =	ssyncset.done @!p0 $0x0  }
0x20: {  	s12 =	smov.u32 s16;
	s11 =	smov.u32 s15;
	[sflag:s14] =	ssyncadd.s32 @!p0 $0xFFFFE0C0  }
.LBB2_1:
0x21: {  	p0 =	sge.u32 s12, s7  }
0x22: {  	s14 =	sxor.u32 @!p0 $0x1, s12  }
0x23: {  	s14 =	smul.u32 @!p0 $0x7D00, s14  }
0x24: {  	s31 =	sadd.s32 $0xFFFFFFFF, s12;
	s15 =	sshrl.u32 @!p0 s11, $0x3  }
0x25: {  	s16 =	sand.u32 @!p0 $0x7, s11;
	s15 =	sadd.s32 @!p0 s3, s15;
	s14 =	sshra.s32 @!p0 s14, $0x2  }
0x26: {  	[tilespmem:s14], [sflag:$0x2] =	stream.linear.gather @!p0 [hbm4b:s15+s16], $0x1F40, $0x38;
	[tilespmem:$0x7D00] =	vst v63  }
0x27: {  	p0 =	sge.u32 s31, s7  }
.Ltmp2:
0x28: {  	_ = 	snop;
	(pc) =	sbr.rel @p0 .LBB2_5-.Ltmp2, $1  }
0x29: {  	_ =	sdelay $0x3  }
0x2a: {  	s14 =	sand.u32 $0x1, s12  }
0x2b: {  	_ =	swait.ge [sflag:s6], $0x1F40;
	p0 =	seq.s32 s14, $0x1;
	s14 =	simm.s32 $0x1F40  }
0x2c: {  	[sflag:s6] =	ssyncset.done $0x0;
	s14 =	simm.s32 @!p0 $0x0  }
0x2d: {  	[sflag:s6] =	ssyncadd.s32 $0xFFFFE0C0;
	(ifvalue) =	ssetifvalue $0x7FFFFFFF;
	v0 =	vld.msk [tilespmem:s14+$0x0 ss:$0x1], $0xffff;
	_ =	sdelay $0x4  }
0x2e: {  	s15 =	sadd.s32 $0x10, s14;
	vm1 =	vgt.s32 v0, $0x0  }
0x2f: {  	v2 =	vld.msk [tilespmem:s15+$0x0 ss:$0x1], $0xffff;
	v1 =	vnsel vm1, $0x0, v0  }
0x30: {  	v1 =	vmin.u32 v1, $0x4E1FF;
	_ =	sdelay $0x2  }
0x31: {  	s17 =	simm.s32 $0x20;
	s14 =	sadd.s32 $0x3E80, s14;
	s16 =	sadd.s32 $0x10, s15  }
0x32: {  	s15 =	sadd.s32 $0x10, s14;
	s18 =	smov.u32 s14;
	v0 =	vld.msk [tilespmem:s16+$0x0 ss:$0x1], $0xffff;
	vm1 =	vgt.s32 v2, $0x0;
	(ifvalue) =	ssetifvalue $0x7FFFFFFF  }
.LBB2_3:
0x33: {  	[tilespmem:s18], [sflag:$0x1] =	stream.indirect_vreg.gather [hbm4b:s2+s10], $0x1, v1, vm0, $0x4038;
	[tilespmem:$0x7D00] =	vst v63  }
0x34: {  	s17 =	sadd.s32 $0x10, s17  }
0x35: {  	v2 =	vnsel vm1, $0x0, v2;
	p0 =	slt.u32 s17, $0x1F30  }
.Ltmp3:
0x36: {  	s18 =	smov.u32 s15;
	v1 =	vmin.u32 v2, $0x4E1FF;
	(pc) =	sbr.rel @p0 .LBB2_3-.Ltmp3, $3  }
0x37: {  	_ =	sdelay $0x1  }
0x38: {  	s16 =	sadd.s32 $0x10, s16  }
0x39: {  	vm1 =	vgt.s32 v0, $0x0;
	s15 =	sadd.s32 $0x10, s15;
	v2 =	vmov v0;
	(ifvalue) =	ssetifvalue $0x7FFFFFFF;
	v0 =	vld.msk [tilespmem:s16+$0x0 ss:$0x1], $0xffff  }
.Ltmp4:
0x3a: {  	_ = 	snop;
	(pc) =	sbr.rel .LBB2_4-.Ltmp4, $1  }
0x3b: {  	_ =	sdelay $0x3  }
.LBB2_6:
0x3c: {  	_ =	sfence.sel $0x180000  }
0x3d: {  	s2 =	simm.s32 $0x2;
	[bflag:$0x0] =	sbarrier.arrive $0xFFFF  }
0x3e: {  	s30 =	simm.s32 $0x3;
	[sflag:s2] =	ssyncpa.u1 $0x1  }
0x3f: {  	s31 =	simm.s32 $0x1;
	[sflag:s30] =	ssyncpa.u1 $0x1  }
0x40: {  	[sflag:s31] =	ssyncpa.u1 $0x1  }
0x41: {  	p0 =	sne.s32 s1, $0x0;
	_ =	strace $0x90000047  }
0x42: {  	s0 =	sadd.s32 @!p0 $0x100000, s0;
	[bflag:$0x2] =	sbarrier.arrive $0xFFFF  }
0x43: {  	[sflag:s0] =	ssyncadd.tile.s32 @!p0 $0x1;
	_ =	shalt  }
.Lfunc_end2:
_tile_overlayer_lowered:
.L_overlay_start_2:
0x44: {  	(tag) =	ssettag $0x2  }
0x45: {  	s0 =	rddreg [dreg:$0x0];
	s2 =	stileid.u32  }
0x46: {  	s1 =	rddreg [dreg:$0x1];
	p0 =	sne.s32 s2, $0x0  }
0x47: {  	s3 =	rddreg [dreg:$0x2];
	[bflag:$0x3] =	sbarrier.arrive $0xFFFF;
	s2 =	simm.s32 @!p0 $0x1C01  }
0x48: {  	[timem:s3], [sflag:s2] =	dma.local @!p0 [hbm:s0], s1  }
0x49: {  	s0 =	simm.s32 @!p0 $0x1  }
0x4a: {  	_ =	swait.ge @!p0 [sflag:s0], s1  }
0x4b: {  	s1 =	ssub.s32 @!p0 $0x0, s1;
	[sflag:s0] =	ssyncset.done @!p0 $0x0  }
0x4c: {  	[sflag:s0] =	ssyncadd.s32 @!p0 s1  }
0x4d: {  	[bflag:$0x3] =	sbarrier.arrive $0xFFFF  }
0x4e: {  	_ =	shalt  }

// kernel: gather_offload_async_start
scs
__scs_entry_jumppad:
0x0: {  	(pc) =	sbr.rel $0x88, $3  }
0x1: {  	(tag) =	ssettag $0x0;
	lr =	simm.s32 $0x1  }
0x2: {  	[smem:$0x3F7B] =	sst lr;
	_ =	strace $0xD0000000  }
0x3: {  	_ = 	snop  }
0x4: {  	_ = 	snop  }
0x5: {  	_ = 	snop  }
0x6: {  	_ = 	snop  }
0x7: {  	_ = 	snop  }
__scs_overlays_trampoline_lowered:
0x8: {  	[smem:$0x3F8A] =	sst s0  }
0x9: {  	[smem:$0x3F8B] =	sst s1  }
0xa: {  	[smem:$0x3F8C] =	sst s2  }
0xb: {  	[smem:$0x3F8D] =	sst s3  }
0xc: {  	[smem:$0x3F8E] =	sst s4  }
0xd: {  	[smem:$0x3F8F] =	sst s5  }
0xe: {  	[smem:$0x3F90] =	sst s6  }
0xf: {  	[smem:$0x3F91] =	sst s7  }
0x10: {  	[smem:$0x3F92] =	sst s8  }
0x11: {  	[smem:$0x3F93] =	sst s9;
	s0 =	simm.s32 @!p0 $0x0  }
0x12: {  	s1 =	sld [smem:$0x3F79];
	s0 =	simm.s32 @p0 $0x1  }
0x13: {  	[smem:$0x3F94] =	sst s0;
	s0 =	simm.s32 @!p1 $0x0  }
0x14: {  	s2 =	sld [smem:$0x3F78];
	s0 =	simm.s32 @p1 $0x1  }
0x15: {  	[smem:$0x3F95] =	sst s0;
	s0 =	simm.s32 @!p2 $0x0  }
0x16: {  	s3 =	sld [smem:$0x3FDB];
	s0 =	simm.s32 @p2 $0x1  }
0x17: {  	s4 =	simm.s32 $0x1BF5;
	[smem:$0x3F97] =	sst s0  }
0x18: {  	s0 =	sld [smem:$0x3F7A];
	_ =	swait.ge [sflag:s4], $0x0  }
0x19: {  	s7 =	sld [smem:$0x3F7B]  }
0x1a: {  	s8 =	sadd.s32 $0xFFFFE003, lr  }
0x1b: {  	s9 =	sadd.s32 $0xFFFFFEF7, lr;
	s5 =	simm.s32 $0xFFFFFFFF;
	p2 =	slt.u32 s8, $0xFFFFF086  }
0x1c: {  	p1 =	slt.u32 s9, $0xF7A;
	s5 =	simm.s32 @!p2 $0x0  }
0x1d: {  	s5 =	simm.s32 @p1 $0x1;
	p0 =	seq.s32 s7, s2  }
0x1e: {  	s7 =	smul.u32 @!p0 $0xF7A, s2;
	p2 =	seq.s32 @!p0 s5, $0x0  }
0x1f: {  	s9 =	smul.u32 $0xF7A, s1;
	s8 =	simm.s32 @!p0 $0x1BF5;
	p2 =	por !p2, p0  }
0x20: {  	[sflag:s8] =	ssyncset.s32 @!p0 $0xFFFFF086;
	s6 =	sadd.s32 @!p0 s3, s7;
	s7 =	simm.s32 @!p0 $0x108  }
0x21: {  	s3 =	sadd.s32 s3, s9;
	s6 =	sadd.s32 @!p0 $0x88, s6;
	s7 =	simm.s32 @p2 $0x1082  }
0x22: {  	[simem:s7], [sflag:s8] =	dma.local @!p0 [hbm:s6], $0xF7A  }
0x23: {  	s9 =	sor.u32 $0xD0000000, s2;
	s6 =	simm.s32 $0x108;
	_ =	swait.ge @!p0 [sflag:s8], $0x0  }
0x24: {  	s3 =	sadd.s32 $0x88, s3;
	s6 =	simm.s32 @!p1 $0x1082;
	[sflag:s4] =	ssyncset.s32 $0xFFFFF086  }
0x25: {  	[simem:s6], [sflag:s4] =	dma.local [hbm:s3], $0xF7A  }
0x26: {  	[smem:$0x3F7B] =	sst s1;
	(tag) =	ssettag s2;
	_ =	strace s9  }
0x27: {  	s1 =	sld [smem:$0x3F8B]  }
0x28: {  	s2 =	sld [smem:$0x3F8C]  }
0x29: {  	s4 =	sld [smem:$0x3F8E]  }
0x2a: {  	p0 =	seq.s32 s5, $0x0;
	s5 =	sld [smem:$0x3F8F]  }
0x2b: {  	s6 =	sld [smem:$0x3F90]  }
0x2c: {  	s7 =	sld [smem:$0x3F91]  }
0x2d: {  	s3 =	simm.s32 $0x108;
	s8 =	sld [smem:$0x3F92]  }
0x2e: {  	s3 =	simm.s32 @!p0 $0x1082;
	s9 =	sld [smem:$0x3F93]  }
0x2f: {  	lr =	sadd.s32 s0, s3;
	s0 =	sld [smem:$0x3F8A]  }
0x30: {  	s3 =	sld [smem:$0x3F8D]  }
0x31: {  	[smem:$0x3F96] =	sst s10  }
0x32: {  	s10 =	sld [smem:$0x3F94];
	_ =	sdelay $0x3  }
0x33: {  	p0 =	seq.s32 s10, $0x1;
	s10 =	sld [smem:$0x3F96];
	_ =	sdelay $0x3  }
0x34: {  	[smem:$0x3F96] =	sst s10  }
0x35: {  	s10 =	sld [smem:$0x3F95];
	_ =	sdelay $0x3  }
0x36: {  	p1 =	seq.s32 s10, $0x1;
	s10 =	sld [smem:$0x3F96];
	_ =	sdelay $0x3  }
0x37: {  	[smem:$0x3F96] =	sst s10  }
0x38: {  	s10 =	sld [smem:$0x3F97]  }
0x39: {  	_ = 	snop;
	(pc) =	sbr.ind lr, $3  }
0x3a: {  	_ = 	snop  }
0x3b: {  	_ = 	snop  }
0x3c: {  	p2 =	seq.s32 s10, $0x1;
	s10 =	sld [smem:$0x3F96]  }
0x3d: {  	_ =	shalt  }
0x3e: {  	_ =	shalt  }
0x3f: {  	_ =	shalt  }
0x40: {  	_ =	shalt  }
0x41: {  	_ =	shalt  }
0x42: {  	_ =	shalt  }
0x43: {  	_ =	shalt  }
0x44: {  	_ =	shalt  }
0x45: {  	_ =	shalt  }
0x46: {  	_ =	shalt  }
0x47: {  	_ =	shalt  }
0x48: {  	_ =	shalt  }
0x49: {  	_ =	shalt  }
0x4a: {  	_ =	shalt  }
0x4b: {  	_ =	shalt  }
0x4c: {  	_ =	shalt  }
0x4d: {  	_ =	shalt  }
0x4e: {  	_ =	shalt  }
0x4f: {  	_ =	shalt  }
0x50: {  	_ =	shalt  }
0x51: {  	_ =	shalt  }
0x52: {  	_ =	shalt  }
0x53: {  	_ =	shalt  }
0x54: {  	_ =	shalt  }
0x55: {  	_ =	shalt  }
0x56: {  	_ =	shalt  }
0x57: {  	_ =	shalt  }
0x58: {  	_ =	shalt  }
0x59: {  	_ =	shalt  }
0x5a: {  	_ =	shalt  }
0x5b: {  	_ =	shalt  }
0x5c: {  	_ =	shalt  }
0x5d: {  	_ =	shalt  }
0x5e: {  	_ =	shalt  }
0x5f: {  	_ =	shalt  }
0x60: {  	_ =	shalt  }
0x61: {  	_ =	shalt  }
0x62: {  	_ =	shalt  }
0x63: {  	_ =	shalt  }
0x64: {  	_ =	shalt  }
0x65: {  	_ =	shalt  }
0x66: {  	_ =	shalt  }
0x67: {  	_ =	shalt  }
0x68: {  	_ =	shalt  }
0x69: {  	_ =	shalt  }
0x6a: {  	_ =	shalt  }
0x6b: {  	_ =	shalt  }
0x6c: {  	_ =	shalt  }
0x6d: {  	_ =	shalt  }
0x6e: {  	_ =	shalt  }
0x6f: {  	_ =	shalt  }
0x70: {  	_ =	shalt  }
0x71: {  	_ =	shalt  }
0x72: {  	_ =	shalt  }
0x73: {  	_ =	shalt  }
0x74: {  	_ =	shalt  }
0x75: {  	_ =	shalt  }
0x76: {  	_ =	shalt  }
0x77: {  	_ =	shalt  }
0x78: {  	_ =	shalt  }
0x79: {  	_ =	shalt  }
0x7a: {  	_ =	shalt  }
0x7b: {  	_ =	shalt  }
0x7c: {  	_ =	shalt  }
0x7d: {  	_ =	shalt  }
0x7e: {  	_ =	shalt  }
0x7f: {  	_ =	shalt  }
0x80: {  	_ =	shalt  }
0x81: {  	_ =	shalt  }
0x82: {  	_ =	shalt  }
0x83: {  	_ =	shalt  }
0x84: {  	_ =	shalt  }
0x85: {  	_ =	shalt  }
0x86: {  	_ =	shalt  }
0x87: {  	_ =	shalt  }
.Lfunc_end0:
.L_simem_size_0:
called_computation_lowered:
.L_overlay_start_0:
0x88: {  	s2 =	sld [smem:$0x3FD9]  }
0x89: {  	s3 =	sld [smem:$0x3FFE];
	_ =	sdelay $0x1  }
0x8a: {  	s1 =	srdreg.scid  }
0x8b: {  	s0 =	sand.u32 $0x1, s1  }
0x8c: {  	s16 =	sshll.u32 s0, $0xA;
	s2 =	sadd.s32 s3, s2  }
0x8d: {  	s2 =	sadd.s32 s2, s16  }
0x8e: {  	[smem:$0x3FA2] =	sst s2  }
0x8f: {  	_ = 	snop  }
0x90: {  	(tm) =	ssettm $0x1  }
0x91: {  	s17 =	sld [smem:$0x3FFB];
	_ =	sdelay $0x3  }
0x92: {  	_ =	strace s17  }
0x93: {  	s2 =	sld [smem:$0x3FFC];
	_ =	sdelay $0x3  }
0x94: {  	_ =	strace s2  }
0x95: {  	s2 =	sld [smem:$0x3FFD];
	_ =	sdelay $0x3  }
0x96: {  	_ =	strace s2  }
0x97: {  	_ =	strace $0x8FFFFFFF  }
0x98: {  	s18 =	sld [smem:$0x3FDB];
	_ =	sdelay $0x1  }
0x99: {  	s19 =	simm.s32 $_scs_section_size  }
0x9a: {  	s4 =	simm.s32 $_size__tile_overlayer_lowered;
	s5 =	simm.s32 $_tile_overlayer_lowered  }
0x9b: {  	s22 =	simm.s32 $0x1BFF;
	s21 =	sshll.u32 s5, $0x1;
	s2 =	sadd.s32 s19, s18  }
0x9c: {  	s6 =	simm.s32 $0x0;
	s20 =	sshll.u32 s4, $0x1;
	s4 =	sadd.s32 s21, s2  }
0x9d: {  	[timem:s6], [sflag:s22] =	dma.local [hbm:s4], s20  }
0x9e: {  	_ =	swait.ge [sflag:s22], s20  }
0x9f: {  	s3 =	ssub.s32 $0x0, s20;
	[sflag:s22] =	ssyncset.done $0x0  }
0xa0: {  	[sflag:s22] =	ssyncadd.s32 s3;
	_ =	sdelay $0x1  }
0xa1: {  	s23 =	simm.s32 $0x1B8B  }
0xa2: {  	_ =	swait.ge [sflag:s23], $0x1  }
0xa3: {  	[sflag:s23] =	ssyncset.done $0x0  }
0xa4: {  	s25 =	simm.s32 $0x1B8E;
	s24 =	sld [smem:$0x3FFE];
	[sflag:s23] =	ssyncadd.s32 $0xFFFFFFFF  }
0xa5: {  	s26 =	simm.s32 $execute0_lowered;
	[smem:$0x3FD2] =	sst s25  }
0xa6: {  	s4 =	sshll.u32 s26, $0x1;
	_ =	strace $0x80000049;
	[dreg:$0x1] =	wrdreg $0xFFFFFFFF  }
0xa7: {  	s28 =	simm.s32 $_size_execute0_lowered;
	s2 =	sadd.s32 s2, s4;
	[dreg:$0x0] =	wrdreg $0x0  }
0xa8: {  	s4 =	sshll.u32 s28, $0x1;
	[dreg:$0x2] =	wrdreg s2  }
0xa9: {  	[dreg:$0x3] =	wrdreg s4  }
0xaa: {  	[dreg:$0x4] =	wrdreg $0xC0  }
0xab: {  	_ =	task [dreg:s6], $0x5FFFF  }
0xac: {  	[dreg:$0x1] =	wrdreg $0xFFFFFFFF  }
0xad: {  	[dreg:$0x0] =	wrdreg $0x60  }
0xae: {  	[dreg:$0x2] =	wrdreg s24  }
0xaf: {  	[dreg:$0x3] =	wrdreg $0x9  }
0xb0: {  	_ =	task.clear_ibuf [dreg:s6], $0x4FFFF;
	_ =	strace $0x90000049  }
0xb1: {  	s29 =	simm.s32 $0x9;
	_ =	strace $0x8000004B  }
0xb2: {  	_ =	swait.ge [sflag:s29], $0x1  }
0xb3: {  	[sflag:s29] =	ssyncadd.s32 $0xFFFFFFFF  }
0xb4: {  	_ =	strace $0x9000004B  }
0xb5: {  	_ =	sfence  }
0xb6: {  	s30 =	sld [smem:$0x0];
	_ =	sdelay $0x2  }
0xb7: {  	s31 =	sshll.u32 s1, $0xD;
	s1 =	sshrl.u32 s1, $0x2  }
0xb8: {  	s3 =	sand.u32 $0x4000, s31;
	s1 =	sadd.s32 s1, s30  }
0xb9: {  	s0 =	sor.u32 s3, s0;
	s1 =	sshll.u32 s1, $0x11  }
0xba: {  	s0 =	sor.u32 s1, s0  }
0xbb: {  	s0 =	sadd.s32 $0x8F2B, s0  }
0xbc: {  	[sflag:s0] =	ssyncadd.remote.s32 $0x1  }
0xbd: {  	_ =	sfence.sel $0xFFFF  }
0xbe: {  	[dreg:$0x0] =	wrdreg $0xFFFFFFFF;
	(pc) =	sbr.abs _section_cstart, $3  }
0xbf: {  	[dreg:$0x1] =	wrdreg $0xFFFFFFFF  }
0xc0: {  	_ =	task.clear_ibuf [dreg:s6], $0x2FFFF;
	_ =	strace $0x9FFFFFFF  }
0xc1: {  	(tm) =	ssettm $0x7FFFFFFF  }
tec
execute0_lowered:
.L_overlay_start_1:
0x0: {  	(tag) =	ssettag $0x1  }
0x1: {  	s8 =	rddreg [dreg:$0x0]  }
0x2: {  	s0 =	rddreg [dreg:$0x1];
	_ =	strace $0x8000004A;
	s1 =	stileid.u32  }
0x3: {  	s3 =	srdreg.scid;
	s4 =	simm.s32 $0x1;
	s7 =	simm.s32 $0x1  }
0x4: {  	s9 =	simm.s32 $0x1;
	s10 =	simm.s32 $0x3;
	s13 =	simm.s32 $0x0  }
0x5: {  	s12 =	simm.s32 $0x0;
	s5 =	sand.u32 $0x1, s3;
	s6 =	sshll.u32 s1, $0x1  }
0x6: {  	s2 =	sadd.s32 $0x8400, s8;
	s3 =	sadd.s32 $0x1C000, s8;
	s5 =	sor.u32 s6, s5  }
.Ltmp0:
0x7: {  	[sflag:s4] =	ssyncpa.u1 $0x0;
	p0 =	slt.u32 s5, $0x9;
	(pc) =	sbr.rel .LBB2_1-.Ltmp0, $4  }
0x8: {  	s6 =	simm.s32 $0x2;
	s7 =	simm.s32 @!p0 $0x0;
	p0 =	sne.s32 s5, $0x8  }
0x9: {  	[sflag:s6] =	ssyncpa.u1 $0x0;
	s5 =	smul.u32 $0x1F40, s5;
	s9 =	simm.s32 @!p0 $0x0  }
0xa: {  	s8 =	sadd.s32 $0x12200, s8;
	[sflag:s10] =	ssyncpa.u1 $0x0;
	s7 =	sadd.s32 s9, s7  }
0xb: {  	vm0 =	vmmov $0xffff;
	s10 =	simm.s32 $0x0;
	s11 =	smov.u32 s5;
	s9 =	sadd.s32 $0x1, s7  }
.LBB2_4:
0xc: {  	v2 =	vnsel vm1, $0x0, v2  }
0xd: {  	vm1 =	vgt.s32 v0, $0x0;
	v2 =	vmin.u32 v2, $0x4E1FF  }
0xe: {  	v0 =	vnsel vm1, $0x0, v0  }
0xf: {  	v0 =	vmin.u32 v0, $0x4E1FF  }
0x10: {  	[tilespmem:s18], [sflag:$0x1] =	stream.indirect_vreg.gather [hbm4b:s2+s10], $0x1, v1, vm0, $0x4038;
	[tilespmem:$0x7D00] =	vst v63  }
0x11: {  	(ifvalue) =	ssetifvalue $0x7FFFFFFF  }
0x12: {  	[tilespmem:s15], [sflag:$0x1] =	stream.indirect_vreg.gather [hbm4b:s2+s10], $0x1, v2, vm0, $0x4038;
	[tilespmem:$0x7D00] =	vst v63  }
0x13: {  	s29 =	sadd.s32 $0x10, s15;
	(ifvalue) =	ssetifvalue $0x7FFFFFFF  }
0x14: {  	[tilespmem:s29], [sflag:$0x1] =	stream.indirect_vreg.gather [hbm4b:s2+s10], $0x1, v0, vm0, $0x4038;
	[tilespmem:$0x7D00] =	vst v63  }
0x15: {  	_ =	swait.ge [sflag:s4], $0x1F40  }
0x16: {  	s30 =	sshrl.u32 s13, $0x3;
	[sflag:s4] =	ssyncset.done $0x0  }
0x17: {  	s31 =	sand.u32 $0x7, s13;
	s15 =	sadd.s32 s8, s30;
	[sflag:s4] =	ssyncadd.s32 $0xFFFFE0C0  }
0x18: {  	[hbm4b:s15+s31] =	stream.linear.scatter [tilespmem:s14], [sflag:$0x3], $0x1F40, $0x38;
	[tilespmem:$0x7D00] =	vst v63  }
.LBB2_5:
0x19: {  	s15 =	sadd.s32 $0x3E800, s11  }
0x1a: {  	p1 =	sgt.s32 s15, $0x4E1FF  }
0x1b: {  	s15 =	smov.u32 @p1 s5;
	p1 =	sne.s32 s12, s9  }
.Ltmp1:
0x1c: {  	p0 =	slt.u32 s12, $0x2;
	(pc) =	sbr.rel @!p1 .LBB2_6-.Ltmp1, $4  }
0x1d: {  	s14 =	simm.s32 @!p0 $0x3  }
0x1e: {  	_ =	swait.ge @!p0 [sflag:s14], $0x1F40  }
0x1f: {  	s16 =	sadd.s32 $0x1, s12;
	s13 =	smov.u32 s11;
	[sflag:s14] =	ssyncset.done @!p0 $0x0  }
0x20: {  	s12 =	smov.u32 s16;
	s11 =	smov.u32 s15;
	[sflag:s14] =	ssyncadd.s32 @!p0 $0xFFFFE0C0  }
.LBB2_1:
0x21: {  	p0 =	sge.u32 s12, s7  }
0x22: {  	s14 =	sxor.u32 @!p0 $0x1, s12  }
0x23: {  	s14 =	smul.u32 @!p0 $0x7D00, s14  }
0x24: {  	s31 =	sadd.s32 $0xFFFFFFFF, s12;
	s15 =	sshrl.u32 @!p0 s11, $0x3  }
0x25: {  	s16 =	sand.u32 @!p0 $0x7, s11;
	s15 =	sadd.s32 @!p0 s3, s15;
	s14 =	sshra.s32 @!p0 s14, $0x2  }
0x26: {  	[tilespmem:s14], [sflag:$0x2] =	stream.linear.gather @!p0 [hbm4b:s15+s16], $0x1F40, $0x38;
	[tilespmem:$0x7D00] =	vst v63  }
0x27: {  	p0 =	sge.u32 s31, s7  }
.Ltmp2:
0x28: {  	_ = 	snop;
	(pc) =	sbr.rel @p0 .LBB2_5-.Ltmp2, $1  }
0x29: {  	_ =	sdelay $0x3  }
0x2a: {  	s14 =	sand.u32 $0x1, s12  }
0x2b: {  	_ =	swait.ge [sflag:s6], $0x1F40;
	p0 =	seq.s32 s14, $0x1;
	s14 =	simm.s32 $0x1F40  }
0x2c: {  	[sflag:s6] =	ssyncset.done $0x0;
	s14 =	simm.s32 @!p0 $0x0  }
0x2d: {  	[sflag:s6] =	ssyncadd.s32 $0xFFFFE0C0;
	(ifvalue) =	ssetifvalue $0x7FFFFFFF;
	v0 =	vld.msk [tilespmem:s14+$0x0 ss:$0x1], $0xffff;
	_ =	sdelay $0x4  }
0x2e: {  	s15 =	sadd.s32 $0x10, s14;
	vm1 =	vgt.s32 v0, $0x0  }
0x2f: {  	v2 =	vld.msk [tilespmem:s15+$0x0 ss:$0x1], $0xffff;
	v1 =	vnsel vm1, $0x0, v0  }
0x30: {  	v1 =	vmin.u32 v1, $0x4E1FF;
	_ =	sdelay $0x2  }
0x31: {  	s17 =	simm.s32 $0x20;
	s14 =	sadd.s32 $0x3E80, s14;
	s16 =	sadd.s32 $0x10, s15  }
0x32: {  	s15 =	sadd.s32 $0x10, s14;
	s18 =	smov.u32 s14;
	v0 =	vld.msk [tilespmem:s16+$0x0 ss:$0x1], $0xffff;
	vm1 =	vgt.s32 v2, $0x0;
	(ifvalue) =	ssetifvalue $0x7FFFFFFF  }
.LBB2_3:
0x33: {  	[tilespmem:s18], [sflag:$0x1] =	stream.indirect_vreg.gather [hbm4b:s2+s10], $0x1, v1, vm0, $0x4038;
	[tilespmem:$0x7D00] =	vst v63  }
0x34: {  	s17 =	sadd.s32 $0x10, s17  }
0x35: {  	v2 =	vnsel vm1, $0x0, v2;
	p0 =	slt.u32 s17, $0x1F30  }
.Ltmp3:
0x36: {  	s18 =	smov.u32 s15;
	v1 =	vmin.u32 v2, $0x4E1FF;
	(pc) =	sbr.rel @p0 .LBB2_3-.Ltmp3, $3  }
0x37: {  	_ =	sdelay $0x1  }
0x38: {  	s16 =	sadd.s32 $0x10, s16  }
0x39: {  	vm1 =	vgt.s32 v0, $0x0;
	s15 =	sadd.s32 $0x10, s15;
	v2 =	vmov v0;
	(ifvalue) =	ssetifvalue $0x7FFFFFFF;
	v0 =	vld.msk [tilespmem:s16+$0x0 ss:$0x1], $0xffff  }
.Ltmp4:
0x3a: {  	_ = 	snop;
	(pc) =	sbr.rel .LBB2_4-.Ltmp4, $1  }
0x3b: {  	_ =	sdelay $0x3  }
.LBB2_6:
0x3c: {  	_ =	sfence.sel $0x180000  }
0x3d: {  	s2 =	simm.s32 $0x2;
	[bflag:$0x0] =	sbarrier.arrive $0xFFFF  }
0x3e: {  	s30 =	simm.s32 $0x3;
	[sflag:s2] =	ssyncpa.u1 $0x1  }
0x3f: {  	s31 =	simm.s32 $0x1;
	[sflag:s30] =	ssyncpa.u1 $0x1  }
0x40: {  	[sflag:s31] =	ssyncpa.u1 $0x1  }
0x41: {  	p0 =	sne.s32 s1, $0x0;
	_ =	strace $0x9000004A  }
0x42: {  	s0 =	sadd.s32 @!p0 $0x100000, s0;
	[bflag:$0x2] =	sbarrier.arrive $0xFFFF  }
0x43: {  	[sflag:s0] =	ssyncadd.tile.s32 @!p0 $0x1;
	_ =	shalt  }
.Lfunc_end2:
_tile_overlayer_lowered:
.L_overlay_start_2:
0x44: {  	(tag) =	ssettag $0x2  }
0x45: {  	s0 =	rddreg [dreg:$0x0];
	s2 =	stileid.u32  }
0x46: {  	s1 =	rddreg [dreg:$0x1];
	p0 =	sne.s32 s2, $0x0  }
0x47: {  	s3 =	rddreg [dreg:$0x2];
	[bflag:$0x3] =	sbarrier.arrive $0xFFFF;
	s2 =	simm.s32 @!p0 $0x1C01  }
0x48: {  	[timem:s3], [sflag:s2] =	dma.local @!p0 [hbm:s0], s1  }
0x49: {  	s0 =	simm.s32 @!p0 $0x1  }
0x4a: {  	_ =	swait.ge @!p0 [sflag:s0], s1  }
0x4b: {  	s1 =	ssub.s32 @!p0 $0x0, s1;
	[sflag:s0] =	ssyncset.done @!p0 $0x0  }
0x4c: {  	[sflag:s0] =	ssyncadd.s32 @!p0 s1  }
0x4d: {  	[bflag:$0x3] =	sbarrier.arrive $0xFFFF  }
0x4e: {  	_ =	shalt  }

// kernel: kernel.23.cloned.1.call-start
scs
__scs_entry_jumppad:
0x0: {  	(pc) =	sbr.rel $0x88, $3  }
0x1: {  	(tag) =	ssettag $0x0;
	lr =	simm.s32 $0x1  }
0x2: {  	[smem:$0x3F7B] =	sst lr;
	_ =	strace $0xD0000000  }
0x3: {  	_ = 	snop  }
0x4: {  	_ = 	snop  }
0x5: {  	_ = 	snop  }
0x6: {  	_ = 	snop  }
0x7: {  	_ = 	snop  }
__scs_overlays_trampoline_lowered:
0x8: {  	[smem:$0x3F8A] =	sst s0  }
0x9: {  	[smem:$0x3F8B] =	sst s1  }
0xa: {  	[smem:$0x3F8C] =	sst s2  }
0xb: {  	[smem:$0x3F8D] =	sst s3  }
0xc: {  	[smem:$0x3F8E] =	sst s4  }
0xd: {  	[smem:$0x3F8F] =	sst s5  }
0xe: {  	[smem:$0x3F90] =	sst s6  }
0xf: {  	[smem:$0x3F91] =	sst s7  }
0x10: {  	[smem:$0x3F92] =	sst s8  }
0x11: {  	[smem:$0x3F93] =	sst s9;
	s0 =	simm.s32 @!p0 $0x0  }
0x12: {  	s1 =	sld [smem:$0x3F79];
	s0 =	simm.s32 @p0 $0x1  }
0x13: {  	[smem:$0x3F94] =	sst s0;
	s0 =	simm.s32 @!p1 $0x0  }
0x14: {  	s2 =	sld [smem:$0x3F78];
	s0 =	simm.s32 @p1 $0x1  }
0x15: {  	[smem:$0x3F95] =	sst s0;
	s0 =	simm.s32 @!p2 $0x0  }
0x16: {  	s3 =	sld [smem:$0x3FDB];
	s0 =	simm.s32 @p2 $0x1  }
0x17: {  	s4 =	simm.s32 $0x1BF5;
	[smem:$0x3F97] =	sst s0  }
0x18: {  	s0 =	sld [smem:$0x3F7A];
	_ =	swait.ge [sflag:s4], $0x0  }
0x19: {  	s7 =	sld [smem:$0x3F7B]  }
0x1a: {  	s8 =	sadd.s32 $0xFFFFE003, lr  }
0x1b: {  	s9 =	sadd.s32 $0xFFFFFEF7, lr;
	s5 =	simm.s32 $0xFFFFFFFF;
	p2 =	slt.u32 s8, $0xFFFFF086  }
0x1c: {  	p1 =	slt.u32 s9, $0xF7A;
	s5 =	simm.s32 @!p2 $0x0  }
0x1d: {  	s5 =	simm.s32 @p1 $0x1;
	p0 =	seq.s32 s7, s2  }
0x1e: {  	s7 =	smul.u32 @!p0 $0xF7A, s2;
	p2 =	seq.s32 @!p0 s5, $0x0  }
0x1f: {  	s9 =	smul.u32 $0xF7A, s1;
	s8 =	simm.s32 @!p0 $0x1BF5;
	p2 =	por !p2, p0  }
0x20: {  	[sflag:s8] =	ssyncset.s32 @!p0 $0xFFFFF086;
	s6 =	sadd.s32 @!p0 s3, s7;
	s7 =	simm.s32 @!p0 $0x108  }
0x21: {  	s3 =	sadd.s32 s3, s9;
	s6 =	sadd.s32 @!p0 $0x88, s6;
	s7 =	simm.s32 @p2 $0x1082  }
0x22: {  	[simem:s7], [sflag:s8] =	dma.local @!p0 [hbm:s6], $0xF7A  }
0x23: {  	s9 =	sor.u32 $0xD0000000, s2;
	s6 =	simm.s32 $0x108;
	_ =	swait.ge @!p0 [sflag:s8], $0x0  }
0x24: {  	s3 =	sadd.s32 $0x88, s3;
	s6 =	simm.s32 @!p1 $0x1082;
	[sflag:s4] =	ssyncset.s32 $0xFFFFF086  }
0x25: {  	[simem:s6], [sflag:s4] =	dma.local [hbm:s3], $0xF7A  }
0x26: {  	[smem:$0x3F7B] =	sst s1;
	(tag) =	ssettag s2;
	_ =	strace s9  }
0x27: {  	s1 =	sld [smem:$0x3F8B]  }
0x28: {  	s2 =	sld [smem:$0x3F8C]  }
0x29: {  	s4 =	sld [smem:$0x3F8E]  }
0x2a: {  	p0 =	seq.s32 s5, $0x0;
	s5 =	sld [smem:$0x3F8F]  }
0x2b: {  	s6 =	sld [smem:$0x3F90]  }
0x2c: {  	s7 =	sld [smem:$0x3F91]  }
0x2d: {  	s3 =	simm.s32 $0x108;
	s8 =	sld [smem:$0x3F92]  }
0x2e: {  	s3 =	simm.s32 @!p0 $0x1082;
	s9 =	sld [smem:$0x3F93]  }
0x2f: {  	lr =	sadd.s32 s0, s3;
	s0 =	sld [smem:$0x3F8A]  }
0x30: {  	s3 =	sld [smem:$0x3F8D]  }
0x31: {  	[smem:$0x3F96] =	sst s10  }
0x32: {  	s10 =	sld [smem:$0x3F94];
	_ =	sdelay $0x3  }
0x33: {  	p0 =	seq.s32 s10, $0x1;
	s10 =	sld [smem:$0x3F96];
	_ =	sdelay $0x3  }
0x34: {  	[smem:$0x3F96] =	sst s10  }
0x35: {  	s10 =	sld [smem:$0x3F95];
	_ =	sdelay $0x3  }
0x36: {  	p1 =	seq.s32 s10, $0x1;
	s10 =	sld [smem:$0x3F96];
	_ =	sdelay $0x3  }
0x37: {  	[smem:$0x3F96] =	sst s10  }
0x38: {  	s10 =	sld [smem:$0x3F97]  }
0x39: {  	_ = 	snop;
	(pc) =	sbr.ind lr, $3  }
0x3a: {  	_ = 	snop  }
0x3b: {  	_ = 	snop  }
0x3c: {  	p2 =	seq.s32 s10, $0x1;
	s10 =	sld [smem:$0x3F96]  }
0x3d: {  	_ =	shalt  }
0x3e: {  	_ =	shalt  }
0x3f: {  	_ =	shalt  }
0x40: {  	_ =	shalt  }
0x41: {  	_ =	shalt  }
0x42: {  	_ =	shalt  }
0x43: {  	_ =	shalt  }
0x44: {  	_ =	shalt  }
0x45: {  	_ =	shalt  }
0x46: {  	_ =	shalt  }
0x47: {  	_ =	shalt  }
0x48: {  	_ =	shalt  }
0x49: {  	_ =	shalt  }
0x4a: {  	_ =	shalt  }
0x4b: {  	_ =	shalt  }
0x4c: {  	_ =	shalt  }
0x4d: {  	_ =	shalt  }
0x4e: {  	_ =	shalt  }
0x4f: {  	_ =	shalt  }
0x50: {  	_ =	shalt  }
0x51: {  	_ =	shalt  }
0x52: {  	_ =	shalt  }
0x53: {  	_ =	shalt  }
0x54: {  	_ =	shalt  }
0x55: {  	_ =	shalt  }
0x56: {  	_ =	shalt  }
0x57: {  	_ =	shalt  }
0x58: {  	_ =	shalt  }
0x59: {  	_ =	shalt  }
0x5a: {  	_ =	shalt  }
0x5b: {  	_ =	shalt  }
0x5c: {  	_ =	shalt  }
0x5d: {  	_ =	shalt  }
0x5e: {  	_ =	shalt  }
0x5f: {  	_ =	shalt  }
0x60: {  	_ =	shalt  }
0x61: {  	_ =	shalt  }
0x62: {  	_ =	shalt  }
0x63: {  	_ =	shalt  }
0x64: {  	_ =	shalt  }
0x65: {  	_ =	shalt  }
0x66: {  	_ =	shalt  }
0x67: {  	_ =	shalt  }
0x68: {  	_ =	shalt  }
0x69: {  	_ =	shalt  }
0x6a: {  	_ =	shalt  }
0x6b: {  	_ =	shalt  }
0x6c: {  	_ =	shalt  }
0x6d: {  	_ =	shalt  }
0x6e: {  	_ =	shalt  }
0x6f: {  	_ =	shalt  }
0x70: {  	_ =	shalt  }
0x71: {  	_ =	shalt  }
0x72: {  	_ =	shalt  }
0x73: {  	_ =	shalt  }
0x74: {  	_ =	shalt  }
0x75: {  	_ =	shalt  }
0x76: {  	_ =	shalt  }
0x77: {  	_ =	shalt  }
0x78: {  	_ =	shalt  }
0x79: {  	_ =	shalt  }
0x7a: {  	_ =	shalt  }
0x7b: {  	_ =	shalt  }
0x7c: {  	_ =	shalt  }
0x7d: {  	_ =	shalt  }
0x7e: {  	_ =	shalt  }
0x7f: {  	_ =	shalt  }
0x80: {  	_ =	shalt  }
0x81: {  	_ =	shalt  }
0x82: {  	_ =	shalt  }
0x83: {  	_ =	shalt  }
0x84: {  	_ =	shalt  }
0x85: {  	_ =	shalt  }
0x86: {  	_ =	shalt  }
0x87: {  	_ =	shalt  }
.Lfunc_end0:
.L_simem_size_0:
called_computation.2_lowered:
.L_overlay_start_0:
0x88: {  	s2 =	sld [smem:$0x3FD9]  }
0x89: {  	s3 =	sld [smem:$0x3FFE];
	_ =	sdelay $0x1  }
0x8a: {  	s1 =	srdreg.scid  }
0x8b: {  	s0 =	sand.u32 $0x1, s1  }
0x8c: {  	s16 =	sshll.u32 s0, $0xA;
	s2 =	sadd.s32 s3, s2  }
0x8d: {  	s2 =	sadd.s32 s2, s16  }
0x8e: {  	[smem:$0x3FA2] =	sst s2  }
0x8f: {  	_ = 	snop  }
0x90: {  	(tm) =	ssettm $0x1  }
0x91: {  	s17 =	sld [smem:$0x3FFB];
	_ =	sdelay $0x3  }
0x92: {  	_ =	strace s17  }
0x93: {  	s2 =	sld [smem:$0x3FFC];
	_ =	sdelay $0x3  }
0x94: {  	_ =	strace s2  }
0x95: {  	s2 =	sld [smem:$0x3FFD];
	_ =	sdelay $0x3  }
0x96: {  	_ =	strace s2  }
0x97: {  	_ =	strace $0x8FFFFFFF  }
0x98: {  	s18 =	sld [smem:$0x3FDB];
	_ =	sdelay $0x1  }
0x99: {  	s19 =	simm.s32 $_scs_section_size  }
0x9a: {  	s4 =	simm.s32 $_size__tile_overlayer_lowered;
	s5 =	simm.s32 $_tile_overlayer_lowered  }
0x9b: {  	s22 =	simm.s32 $0x1BFF;
	s21 =	sshll.u32 s5, $0x1;
	s2 =	sadd.s32 s19, s18  }
0x9c: {  	s6 =	simm.s32 $0x0;
	s20 =	sshll.u32 s4, $0x1;
	s4 =	sadd.s32 s21, s2  }
0x9d: {  	[timem:s6], [sflag:s22] =	dma.local [hbm:s4], s20  }
0x9e: {  	_ =	swait.ge [sflag:s22], s20  }
0x9f: {  	s3 =	ssub.s32 $0x0, s20;
	[sflag:s22] =	ssyncset.done $0x0  }
0xa0: {  	[sflag:s22] =	ssyncadd.s32 s3;
	_ =	sdelay $0x1  }
0xa1: {  	s23 =	simm.s32 $0x1B8B  }
0xa2: {  	_ =	swait.ge [sflag:s23], $0x1  }
0xa3: {  	[sflag:s23] =	ssyncset.done $0x0  }
0xa4: {  	s25 =	simm.s32 $0x1B8E;
	s24 =	sld [smem:$0x3FFE];
	[sflag:s23] =	ssyncadd.s32 $0xFFFFFFFF  }
0xa5: {  	s26 =	simm.s32 $execute0_lowered;
	[smem:$0x3FD2] =	sst s25  }
0xa6: {  	s4 =	sshll.u32 s26, $0x1;
	_ =	strace $0x8000004C;
	[dreg:$0x1] =	wrdreg $0xFFFFFFFF  }
0xa7: {  	s28 =	simm.s32 $_size_execute0_lowered;
	s2 =	sadd.s32 s2, s4;
	[dreg:$0x0] =	wrdreg $0x0  }
0xa8: {  	s4 =	sshll.u32 s28, $0x1;
	[dreg:$0x2] =	wrdreg s2  }
0xa9: {  	[dreg:$0x3] =	wrdreg s4  }
0xaa: {  	[dreg:$0x4] =	wrdreg $0xC0  }
0xab: {  	_ =	task [dreg:s6], $0x5FFFF  }
0xac: {  	[dreg:$0x1] =	wrdreg $0xFFFFFFFF  }
0xad: {  	[dreg:$0x0] =	wrdreg $0x60  }
0xae: {  	[dreg:$0x2] =	wrdreg s24  }
0xaf: {  	[dreg:$0x3] =	wrdreg $0x150000  }
0xb0: {  	[dreg:$0x4] =	wrdreg $0x9  }
0xb1: {  	_ =	task.clear_ibuf [dreg:s6], $0x5FFFF;
	_ =	strace $0x9000004C  }
0xb2: {  	s29 =	simm.s32 $0x9;
	_ =	strace $0x8000004E  }
0xb3: {  	_ =	swait.ge [sflag:s29], $0x1  }
0xb4: {  	[sflag:s29] =	ssyncadd.s32 $0xFFFFFFFF  }
0xb5: {  	_ =	strace $0x9000004E  }
0xb6: {  	_ =	sfence  }
0xb7: {  	s30 =	sld [smem:$0x0];
	_ =	sdelay $0x2  }
0xb8: {  	s31 =	sshll.u32 s1, $0xD;
	s1 =	sshrl.u32 s1, $0x2  }
0xb9: {  	s3 =	sand.u32 $0x4000, s31;
	s1 =	sadd.s32 s1, s30  }
0xba: {  	s0 =	sor.u32 s3, s0;
	s1 =	sshll.u32 s1, $0x11  }
0xbb: {  	s0 =	sor.u32 s1, s0  }
0xbc: {  	s0 =	sadd.s32 $0x8F2B, s0  }
0xbd: {  	[sflag:s0] =	ssyncadd.remote.s32 $0x1  }
0xbe: {  	_ =	sfence.sel $0xFFFF  }
0xbf: {  	[dreg:$0x0] =	wrdreg $0xFFFFFFFF;
	(pc) =	sbr.abs _section_cstart, $3  }
0xc0: {  	[dreg:$0x1] =	wrdreg $0xFFFFFFFF  }
0xc1: {  	_ =	task.clear_ibuf [dreg:s6], $0x2FFFF;
	_ =	strace $0x9FFFFFFF  }
0xc2: {  	(tm) =	ssettm $0x7FFFFFFF  }
0xc3: {  	_ =	shalt  }
tec
execute0_lowered:
.L_overlay_start_1:
0x0: {  	(tag) =	ssettag $0x1  }
0x1: {  	s5 =	rddreg [dreg:$0x0];
	s0 =	srdreg.scid  }
0x2: {  	s2 =	rddreg [dreg:$0x1];
	s1 =	stileid.u32  }
0x3: {  	s3 =	simm.s32 $0x0;
	s14 =	simm.s32 $0x5000;
	s15 =	simm.s32 $0x12000  }
0x4: {  	s16 =	simm.s32 $0xA000;
	s17 =	simm.s32 $0x80;
	s4 =	smul.u32 $0x140, s1  }
0x5: {  	s18 =	simm.s32 $0xE000;
	s19 =	simm.s32 $0x1;
	s7 =	smul.u32 $0xA00, s1  }
0x6: {  	s6 =	sand.u32 $0x1, s0;
	s0 =	rddreg [dreg:$0x2];
	s9 =	smul.u32 $0x28800, s1  }
0x7: {  	s22 =	simm.s32 $0x0;
	[smem:$0x7FF] =	sst s3;
	s31 =	smul.u32 $0x28000, s1  }
0x8: {  	s20 =	smul.u32 $0x1400, s6;
	_ =	strace $0x8000004D;
	s29 =	ssub.s32 $0x2, s6  }
0x9: {  	s7 =	sadd.s32 s7, s5;
	s6 =	sshrl.u32 s29, $0x1;
	s30 =	sshrl.u32 s9, $0x2  }
0xa: {  	s13 =	sshrl.u32 s31, $0x2;
	s8 =	sadd.s32 s4, s20;
	s4 =	sadd.s32 $0x2FC00, s5  }
0xb: {  	s12 =	ssub.s32 s29, s6;
	s6 =	sadd.s32 s30, s2;
	s21 =	sadd.s32 s13, s2  }
0xc: {  	s13 =	simm.s32 $0x3;
	v0 =	vmov s20;
	s20 =	simm.s32 $0x2;
	s8 =	sshll.u32 s8, $0x4  }
0xd: {  	s9 =	sadd.s32 $0x6000, s6;
	s10 =	sadd.s32 $0x9000, s6;
	s12 =	smax.u32 s12, $0x1  }
0xe: {  	s21 =	sshrl.u32 s21, $0x3;
	s11 =	sadd.s32 s8, s5;
	s5 =	sadd.s32 $0x8200, s7  }
0xf: {  	v1 =	vimm.f32 $0.0e+00;
	v2 =	vlaneseq.u32;
	s7 =	sadd.s32 $0x57C00, s7;
	s8 =	sadd.s32 $0x3000, s6;
	s11 =	sadd.s32 $0x61C00, s11  }
.LBB2_1:
0x10: {  	[tilespmem:s3], [sflag:$0x3] =	stream.linear.gather [hbm4b:s5+s3], $0x4F00, $0x38;
	[tilespmem:$0x1F200] =	vst v63  }
0x11: {  	_ =	swait.ge [sflag:s13], $0x4F00  }
0x12: {  	[sflag:s13] =	ssyncset.done $0x0  }
0x13: {  	[sflag:s13] =	ssyncadd.s32 $0xFFFFB100  }
0x14: {  	[tilespmem:s14], [sflag:$0x3] =	stream.linear.gather [hbm4b:s7+s3], $0x4F00, $0x38;
	[tilespmem:$0x1F200] =	vst v63  }
0x15: {  	s23 =	sand.u32 $0xFE00, s3;
	s24 =	sand.u32 $0x70, s3;
	_ =	swait.ge [sflag:s13], $0x4F00  }
0x16: {  	s25 =	sshrl.u32 s23, $0x2;
	s23 =	simm.s32 $0x40;
	[sflag:s13] =	ssyncset.done $0x0  }
0x17: {  	s25 =	sor.u32 s24, s25;
	s24 =	simm.s32 $0x0;
	[sflag:s13] =	ssyncadd.s32 $0xFFFFB100  }
.LBB2_2:
0x18: {  	p0 =	sne.s32 s23, $0xBFC0  }
0x19: {  	[tilespmem:s25+$0x12000] =	vst v1;
	s24 =	sadd.s32 $0x10, s24;
	s25 =	smov.u32 s23;
	s23 =	sadd.s32 $0x40, s23  }
.Ltmp0:
0x1a: {  	(pc) =	sbr.rel @p0 .LBB2_2-.Ltmp0, $4  }
0x1b: {  	_ = 	snop  }
0x1c: {  	s25 =	sand.u32 $0xFE00, s25  }
0x1d: {  	s26 =	sand.u32 $0x70, s24;
	s25 =	sshrl.u32 s25, $0x2  }
0x1e: {  	s25 =	sor.u32 s26, s25  }
0x1f: {  	[tilespmem:s25+$0x12000] =	vst v1  }
0x20: {  	[spmem:s6] =	stream.linear.scatter [tilespmem:s15], [sflag:$0x3], $0x3000, $0x38;
	[tilespmem:$0x1F200] =	vst v63  }
0x21: {  	_ =	swait.ge [sflag:s13], $0x3000  }
0x22: {  	[sflag:s13] =	ssyncset.done $0x0  }
0x23: {  	[sflag:s13] =	ssyncadd.s32 $0xFFFFD000  }
0x24: {  	[spmem:s8] =	stream.linear.scatter [tilespmem:s15], [sflag:$0x3], $0x3000, $0x38;
	[tilespmem:$0x1F200] =	vst v63  }
0x25: {  	_ =	swait.ge [sflag:s13], $0x3000  }
0x26: {  	[sflag:s13] =	ssyncset.done $0x0  }
0x27: {  	[sflag:s13] =	ssyncadd.s32 $0xFFFFD000  }
0x28: {  	[spmem:s9] =	stream.linear.scatter [tilespmem:s15], [sflag:$0x3], $0x3000, $0x38;
	[tilespmem:$0x1F200] =	vst v63  }
0x29: {  	_ =	swait.ge [sflag:s13], $0x3000  }
0x2a: {  	[sflag:s13] =	ssyncset.done $0x0  }
0x2b: {  	s23 =	simm.s32 $0x0;
	[sflag:s13] =	ssyncadd.s32 $0xFFFFD000  }
0x2c: {  	[spmem:s10] =	stream.linear.scatter [tilespmem:s15], [sflag:$0x3], $0x1200, $0x38;
	[tilespmem:$0x1F200] =	vst v63  }
0x2d: {  	s24 =	sand.u32 $0x1FE00, s23;
	_ =	swait.ge [sflag:s13], $0x1200  }
0x2e: {  	s29 =	sand.u32 $0x70, s23;
	s30 =	sshrl.u32 s24, $0x2;
	[sflag:s13] =	ssyncset.done $0x0  }
0x2f: {  	s23 =	sor.u32 s29, s30;
	[sflag:s13] =	ssyncadd.s32 $0xFFFFEE00  }
0x30: {  	v3 =	vld [tilespmem:s23+$0x5000];
	_ =	sdelay $0x3  }
0x31: {  	v4 =	vor.u32 s29, v2  }
0x32: {  	s31 =	simm.s32 $0x40;
	v4 =	vand.u32 $0x3F, v4;
	v3 =	vsub.s32 v3, v0  }
0x33: {  	s25 =	simm.s32 $0x10;
	s26 =	sand.u32 $0x1FE00, s31;
	s24 =	simm.s32 $0x80;
	v4 =	vor.u32 $0x1400, v4;
	vm0 =	vlt.u32 v3, $0x1400  }
.LBB2_4:
0x34: {  	p0 =	sne.s32 s24, $0x13BC0;
	s28 =	sand.u32 $0x70, s25;
	s26 =	sshrl.u32 s26, $0x2;
	v3 =	vsel vm0, v3, v4  }
0x35: {  	[tilespmem:s23+$0x5000] =	vst v3;
	s23 =	sor.u32 s28, s26  }
0x36: {  	v3 =	vld [tilespmem:s23+$0x5000];
	_ =	sdelay $0x1  }
.Ltmp1:
0x37: {  	(pc) =	sbr.rel @p0 .LBB2_4-.Ltmp1, $4  }
0x38: {  	_ = 	snop  }
0x39: {  	v4 =	vor.u32 s28, v2  }
0x3a: {  	v4 =	vand.u32 $0x3F, v4;
	v3 =	vsub.s32 v3, v0  }
0x3b: {  	s25 =	sadd.s32 $0x10, s25;
	s26 =	sand.u32 $0x1FE00, s24;
	s24 =	sadd.s32 $0x40, s24;
	v4 =	vor.u32 $0x1400, v4;
	vm0 =	vlt.u32 v3, $0x1400  }
0x3c: {  	s24 =	sand.u32 $0x70, s25;
	s29 =	sshrl.u32 s26, $0x2;
	v3 =	vsel vm0, v3, v4  }
0x3d: {  	s25 =	sor.u32 s24, s29;
	[tilespmem:s23+$0x5000] =	vst v3  }
0x3e: {  	v3 =	vld [tilespmem:s25+$0x5000];
	_ =	sdelay $0x3  }
0x3f: {  	v63 =	vor.u32 s24, v2  }
0x40: {  	v4 =	vand.u32 $0x3F, v63;
	v3 =	vsub.s32 v3, v0  }
0x41: {  	v4 =	vor.u32 $0x1400, v4;
	vm15 =	vlt.u32 v3, $0x1400  }
0x42: {  	v3 =	vsel vm15, v3, v4  }
0x43: {  	[tilespmem:s25+$0x5000] =	vst v3  }
0x44: {  	s30 =	simm.s32 $0x0;
	s23 =	simm.s32 $0x80;
	[bflag:$0x0] =	sbarrier.arrive $0xFFFF  }
0x45: {  	[tilespmem:s16], [sflag:$0x1] =	stream.indirect.gather [hbm4b:s4+s23], $0x80, s30, s23, $0xb8;
	[tilespmem:$0x1F200] =	vst v63  }
0x46: {  	_ = 	snop  }
0x47: {  	[tilespmem:s18], [sflag:$0x2] =	stream.indirect.gather [hbm4b:s4+s17], $0x80, s23, s17, $0xb8;
	[tilespmem:$0x1F200] =	vst v63  }
0x48: {  	_ =	swait.ge [sflag:s19], $0x4000  }
0x49: {  	[sflag:s19] =	ssyncset.done $0x0  }
0x4a: {  	s24 =	simm.s32 $0x5000;
	[sflag:s19] =	ssyncadd.s32 $0xFFFFC000  }
0x4b: {  	[spmem:s2] =	stream.indirect.scatter.add.f32 [tilespmem:s16], [sflag:$0x3], $0x80, s24, s17, $0xb8;
	[tilespmem:$0x1F200] =	vst v63  }
0x4c: {  	s25 =	smin.u32 s30, $0x9A;
	_ =	swait.ge [sflag:s13], $0x4000  }
0x4d: {  	s25 =	sshll.u32 s25, $0x7;
	[sflag:s13] =	ssyncset.done $0x0  }
0x4e: {  	s25 =	sadd.s32 $0x100, s25;
	[sflag:s13] =	ssyncadd.s32 $0xFFFFC000  }
0x4f: {  	[tilespmem:s16], [sflag:$0x1] =	stream.indirect.gather [hbm4b:s4+s17], $0x80, s25, s17, $0xb8;
	[tilespmem:$0x1F200] =	vst v63  }
0x50: {  	_ =	swait.ge [sflag:s20], $0x4000  }
0x51: {  	[sflag:s20] =	ssyncset.done $0x0  }
0x52: {  	s31 =	simm.s32 $0x5080;
	[sflag:s20] =	ssyncadd.s32 $0xFFFFC000  }
0x53: {  	[spmem:s2] =	stream.indirect.scatter.add.f32 [tilespmem:s18], [sflag:$0x3], $0x80, s31, s17, $0xb8;
	[tilespmem:$0x1F200] =	vst v63  }
0x54: {  	_ =	swait.ge [sflag:s13], $0x4000  }
0x55: {  	s25 =	simm.s32 $0x2;
	[sflag:s13] =	ssyncset.done $0x0  }
.LBB2_6:
0x56: {  	[sflag:s13] =	ssyncadd.s32 $0xFFFFC000  }
0x57: {  	s24 =	sadd.s32 $0x100, s24;
	s23 =	sadd.s32 $0x100, s23;
	s26 =	smov.u32 s25  }
0x58: {  	[tilespmem:s18], [sflag:$0x2] =	stream.indirect.gather [hbm4b:s4+s17], $0x80, s23, s17, $0xb8;
	[tilespmem:$0x1F200] =	vst v63  }
0x59: {  	p0 =	sne.s32 s25, $0x9C;
	s25 =	sadd.s32 $0x2, s25;
	_ =	swait.ge [sflag:s19], $0x4000  }
0x5a: {  	[sflag:s19] =	ssyncset.done $0x0  }
0x5b: {  	[sflag:s19] =	ssyncadd.s32 $0xFFFFC000  }
0x5c: {  	[spmem:s2] =	stream.indirect.scatter.add.f32 [tilespmem:s16], [sflag:$0x3], $0x80, s24, s17, $0xb8;
	[tilespmem:$0x1F200] =	vst v63  }
0x5d: {  	s26 =	smin.u32 s26, $0x9A;
	_ =	swait.ge [sflag:s13], $0x4000  }
0x5e: {  	s26 =	sshll.u32 s26, $0x7;
	[sflag:s13] =	ssyncset.done $0x0  }
0x5f: {  	s26 =	sadd.s32 $0x100, s26;
	[sflag:s13] =	ssyncadd.s32 $0xFFFFC000  }
0x60: {  	[tilespmem:s16], [sflag:$0x1] =	stream.indirect.gather [hbm4b:s4+s17], $0x80, s26, s17, $0xb8;
	[tilespmem:$0x1F200] =	vst v63  }
0x61: {  	_ =	swait.ge [sflag:s20], $0x4000  }
.Ltmp2:
0x62: {  	[sflag:s20] =	ssyncset.done $0x0;
	(pc) =	sbr.rel @p0 .LBB2_6-.Ltmp2, $4  }
0x63: {  	s26 =	sadd.s32 $0x80, s24;
	[sflag:s20] =	ssyncadd.s32 $0xFFFFC000  }
0x64: {  	[spmem:s2] =	stream.indirect.scatter.add.f32 [tilespmem:s18], [sflag:$0x3], $0x80, s26, s17, $0xb8;
	[tilespmem:$0x1F200] =	vst v63  }
0x65: {  	_ =	swait.ge [sflag:s13], $0x4000  }
0x66: {  	[sflag:s13] =	ssyncset.done $0x0  }
0x67: {  	[sflag:s13] =	ssyncadd.s32 $0xFFFFC000  }
0x68: {  	_ =	swait.ge [sflag:s19], $0x4000  }
0x69: {  	s22 =	sadd.s32 $0x1, s22;
	[sflag:s19] =	ssyncset.done $0x0  }
0x6a: {  	s23 =	sshll.u32 s1, $0x6;
	p0 =	sne.s32 s22, s12;
	[sflag:s19] =	ssyncadd.s32 $0xFFFFC000  }
.Ltmp3:
0x6b: {  	s23 =	sor.u32 $0x1C03, s23;
	[bflag:$0x0] =	sbarrier.arrive $0xFFFF;
	(pc) =	sbr.rel @p0 .LBB2_1-.Ltmp3, $4  }
0x6c: {  	[hbm:s11], [sflag:s23] =	dma.local [spmem:s21], $0x1400  }
0x6d: {  	_ =	swait.ge [sflag:s13], $0x1400  }
0x6e: {  	[sflag:s13] =	ssyncset.done $0x0  }
0x6f: {  	[sflag:s13] =	ssyncadd.s32 $0xFFFFEC00  }
0x70: {  	_ =	sfence.sel $0x180000  }
0x71: {  	[bflag:$0x0] =	sbarrier.arrive $0xFFFF  }
0x72: {  	p0 =	sne.s32 s1, $0x0;
	_ =	strace $0x9000004D  }
0x73: {  	s0 =	sadd.s32 @!p0 $0x100000, s0;
	[bflag:$0x2] =	sbarrier.arrive $0xFFFF  }
0x74: {  	[sflag:s0] =	ssyncadd.tile.s32 @!p0 $0x1;
	_ =	shalt  }
.Lfunc_end2:
_tile_overlayer_lowered:
.L_overlay_start_2:
0x75: {  	(tag) =	ssettag $0x2  }
0x76: {  	s0 =	rddreg [dreg:$0x0];
	s2 =	stileid.u32  }
0x77: {  	s1 =	rddreg [dreg:$0x1];
	p0 =	sne.s32 s2, $0x0  }
0x78: {  	s3 =	rddreg [dreg:$0x2];
	[bflag:$0x3] =	sbarrier.arrive $0xFFFF;
	s2 =	simm.s32 @!p0 $0x1C03  }
0x79: {  	[timem:s3], [sflag:s2] =	dma.local @!p0 [hbm:s0], s1  }
0x7a: {  	s0 =	simm.s32 @!p0 $0x3  }
0x7b: {  	_ =	swait.ge @!p0 [sflag:s0], s1  }
0x7c: {  	s1 =	ssub.s32 @!p0 $0x0, s1;
	[sflag:s0] =	ssyncset.done @!p0 $0x0  }
0x7d: {  	[sflag:s0] =	ssyncadd.s32 @!p0 s1  }
0x7e: {  	[bflag:$0x3] =	sbarrier.arrive $0xFFFF  }
0x7f: {  	_ =	shalt  }

// kernel: kernel.26.cloned.1.call-start
scs
__scs_entry_jumppad:
0x0: {  	(pc) =	sbr.rel $0x88, $3  }
0x1: {  	(tag) =	ssettag $0x0;
	lr =	simm.s32 $0x1  }
0x2: {  	[smem:$0x3F7B] =	sst lr;
	_ =	strace $0xD0000000  }
0x3: {  	_ = 	snop  }
0x4: {  	_ = 	snop  }
0x5: {  	_ = 	snop  }
0x6: {  	_ = 	snop  }
0x7: {  	_ = 	snop  }
__scs_overlays_trampoline_lowered:
0x8: {  	[smem:$0x3F8A] =	sst s0  }
0x9: {  	[smem:$0x3F8B] =	sst s1  }
0xa: {  	[smem:$0x3F8C] =	sst s2  }
0xb: {  	[smem:$0x3F8D] =	sst s3  }
0xc: {  	[smem:$0x3F8E] =	sst s4  }
0xd: {  	[smem:$0x3F8F] =	sst s5  }
0xe: {  	[smem:$0x3F90] =	sst s6  }
0xf: {  	[smem:$0x3F91] =	sst s7  }
0x10: {  	[smem:$0x3F92] =	sst s8  }
0x11: {  	[smem:$0x3F93] =	sst s9;
	s0 =	simm.s32 @!p0 $0x0  }
0x12: {  	s1 =	sld [smem:$0x3F79];
	s0 =	simm.s32 @p0 $0x1  }
0x13: {  	[smem:$0x3F94] =	sst s0;
	s0 =	simm.s32 @!p1 $0x0  }
0x14: {  	s2 =	sld [smem:$0x3F78];
	s0 =	simm.s32 @p1 $0x1  }
0x15: {  	[smem:$0x3F95] =	sst s0;
	s0 =	simm.s32 @!p2 $0x0  }
0x16: {  	s3 =	sld [smem:$0x3FDB];
	s0 =	simm.s32 @p2 $0x1  }
0x17: {  	s4 =	simm.s32 $0x1BF5;
	[smem:$0x3F97] =	sst s0  }
0x18: {  	s0 =	sld [smem:$0x3F7A];
	_ =	swait.ge [sflag:s4], $0x0  }
0x19: {  	s7 =	sld [smem:$0x3F7B]  }
0x1a: {  	s8 =	sadd.s32 $0xFFFFE003, lr  }
0x1b: {  	s9 =	sadd.s32 $0xFFFFFEF7, lr;
	s5 =	simm.s32 $0xFFFFFFFF;
	p2 =	slt.u32 s8, $0xFFFFF086  }
0x1c: {  	p1 =	slt.u32 s9, $0xF7A;
	s5 =	simm.s32 @!p2 $0x0  }
0x1d: {  	s5 =	simm.s32 @p1 $0x1;
	p0 =	seq.s32 s7, s2  }
0x1e: {  	s7 =	smul.u32 @!p0 $0xF7A, s2;
	p2 =	seq.s32 @!p0 s5, $0x0  }
0x1f: {  	s9 =	smul.u32 $0xF7A, s1;
	s8 =	simm.s32 @!p0 $0x1BF5;
	p2 =	por !p2, p0  }
0x20: {  	[sflag:s8] =	ssyncset.s32 @!p0 $0xFFFFF086;
	s6 =	sadd.s32 @!p0 s3, s7;
	s7 =	simm.s32 @!p0 $0x108  }
0x21: {  	s3 =	sadd.s32 s3, s9;
	s6 =	sadd.s32 @!p0 $0x88, s6;
	s7 =	simm.s32 @p2 $0x1082  }
0x22: {  	[simem:s7], [sflag:s8] =	dma.local @!p0 [hbm:s6], $0xF7A  }
0x23: {  	s9 =	sor.u32 $0xD0000000, s2;
	s6 =	simm.s32 $0x108;
	_ =	swait.ge @!p0 [sflag:s8], $0x0  }
0x24: {  	s3 =	sadd.s32 $0x88, s3;
	s6 =	simm.s32 @!p1 $0x1082;
	[sflag:s4] =	ssyncset.s32 $0xFFFFF086  }
0x25: {  	[simem:s6], [sflag:s4] =	dma.local [hbm:s3], $0xF7A  }
0x26: {  	[smem:$0x3F7B] =	sst s1;
	(tag) =	ssettag s2;
	_ =	strace s9  }
0x27: {  	s1 =	sld [smem:$0x3F8B]  }
0x28: {  	s2 =	sld [smem:$0x3F8C]  }
0x29: {  	s4 =	sld [smem:$0x3F8E]  }
0x2a: {  	p0 =	seq.s32 s5, $0x0;
	s5 =	sld [smem:$0x3F8F]  }
0x2b: {  	s6 =	sld [smem:$0x3F90]  }
0x2c: {  	s7 =	sld [smem:$0x3F91]  }
0x2d: {  	s3 =	simm.s32 $0x108;
	s8 =	sld [smem:$0x3F92]  }
0x2e: {  	s3 =	simm.s32 @!p0 $0x1082;
	s9 =	sld [smem:$0x3F93]  }
0x2f: {  	lr =	sadd.s32 s0, s3;
	s0 =	sld [smem:$0x3F8A]  }
0x30: {  	s3 =	sld [smem:$0x3F8D]  }
0x31: {  	[smem:$0x3F96] =	sst s10  }
0x32: {  	s10 =	sld [smem:$0x3F94];
	_ =	sdelay $0x3  }
0x33: {  	p0 =	seq.s32 s10, $0x1;
	s10 =	sld [smem:$0x3F96];
	_ =	sdelay $0x3  }
0x34: {  	[smem:$0x3F96] =	sst s10  }
0x35: {  	s10 =	sld [smem:$0x3F95];
	_ =	sdelay $0x3  }
0x36: {  	p1 =	seq.s32 s10, $0x1;
	s10 =	sld [smem:$0x3F96];
	_ =	sdelay $0x3  }
0x37: {  	[smem:$0x3F96] =	sst s10  }
0x38: {  	s10 =	sld [smem:$0x3F97]  }
0x39: {  	_ = 	snop;
	(pc) =	sbr.ind lr, $3  }
0x3a: {  	_ = 	snop  }
0x3b: {  	_ = 	snop  }
0x3c: {  	p2 =	seq.s32 s10, $0x1;
	s10 =	sld [smem:$0x3F96]  }
0x3d: {  	_ =	shalt  }
0x3e: {  	_ =	shalt  }
0x3f: {  	_ =	shalt  }
0x40: {  	_ =	shalt  }
0x41: {  	_ =	shalt  }
0x42: {  	_ =	shalt  }
0x43: {  	_ =	shalt  }
0x44: {  	_ =	shalt  }
0x45: {  	_ =	shalt  }
0x46: {  	_ =	shalt  }
0x47: {  	_ =	shalt  }
0x48: {  	_ =	shalt  }
0x49: {  	_ =	shalt  }
0x4a: {  	_ =	shalt  }
0x4b: {  	_ =	shalt  }
0x4c: {  	_ =	shalt  }
0x4d: {  	_ =	shalt  }
0x4e: {  	_ =	shalt  }
0x4f: {  	_ =	shalt  }
0x50: {  	_ =	shalt  }
0x51: {  	_ =	shalt  }
0x52: {  	_ =	shalt  }
0x53: {  	_ =	shalt  }
0x54: {  	_ =	shalt  }
0x55: {  	_ =	shalt  }
0x56: {  	_ =	shalt  }
0x57: {  	_ =	shalt  }
0x58: {  	_ =	shalt  }
0x59: {  	_ =	shalt  }
0x5a: {  	_ =	shalt  }
0x5b: {  	_ =	shalt  }
0x5c: {  	_ =	shalt  }
0x5d: {  	_ =	shalt  }
0x5e: {  	_ =	shalt  }
0x5f: {  	_ =	shalt  }
0x60: {  	_ =	shalt  }
0x61: {  	_ =	shalt  }
0x62: {  	_ =	shalt  }
0x63: {  	_ =	shalt  }
0x64: {  	_ =	shalt  }
0x65: {  	_ =	shalt  }
0x66: {  	_ =	shalt  }
0x67: {  	_ =	shalt  }
0x68: {  	_ =	shalt  }
0x69: {  	_ =	shalt  }
0x6a: {  	_ =	shalt  }
0x6b: {  	_ =	shalt  }
0x6c: {  	_ =	shalt  }
0x6d: {  	_ =	shalt  }
0x6e: {  	_ =	shalt  }
0x6f: {  	_ =	shalt  }
0x70: {  	_ =	shalt  }
0x71: {  	_ =	shalt  }
0x72: {  	_ =	shalt  }
0x73: {  	_ =	shalt  }
0x74: {  	_ =	shalt  }
0x75: {  	_ =	shalt  }
0x76: {  	_ =	shalt  }
0x77: {  	_ =	shalt  }
0x78: {  	_ =	shalt  }
0x79: {  	_ =	shalt  }
0x7a: {  	_ =	shalt  }
0x7b: {  	_ =	shalt  }
0x7c: {  	_ =	shalt  }
0x7d: {  	_ =	shalt  }
0x7e: {  	_ =	shalt  }
0x7f: {  	_ =	shalt  }
0x80: {  	_ =	shalt  }
0x81: {  	_ =	shalt  }
0x82: {  	_ =	shalt  }
0x83: {  	_ =	shalt  }
0x84: {  	_ =	shalt  }
0x85: {  	_ =	shalt  }
0x86: {  	_ =	shalt  }
0x87: {  	_ =	shalt  }
.Lfunc_end0:
.L_simem_size_0:
called_computation.3_lowered:
.L_overlay_start_0:
0x88: {  	s2 =	sld [smem:$0x3FD9]  }
0x89: {  	s3 =	sld [smem:$0x3FFE];
	_ =	sdelay $0x1  }
0x8a: {  	s1 =	srdreg.scid  }
0x8b: {  	s0 =	sand.u32 $0x1, s1  }
0x8c: {  	s16 =	sshll.u32 s0, $0xA;
	s2 =	sadd.s32 s3, s2  }
0x8d: {  	s2 =	sadd.s32 s2, s16  }
0x8e: {  	[smem:$0x3FA2] =	sst s2  }
0x8f: {  	_ = 	snop  }
0x90: {  	(tm) =	ssettm $0x1  }
0x91: {  	s17 =	sld [smem:$0x3FFB];
	_ =	sdelay $0x3  }
0x92: {  	_ =	strace s17  }
0x93: {  	s2 =	sld [smem:$0x3FFC];
	_ =	sdelay $0x3  }
0x94: {  	_ =	strace s2  }
0x95: {  	s2 =	sld [smem:$0x3FFD];
	_ =	sdelay $0x3  }
0x96: {  	_ =	strace s2  }
0x97: {  	_ =	strace $0x8FFFFFFF  }
0x98: {  	s18 =	sld [smem:$0x3FDB];
	_ =	sdelay $0x1  }
0x99: {  	s19 =	simm.s32 $_scs_section_size  }
0x9a: {  	s4 =	simm.s32 $_size__tile_overlayer_lowered;
	s5 =	simm.s32 $_tile_overlayer_lowered  }
0x9b: {  	s22 =	simm.s32 $0x1BFF;
	s21 =	sshll.u32 s5, $0x1;
	s2 =	sadd.s32 s19, s18  }
0x9c: {  	s6 =	simm.s32 $0x0;
	s20 =	sshll.u32 s4, $0x1;
	s4 =	sadd.s32 s21, s2  }
0x9d: {  	[timem:s6], [sflag:s22] =	dma.local [hbm:s4], s20  }
0x9e: {  	_ =	swait.ge [sflag:s22], s20  }
0x9f: {  	s3 =	ssub.s32 $0x0, s20;
	[sflag:s22] =	ssyncset.done $0x0  }
0xa0: {  	[sflag:s22] =	ssyncadd.s32 s3;
	_ =	sdelay $0x1  }
0xa1: {  	s23 =	simm.s32 $0x1B8B  }
0xa2: {  	_ =	swait.ge [sflag:s23], $0x1  }
0xa3: {  	[sflag:s23] =	ssyncset.done $0x0  }
0xa4: {  	s25 =	simm.s32 $0x1B8E;
	s24 =	sld [smem:$0x3FFE];
	[sflag:s23] =	ssyncadd.s32 $0xFFFFFFFF  }
0xa5: {  	s26 =	simm.s32 $execute0_lowered;
	[smem:$0x3FD2] =	sst s25  }
0xa6: {  	s4 =	sshll.u32 s26, $0x1;
	_ =	strace $0x8000004F;
	[dreg:$0x1] =	wrdreg $0xFFFFFFFF  }
0xa7: {  	s28 =	simm.s32 $_size_execute0_lowered;
	s2 =	sadd.s32 s2, s4;
	[dreg:$0x0] =	wrdreg $0x0  }
0xa8: {  	s4 =	sshll.u32 s28, $0x1;
	[dreg:$0x2] =	wrdreg s2  }
0xa9: {  	[dreg:$0x3] =	wrdreg s4  }
0xaa: {  	[dreg:$0x4] =	wrdreg $0xC0  }
0xab: {  	_ =	task [dreg:s6], $0x5FFFF  }
0xac: {  	[dreg:$0x1] =	wrdreg $0xFFFFFFFF  }
0xad: {  	[dreg:$0x0] =	wrdreg $0x60  }
0xae: {  	[dreg:$0x2] =	wrdreg s24  }
0xaf: {  	[dreg:$0x3] =	wrdreg $0x150000  }
0xb0: {  	[dreg:$0x4] =	wrdreg $0x9  }
0xb1: {  	_ =	task.clear_ibuf [dreg:s6], $0x5FFFF;
	_ =	strace $0x9000004F  }
0xb2: {  	s29 =	simm.s32 $0x9;
	_ =	strace $0x80000051  }
0xb3: {  	_ =	swait.ge [sflag:s29], $0x1  }
0xb4: {  	[sflag:s29] =	ssyncadd.s32 $0xFFFFFFFF  }
0xb5: {  	_ =	strace $0x90000051  }
0xb6: {  	_ =	sfence  }
0xb7: {  	s30 =	sld [smem:$0x0];
	_ =	sdelay $0x2  }
0xb8: {  	s31 =	sshll.u32 s1, $0xD;
	s1 =	sshrl.u32 s1, $0x2  }
0xb9: {  	s3 =	sand.u32 $0x4000, s31;
	s1 =	sadd.s32 s1, s30  }
0xba: {  	s0 =	sor.u32 s3, s0;
	s1 =	sshll.u32 s1, $0x11  }
0xbb: {  	s0 =	sor.u32 s1, s0  }
0xbc: {  	s0 =	sadd.s32 $0x8F2B, s0  }
0xbd: {  	[sflag:s0] =	ssyncadd.remote.s32 $0x1  }
0xbe: {  	_ =	sfence.sel $0xFFFF  }
0xbf: {  	[dreg:$0x0] =	wrdreg $0xFFFFFFFF;
	(pc) =	sbr.abs _section_cstart, $3  }
0xc0: {  	[dreg:$0x1] =	wrdreg $0xFFFFFFFF  }
0xc1: {  	_ =	task.clear_ibuf [dreg:s6], $0x2FFFF;
	_ =	strace $0x9FFFFFFF  }
0xc2: {  	(tm) =	ssettm $0x7FFFFFFF  }
0xc3: {  	_ =	shalt  }
tec
execute0_lowered:
.L_overlay_start_1:
0x0: {  	(tag) =	ssettag $0x1  }
0x1: {  	s5 =	rddreg [dreg:$0x0];
	s0 =	srdreg.scid  }
0x2: {  	s2 =	rddreg [dreg:$0x1];
	s1 =	stileid.u32  }
0x3: {  	s3 =	simm.s32 $0x0;
	s14 =	simm.s32 $0x5000;
	s15 =	simm.s32 $0x12000  }
0x4: {  	s16 =	simm.s32 $0xA000;
	s17 =	simm.s32 $0x80;
	s4 =	smul.u32 $0x140, s1  }
0x5: {  	s18 =	simm.s32 $0xE000;
	s19 =	simm.s32 $0x1;
	s7 =	smul.u32 $0xA00, s1  }
0x6: {  	s6 =	sand.u32 $0x1, s0;
	s0 =	rddreg [dreg:$0x2];
	s9 =	smul.u32 $0x28800, s1  }
0x7: {  	s22 =	simm.s32 $0x0;
	[smem:$0x7FF] =	sst s3;
	s31 =	smul.u32 $0x28000, s1  }
0x8: {  	s20 =	smul.u32 $0x1400, s6;
	_ =	strace $0x80000050;
	s29 =	ssub.s32 $0x2, s6  }
0x9: {  	s7 =	sadd.s32 s7, s5;
	s6 =	sshrl.u32 s29, $0x1;
	s30 =	sshrl.u32 s9, $0x2  }
0xa: {  	s13 =	sshrl.u32 s31, $0x2;
	s8 =	sadd.s32 s4, s20;
	s4 =	sadd.s32 $0x12200, s5  }
0xb: {  	s12 =	ssub.s32 s29, s6;
	s6 =	sadd.s32 s30, s2;
	s21 =	sadd.s32 s13, s2  }
0xc: {  	s13 =	simm.s32 $0x3;
	v0 =	vmov s20;
	s20 =	simm.s32 $0x2;
	s8 =	sshll.u32 s8, $0x4  }
0xd: {  	s9 =	sadd.s32 $0x6000, s6;
	s10 =	sadd.s32 $0x9000, s6;
	s12 =	smax.u32 s12, $0x1  }
0xe: {  	s21 =	sshrl.u32 s21, $0x3;
	s11 =	sadd.s32 s8, s5;
	s5 =	sadd.s32 $0x8200, s7  }
0xf: {  	v1 =	vimm.f32 $0.0e+00;
	v2 =	vlaneseq.u32;
	s7 =	sadd.s32 $0x57C00, s7;
	s8 =	sadd.s32 $0x3000, s6;
	s11 =	sadd.s32 $0x61C00, s11  }
.LBB2_1:
0x10: {  	[tilespmem:s3], [sflag:$0x3] =	stream.linear.gather [hbm4b:s5+s3], $0x4F00, $0x38;
	[tilespmem:$0x1F200] =	vst v63  }
0x11: {  	_ =	swait.ge [sflag:s13], $0x4F00  }
0x12: {  	[sflag:s13] =	ssyncset.done $0x0  }
0x13: {  	[sflag:s13] =	ssyncadd.s32 $0xFFFFB100  }
0x14: {  	[tilespmem:s14], [sflag:$0x3] =	stream.linear.gather [hbm4b:s7+s3], $0x4F00, $0x38;
	[tilespmem:$0x1F200] =	vst v63  }
0x15: {  	s23 =	sand.u32 $0xFE00, s3;
	s24 =	sand.u32 $0x70, s3;
	_ =	swait.ge [sflag:s13], $0x4F00  }
0x16: {  	s25 =	sshrl.u32 s23, $0x2;
	s23 =	simm.s32 $0x40;
	[sflag:s13] =	ssyncset.done $0x0  }
0x17: {  	s25 =	sor.u32 s24, s25;
	s24 =	simm.s32 $0x0;
	[sflag:s13] =	ssyncadd.s32 $0xFFFFB100  }
.LBB2_2:
0x18: {  	p0 =	sne.s32 s23, $0xBFC0  }
0x19: {  	[tilespmem:s25+$0x12000] =	vst v1;
	s24 =	sadd.s32 $0x10, s24;
	s25 =	smov.u32 s23;
	s23 =	sadd.s32 $0x40, s23  }
.Ltmp0:
0x1a: {  	(pc) =	sbr.rel @p0 .LBB2_2-.Ltmp0, $4  }
0x1b: {  	_ = 	snop  }
0x1c: {  	s25 =	sand.u32 $0xFE00, s25  }
0x1d: {  	s26 =	sand.u32 $0x70, s24;
	s25 =	sshrl.u32 s25, $0x2  }
0x1e: {  	s25 =	sor.u32 s26, s25  }
0x1f: {  	[tilespmem:s25+$0x12000] =	vst v1  }
0x20: {  	[spmem:s6] =	stream.linear.scatter [tilespmem:s15], [sflag:$0x3], $0x3000, $0x38;
	[tilespmem:$0x1F200] =	vst v63  }
0x21: {  	_ =	swait.ge [sflag:s13], $0x3000  }
0x22: {  	[sflag:s13] =	ssyncset.done $0x0  }
0x23: {  	[sflag:s13] =	ssyncadd.s32 $0xFFFFD000  }
0x24: {  	[spmem:s8] =	stream.linear.scatter [tilespmem:s15], [sflag:$0x3], $0x3000, $0x38;
	[tilespmem:$0x1F200] =	vst v63  }
0x25: {  	_ =	swait.ge [sflag:s13], $0x3000  }
0x26: {  	[sflag:s13] =	ssyncset.done $0x0  }
0x27: {  	[sflag:s13] =	ssyncadd.s32 $0xFFFFD000  }
0x28: {  	[spmem:s9] =	stream.linear.scatter [tilespmem:s15], [sflag:$0x3], $0x3000, $0x38;
	[tilespmem:$0x1F200] =	vst v63  }
0x29: {  	_ =	swait.ge [sflag:s13], $0x3000  }
0x2a: {  	[sflag:s13] =	ssyncset.done $0x0  }
0x2b: {  	s23 =	simm.s32 $0x0;
	[sflag:s13] =	ssyncadd.s32 $0xFFFFD000  }
0x2c: {  	[spmem:s10] =	stream.linear.scatter [tilespmem:s15], [sflag:$0x3], $0x1200, $0x38;
	[tilespmem:$0x1F200] =	vst v63  }
0x2d: {  	s24 =	sand.u32 $0x1FE00, s23;
	_ =	swait.ge [sflag:s13], $0x1200  }
0x2e: {  	s29 =	sand.u32 $0x70, s23;
	s30 =	sshrl.u32 s24, $0x2;
	[sflag:s13] =	ssyncset.done $0x0  }
0x2f: {  	s23 =	sor.u32 s29, s30;
	[sflag:s13] =	ssyncadd.s32 $0xFFFFEE00  }
0x30: {  	v3 =	vld [tilespmem:s23+$0x5000];
	_ =	sdelay $0x3  }
0x31: {  	v4 =	vor.u32 s29, v2  }
0x32: {  	s31 =	simm.s32 $0x40;
	v4 =	vand.u32 $0x3F, v4;
	v3 =	vsub.s32 v3, v0  }
0x33: {  	s25 =	simm.s32 $0x10;
	s26 =	sand.u32 $0x1FE00, s31;
	s24 =	simm.s32 $0x80;
	v4 =	vor.u32 $0x1400, v4;
	vm0 =	vlt.u32 v3, $0x1400  }
.LBB2_4:
0x34: {  	p0 =	sne.s32 s24, $0x13BC0;
	s28 =	sand.u32 $0x70, s25;
	s26 =	sshrl.u32 s26, $0x2;
	v3 =	vsel vm0, v3, v4  }
0x35: {  	[tilespmem:s23+$0x5000] =	vst v3;
	s23 =	sor.u32 s28, s26  }
0x36: {  	v3 =	vld [tilespmem:s23+$0x5000];
	_ =	sdelay $0x1  }
.Ltmp1:
0x37: {  	(pc) =	sbr.rel @p0 .LBB2_4-.Ltmp1, $4  }
0x38: {  	_ = 	snop  }
0x39: {  	v4 =	vor.u32 s28, v2  }
0x3a: {  	v4 =	vand.u32 $0x3F, v4;
	v3 =	vsub.s32 v3, v0  }
0x3b: {  	s25 =	sadd.s32 $0x10, s25;
	s26 =	sand.u32 $0x1FE00, s24;
	s24 =	sadd.s32 $0x40, s24;
	v4 =	vor.u32 $0x1400, v4;
	vm0 =	vlt.u32 v3, $0x1400  }
0x3c: {  	s24 =	sand.u32 $0x70, s25;
	s29 =	sshrl.u32 s26, $0x2;
	v3 =	vsel vm0, v3, v4  }
0x3d: {  	s25 =	sor.u32 s24, s29;
	[tilespmem:s23+$0x5000] =	vst v3  }
0x3e: {  	v3 =	vld [tilespmem:s25+$0x5000];
	_ =	sdelay $0x3  }
0x3f: {  	v63 =	vor.u32 s24, v2  }
0x40: {  	v4 =	vand.u32 $0x3F, v63;
	v3 =	vsub.s32 v3, v0  }
0x41: {  	v4 =	vor.u32 $0x1400, v4;
	vm15 =	vlt.u32 v3, $0x1400  }
0x42: {  	v3 =	vsel vm15, v3, v4  }
0x43: {  	[tilespmem:s25+$0x5000] =	vst v3  }
0x44: {  	s30 =	simm.s32 $0x0;
	s23 =	simm.s32 $0x80;
	[bflag:$0x0] =	sbarrier.arrive $0xFFFF  }
0x45: {  	[tilespmem:s16], [sflag:$0x1] =	stream.indirect.gather [hbm4b:s4+s23], $0x80, s30, s23, $0xb8;
	[tilespmem:$0x1F200] =	vst v63  }
0x46: {  	_ = 	snop  }
0x47: {  	[tilespmem:s18], [sflag:$0x2] =	stream.indirect.gather [hbm4b:s4+s17], $0x80, s23, s17, $0xb8;
	[tilespmem:$0x1F200] =	vst v63  }
0x48: {  	_ =	swait.ge [sflag:s19], $0x4000  }
0x49: {  	[sflag:s19] =	ssyncset.done $0x0  }
0x4a: {  	s24 =	simm.s32 $0x5000;
	[sflag:s19] =	ssyncadd.s32 $0xFFFFC000  }
0x4b: {  	[spmem:s2] =	stream.indirect.scatter.add.f32 [tilespmem:s16], [sflag:$0x3], $0x80, s24, s17, $0xb8;
	[tilespmem:$0x1F200] =	vst v63  }
0x4c: {  	s25 =	smin.u32 s30, $0x9A;
	_ =	swait.ge [sflag:s13], $0x4000  }
0x4d: {  	s25 =	sshll.u32 s25, $0x7;
	[sflag:s13] =	ssyncset.done $0x0  }
0x4e: {  	s25 =	sadd.s32 $0x100, s25;
	[sflag:s13] =	ssyncadd.s32 $0xFFFFC000  }
0x4f: {  	[tilespmem:s16], [sflag:$0x1] =	stream.indirect.gather [hbm4b:s4+s17], $0x80, s25, s17, $0xb8;
	[tilespmem:$0x1F200] =	vst v63  }
0x50: {  	_ =	swait.ge [sflag:s20], $0x4000  }
0x51: {  	[sflag:s20] =	ssyncset.done $0x0  }
0x52: {  	s31 =	simm.s32 $0x5080;
	[sflag:s20] =	ssyncadd.s32 $0xFFFFC000  }
0x53: {  	[spmem:s2] =	stream.indirect.scatter.add.f32 [tilespmem:s18], [sflag:$0x3], $0x80, s31, s17, $0xb8;
	[tilespmem:$0x1F200] =	vst v63  }
0x54: {  	_ =	swait.ge [sflag:s13], $0x4000  }
0x55: {  	s25 =	simm.s32 $0x2;
	[sflag:s13] =	ssyncset.done $0x0  }
.LBB2_6:
0x56: {  	[sflag:s13] =	ssyncadd.s32 $0xFFFFC000  }
0x57: {  	s24 =	sadd.s32 $0x100, s24;
	s23 =	sadd.s32 $0x100, s23;
	s26 =	smov.u32 s25  }
0x58: {  	[tilespmem:s18], [sflag:$0x2] =	stream.indirect.gather [hbm4b:s4+s17], $0x80, s23, s17, $0xb8;
	[tilespmem:$0x1F200] =	vst v63  }
0x59: {  	p0 =	sne.s32 s25, $0x9C;
	s25 =	sadd.s32 $0x2, s25;
	_ =	swait.ge [sflag:s19], $0x4000  }
0x5a: {  	[sflag:s19] =	ssyncset.done $0x0  }
0x5b: {  	[sflag:s19] =	ssyncadd.s32 $0xFFFFC000  }
0x5c: {  	[spmem:s2] =	stream.indirect.scatter.add.f32 [tilespmem:s16], [sflag:$0x3], $0x80, s24, s17, $0xb8;
	[tilespmem:$0x1F200] =	vst v63  }
0x5d: {  	s26 =	smin.u32 s26, $0x9A;
	_ =	swait.ge [sflag:s13], $0x4000  }
0x5e: {  	s26 =	sshll.u32 s26, $0x7;
	[sflag:s13] =	ssyncset.done $0x0  }
0x5f: {  	s26 =	sadd.s32 $0x100, s26;
	[sflag:s13] =	ssyncadd.s32 $0xFFFFC000  }
0x60: {  	[tilespmem:s16], [sflag:$0x1] =	stream.indirect.gather [hbm4b:s4+s17], $0x80, s26, s17, $0xb8;
	[tilespmem:$0x1F200] =	vst v63  }
0x61: {  	_ =	swait.ge [sflag:s20], $0x4000  }
.Ltmp2:
0x62: {  	[sflag:s20] =	ssyncset.done $0x0;
	(pc) =	sbr.rel @p0 .LBB2_6-.Ltmp2, $4  }
0x63: {  	s26 =	sadd.s32 $0x80, s24;
	[sflag:s20] =	ssyncadd.s32 $0xFFFFC000  }
0x64: {  	[spmem:s2] =	stream.indirect.scatter.add.f32 [tilespmem:s18], [sflag:$0x3], $0x80, s26, s17, $0xb8;
	[tilespmem:$0x1F200] =	vst v63  }
0x65: {  	_ =	swait.ge [sflag:s13], $0x4000  }
0x66: {  	[sflag:s13] =	ssyncset.done $0x0  }
0x67: {  	[sflag:s13] =	ssyncadd.s32 $0xFFFFC000  }
0x68: {  	_ =	swait.ge [sflag:s19], $0x4000  }
0x69: {  	s22 =	sadd.s32 $0x1, s22;
	[sflag:s19] =	ssyncset.done $0x0  }
0x6a: {  	s23 =	sshll.u32 s1, $0x6;
	p0 =	sne.s32 s22, s12;
	[sflag:s19] =	ssyncadd.s32 $0xFFFFC000  }
.Ltmp3:
0x6b: {  	s23 =	sor.u32 $0x1C03, s23;
	[bflag:$0x0] =	sbarrier.arrive $0xFFFF;
	(pc) =	sbr.rel @p0 .LBB2_1-.Ltmp3, $4  }
0x6c: {  	[hbm:s11], [sflag:s23] =	dma.local [spmem:s21], $0x1400  }
0x6d: {  	_ =	swait.ge [sflag:s13], $0x1400  }
0x6e: {  	[sflag:s13] =	ssyncset.done $0x0  }
0x6f: {  	[sflag:s13] =	ssyncadd.s32 $0xFFFFEC00  }
0x70: {  	_ =	sfence.sel $0x180000  }
0x71: {  	[bflag:$0x0] =	sbarrier.arrive $0xFFFF  }
0x72: {  	p0 =	sne.s32 s1, $0x0;
	_ =	strace $0x90000050  }
0x73: {  	s0 =	sadd.s32 @!p0 $0x100000, s0;
	[bflag:$0x2] =	sbarrier.arrive $0xFFFF  }
0x74: {  	[sflag:s0] =	ssyncadd.tile.s32 @!p0 $0x1;
	_ =	shalt  }
.Lfunc_end2:
_tile_overlayer_lowered:
.L_overlay_start_2:
0x75: {  	(tag) =	ssettag $0x2  }
0x76: {  	s0 =	rddreg [dreg:$0x0];
	s2 =	stileid.u32  }
0x77: {  	s1 =	rddreg [dreg:$0x1];
	p0 =	sne.s32 s2, $0x0  }
0x78: {  	s3 =	rddreg [dreg:$0x2];
	[bflag:$0x3] =	sbarrier.arrive $0xFFFF;
	s2 =	simm.s32 @!p0 $0x1C03  }
0x79: {  	[timem:s3], [sflag:s2] =	dma.local @!p0 [hbm:s0], s1  }
0x7a: {  	s0 =	simm.s32 @!p0 $0x3  }
0x7b: {  	_ =	swait.ge @!p0 [sflag:s0], s1  }
0x7c: {  	s1 =	ssub.s32 @!p0 $0x0, s1;
	[sflag:s0] =	ssyncset.done @!p0 $0x0  }
0x7d: {  	[sflag:s0] =	ssyncadd.s32 @!p0 s1  }
0x7e: {  	[bflag:$0x3] =	sbarrier.arrive $0xFFFF  }
0x7f: {  	_ =	shalt  }

// kernel: kernel.29.cloned.1.call-start
scs
__scs_entry_jumppad:
0x0: {  	(pc) =	sbr.rel $0x88, $3  }
0x1: {  	(tag) =	ssettag $0x0;
	lr =	simm.s32 $0x1  }
0x2: {  	[smem:$0x3F7B] =	sst lr;
	_ =	strace $0xD0000000  }
0x3: {  	_ = 	snop  }
0x4: {  	_ = 	snop  }
0x5: {  	_ = 	snop  }
0x6: {  	_ = 	snop  }
0x7: {  	_ = 	snop  }
__scs_overlays_trampoline_lowered:
0x8: {  	[smem:$0x3F8A] =	sst s0  }
0x9: {  	[smem:$0x3F8B] =	sst s1  }
0xa: {  	[smem:$0x3F8C] =	sst s2  }
0xb: {  	[smem:$0x3F8D] =	sst s3  }
0xc: {  	[smem:$0x3F8E] =	sst s4  }
0xd: {  	[smem:$0x3F8F] =	sst s5  }
0xe: {  	[smem:$0x3F90] =	sst s6  }
0xf: {  	[smem:$0x3F91] =	sst s7  }
0x10: {  	[smem:$0x3F92] =	sst s8  }
0x11: {  	[smem:$0x3F93] =	sst s9;
	s0 =	simm.s32 @!p0 $0x0  }
0x12: {  	s1 =	sld [smem:$0x3F79];
	s0 =	simm.s32 @p0 $0x1  }
0x13: {  	[smem:$0x3F94] =	sst s0;
	s0 =	simm.s32 @!p1 $0x0  }
0x14: {  	s2 =	sld [smem:$0x3F78];
	s0 =	simm.s32 @p1 $0x1  }
0x15: {  	[smem:$0x3F95] =	sst s0;
	s0 =	simm.s32 @!p2 $0x0  }
0x16: {  	s3 =	sld [smem:$0x3FDB];
	s0 =	simm.s32 @p2 $0x1  }
0x17: {  	s4 =	simm.s32 $0x1BF5;
	[smem:$0x3F97] =	sst s0  }
0x18: {  	s0 =	sld [smem:$0x3F7A];
	_ =	swait.ge [sflag:s4], $0x0  }
0x19: {  	s7 =	sld [smem:$0x3F7B]  }
0x1a: {  	s8 =	sadd.s32 $0xFFFFE003, lr  }
0x1b: {  	s9 =	sadd.s32 $0xFFFFFEF7, lr;
	s5 =	simm.s32 $0xFFFFFFFF;
	p2 =	slt.u32 s8, $0xFFFFF086  }
0x1c: {  	p1 =	slt.u32 s9, $0xF7A;
	s5 =	simm.s32 @!p2 $0x0  }
0x1d: {  	s5 =	simm.s32 @p1 $0x1;
	p0 =	seq.s32 s7, s2  }
0x1e: {  	s7 =	smul.u32 @!p0 $0xF7A, s2;
	p2 =	seq.s32 @!p0 s5, $0x0  }
0x1f: {  	s9 =	smul.u32 $0xF7A, s1;
	s8 =	simm.s32 @!p0 $0x1BF5;
	p2 =	por !p2, p0  }
0x20: {  	[sflag:s8] =	ssyncset.s32 @!p0 $0xFFFFF086;
	s6 =	sadd.s32 @!p0 s3, s7;
	s7 =	simm.s32 @!p0 $0x108  }
0x21: {  	s3 =	sadd.s32 s3, s9;
	s6 =	sadd.s32 @!p0 $0x88, s6;
	s7 =	simm.s32 @p2 $0x1082  }
0x22: {  	[simem:s7], [sflag:s8] =	dma.local @!p0 [hbm:s6], $0xF7A  }
0x23: {  	s9 =	sor.u32 $0xD0000000, s2;
	s6 =	simm.s32 $0x108;
	_ =	swait.ge @!p0 [sflag:s8], $0x0  }
0x24: {  	s3 =	sadd.s32 $0x88, s3;
	s6 =	simm.s32 @!p1 $0x1082;
	[sflag:s4] =	ssyncset.s32 $0xFFFFF086  }
0x25: {  	[simem:s6], [sflag:s4] =	dma.local [hbm:s3], $0xF7A  }
0x26: {  	[smem:$0x3F7B] =	sst s1;
	(tag) =	ssettag s2;
	_ =	strace s9  }
0x27: {  	s1 =	sld [smem:$0x3F8B]  }
0x28: {  	s2 =	sld [smem:$0x3F8C]  }
0x29: {  	s4 =	sld [smem:$0x3F8E]  }
0x2a: {  	p0 =	seq.s32 s5, $0x0;
	s5 =	sld [smem:$0x3F8F]  }
0x2b: {  	s6 =	sld [smem:$0x3F90]  }
0x2c: {  	s7 =	sld [smem:$0x3F91]  }
0x2d: {  	s3 =	simm.s32 $0x108;
	s8 =	sld [smem:$0x3F92]  }
0x2e: {  	s3 =	simm.s32 @!p0 $0x1082;
	s9 =	sld [smem:$0x3F93]  }
0x2f: {  	lr =	sadd.s32 s0, s3;
	s0 =	sld [smem:$0x3F8A]  }
0x30: {  	s3 =	sld [smem:$0x3F8D]  }
0x31: {  	[smem:$0x3F96] =	sst s10  }
0x32: {  	s10 =	sld [smem:$0x3F94];
	_ =	sdelay $0x3  }
0x33: {  	p0 =	seq.s32 s10, $0x1;
	s10 =	sld [smem:$0x3F96];
	_ =	sdelay $0x3  }
0x34: {  	[smem:$0x3F96] =	sst s10  }
0x35: {  	s10 =	sld [smem:$0x3F95];
	_ =	sdelay $0x3  }
0x36: {  	p1 =	seq.s32 s10, $0x1;
	s10 =	sld [smem:$0x3F96];
	_ =	sdelay $0x3  }
0x37: {  	[smem:$0x3F96] =	sst s10  }
0x38: {  	s10 =	sld [smem:$0x3F97]  }
0x39: {  	_ = 	snop;
	(pc) =	sbr.ind lr, $3  }
0x3a: {  	_ = 	snop  }
0x3b: {  	_ = 	snop  }
0x3c: {  	p2 =	seq.s32 s10, $0x1;
	s10 =	sld [smem:$0x3F96]  }
0x3d: {  	_ =	shalt  }
0x3e: {  	_ =	shalt  }
0x3f: {  	_ =	shalt  }
0x40: {  	_ =	shalt  }
0x41: {  	_ =	shalt  }
0x42: {  	_ =	shalt  }
0x43: {  	_ =	shalt  }
0x44: {  	_ =	shalt  }
0x45: {  	_ =	shalt  }
0x46: {  	_ =	shalt  }
0x47: {  	_ =	shalt  }
0x48: {  	_ =	shalt  }
0x49: {  	_ =	shalt  }
0x4a: {  	_ =	shalt  }
0x4b: {  	_ =	shalt  }
0x4c: {  	_ =	shalt  }
0x4d: {  	_ =	shalt  }
0x4e: {  	_ =	shalt  }
0x4f: {  	_ =	shalt  }
0x50: {  	_ =	shalt  }
0x51: {  	_ =	shalt  }
0x52: {  	_ =	shalt  }
0x53: {  	_ =	shalt  }
0x54: {  	_ =	shalt  }
0x55: {  	_ =	shalt  }
0x56: {  	_ =	shalt  }
0x57: {  	_ =	shalt  }
0x58: {  	_ =	shalt  }
0x59: {  	_ =	shalt  }
0x5a: {  	_ =	shalt  }
0x5b: {  	_ =	shalt  }
0x5c: {  	_ =	shalt  }
0x5d: {  	_ =	shalt  }
0x5e: {  	_ =	shalt  }
0x5f: {  	_ =	shalt  }
0x60: {  	_ =	shalt  }
0x61: {  	_ =	shalt  }
0x62: {  	_ =	shalt  }
0x63: {  	_ =	shalt  }
0x64: {  	_ =	shalt  }
0x65: {  	_ =	shalt  }
0x66: {  	_ =	shalt  }
0x67: {  	_ =	shalt  }
0x68: {  	_ =	shalt  }
0x69: {  	_ =	shalt  }
0x6a: {  	_ =	shalt  }
0x6b: {  	_ =	shalt  }
0x6c: {  	_ =	shalt  }
0x6d: {  	_ =	shalt  }
0x6e: {  	_ =	shalt  }
0x6f: {  	_ =	shalt  }
0x70: {  	_ =	shalt  }
0x71: {  	_ =	shalt  }
0x72: {  	_ =	shalt  }
0x73: {  	_ =	shalt  }
0x74: {  	_ =	shalt  }
0x75: {  	_ =	shalt  }
0x76: {  	_ =	shalt  }
0x77: {  	_ =	shalt  }
0x78: {  	_ =	shalt  }
0x79: {  	_ =	shalt  }
0x7a: {  	_ =	shalt  }
0x7b: {  	_ =	shalt  }
0x7c: {  	_ =	shalt  }
0x7d: {  	_ =	shalt  }
0x7e: {  	_ =	shalt  }
0x7f: {  	_ =	shalt  }
0x80: {  	_ =	shalt  }
0x81: {  	_ =	shalt  }
0x82: {  	_ =	shalt  }
0x83: {  	_ =	shalt  }
0x84: {  	_ =	shalt  }
0x85: {  	_ =	shalt  }
0x86: {  	_ =	shalt  }
0x87: {  	_ =	shalt  }
.Lfunc_end0:
.L_simem_size_0:
called_computation.4_lowered:
.L_overlay_start_0:
0x88: {  	s2 =	sld [smem:$0x3FD9]  }
0x89: {  	s3 =	sld [smem:$0x3FFE];
	_ =	sdelay $0x1  }
0x8a: {  	s1 =	srdreg.scid  }
0x8b: {  	s0 =	sand.u32 $0x1, s1  }
0x8c: {  	s16 =	sshll.u32 s0, $0xA;
	s2 =	sadd.s32 s3, s2  }
0x8d: {  	s2 =	sadd.s32 s2, s16  }
0x8e: {  	[smem:$0x3FA2] =	sst s2  }
0x8f: {  	_ = 	snop  }
0x90: {  	(tm) =	ssettm $0x1  }
0x91: {  	s17 =	sld [smem:$0x3FFB];
	_ =	sdelay $0x3  }
0x92: {  	_ =	strace s17  }
0x93: {  	s2 =	sld [smem:$0x3FFC];
	_ =	sdelay $0x3  }
0x94: {  	_ =	strace s2  }
0x95: {  	s2 =	sld [smem:$0x3FFD];
	_ =	sdelay $0x3  }
0x96: {  	_ =	strace s2  }
0x97: {  	_ =	strace $0x8FFFFFFF  }
0x98: {  	s18 =	sld [smem:$0x3FDB];
	_ =	sdelay $0x1  }
0x99: {  	s19 =	simm.s32 $_scs_section_size  }
0x9a: {  	s4 =	simm.s32 $_size__tile_overlayer_lowered;
	s5 =	simm.s32 $_tile_overlayer_lowered  }
0x9b: {  	s22 =	simm.s32 $0x1BFF;
	s21 =	sshll.u32 s5, $0x1;
	s2 =	sadd.s32 s19, s18  }
0x9c: {  	s6 =	simm.s32 $0x0;
	s20 =	sshll.u32 s4, $0x1;
	s4 =	sadd.s32 s21, s2  }
0x9d: {  	[timem:s6], [sflag:s22] =	dma.local [hbm:s4], s20  }
0x9e: {  	_ =	swait.ge [sflag:s22], s20  }
0x9f: {  	s3 =	ssub.s32 $0x0, s20;
	[sflag:s22] =	ssyncset.done $0x0  }
0xa0: {  	[sflag:s22] =	ssyncadd.s32 s3;
	_ =	sdelay $0x1  }
0xa1: {  	s23 =	simm.s32 $0x1B8B  }
0xa2: {  	_ =	swait.ge [sflag:s23], $0x1  }
0xa3: {  	[sflag:s23] =	ssyncset.done $0x0  }
0xa4: {  	s25 =	simm.s32 $0x1B8E;
	s24 =	sld [smem:$0x3FFE];
	[sflag:s23] =	ssyncadd.s32 $0xFFFFFFFF  }
0xa5: {  	s26 =	simm.s32 $execute0_lowered;
	[smem:$0x3FD2] =	sst s25  }
0xa6: {  	s4 =	sshll.u32 s26, $0x1;
	_ =	strace $0x80000052;
	[dreg:$0x1] =	wrdreg $0xFFFFFFFF  }
0xa7: {  	s28 =	simm.s32 $_size_execute0_lowered;
	s2 =	sadd.s32 s2, s4;
	[dreg:$0x0] =	wrdreg $0x0  }
0xa8: {  	s4 =	sshll.u32 s28, $0x1;
	[dreg:$0x2] =	wrdreg s2  }
0xa9: {  	[dreg:$0x3] =	wrdreg s4  }
0xaa: {  	[dreg:$0x4] =	wrdreg $0xC0  }
0xab: {  	_ =	task [dreg:s6], $0x5FFFF  }
0xac: {  	[dreg:$0x1] =	wrdreg $0xFFFFFFFF  }
0xad: {  	[dreg:$0x0] =	wrdreg $0x60  }
0xae: {  	[dreg:$0x2] =	wrdreg s24  }
0xaf: {  	[dreg:$0x3] =	wrdreg $0x150000  }
0xb0: {  	[dreg:$0x4] =	wrdreg $0x9  }
0xb1: {  	_ =	task.clear_ibuf [dreg:s6], $0x5FFFF;
	_ =	strace $0x90000052  }
0xb2: {  	s29 =	simm.s32 $0x9;
	_ =	strace $0x80000054  }
0xb3: {  	_ =	swait.ge [sflag:s29], $0x1  }
0xb4: {  	[sflag:s29] =	ssyncadd.s32 $0xFFFFFFFF  }
0xb5: {  	_ =	strace $0x90000054  }
0xb6: {  	_ =	sfence  }
0xb7: {  	s30 =	sld [smem:$0x0];
	_ =	sdelay $0x2  }
0xb8: {  	s31 =	sshll.u32 s1, $0xD;
	s1 =	sshrl.u32 s1, $0x2  }
0xb9: {  	s3 =	sand.u32 $0x4000, s31;
	s1 =	sadd.s32 s1, s30  }
0xba: {  	s0 =	sor.u32 s3, s0;
	s1 =	sshll.u32 s1, $0x11  }
0xbb: {  	s0 =	sor.u32 s1, s0  }
0xbc: {  	s0 =	sadd.s32 $0x8F2B, s0  }
0xbd: {  	[sflag:s0] =	ssyncadd.remote.s32 $0x1  }
0xbe: {  	_ =	sfence.sel $0xFFFF  }
0xbf: {  	[dreg:$0x0] =	wrdreg $0xFFFFFFFF;
	(pc) =	sbr.abs _section_cstart, $3  }
0xc0: {  	[dreg:$0x1] =	wrdreg $0xFFFFFFFF  }
0xc1: {  	_ =	task.clear_ibuf [dreg:s6], $0x2FFFF;
	_ =	strace $0x9FFFFFFF  }
0xc2: {  	(tm) =	ssettm $0x7FFFFFFF  }
0xc3: {  	_ =	shalt  }
tec
execute0_lowered:
.L_overlay_start_1:
0x0: {  	(tag) =	ssettag $0x1  }
0x1: {  	s5 =	rddreg [dreg:$0x0];
	s0 =	srdreg.scid  }
0x2: {  	s2 =	rddreg [dreg:$0x1];
	s1 =	stileid.u32  }
0x3: {  	s3 =	simm.s32 $0x0;
	s14 =	simm.s32 $0x5000;
	s15 =	simm.s32 $0x12000  }
0x4: {  	s16 =	simm.s32 $0xA000;
	s17 =	simm.s32 $0x80;
	s4 =	smul.u32 $0x140, s1  }
0x5: {  	s18 =	simm.s32 $0xE000;
	s19 =	simm.s32 $0x1;
	s7 =	smul.u32 $0xA00, s1  }
0x6: {  	s6 =	sand.u32 $0x1, s0;
	s0 =	rddreg [dreg:$0x2];
	s9 =	smul.u32 $0x28800, s1  }
0x7: {  	s22 =	simm.s32 $0x0;
	[smem:$0x7FF] =	sst s3;
	s31 =	smul.u32 $0x28000, s1  }
0x8: {  	s20 =	smul.u32 $0x1400, s6;
	_ =	strace $0x80000053;
	s29 =	ssub.s32 $0x2, s6  }
0x9: {  	s7 =	sadd.s32 s7, s5;
	s6 =	sshrl.u32 s29, $0x1;
	s30 =	sshrl.u32 s9, $0x2  }
0xa: {  	s13 =	sshrl.u32 s31, $0x2;
	s8 =	sadd.s32 s4, s20;
	s4 =	sadd.s32 $0x12200, s5  }
0xb: {  	s12 =	ssub.s32 s29, s6;
	s6 =	sadd.s32 s30, s2;
	s21 =	sadd.s32 s13, s2  }
0xc: {  	s13 =	simm.s32 $0x3;
	v0 =	vmov s20;
	s20 =	simm.s32 $0x2;
	s8 =	sshll.u32 s8, $0x4  }
0xd: {  	s9 =	sadd.s32 $0x6000, s6;
	s10 =	sadd.s32 $0x9000, s6;
	s12 =	smax.u32 s12, $0x1  }
0xe: {  	s21 =	sshrl.u32 s21, $0x3;
	s11 =	sadd.s32 s8, s5;
	s5 =	sadd.s32 $0x8200, s7  }
0xf: {  	v1 =	vimm.f32 $0.0e+00;
	v2 =	vlaneseq.u32;
	s7 =	sadd.s32 $0x57C00, s7;
	s8 =	sadd.s32 $0x3000, s6;
	s11 =	sadd.s32 $0x61C00, s11  }
.LBB2_1:
0x10: {  	[tilespmem:s3], [sflag:$0x3] =	stream.linear.gather [hbm4b:s5+s3], $0x4F00, $0x38;
	[tilespmem:$0x1F200] =	vst v63  }
0x11: {  	_ =	swait.ge [sflag:s13], $0x4F00  }
0x12: {  	[sflag:s13] =	ssyncset.done $0x0  }
0x13: {  	[sflag:s13] =	ssyncadd.s32 $0xFFFFB100  }
0x14: {  	[tilespmem:s14], [sflag:$0x3] =	stream.linear.gather [hbm4b:s7+s3], $0x4F00, $0x38;
	[tilespmem:$0x1F200] =	vst v63  }
0x15: {  	s23 =	sand.u32 $0xFE00, s3;
	s24 =	sand.u32 $0x70, s3;
	_ =	swait.ge [sflag:s13], $0x4F00  }
0x16: {  	s25 =	sshrl.u32 s23, $0x2;
	s23 =	simm.s32 $0x40;
	[sflag:s13] =	ssyncset.done $0x0  }
0x17: {  	s25 =	sor.u32 s24, s25;
	s24 =	simm.s32 $0x0;
	[sflag:s13] =	ssyncadd.s32 $0xFFFFB100  }
.LBB2_2:
0x18: {  	p0 =	sne.s32 s23, $0xBFC0  }
0x19: {  	[tilespmem:s25+$0x12000] =	vst v1;
	s24 =	sadd.s32 $0x10, s24;
	s25 =	smov.u32 s23;
	s23 =	sadd.s32 $0x40, s23  }
.Ltmp0:
0x1a: {  	(pc) =	sbr.rel @p0 .LBB2_2-.Ltmp0, $4  }
0x1b: {  	_ = 	snop  }
0x1c: {  	s25 =	sand.u32 $0xFE00, s25  }
0x1d: {  	s26 =	sand.u32 $0x70, s24;
	s25 =	sshrl.u32 s25, $0x2  }
0x1e: {  	s25 =	sor.u32 s26, s25  }
0x1f: {  	[tilespmem:s25+$0x12000] =	vst v1  }
0x20: {  	[spmem:s6] =	stream.linear.scatter [tilespmem:s15], [sflag:$0x3], $0x3000, $0x38;
	[tilespmem:$0x1F200] =	vst v63  }
0x21: {  	_ =	swait.ge [sflag:s13], $0x3000  }
0x22: {  	[sflag:s13] =	ssyncset.done $0x0  }
0x23: {  	[sflag:s13] =	ssyncadd.s32 $0xFFFFD000  }
0x24: {  	[spmem:s8] =	stream.linear.scatter [tilespmem:s15], [sflag:$0x3], $0x3000, $0x38;
	[tilespmem:$0x1F200] =	vst v63  }
0x25: {  	_ =	swait.ge [sflag:s13], $0x3000  }
0x26: {  	[sflag:s13] =	ssyncset.done $0x0  }
0x27: {  	[sflag:s13] =	ssyncadd.s32 $0xFFFFD000  }
0x28: {  	[spmem:s9] =	stream.linear.scatter [tilespmem:s15], [sflag:$0x3], $0x3000, $0x38;
	[tilespmem:$0x1F200] =	vst v63  }
0x29: {  	_ =	swait.ge [sflag:s13], $0x3000  }
0x2a: {  	[sflag:s13] =	ssyncset.done $0x0  }
0x2b: {  	s23 =	simm.s32 $0x0;
	[sflag:s13] =	ssyncadd.s32 $0xFFFFD000  }
0x2c: {  	[spmem:s10] =	stream.linear.scatter [tilespmem:s15], [sflag:$0x3], $0x1200, $0x38;
	[tilespmem:$0x1F200] =	vst v63  }
0x2d: {  	s24 =	sand.u32 $0x1FE00, s23;
	_ =	swait.ge [sflag:s13], $0x1200  }
0x2e: {  	s29 =	sand.u32 $0x70, s23;
	s30 =	sshrl.u32 s24, $0x2;
	[sflag:s13] =	ssyncset.done $0x0  }
0x2f: {  	s23 =	sor.u32 s29, s30;
	[sflag:s13] =	ssyncadd.s32 $0xFFFFEE00  }
0x30: {  	v3 =	vld [tilespmem:s23+$0x5000];
	_ =	sdelay $0x3  }
0x31: {  	v4 =	vor.u32 s29, v2  }
0x32: {  	s31 =	simm.s32 $0x40;
	v4 =	vand.u32 $0x3F, v4;
	v3 =	vsub.s32 v3, v0  }
0x33: {  	s25 =	simm.s32 $0x10;
	s26 =	sand.u32 $0x1FE00, s31;
	s24 =	simm.s32 $0x80;
	v4 =	vor.u32 $0x1400, v4;
	vm0 =	vlt.u32 v3, $0x1400  }
.LBB2_4:
0x34: {  	p0 =	sne.s32 s24, $0x13BC0;
	s28 =	sand.u32 $0x70, s25;
	s26 =	sshrl.u32 s26, $0x2;
	v3 =	vsel vm0, v3, v4  }
0x35: {  	[tilespmem:s23+$0x5000] =	vst v3;
	s23 =	sor.u32 s28, s26  }
0x36: {  	v3 =	vld [tilespmem:s23+$0x5000];
	_ =	sdelay $0x1  }
.Ltmp1:
0x37: {  	(pc) =	sbr.rel @p0 .LBB2_4-.Ltmp1, $4  }
0x38: {  	_ = 	snop  }
0x39: {  	v4 =	vor.u32 s28, v2  }
0x3a: {  	v4 =	vand.u32 $0x3F, v4;
	v3 =	vsub.s32 v3, v0  }
0x3b: {  	s25 =	sadd.s32 $0x10, s25;
	s26 =	sand.u32 $0x1FE00, s24;
	s24 =	sadd.s32 $0x40, s24;
	v4 =	vor.u32 $0x1400, v4;
	vm0 =	vlt.u32 v3, $0x1400  }
0x3c: {  	s24 =	sand.u32 $0x70, s25;
	s29 =	sshrl.u32 s26, $0x2;
	v3 =	vsel vm0, v3, v4  }
0x3d: {  	s25 =	sor.u32 s24, s29;
	[tilespmem:s23+$0x5000] =	vst v3  }
0x3e: {  	v3 =	vld [tilespmem:s25+$0x5000];
	_ =	sdelay $0x3  }
0x3f: {  	v63 =	vor.u32 s24, v2  }
0x40: {  	v4 =	vand.u32 $0x3F, v63;
	v3 =	vsub.s32 v3, v0  }
0x41: {  	v4 =	vor.u32 $0x1400, v4;
	vm15 =	vlt.u32 v3, $0x1400  }
0x42: {  	v3 =	vsel vm15, v3, v4  }
0x43: {  	[tilespmem:s25+$0x5000] =	vst v3  }
0x44: {  	s30 =	simm.s32 $0x0;
	s23 =	simm.s32 $0x80;
	[bflag:$0x0] =	sbarrier.arrive $0xFFFF  }
0x45: {  	[tilespmem:s16], [sflag:$0x1] =	stream.indirect.gather [hbm4b:s4+s23], $0x80, s30, s23, $0xb8;
	[tilespmem:$0x1F200] =	vst v63  }
0x46: {  	_ = 	snop  }
0x47: {  	[tilespmem:s18], [sflag:$0x2] =	stream.indirect.gather [hbm4b:s4+s17], $0x80, s23, s17, $0xb8;
	[tilespmem:$0x1F200] =	vst v63  }
0x48: {  	_ =	swait.ge [sflag:s19], $0x4000  }
0x49: {  	[sflag:s19] =	ssyncset.done $0x0  }
0x4a: {  	s24 =	simm.s32 $0x5000;
	[sflag:s19] =	ssyncadd.s32 $0xFFFFC000  }
0x4b: {  	[spmem:s2] =	stream.indirect.scatter.add.f32 [tilespmem:s16], [sflag:$0x3], $0x80, s24, s17, $0xb8;
	[tilespmem:$0x1F200] =	vst v63  }
0x4c: {  	s25 =	smin.u32 s30, $0x9A;
	_ =	swait.ge [sflag:s13], $0x4000  }
0x4d: {  	s25 =	sshll.u32 s25, $0x7;
	[sflag:s13] =	ssyncset.done $0x0  }
0x4e: {  	s25 =	sadd.s32 $0x100, s25;
	[sflag:s13] =	ssyncadd.s32 $0xFFFFC000  }
0x4f: {  	[tilespmem:s16], [sflag:$0x1] =	stream.indirect.gather [hbm4b:s4+s17], $0x80, s25, s17, $0xb8;
	[tilespmem:$0x1F200] =	vst v63  }
0x50: {  	_ =	swait.ge [sflag:s20], $0x4000  }
0x51: {  	[sflag:s20] =	ssyncset.done $0x0  }
0x52: {  	s31 =	simm.s32 $0x5080;
	[sflag:s20] =	ssyncadd.s32 $0xFFFFC000  }
0x53: {  	[spmem:s2] =	stream.indirect.scatter.add.f32 [tilespmem:s18], [sflag:$0x3], $0x80, s31, s17, $0xb8;
	[tilespmem:$0x1F200] =	vst v63  }
0x54: {  	_ =	swait.ge [sflag:s13], $0x4000  }
0x55: {  	s25 =	simm.s32 $0x2;
	[sflag:s13] =	ssyncset.done $0x0  }
.LBB2_6:
0x56: {  	[sflag:s13] =	ssyncadd.s32 $0xFFFFC000  }
0x57: {  	s24 =	sadd.s32 $0x100, s24;
	s23 =	sadd.s32 $0x100, s23;
	s26 =	smov.u32 s25  }
0x58: {  	[tilespmem:s18], [sflag:$0x2] =	stream.indirect.gather [hbm4b:s4+s17], $0x80, s23, s17, $0xb8;
	[tilespmem:$0x1F200] =	vst v63  }
0x59: {  	p0 =	sne.s32 s25, $0x9C;
	s25 =	sadd.s32 $0x2, s25;
	_ =	swait.ge [sflag:s19], $0x4000  }
0x5a: {  	[sflag:s19] =	ssyncset.done $0x0  }
0x5b: {  	[sflag:s19] =	ssyncadd.s32 $0xFFFFC000  }
0x5c: {  	[spmem:s2] =	stream.indirect.scatter.add.f32 [tilespmem:s16], [sflag:$0x3], $0x80, s24, s17, $0xb8;
	[tilespmem:$0x1F200] =	vst v63  }
0x5d: {  	s26 =	smin.u32 s26, $0x9A;
	_ =	swait.ge [sflag:s13], $0x4000  }
0x5e: {  	s26 =	sshll.u32 s26, $0x7;
	[sflag:s13] =	ssyncset.done $0x0  }
0x5f: {  	s26 =	sadd.s32 $0x100, s26;
	[sflag:s13] =	ssyncadd.s32 $0xFFFFC000  }
0x60: {  	[tilespmem:s16], [sflag:$0x1] =	stream.indirect.gather [hbm4b:s4+s17], $0x80, s26, s17, $0xb8;
	[tilespmem:$0x1F200] =	vst v63  }
0x61: {  	_ =	swait.ge [sflag:s20], $0x4000  }
.Ltmp2:
0x62: {  	[sflag:s20] =	ssyncset.done $0x0;
	(pc) =	sbr.rel @p0 .LBB2_6-.Ltmp2, $4  }
0x63: {  	s26 =	sadd.s32 $0x80, s24;
	[sflag:s20] =	ssyncadd.s32 $0xFFFFC000  }
0x64: {  	[spmem:s2] =	stream.indirect.scatter.add.f32 [tilespmem:s18], [sflag:$0x3], $0x80, s26, s17, $0xb8;
	[tilespmem:$0x1F200] =	vst v63  }
0x65: {  	_ =	swait.ge [sflag:s13], $0x4000  }
0x66: {  	[sflag:s13] =	ssyncset.done $0x0  }
0x67: {  	[sflag:s13] =	ssyncadd.s32 $0xFFFFC000  }
0x68: {  	_ =	swait.ge [sflag:s19], $0x4000  }
0x69: {  	s22 =	sadd.s32 $0x1, s22;
	[sflag:s19] =	ssyncset.done $0x0  }
0x6a: {  	s23 =	sshll.u32 s1, $0x6;
	p0 =	sne.s32 s22, s12;
	[sflag:s19] =	ssyncadd.s32 $0xFFFFC000  }
.Ltmp3:
0x6b: {  	s23 =	sor.u32 $0x1C03, s23;
	[bflag:$0x0] =	sbarrier.arrive $0xFFFF;
	(pc) =	sbr.rel @p0 .LBB2_1-.Ltmp3, $4  }
0x6c: {  	[hbm:s11], [sflag:s23] =	dma.local [spmem:s21], $0x1400  }
0x6d: {  	_ =	swait.ge [sflag:s13], $0x1400  }
0x6e: {  	[sflag:s13] =	ssyncset.done $0x0  }
0x6f: {  	[sflag:s13] =	ssyncadd.s32 $0xFFFFEC00  }
0x70: {  	_ =	sfence.sel $0x180000  }
0x71: {  	[bflag:$0x0] =	sbarrier.arrive $0xFFFF  }
0x72: {  	p0 =	sne.s32 s1, $0x0;
	_ =	strace $0x90000053  }
0x73: {  	s0 =	sadd.s32 @!p0 $0x100000, s0;
	[bflag:$0x2] =	sbarrier.arrive $0xFFFF  }
0x74: {  	[sflag:s0] =	ssyncadd.tile.s32 @!p0 $0x1;
	_ =	shalt  }
.Lfunc_end2:
_tile_overlayer_lowered:
.L_overlay_start_2:
0x75: {  	(tag) =	ssettag $0x2  }
0x76: {  	s0 =	rddreg [dreg:$0x0];
	s2 =	stileid.u32  }
0x77: {  	s1 =	rddreg [dreg:$0x1];
	p0 =	sne.s32 s2, $0x0  }
0x78: {  	s3 =	rddreg [dreg:$0x2];
	[bflag:$0x3] =	sbarrier.arrive $0xFFFF;
	s2 =	simm.s32 @!p0 $0x1C03  }
0x79: {  	[timem:s3], [sflag:s2] =	dma.local @!p0 [hbm:s0], s1  }
0x7a: {  	s0 =	simm.s32 @!p0 $0x3  }
0x7b: {  	_ =	swait.ge @!p0 [sflag:s0], s1  }
0x7c: {  	s1 =	ssub.s32 @!p0 $0x0, s1;
	[sflag:s0] =	ssyncset.done @!p0 $0x0  }
0x7d: {  	[sflag:s0] =	ssyncadd.s32 @!p0 s1  }
0x7e: {  	[bflag:$0x3] =	sbarrier.arrive $0xFFFF  }
0x7f: {  	_ =	shalt  }

// kernel: kernel.32.cloned.1.call-start
scs
__scs_entry_jumppad:
0x0: {  	(pc) =	sbr.rel $0x88, $3  }
0x1: {  	(tag) =	ssettag $0x0;
	lr =	simm.s32 $0x1  }
0x2: {  	[smem:$0x3F7B] =	sst lr;
	_ =	strace $0xD0000000  }
0x3: {  	_ = 	snop  }
0x4: {  	_ = 	snop  }
0x5: {  	_ = 	snop  }
0x6: {  	_ = 	snop  }
0x7: {  	_ = 	snop  }
__scs_overlays_trampoline_lowered:
0x8: {  	[smem:$0x3F8A] =	sst s0  }
0x9: {  	[smem:$0x3F8B] =	sst s1  }
0xa: {  	[smem:$0x3F8C] =	sst s2  }
0xb: {  	[smem:$0x3F8D] =	sst s3  }
0xc: {  	[smem:$0x3F8E] =	sst s4  }
0xd: {  	[smem:$0x3F8F] =	sst s5  }
0xe: {  	[smem:$0x3F90] =	sst s6  }
0xf: {  	[smem:$0x3F91] =	sst s7  }
0x10: {  	[smem:$0x3F92] =	sst s8  }
0x11: {  	[smem:$0x3F93] =	sst s9;
	s0 =	simm.s32 @!p0 $0x0  }
0x12: {  	s1 =	sld [smem:$0x3F79];
	s0 =	simm.s32 @p0 $0x1  }
0x13: {  	[smem:$0x3F94] =	sst s0;
	s0 =	simm.s32 @!p1 $0x0  }
0x14: {  	s2 =	sld [smem:$0x3F78];
	s0 =	simm.s32 @p1 $0x1  }
0x15: {  	[smem:$0x3F95] =	sst s0;
	s0 =	simm.s32 @!p2 $0x0  }
0x16: {  	s3 =	sld [smem:$0x3FDB];
	s0 =	simm.s32 @p2 $0x1  }
0x17: {  	s4 =	simm.s32 $0x1BF5;
	[smem:$0x3F97] =	sst s0  }
0x18: {  	s0 =	sld [smem:$0x3F7A];
	_ =	swait.ge [sflag:s4], $0x0  }
0x19: {  	s7 =	sld [smem:$0x3F7B]  }
0x1a: {  	s8 =	sadd.s32 $0xFFFFE003, lr  }
0x1b: {  	s9 =	sadd.s32 $0xFFFFFEF7, lr;
	s5 =	simm.s32 $0xFFFFFFFF;
	p2 =	slt.u32 s8, $0xFFFFF086  }
0x1c: {  	p1 =	slt.u32 s9, $0xF7A;
	s5 =	simm.s32 @!p2 $0x0  }
0x1d: {  	s5 =	simm.s32 @p1 $0x1;
	p0 =	seq.s32 s7, s2  }
0x1e: {  	s7 =	smul.u32 @!p0 $0xF7A, s2;
	p2 =	seq.s32 @!p0 s5, $0x0  }
0x1f: {  	s9 =	smul.u32 $0xF7A, s1;
	s8 =	simm.s32 @!p0 $0x1BF5;
	p2 =	por !p2, p0  }
0x20: {  	[sflag:s8] =	ssyncset.s32 @!p0 $0xFFFFF086;
	s6 =	sadd.s32 @!p0 s3, s7;
	s7 =	simm.s32 @!p0 $0x108  }
0x21: {  	s3 =	sadd.s32 s3, s9;
	s6 =	sadd.s32 @!p0 $0x88, s6;
	s7 =	simm.s32 @p2 $0x1082  }
0x22: {  	[simem:s7], [sflag:s8] =	dma.local @!p0 [hbm:s6], $0xF7A  }
0x23: {  	s9 =	sor.u32 $0xD0000000, s2;
	s6 =	simm.s32 $0x108;
	_ =	swait.ge @!p0 [sflag:s8], $0x0  }
0x24: {  	s3 =	sadd.s32 $0x88, s3;
	s6 =	simm.s32 @!p1 $0x1082;
	[sflag:s4] =	ssyncset.s32 $0xFFFFF086  }
0x25: {  	[simem:s6], [sflag:s4] =	dma.local [hbm:s3], $0xF7A  }
0x26: {  	[smem:$0x3F7B] =	sst s1;
	(tag) =	ssettag s2;
	_ =	strace s9  }
0x27: {  	s1 =	sld [smem:$0x3F8B]  }
0x28: {  	s2 =	sld [smem:$0x3F8C]  }
0x29: {  	s4 =	sld [smem:$0x3F8E]  }
0x2a: {  	p0 =	seq.s32 s5, $0x0;
	s5 =	sld [smem:$0x3F8F]  }
0x2b: {  	s6 =	sld [smem:$0x3F90]  }
0x2c: {  	s7 =	sld [smem:$0x3F91]  }
0x2d: {  	s3 =	simm.s32 $0x108;
	s8 =	sld [smem:$0x3F92]  }
0x2e: {  	s3 =	simm.s32 @!p0 $0x1082;
	s9 =	sld [smem:$0x3F93]  }
0x2f: {  	lr =	sadd.s32 s0, s3;
	s0 =	sld [smem:$0x3F8A]  }
0x30: {  	s3 =	sld [smem:$0x3F8D]  }
0x31: {  	[smem:$0x3F96] =	sst s10  }
0x32: {  	s10 =	sld [smem:$0x3F94];
	_ =	sdelay $0x3  }
0x33: {  	p0 =	seq.s32 s10, $0x1;
	s10 =	sld [smem:$0x3F96];
	_ =	sdelay $0x3  }
0x34: {  	[smem:$0x3F96] =	sst s10  }
0x35: {  	s10 =	sld [smem:$0x3F95];
	_ =	sdelay $0x3  }
0x36: {  	p1 =	seq.s32 s10, $0x1;
	s10 =	sld [smem:$0x3F96];
	_ =	sdelay $0x3  }
0x37: {  	[smem:$0x3F96] =	sst s10  }
0x38: {  	s10 =	sld [smem:$0x3F97]  }
0x39: {  	_ = 	snop;
	(pc) =	sbr.ind lr, $3  }
0x3a: {  	_ = 	snop  }
0x3b: {  	_ = 	snop  }
0x3c: {  	p2 =	seq.s32 s10, $0x1;
	s10 =	sld [smem:$0x3F96]  }
0x3d: {  	_ =	shalt  }
0x3e: {  	_ =	shalt  }
0x3f: {  	_ =	shalt  }
0x40: {  	_ =	shalt  }
0x41: {  	_ =	shalt  }
0x42: {  	_ =	shalt  }
0x43: {  	_ =	shalt  }
0x44: {  	_ =	shalt  }
0x45: {  	_ =	shalt  }
0x46: {  	_ =	shalt  }
0x47: {  	_ =	shalt  }
0x48: {  	_ =	shalt  }
0x49: {  	_ =	shalt  }
0x4a: {  	_ =	shalt  }
0x4b: {  	_ =	shalt  }
0x4c: {  	_ =	shalt  }
0x4d: {  	_ =	shalt  }
0x4e: {  	_ =	shalt  }
0x4f: {  	_ =	shalt  }
0x50: {  	_ =	shalt  }
0x51: {  	_ =	shalt  }
0x52: {  	_ =	shalt  }
0x53: {  	_ =	shalt  }
0x54: {  	_ =	shalt  }
0x55: {  	_ =	shalt  }
0x56: {  	_ =	shalt  }
0x57: {  	_ =	shalt  }
0x58: {  	_ =	shalt  }
0x59: {  	_ =	shalt  }
0x5a: {  	_ =	shalt  }
0x5b: {  	_ =	shalt  }
0x5c: {  	_ =	shalt  }
0x5d: {  	_ =	shalt  }
0x5e: {  	_ =	shalt  }
0x5f: {  	_ =	shalt  }
0x60: {  	_ =	shalt  }
0x61: {  	_ =	shalt  }
0x62: {  	_ =	shalt  }
0x63: {  	_ =	shalt  }
0x64: {  	_ =	shalt  }
0x65: {  	_ =	shalt  }
0x66: {  	_ =	shalt  }
0x67: {  	_ =	shalt  }
0x68: {  	_ =	shalt  }
0x69: {  	_ =	shalt  }
0x6a: {  	_ =	shalt  }
0x6b: {  	_ =	shalt  }
0x6c: {  	_ =	shalt  }
0x6d: {  	_ =	shalt  }
0x6e: {  	_ =	shalt  }
0x6f: {  	_ =	shalt  }
0x70: {  	_ =	shalt  }
0x71: {  	_ =	shalt  }
0x72: {  	_ =	shalt  }
0x73: {  	_ =	shalt  }
0x74: {  	_ =	shalt  }
0x75: {  	_ =	shalt  }
0x76: {  	_ =	shalt  }
0x77: {  	_ =	shalt  }
0x78: {  	_ =	shalt  }
0x79: {  	_ =	shalt  }
0x7a: {  	_ =	shalt  }
0x7b: {  	_ =	shalt  }
0x7c: {  	_ =	shalt  }
0x7d: {  	_ =	shalt  }
0x7e: {  	_ =	shalt  }
0x7f: {  	_ =	shalt  }
0x80: {  	_ =	shalt  }
0x81: {  	_ =	shalt  }
0x82: {  	_ =	shalt  }
0x83: {  	_ =	shalt  }
0x84: {  	_ =	shalt  }
0x85: {  	_ =	shalt  }
0x86: {  	_ =	shalt  }
0x87: {  	_ =	shalt  }
.Lfunc_end0:
.L_simem_size_0:
called_computation.5_lowered:
.L_overlay_start_0:
0x88: {  	s2 =	sld [smem:$0x3FD9]  }
0x89: {  	s3 =	sld [smem:$0x3FFE];
	_ =	sdelay $0x1  }
0x8a: {  	s1 =	srdreg.scid  }
0x8b: {  	s0 =	sand.u32 $0x1, s1  }
0x8c: {  	s16 =	sshll.u32 s0, $0xA;
	s2 =	sadd.s32 s3, s2  }
0x8d: {  	s2 =	sadd.s32 s2, s16  }
0x8e: {  	[smem:$0x3FA2] =	sst s2  }
0x8f: {  	_ = 	snop  }
0x90: {  	(tm) =	ssettm $0x1  }
0x91: {  	s17 =	sld [smem:$0x3FFB];
	_ =	sdelay $0x3  }
0x92: {  	_ =	strace s17  }
0x93: {  	s2 =	sld [smem:$0x3FFC];
	_ =	sdelay $0x3  }
0x94: {  	_ =	strace s2  }
0x95: {  	s2 =	sld [smem:$0x3FFD];
	_ =	sdelay $0x3  }
0x96: {  	_ =	strace s2  }
0x97: {  	_ =	strace $0x8FFFFFFF  }
0x98: {  	s18 =	sld [smem:$0x3FDB];
	_ =	sdelay $0x1  }
0x99: {  	s19 =	simm.s32 $_scs_section_size  }
0x9a: {  	s4 =	simm.s32 $_size__tile_overlayer_lowered;
	s5 =	simm.s32 $_tile_overlayer_lowered  }
0x9b: {  	s22 =	simm.s32 $0x1BFF;
	s21 =	sshll.u32 s5, $0x1;
	s2 =	sadd.s32 s19, s18  }
0x9c: {  	s6 =	simm.s32 $0x0;
	s20 =	sshll.u32 s4, $0x1;
	s4 =	sadd.s32 s21, s2  }
0x9d: {  	[timem:s6], [sflag:s22] =	dma.local [hbm:s4], s20  }
0x9e: {  	_ =	swait.ge [sflag:s22], s20  }
0x9f: {  	s3 =	ssub.s32 $0x0, s20;
	[sflag:s22] =	ssyncset.done $0x0  }
0xa0: {  	[sflag:s22] =	ssyncadd.s32 s3;
	_ =	sdelay $0x1  }
0xa1: {  	s23 =	simm.s32 $0x1B8B  }
0xa2: {  	_ =	swait.ge [sflag:s23], $0x1  }
0xa3: {  	[sflag:s23] =	ssyncset.done $0x0  }
0xa4: {  	s25 =	simm.s32 $0x1B8E;
	s24 =	sld [smem:$0x3FFE];
	[sflag:s23] =	ssyncadd.s32 $0xFFFFFFFF  }
0xa5: {  	s26 =	simm.s32 $execute0_lowered;
	[smem:$0x3FD2] =	sst s25  }
0xa6: {  	s4 =	sshll.u32 s26, $0x1;
	_ =	strace $0x80000055;
	[dreg:$0x1] =	wrdreg $0xFFFFFFFF  }
0xa7: {  	s28 =	simm.s32 $_size_execute0_lowered;
	s2 =	sadd.s32 s2, s4;
	[dreg:$0x0] =	wrdreg $0x0  }
0xa8: {  	s4 =	sshll.u32 s28, $0x1;
	[dreg:$0x2] =	wrdreg s2  }
0xa9: {  	[dreg:$0x3] =	wrdreg s4  }
0xaa: {  	[dreg:$0x4] =	wrdreg $0xC0  }
0xab: {  	_ =	task [dreg:s6], $0x5FFFF  }
0xac: {  	[dreg:$0x1] =	wrdreg $0xFFFFFFFF  }
0xad: {  	[dreg:$0x0] =	wrdreg $0x60  }
0xae: {  	[dreg:$0x2] =	wrdreg s24  }
0xaf: {  	[dreg:$0x3] =	wrdreg $0x150000  }
0xb0: {  	[dreg:$0x4] =	wrdreg $0x9  }
0xb1: {  	_ =	task.clear_ibuf [dreg:s6], $0x5FFFF;
	_ =	strace $0x90000055  }
0xb2: {  	s29 =	simm.s32 $0x9;
	_ =	strace $0x80000057  }
0xb3: {  	_ =	swait.ge [sflag:s29], $0x1  }
0xb4: {  	[sflag:s29] =	ssyncadd.s32 $0xFFFFFFFF  }
0xb5: {  	_ =	strace $0x90000057  }
0xb6: {  	_ =	sfence  }
0xb7: {  	s30 =	sld [smem:$0x0];
	_ =	sdelay $0x2  }
0xb8: {  	s31 =	sshll.u32 s1, $0xD;
	s1 =	sshrl.u32 s1, $0x2  }
0xb9: {  	s3 =	sand.u32 $0x4000, s31;
	s1 =	sadd.s32 s1, s30  }
0xba: {  	s0 =	sor.u32 s3, s0;
	s1 =	sshll.u32 s1, $0x11  }
0xbb: {  	s0 =	sor.u32 s1, s0  }
0xbc: {  	s0 =	sadd.s32 $0x8F2B, s0  }
0xbd: {  	[sflag:s0] =	ssyncadd.remote.s32 $0x1  }
0xbe: {  	_ =	sfence.sel $0xFFFF  }
0xbf: {  	[dreg:$0x0] =	wrdreg $0xFFFFFFFF;
	(pc) =	sbr.abs _section_cstart, $3  }
0xc0: {  	[dreg:$0x1] =	wrdreg $0xFFFFFFFF  }
0xc1: {  	_ =	task.clear_ibuf [dreg:s6], $0x2FFFF;
	_ =	strace $0x9FFFFFFF  }
0xc2: {  	(tm) =	ssettm $0x7FFFFFFF  }
0xc3: {  	_ =	shalt  }
tec
execute0_lowered:
.L_overlay_start_1:
0x0: {  	(tag) =	ssettag $0x1  }
0x1: {  	s5 =	rddreg [dreg:$0x0];
	s0 =	srdreg.scid  }
0x2: {  	s2 =	rddreg [dreg:$0x1];
	s1 =	stileid.u32  }
0x3: {  	s3 =	simm.s32 $0x0;
	s14 =	simm.s32 $0x5000;
	s15 =	simm.s32 $0x12000  }
0x4: {  	s16 =	simm.s32 $0xA000;
	s17 =	simm.s32 $0x80;
	s4 =	smul.u32 $0x140, s1  }
0x5: {  	s18 =	simm.s32 $0xE000;
	s19 =	simm.s32 $0x1;
	s7 =	smul.u32 $0xA00, s1  }
0x6: {  	s6 =	sand.u32 $0x1, s0;
	s0 =	rddreg [dreg:$0x2];
	s9 =	smul.u32 $0x28800, s1  }
0x7: {  	s22 =	simm.s32 $0x0;
	[smem:$0x7FF] =	sst s3;
	s31 =	smul.u32 $0x28000, s1  }
0x8: {  	s20 =	smul.u32 $0x1400, s6;
	_ =	strace $0x80000056;
	s29 =	ssub.s32 $0x2, s6  }
0x9: {  	s7 =	sadd.s32 s7, s5;
	s6 =	sshrl.u32 s29, $0x1;
	s30 =	sshrl.u32 s9, $0x2  }
0xa: {  	s13 =	sshrl.u32 s31, $0x2;
	s8 =	sadd.s32 s4, s20;
	s4 =	sadd.s32 $0x12200, s5  }
0xb: {  	s12 =	ssub.s32 s29, s6;
	s6 =	sadd.s32 s30, s2;
	s21 =	sadd.s32 s13, s2  }
0xc: {  	s13 =	simm.s32 $0x3;
	v0 =	vmov s20;
	s20 =	simm.s32 $0x2;
	s8 =	sshll.u32 s8, $0x4  }
0xd: {  	s9 =	sadd.s32 $0x6000, s6;
	s10 =	sadd.s32 $0x9000, s6;
	s12 =	smax.u32 s12, $0x1  }
0xe: {  	s21 =	sshrl.u32 s21, $0x3;
	s11 =	sadd.s32 s8, s5;
	s5 =	sadd.s32 $0x8200, s7  }
0xf: {  	v1 =	vimm.f32 $0.0e+00;
	v2 =	vlaneseq.u32;
	s7 =	sadd.s32 $0x57C00, s7;
	s8 =	sadd.s32 $0x3000, s6;
	s11 =	sadd.s32 $0x61C00, s11  }
.LBB2_1:
0x10: {  	[tilespmem:s3], [sflag:$0x3] =	stream.linear.gather [hbm4b:s5+s3], $0x4F00, $0x38;
	[tilespmem:$0x1F200] =	vst v63  }
0x11: {  	_ =	swait.ge [sflag:s13], $0x4F00  }
0x12: {  	[sflag:s13] =	ssyncset.done $0x0  }
0x13: {  	[sflag:s13] =	ssyncadd.s32 $0xFFFFB100  }
0x14: {  	[tilespmem:s14], [sflag:$0x3] =	stream.linear.gather [hbm4b:s7+s3], $0x4F00, $0x38;
	[tilespmem:$0x1F200] =	vst v63  }
0x15: {  	s23 =	sand.u32 $0xFE00, s3;
	s24 =	sand.u32 $0x70, s3;
	_ =	swait.ge [sflag:s13], $0x4F00  }
0x16: {  	s25 =	sshrl.u32 s23, $0x2;
	s23 =	simm.s32 $0x40;
	[sflag:s13] =	ssyncset.done $0x0  }
0x17: {  	s25 =	sor.u32 s24, s25;
	s24 =	simm.s32 $0x0;
	[sflag:s13] =	ssyncadd.s32 $0xFFFFB100  }
.LBB2_2:
0x18: {  	p0 =	sne.s32 s23, $0xBFC0  }
0x19: {  	[tilespmem:s25+$0x12000] =	vst v1;
	s24 =	sadd.s32 $0x10, s24;
	s25 =	smov.u32 s23;
	s23 =	sadd.s32 $0x40, s23  }
.Ltmp0:
0x1a: {  	(pc) =	sbr.rel @p0 .LBB2_2-.Ltmp0, $4  }
0x1b: {  	_ = 	snop  }
0x1c: {  	s25 =	sand.u32 $0xFE00, s25  }
0x1d: {  	s26 =	sand.u32 $0x70, s24;
	s25 =	sshrl.u32 s25, $0x2  }
0x1e: {  	s25 =	sor.u32 s26, s25  }
0x1f: {  	[tilespmem:s25+$0x12000] =	vst v1  }
0x20: {  	[spmem:s6] =	stream.linear.scatter [tilespmem:s15], [sflag:$0x3], $0x3000, $0x38;
	[tilespmem:$0x1F200] =	vst v63  }
0x21: {  	_ =	swait.ge [sflag:s13], $0x3000  }
0x22: {  	[sflag:s13] =	ssyncset.done $0x0  }
0x23: {  	[sflag:s13] =	ssyncadd.s32 $0xFFFFD000  }
0x24: {  	[spmem:s8] =	stream.linear.scatter [tilespmem:s15], [sflag:$0x3], $0x3000, $0x38;
	[tilespmem:$0x1F200] =	vst v63  }
0x25: {  	_ =	swait.ge [sflag:s13], $0x3000  }
0x26: {  	[sflag:s13] =	ssyncset.done $0x0  }
0x27: {  	[sflag:s13] =	ssyncadd.s32 $0xFFFFD000  }
0x28: {  	[spmem:s9] =	stream.linear.scatter [tilespmem:s15], [sflag:$0x3], $0x3000, $0x38;
	[tilespmem:$0x1F200] =	vst v63  }
0x29: {  	_ =	swait.ge [sflag:s13], $0x3000  }
0x2a: {  	[sflag:s13] =	ssyncset.done $0x0  }
0x2b: {  	s23 =	simm.s32 $0x0;
	[sflag:s13] =	ssyncadd.s32 $0xFFFFD000  }
0x2c: {  	[spmem:s10] =	stream.linear.scatter [tilespmem:s15], [sflag:$0x3], $0x1200, $0x38;
	[tilespmem:$0x1F200] =	vst v63  }
0x2d: {  	s24 =	sand.u32 $0x1FE00, s23;
	_ =	swait.ge [sflag:s13], $0x1200  }
0x2e: {  	s29 =	sand.u32 $0x70, s23;
	s30 =	sshrl.u32 s24, $0x2;
	[sflag:s13] =	ssyncset.done $0x0  }
0x2f: {  	s23 =	sor.u32 s29, s30;
	[sflag:s13] =	ssyncadd.s32 $0xFFFFEE00  }
0x30: {  	v3 =	vld [tilespmem:s23+$0x5000];
	_ =	sdelay $0x3  }
0x31: {  	v4 =	vor.u32 s29, v2  }
0x32: {  	s31 =	simm.s32 $0x40;
	v4 =	vand.u32 $0x3F, v4;
	v3 =	vsub.s32 v3, v0  }
0x33: {  	s25 =	simm.s32 $0x10;
	s26 =	sand.u32 $0x1FE00, s31;
	s24 =	simm.s32 $0x80;
	v4 =	vor.u32 $0x1400, v4;
	vm0 =	vlt.u32 v3, $0x1400  }
.LBB2_4:
0x34: {  	p0 =	sne.s32 s24, $0x13BC0;
	s28 =	sand.u32 $0x70, s25;
	s26 =	sshrl.u32 s26, $0x2;
	v3 =	vsel vm0, v3, v4  }
0x35: {  	[tilespmem:s23+$0x5000] =	vst v3;
	s23 =	sor.u32 s28, s26  }
0x36: {  	v3 =	vld [tilespmem:s23+$0x5000];
	_ =	sdelay $0x1  }
.Ltmp1:
0x37: {  	(pc) =	sbr.rel @p0 .LBB2_4-.Ltmp1, $4  }
0x38: {  	_ = 	snop  }
0x39: {  	v4 =	vor.u32 s28, v2  }
0x3a: {  	v4 =	vand.u32 $0x3F, v4;
	v3 =	vsub.s32 v3, v0  }
0x3b: {  	s25 =	sadd.s32 $0x10, s25;
	s26 =	sand.u32 $0x1FE00, s24;
	s24 =	sadd.s32 $0x40, s24;
	v4 =	vor.u32 $0x1400, v4;
	vm0 =	vlt.u32 v3, $0x1400  }
0x3c: {  	s24 =	sand.u32 $0x70, s25;
	s29 =	sshrl.u32 s26, $0x2;
	v3 =	vsel vm0, v3, v4  }
0x3d: {  	s25 =	sor.u32 s24, s29;
	[tilespmem:s23+$0x5000] =	vst v3  }
0x3e: {  	v3 =	vld [tilespmem:s25+$0x5000];
	_ =	sdelay $0x3  }
0x3f: {  	v63 =	vor.u32 s24, v2  }
0x40: {  	v4 =	vand.u32 $0x3F, v63;
	v3 =	vsub.s32 v3, v0  }
0x41: {  	v4 =	vor.u32 $0x1400, v4;
	vm15 =	vlt.u32 v3, $0x1400  }
0x42: {  	v3 =	vsel vm15, v3, v4  }
0x43: {  	[tilespmem:s25+$0x5000] =	vst v3  }
0x44: {  	s30 =	simm.s32 $0x0;
	s23 =	simm.s32 $0x80;
	[bflag:$0x0] =	sbarrier.arrive $0xFFFF  }
0x45: {  	[tilespmem:s16], [sflag:$0x1] =	stream.indirect.gather [hbm4b:s4+s23], $0x80, s30, s23, $0xb8;
	[tilespmem:$0x1F200] =	vst v63  }
0x46: {  	_ = 	snop  }
0x47: {  	[tilespmem:s18], [sflag:$0x2] =	stream.indirect.gather [hbm4b:s4+s17], $0x80, s23, s17, $0xb8;
	[tilespmem:$0x1F200] =	vst v63  }
0x48: {  	_ =	swait.ge [sflag:s19], $0x4000  }
0x49: {  	[sflag:s19] =	ssyncset.done $0x0  }
0x4a: {  	s24 =	simm.s32 $0x5000;
	[sflag:s19] =	ssyncadd.s32 $0xFFFFC000  }
0x4b: {  	[spmem:s2] =	stream.indirect.scatter.add.f32 [tilespmem:s16], [sflag:$0x3], $0x80, s24, s17, $0xb8;
	[tilespmem:$0x1F200] =	vst v63  }
0x4c: {  	s25 =	smin.u32 s30, $0x9A;
	_ =	swait.ge [sflag:s13], $0x4000  }
0x4d: {  	s25 =	sshll.u32 s25, $0x7;
	[sflag:s13] =	ssyncset.done $0x0  }
0x4e: {  	s25 =	sadd.s32 $0x100, s25;
	[sflag:s13] =	ssyncadd.s32 $0xFFFFC000  }
0x4f: {  	[tilespmem:s16], [sflag:$0x1] =	stream.indirect.gather [hbm4b:s4+s17], $0x80, s25, s17, $0xb8;
	[tilespmem:$0x1F200] =	vst v63  }
0x50: {  	_ =	swait.ge [sflag:s20], $0x4000  }
0x51: {  	[sflag:s20] =	ssyncset.done $0x0  }
0x52: {  	s31 =	simm.s32 $0x5080;
	[sflag:s20] =	ssyncadd.s32 $0xFFFFC000  }
0x53: {  	[spmem:s2] =	stream.indirect.scatter.add.f32 [tilespmem:s18], [sflag:$0x3], $0x80, s31, s17, $0xb8;
	[tilespmem:$0x1F200] =	vst v63  }
0x54: {  	_ =	swait.ge [sflag:s13], $0x4000  }
0x55: {  	s25 =	simm.s32 $0x2;
	[sflag:s13] =	ssyncset.done $0x0  }
.LBB2_6:
0x56: {  	[sflag:s13] =	ssyncadd.s32 $0xFFFFC000  }
0x57: {  	s24 =	sadd.s32 $0x100, s24;
	s23 =	sadd.s32 $0x100, s23;
	s26 =	smov.u32 s25  }
0x58: {  	[tilespmem:s18], [sflag:$0x2] =	stream.indirect.gather [hbm4b:s4+s17], $0x80, s23, s17, $0xb8;
	[tilespmem:$0x1F200] =	vst v63  }
0x59: {  	p0 =	sne.s32 s25, $0x9C;
	s25 =	sadd.s32 $0x2, s25;
	_ =	swait.ge [sflag:s19], $0x4000  }
0x5a: {  	[sflag:s19] =	ssyncset.done $0x0  }
0x5b: {  	[sflag:s19] =	ssyncadd.s32 $0xFFFFC000  }
0x5c: {  	[spmem:s2] =	stream.indirect.scatter.add.f32 [tilespmem:s16], [sflag:$0x3], $0x80, s24, s17, $0xb8;
	[tilespmem:$0x1F200] =	vst v63  }
0x5d: {  	s26 =	smin.u32 s26, $0x9A;
	_ =	swait.ge [sflag:s13], $0x4000  }
0x5e: {  	s26 =	sshll.u32 s26, $0x7;
	[sflag:s13] =	ssyncset.done $0x0  }
0x5f: {  	s26 =	sadd.s32 $0x100, s26;
	[sflag:s13] =	ssyncadd.s32 $0xFFFFC000  }
0x60: {  	[tilespmem:s16], [sflag:$0x1] =	stream.indirect.gather [hbm4b:s4+s17], $0x80, s26, s17, $0xb8;
	[tilespmem:$0x1F200] =	vst v63  }
0x61: {  	_ =	swait.ge [sflag:s20], $0x4000  }
.Ltmp2:
0x62: {  	[sflag:s20] =	ssyncset.done $0x0;
	(pc) =	sbr.rel @p0 .LBB2_6-.Ltmp2, $4  }
0x63: {  	s26 =	sadd.s32 $0x80, s24;
	[sflag:s20] =	ssyncadd.s32 $0xFFFFC000  }
0x64: {  	[spmem:s2] =	stream.indirect.scatter.add.f32 [tilespmem:s18], [sflag:$0x3], $0x80, s26, s17, $0xb8;
	[tilespmem:$0x1F200] =	vst v63  }
0x65: {  	_ =	swait.ge [sflag:s13], $0x4000  }
0x66: {  	[sflag:s13] =	ssyncset.done $0x0  }
0x67: {  	[sflag:s13] =	ssyncadd.s32 $0xFFFFC000  }
0x68: {  	_ =	swait.ge [sflag:s19], $0x4000  }
0x69: {  	s22 =	sadd.s32 $0x1, s22;
	[sflag:s19] =	ssyncset.done $0x0  }
0x6a: {  	s23 =	sshll.u32 s1, $0x6;
	p0 =	sne.s32 s22, s12;
	[sflag:s19] =	ssyncadd.s32 $0xFFFFC000  }
.Ltmp3:
0x6b: {  	s23 =	sor.u32 $0x1C03, s23;
	[bflag:$0x0] =	sbarrier.arrive $0xFFFF;
	(pc) =	sbr.rel @p0 .LBB2_1-.Ltmp3, $4  }
0x6c: {  	[hbm:s11], [sflag:s23] =	dma.local [spmem:s21], $0x1400  }
0x6d: {  	_ =	swait.ge [sflag:s13], $0x1400  }
0x6e: {  	[sflag:s13] =	ssyncset.done $0x0  }
0x6f: {  	[sflag:s13] =	ssyncadd.s32 $0xFFFFEC00  }
0x70: {  	_ =	sfence.sel $0x180000  }
0x71: {  	[bflag:$0x0] =	sbarrier.arrive $0xFFFF  }
0x72: {  	p0 =	sne.s32 s1, $0x0;
	_ =	strace $0x90000056  }
0x73: {  	s0 =	sadd.s32 @!p0 $0x100000, s0;
	[bflag:$0x2] =	sbarrier.arrive $0xFFFF  }
0x74: {  	[sflag:s0] =	ssyncadd.tile.s32 @!p0 $0x1;
	_ =	shalt  }
.Lfunc_end2:
_tile_overlayer_lowered:
.L_overlay_start_2:
0x75: {  	(tag) =	ssettag $0x2  }
0x76: {  	s0 =	rddreg [dreg:$0x0];
	s2 =	stileid.u32  }
0x77: {  	s1 =	rddreg [dreg:$0x1];
	p0 =	sne.s32 s2, $0x0  }
0x78: {  	s3 =	rddreg [dreg:$0x2];
	[bflag:$0x3] =	sbarrier.arrive $0xFFFF;
	s2 =	simm.s32 @!p0 $0x1C03  }
0x79: {  	[timem:s3], [sflag:s2] =	dma.local @!p0 [hbm:s0], s1  }
0x7a: {  	s0 =	simm.s32 @!p0 $0x3  }
0x7b: {  	_ =	swait.ge @!p0 [sflag:s0], s1  }
0x7c: {  	s1 =	ssub.s32 @!p0 $0x0, s1;
	[sflag:s0] =	ssyncset.done @!p0 $0x0  }
0x7d: {  	[sflag:s0] =	ssyncadd.s32 @!p0 s1  }
0x7e: {  	[bflag:$0x3] =	sbarrier.arrive $0xFFFF  }
0x7f: {  	_ =	shalt  }

// kernel: kernel.35.cloned.1.call-start
scs
__scs_entry_jumppad:
0x0: {  	(pc) =	sbr.rel $0x88, $3  }
0x1: {  	(tag) =	ssettag $0x0;
	lr =	simm.s32 $0x1  }
0x2: {  	[smem:$0x3F7B] =	sst lr;
	_ =	strace $0xD0000000  }
0x3: {  	_ = 	snop  }
0x4: {  	_ = 	snop  }
0x5: {  	_ = 	snop  }
0x6: {  	_ = 	snop  }
0x7: {  	_ = 	snop  }
__scs_overlays_trampoline_lowered:
0x8: {  	[smem:$0x3F8A] =	sst s0  }
0x9: {  	[smem:$0x3F8B] =	sst s1  }
0xa: {  	[smem:$0x3F8C] =	sst s2  }
0xb: {  	[smem:$0x3F8D] =	sst s3  }
0xc: {  	[smem:$0x3F8E] =	sst s4  }
0xd: {  	[smem:$0x3F8F] =	sst s5  }
0xe: {  	[smem:$0x3F90] =	sst s6  }
0xf: {  	[smem:$0x3F91] =	sst s7  }
0x10: {  	[smem:$0x3F92] =	sst s8  }
0x11: {  	[smem:$0x3F93] =	sst s9;
	s0 =	simm.s32 @!p0 $0x0  }
0x12: {  	s1 =	sld [smem:$0x3F79];
	s0 =	simm.s32 @p0 $0x1  }
0x13: {  	[smem:$0x3F94] =	sst s0;
	s0 =	simm.s32 @!p1 $0x0  }
0x14: {  	s2 =	sld [smem:$0x3F78];
	s0 =	simm.s32 @p1 $0x1  }
0x15: {  	[smem:$0x3F95] =	sst s0;
	s0 =	simm.s32 @!p2 $0x0  }
0x16: {  	s3 =	sld [smem:$0x3FDB];
	s0 =	simm.s32 @p2 $0x1  }
0x17: {  	s4 =	simm.s32 $0x1BF5;
	[smem:$0x3F97] =	sst s0  }
0x18: {  	s0 =	sld [smem:$0x3F7A];
	_ =	swait.ge [sflag:s4], $0x0  }
0x19: {  	s7 =	sld [smem:$0x3F7B]  }
0x1a: {  	s8 =	sadd.s32 $0xFFFFE003, lr  }
0x1b: {  	s9 =	sadd.s32 $0xFFFFFEF7, lr;
	s5 =	simm.s32 $0xFFFFFFFF;
	p2 =	slt.u32 s8, $0xFFFFF086  }
0x1c: {  	p1 =	slt.u32 s9, $0xF7A;
	s5 =	simm.s32 @!p2 $0x0  }
0x1d: {  	s5 =	simm.s32 @p1 $0x1;
	p0 =	seq.s32 s7, s2  }
0x1e: {  	s7 =	smul.u32 @!p0 $0xF7A, s2;
	p2 =	seq.s32 @!p0 s5, $0x0  }
0x1f: {  	s9 =	smul.u32 $0xF7A, s1;
	s8 =	simm.s32 @!p0 $0x1BF5;
	p2 =	por !p2, p0  }
0x20: {  	[sflag:s8] =	ssyncset.s32 @!p0 $0xFFFFF086;
	s6 =	sadd.s32 @!p0 s3, s7;
	s7 =	simm.s32 @!p0 $0x108  }
0x21: {  	s3 =	sadd.s32 s3, s9;
	s6 =	sadd.s32 @!p0 $0x88, s6;
	s7 =	simm.s32 @p2 $0x1082  }
0x22: {  	[simem:s7], [sflag:s8] =	dma.local @!p0 [hbm:s6], $0xF7A  }
0x23: {  	s9 =	sor.u32 $0xD0000000, s2;
	s6 =	simm.s32 $0x108;
	_ =	swait.ge @!p0 [sflag:s8], $0x0  }
0x24: {  	s3 =	sadd.s32 $0x88, s3;
	s6 =	simm.s32 @!p1 $0x1082;
	[sflag:s4] =	ssyncset.s32 $0xFFFFF086  }
0x25: {  	[simem:s6], [sflag:s4] =	dma.local [hbm:s3], $0xF7A  }
0x26: {  	[smem:$0x3F7B] =	sst s1;
	(tag) =	ssettag s2;
	_ =	strace s9  }
0x27: {  	s1 =	sld [smem:$0x3F8B]  }
0x28: {  	s2 =	sld [smem:$0x3F8C]  }
0x29: {  	s4 =	sld [smem:$0x3F8E]  }
0x2a: {  	p0 =	seq.s32 s5, $0x0;
	s5 =	sld [smem:$0x3F8F]  }
0x2b: {  	s6 =	sld [smem:$0x3F90]  }
0x2c: {  	s7 =	sld [smem:$0x3F91]  }
0x2d: {  	s3 =	simm.s32 $0x108;
	s8 =	sld [smem:$0x3F92]  }
0x2e: {  	s3 =	simm.s32 @!p0 $0x1082;
	s9 =	sld [smem:$0x3F93]  }
0x2f: {  	lr =	sadd.s32 s0, s3;
	s0 =	sld [smem:$0x3F8A]  }
0x30: {  	s3 =	sld [smem:$0x3F8D]  }
0x31: {  	[smem:$0x3F96] =	sst s10  }
0x32: {  	s10 =	sld [smem:$0x3F94];
	_ =	sdelay $0x3  }
0x33: {  	p0 =	seq.s32 s10, $0x1;
	s10 =	sld [smem:$0x3F96];
	_ =	sdelay $0x3  }
0x34: {  	[smem:$0x3F96] =	sst s10  }
0x35: {  	s10 =	sld [smem:$0x3F95];
	_ =	sdelay $0x3  }
0x36: {  	p1 =	seq.s32 s10, $0x1;
	s10 =	sld [smem:$0x3F96];
	_ =	sdelay $0x3  }
0x37: {  	[smem:$0x3F96] =	sst s10  }
0x38: {  	s10 =	sld [smem:$0x3F97]  }
0x39: {  	_ = 	snop;
	(pc) =	sbr.ind lr, $3  }
0x3a: {  	_ = 	snop  }
0x3b: {  	_ = 	snop  }
0x3c: {  	p2 =	seq.s32 s10, $0x1;
	s10 =	sld [smem:$0x3F96]  }
0x3d: {  	_ =	shalt  }
0x3e: {  	_ =	shalt  }
0x3f: {  	_ =	shalt  }
0x40: {  	_ =	shalt  }
0x41: {  	_ =	shalt  }
0x42: {  	_ =	shalt  }
0x43: {  	_ =	shalt  }
0x44: {  	_ =	shalt  }
0x45: {  	_ =	shalt  }
0x46: {  	_ =	shalt  }
0x47: {  	_ =	shalt  }
0x48: {  	_ =	shalt  }
0x49: {  	_ =	shalt  }
0x4a: {  	_ =	shalt  }
0x4b: {  	_ =	shalt  }
0x4c: {  	_ =	shalt  }
0x4d: {  	_ =	shalt  }
0x4e: {  	_ =	shalt  }
0x4f: {  	_ =	shalt  }
0x50: {  	_ =	shalt  }
0x51: {  	_ =	shalt  }
0x52: {  	_ =	shalt  }
0x53: {  	_ =	shalt  }
0x54: {  	_ =	shalt  }
0x55: {  	_ =	shalt  }
0x56: {  	_ =	shalt  }
0x57: {  	_ =	shalt  }
0x58: {  	_ =	shalt  }
0x59: {  	_ =	shalt  }
0x5a: {  	_ =	shalt  }
0x5b: {  	_ =	shalt  }
0x5c: {  	_ =	shalt  }
0x5d: {  	_ =	shalt  }
0x5e: {  	_ =	shalt  }
0x5f: {  	_ =	shalt  }
0x60: {  	_ =	shalt  }
0x61: {  	_ =	shalt  }
0x62: {  	_ =	shalt  }
0x63: {  	_ =	shalt  }
0x64: {  	_ =	shalt  }
0x65: {  	_ =	shalt  }
0x66: {  	_ =	shalt  }
0x67: {  	_ =	shalt  }
0x68: {  	_ =	shalt  }
0x69: {  	_ =	shalt  }
0x6a: {  	_ =	shalt  }
0x6b: {  	_ =	shalt  }
0x6c: {  	_ =	shalt  }
0x6d: {  	_ =	shalt  }
0x6e: {  	_ =	shalt  }
0x6f: {  	_ =	shalt  }
0x70: {  	_ =	shalt  }
0x71: {  	_ =	shalt  }
0x72: {  	_ =	shalt  }
0x73: {  	_ =	shalt  }
0x74: {  	_ =	shalt  }
0x75: {  	_ =	shalt  }
0x76: {  	_ =	shalt  }
0x77: {  	_ =	shalt  }
0x78: {  	_ =	shalt  }
0x79: {  	_ =	shalt  }
0x7a: {  	_ =	shalt  }
0x7b: {  	_ =	shalt  }
0x7c: {  	_ =	shalt  }
0x7d: {  	_ =	shalt  }
0x7e: {  	_ =	shalt  }
0x7f: {  	_ =	shalt  }
0x80: {  	_ =	shalt  }
0x81: {  	_ =	shalt  }
0x82: {  	_ =	shalt  }
0x83: {  	_ =	shalt  }
0x84: {  	_ =	shalt  }
0x85: {  	_ =	shalt  }
0x86: {  	_ =	shalt  }
0x87: {  	_ =	shalt  }
.Lfunc_end0:
.L_simem_size_0:
called_computation.6_lowered:
.L_overlay_start_0:
0x88: {  	s2 =	sld [smem:$0x3FD9]  }
0x89: {  	s3 =	sld [smem:$0x3FFE];
	_ =	sdelay $0x1  }
0x8a: {  	s1 =	srdreg.scid  }
0x8b: {  	s0 =	sand.u32 $0x1, s1  }
0x8c: {  	s16 =	sshll.u32 s0, $0xA;
	s2 =	sadd.s32 s3, s2  }
0x8d: {  	s2 =	sadd.s32 s2, s16  }
0x8e: {  	[smem:$0x3FA2] =	sst s2  }
0x8f: {  	_ = 	snop  }
0x90: {  	(tm) =	ssettm $0x1  }
0x91: {  	s17 =	sld [smem:$0x3FFB];
	_ =	sdelay $0x3  }
0x92: {  	_ =	strace s17  }
0x93: {  	s2 =	sld [smem:$0x3FFC];
	_ =	sdelay $0x3  }
0x94: {  	_ =	strace s2  }
0x95: {  	s2 =	sld [smem:$0x3FFD];
	_ =	sdelay $0x3  }
0x96: {  	_ =	strace s2  }
0x97: {  	_ =	strace $0x8FFFFFFF  }
0x98: {  	s18 =	sld [smem:$0x3FDB];
	_ =	sdelay $0x1  }
0x99: {  	s19 =	simm.s32 $_scs_section_size  }
0x9a: {  	s4 =	simm.s32 $_size__tile_overlayer_lowered;
	s5 =	simm.s32 $_tile_overlayer_lowered  }
0x9b: {  	s22 =	simm.s32 $0x1BFF;
	s21 =	sshll.u32 s5, $0x1;
	s2 =	sadd.s32 s19, s18  }
0x9c: {  	s6 =	simm.s32 $0x0;
	s20 =	sshll.u32 s4, $0x1;
	s4 =	sadd.s32 s21, s2  }
0x9d: {  	[timem:s6], [sflag:s22] =	dma.local [hbm:s4], s20  }
0x9e: {  	_ =	swait.ge [sflag:s22], s20  }
0x9f: {  	s3 =	ssub.s32 $0x0, s20;
	[sflag:s22] =	ssyncset.done $0x0  }
0xa0: {  	[sflag:s22] =	ssyncadd.s32 s3;
	_ =	sdelay $0x1  }
0xa1: {  	s23 =	simm.s32 $0x1B8B  }
0xa2: {  	_ =	swait.ge [sflag:s23], $0x1  }
0xa3: {  	[sflag:s23] =	ssyncset.done $0x0  }
0xa4: {  	s25 =	simm.s32 $0x1B8E;
	s24 =	sld [smem:$0x3FFE];
	[sflag:s23] =	ssyncadd.s32 $0xFFFFFFFF  }
0xa5: {  	s26 =	simm.s32 $execute0_lowered;
	[smem:$0x3FD2] =	sst s25  }
0xa6: {  	s4 =	sshll.u32 s26, $0x1;
	_ =	strace $0x80000058;
	[dreg:$0x1] =	wrdreg $0xFFFFFFFF  }
0xa7: {  	s28 =	simm.s32 $_size_execute0_lowered;
	s2 =	sadd.s32 s2, s4;
	[dreg:$0x0] =	wrdreg $0x0  }
0xa8: {  	s4 =	sshll.u32 s28, $0x1;
	[dreg:$0x2] =	wrdreg s2  }
0xa9: {  	[dreg:$0x3] =	wrdreg s4  }
0xaa: {  	[dreg:$0x4] =	wrdreg $0xC0  }
0xab: {  	_ =	task [dreg:s6], $0x5FFFF  }
0xac: {  	[dreg:$0x1] =	wrdreg $0xFFFFFFFF  }
0xad: {  	[dreg:$0x0] =	wrdreg $0x60  }
0xae: {  	[dreg:$0x2] =	wrdreg s24  }
0xaf: {  	[dreg:$0x3] =	wrdreg $0x150000  }
0xb0: {  	[dreg:$0x4] =	wrdreg $0x9  }
0xb1: {  	_ =	task.clear_ibuf [dreg:s6], $0x5FFFF;
	_ =	strace $0x90000058  }
0xb2: {  	s29 =	simm.s32 $0x9;
	_ =	strace $0x8000005A  }
0xb3: {  	_ =	swait.ge [sflag:s29], $0x1  }
0xb4: {  	[sflag:s29] =	ssyncadd.s32 $0xFFFFFFFF  }
0xb5: {  	_ =	strace $0x9000005A  }
0xb6: {  	_ =	sfence  }
0xb7: {  	s30 =	sld [smem:$0x0];
	_ =	sdelay $0x2  }
0xb8: {  	s31 =	sshll.u32 s1, $0xD;
	s1 =	sshrl.u32 s1, $0x2  }
0xb9: {  	s3 =	sand.u32 $0x4000, s31;
	s1 =	sadd.s32 s1, s30  }
0xba: {  	s0 =	sor.u32 s3, s0;
	s1 =	sshll.u32 s1, $0x11  }
0xbb: {  	s0 =	sor.u32 s1, s0  }
0xbc: {  	s0 =	sadd.s32 $0x8F2B, s0  }
0xbd: {  	[sflag:s0] =	ssyncadd.remote.s32 $0x1  }
0xbe: {  	_ =	sfence.sel $0xFFFF  }
0xbf: {  	[dreg:$0x0] =	wrdreg $0xFFFFFFFF;
	(pc) =	sbr.abs _section_cstart, $3  }
0xc0: {  	[dreg:$0x1] =	wrdreg $0xFFFFFFFF  }
0xc1: {  	_ =	task.clear_ibuf [dreg:s6], $0x2FFFF;
	_ =	strace $0x9FFFFFFF  }
0xc2: {  	(tm) =	ssettm $0x7FFFFFFF  }
0xc3: {  	_ =	shalt  }
tec
execute0_lowered:
.L_overlay_start_1:
0x0: {  	(tag) =	ssettag $0x1  }
0x1: {  	s5 =	rddreg [dreg:$0x0];
	s0 =	srdreg.scid  }
0x2: {  	s2 =	rddreg [dreg:$0x1];
	s1 =	stileid.u32  }
0x3: {  	s3 =	simm.s32 $0x0;
	s14 =	simm.s32 $0x5000;
	s15 =	simm.s32 $0x12000  }
0x4: {  	s16 =	simm.s32 $0xA000;
	s17 =	simm.s32 $0x80;
	s4 =	smul.u32 $0x140, s1  }
0x5: {  	s18 =	simm.s32 $0xE000;
	s19 =	simm.s32 $0x1;
	s7 =	smul.u32 $0xA00, s1  }
0x6: {  	s6 =	sand.u32 $0x1, s0;
	s0 =	rddreg [dreg:$0x2];
	s9 =	smul.u32 $0x28800, s1  }
0x7: {  	s22 =	simm.s32 $0x0;
	[smem:$0x7FF] =	sst s3;
	s31 =	smul.u32 $0x28000, s1  }
0x8: {  	s20 =	smul.u32 $0x1400, s6;
	_ =	strace $0x80000059;
	s29 =	ssub.s32 $0x2, s6  }
0x9: {  	s7 =	sadd.s32 s7, s5;
	s6 =	sshrl.u32 s29, $0x1;
	s30 =	sshrl.u32 s9, $0x2  }
0xa: {  	s13 =	sshrl.u32 s31, $0x2;
	s8 =	sadd.s32 s4, s20;
	s4 =	sadd.s32 $0x12200, s5  }
0xb: {  	s12 =	ssub.s32 s29, s6;
	s6 =	sadd.s32 s30, s2;
	s21 =	sadd.s32 s13, s2  }
0xc: {  	s13 =	simm.s32 $0x3;
	v0 =	vmov s20;
	s20 =	simm.s32 $0x2;
	s8 =	sshll.u32 s8, $0x4  }
0xd: {  	s9 =	sadd.s32 $0x6000, s6;
	s10 =	sadd.s32 $0x9000, s6;
	s12 =	smax.u32 s12, $0x1  }
0xe: {  	s21 =	sshrl.u32 s21, $0x3;
	s11 =	sadd.s32 s8, s5;
	s5 =	sadd.s32 $0x8200, s7  }
0xf: {  	v1 =	vimm.f32 $0.0e+00;
	v2 =	vlaneseq.u32;
	s7 =	sadd.s32 $0x57C00, s7;
	s8 =	sadd.s32 $0x3000, s6;
	s11 =	sadd.s32 $0x61C00, s11  }
.LBB2_1:
0x10: {  	[tilespmem:s3], [sflag:$0x3] =	stream.linear.gather [hbm4b:s5+s3], $0x4F00, $0x38;
	[tilespmem:$0x1F200] =	vst v63  }
0x11: {  	_ =	swait.ge [sflag:s13], $0x4F00  }
0x12: {  	[sflag:s13] =	ssyncset.done $0x0  }
0x13: {  	[sflag:s13] =	ssyncadd.s32 $0xFFFFB100  }
0x14: {  	[tilespmem:s14], [sflag:$0x3] =	stream.linear.gather [hbm4b:s7+s3], $0x4F00, $0x38;
	[tilespmem:$0x1F200] =	vst v63  }
0x15: {  	s23 =	sand.u32 $0xFE00, s3;
	s24 =	sand.u32 $0x70, s3;
	_ =	swait.ge [sflag:s13], $0x4F00  }
0x16: {  	s25 =	sshrl.u32 s23, $0x2;
	s23 =	simm.s32 $0x40;
	[sflag:s13] =	ssyncset.done $0x0  }
0x17: {  	s25 =	sor.u32 s24, s25;
	s24 =	simm.s32 $0x0;
	[sflag:s13] =	ssyncadd.s32 $0xFFFFB100  }
.LBB2_2:
0x18: {  	p0 =	sne.s32 s23, $0xBFC0  }
0x19: {  	[tilespmem:s25+$0x12000] =	vst v1;
	s24 =	sadd.s32 $0x10, s24;
	s25 =	smov.u32 s23;
	s23 =	sadd.s32 $0x40, s23  }
.Ltmp0:
0x1a: {  	(pc) =	sbr.rel @p0 .LBB2_2-.Ltmp0, $4  }
0x1b: {  	_ = 	snop  }
0x1c: {  	s25 =	sand.u32 $0xFE00, s25  }
0x1d: {  	s26 =	sand.u32 $0x70, s24;
	s25 =	sshrl.u32 s25, $0x2  }
0x1e: {  	s25 =	sor.u32 s26, s25  }
0x1f: {  	[tilespmem:s25+$0x12000] =	vst v1  }
0x20: {  	[spmem:s6] =	stream.linear.scatter [tilespmem:s15], [sflag:$0x3], $0x3000, $0x38;
	[tilespmem:$0x1F200] =	vst v63  }
0x21: {  	_ =	swait.ge [sflag:s13], $0x3000  }
0x22: {  	[sflag:s13] =	ssyncset.done $0x0  }
0x23: {  	[sflag:s13] =	ssyncadd.s32 $0xFFFFD000  }
0x24: {  	[spmem:s8] =	stream.linear.scatter [tilespmem:s15], [sflag:$0x3], $0x3000, $0x38;
	[tilespmem:$0x1F200] =	vst v63  }
0x25: {  	_ =	swait.ge [sflag:s13], $0x3000  }
0x26: {  	[sflag:s13] =	ssyncset.done $0x0  }
0x27: {  	[sflag:s13] =	ssyncadd.s32 $0xFFFFD000  }
0x28: {  	[spmem:s9] =	stream.linear.scatter [tilespmem:s15], [sflag:$0x3], $0x3000, $0x38;
	[tilespmem:$0x1F200] =	vst v63  }
0x29: {  	_ =	swait.ge [sflag:s13], $0x3000  }
0x2a: {  	[sflag:s13] =	ssyncset.done $0x0  }
0x2b: {  	s23 =	simm.s32 $0x0;
	[sflag:s13] =	ssyncadd.s32 $0xFFFFD000  }
0x2c: {  	[spmem:s10] =	stream.linear.scatter [tilespmem:s15], [sflag:$0x3], $0x1200, $0x38;
	[tilespmem:$0x1F200] =	vst v63  }
0x2d: {  	s24 =	sand.u32 $0x1FE00, s23;
	_ =	swait.ge [sflag:s13], $0x1200  }
0x2e: {  	s29 =	sand.u32 $0x70, s23;
	s30 =	sshrl.u32 s24, $0x2;
	[sflag:s13] =	ssyncset.done $0x0  }
0x2f: {  	s23 =	sor.u32 s29, s30;
	[sflag:s13] =	ssyncadd.s32 $0xFFFFEE00  }
0x30: {  	v3 =	vld [tilespmem:s23+$0x5000];
	_ =	sdelay $0x3  }
0x31: {  	v4 =	vor.u32 s29, v2  }
0x32: {  	s31 =	simm.s32 $0x40;
	v4 =	vand.u32 $0x3F, v4;
	v3 =	vsub.s32 v3, v0  }
0x33: {  	s25 =	simm.s32 $0x10;
	s26 =	sand.u32 $0x1FE00, s31;
	s24 =	simm.s32 $0x80;
	v4 =	vor.u32 $0x1400, v4;
	vm0 =	vlt.u32 v3, $0x1400  }
.LBB2_4:
0x34: {  	p0 =	sne.s32 s24, $0x13BC0;
	s28 =	sand.u32 $0x70, s25;
	s26 =	sshrl.u32 s26, $0x2;
	v3 =	vsel vm0, v3, v4  }
0x35: {  	[tilespmem:s23+$0x5000] =	vst v3;
	s23 =	sor.u32 s28, s26  }
0x36: {  	v3 =	vld [tilespmem:s23+$0x5000];
	_ =	sdelay $0x1  }
.Ltmp1:
0x37: {  	(pc) =	sbr.rel @p0 .LBB2_4-.Ltmp1, $4  }
0x38: {  	_ = 	snop  }
0x39: {  	v4 =	vor.u32 s28, v2  }
0x3a: {  	v4 =	vand.u32 $0x3F, v4;
	v3 =	vsub.s32 v3, v0  }
0x3b: {  	s25 =	sadd.s32 $0x10, s25;
	s26 =	sand.u32 $0x1FE00, s24;
	s24 =	sadd.s32 $0x40, s24;
	v4 =	vor.u32 $0x1400, v4;
	vm0 =	vlt.u32 v3, $0x1400  }
0x3c: {  	s24 =	sand.u32 $0x70, s25;
	s29 =	sshrl.u32 s26, $0x2;
	v3 =	vsel vm0, v3, v4  }
0x3d: {  	s25 =	sor.u32 s24, s29;
	[tilespmem:s23+$0x5000] =	vst v3  }
0x3e: {  	v3 =	vld [tilespmem:s25+$0x5000];
	_ =	sdelay $0x3  }
0x3f: {  	v63 =	vor.u32 s24, v2  }
0x40: {  	v4 =	vand.u32 $0x3F, v63;
	v3 =	vsub.s32 v3, v0  }
0x41: {  	v4 =	vor.u32 $0x1400, v4;
	vm15 =	vlt.u32 v3, $0x1400  }
0x42: {  	v3 =	vsel vm15, v3, v4  }
0x43: {  	[tilespmem:s25+$0x5000] =	vst v3  }
0x44: {  	s30 =	simm.s32 $0x0;
	s23 =	simm.s32 $0x80;
	[bflag:$0x0] =	sbarrier.arrive $0xFFFF  }
0x45: {  	[tilespmem:s16], [sflag:$0x1] =	stream.indirect.gather [hbm4b:s4+s23], $0x80, s30, s23, $0xb8;
	[tilespmem:$0x1F200] =	vst v63  }
0x46: {  	_ = 	snop  }
0x47: {  	[tilespmem:s18], [sflag:$0x2] =	stream.indirect.gather [hbm4b:s4+s17], $0x80, s23, s17, $0xb8;
	[tilespmem:$0x1F200] =	vst v63  }
0x48: {  	_ =	swait.ge [sflag:s19], $0x4000  }
0x49: {  	[sflag:s19] =	ssyncset.done $0x0  }
0x4a: {  	s24 =	simm.s32 $0x5000;
	[sflag:s19] =	ssyncadd.s32 $0xFFFFC000  }
0x4b: {  	[spmem:s2] =	stream.indirect.scatter.add.f32 [tilespmem:s16], [sflag:$0x3], $0x80, s24, s17, $0xb8;
	[tilespmem:$0x1F200] =	vst v63  }
0x4c: {  	s25 =	smin.u32 s30, $0x9A;
	_ =	swait.ge [sflag:s13], $0x4000  }
0x4d: {  	s25 =	sshll.u32 s25, $0x7;
	[sflag:s13] =	ssyncset.done $0x0  }
0x4e: {  	s25 =	sadd.s32 $0x100, s25;
	[sflag:s13] =	ssyncadd.s32 $0xFFFFC000  }
0x4f: {  	[tilespmem:s16], [sflag:$0x1] =	stream.indirect.gather [hbm4b:s4+s17], $0x80, s25, s17, $0xb8;
	[tilespmem:$0x1F200] =	vst v63  }
0x50: {  	_ =	swait.ge [sflag:s20], $0x4000  }
0x51: {  	[sflag:s20] =	ssyncset.done $0x0  }
0x52: {  	s31 =	simm.s32 $0x5080;
	[sflag:s20] =	ssyncadd.s32 $0xFFFFC000  }
0x53: {  	[spmem:s2] =	stream.indirect.scatter.add.f32 [tilespmem:s18], [sflag:$0x3], $0x80, s31, s17, $0xb8;
	[tilespmem:$0x1F200] =	vst v63  }
0x54: {  	_ =	swait.ge [sflag:s13], $0x4000  }
0x55: {  	s25 =	simm.s32 $0x2;
	[sflag:s13] =	ssyncset.done $0x0  }
.LBB2_6:
0x56: {  	[sflag:s13] =	ssyncadd.s32 $0xFFFFC000  }
0x57: {  	s24 =	sadd.s32 $0x100, s24;
	s23 =	sadd.s32 $0x100, s23;
	s26 =	smov.u32 s25  }
0x58: {  	[tilespmem:s18], [sflag:$0x2] =	stream.indirect.gather [hbm4b:s4+s17], $0x80, s23, s17, $0xb8;
	[tilespmem:$0x1F200] =	vst v63  }
0x59: {  	p0 =	sne.s32 s25, $0x9C;
	s25 =	sadd.s32 $0x2, s25;
	_ =	swait.ge [sflag:s19], $0x4000  }
0x5a: {  	[sflag:s19] =	ssyncset.done $0x0  }
0x5b: {  	[sflag:s19] =	ssyncadd.s32 $0xFFFFC000  }
0x5c: {  	[spmem:s2] =	stream.indirect.scatter.add.f32 [tilespmem:s16], [sflag:$0x3], $0x80, s24, s17, $0xb8;
	[tilespmem:$0x1F200] =	vst v63  }
0x5d: {  	s26 =	smin.u32 s26, $0x9A;
	_ =	swait.ge [sflag:s13], $0x4000  }
0x5e: {  	s26 =	sshll.u32 s26, $0x7;
	[sflag:s13] =	ssyncset.done $0x0  }
0x5f: {  	s26 =	sadd.s32 $0x100, s26;
	[sflag:s13] =	ssyncadd.s32 $0xFFFFC000  }
0x60: {  	[tilespmem:s16], [sflag:$0x1] =	stream.indirect.gather [hbm4b:s4+s17], $0x80, s26, s17, $0xb8;
	[tilespmem:$0x1F200] =	vst v63  }
0x61: {  	_ =	swait.ge [sflag:s20], $0x4000  }
.Ltmp2:
0x62: {  	[sflag:s20] =	ssyncset.done $0x0;
	(pc) =	sbr.rel @p0 .LBB2_6-.Ltmp2, $4  }
0x63: {  	s26 =	sadd.s32 $0x80, s24;
	[sflag:s20] =	ssyncadd.s32 $0xFFFFC000  }
0x64: {  	[spmem:s2] =	stream.indirect.scatter.add.f32 [tilespmem:s18], [sflag:$0x3], $0x80, s26, s17, $0xb8;
	[tilespmem:$0x1F200] =	vst v63  }
0x65: {  	_ =	swait.ge [sflag:s13], $0x4000  }
0x66: {  	[sflag:s13] =	ssyncset.done $0x0  }
0x67: {  	[sflag:s13] =	ssyncadd.s32 $0xFFFFC000  }
0x68: {  	_ =	swait.ge [sflag:s19], $0x4000  }
0x69: {  	s22 =	sadd.s32 $0x1, s22;
	[sflag:s19] =	ssyncset.done $0x0  }
0x6a: {  	s23 =	sshll.u32 s1, $0x6;
	p0 =	sne.s32 s22, s12;
	[sflag:s19] =	ssyncadd.s32 $0xFFFFC000  }
.Ltmp3:
0x6b: {  	s23 =	sor.u32 $0x1C03, s23;
	[bflag:$0x0] =	sbarrier.arrive $0xFFFF;
	(pc) =	sbr.rel @p0 .LBB2_1-.Ltmp3, $4  }
0x6c: {  	[hbm:s11], [sflag:s23] =	dma.local [spmem:s21], $0x1400  }
0x6d: {  	_ =	swait.ge [sflag:s13], $0x1400  }
0x6e: {  	[sflag:s13] =	ssyncset.done $0x0  }
0x6f: {  	[sflag:s13] =	ssyncadd.s32 $0xFFFFEC00  }
0x70: {  	_ =	sfence.sel $0x180000  }
0x71: {  	[bflag:$0x0] =	sbarrier.arrive $0xFFFF  }
0x72: {  	p0 =	sne.s32 s1, $0x0;
	_ =	strace $0x90000059  }
0x73: {  	s0 =	sadd.s32 @!p0 $0x100000, s0;
	[bflag:$0x2] =	sbarrier.arrive $0xFFFF  }
0x74: {  	[sflag:s0] =	ssyncadd.tile.s32 @!p0 $0x1;
	_ =	shalt  }
.Lfunc_end2:
_tile_overlayer_lowered:
.L_overlay_start_2:
0x75: {  	(tag) =	ssettag $0x2  }
0x76: {  	s0 =	rddreg [dreg:$0x0];
	s2 =	stileid.u32  }
0x77: {  	s1 =	rddreg [dreg:$0x1];
	p0 =	sne.s32 s2, $0x0  }
0x78: {  	s3 =	rddreg [dreg:$0x2];
	[bflag:$0x3] =	sbarrier.arrive $0xFFFF;
	s2 =	simm.s32 @!p0 $0x1C03  }
0x79: {  	[timem:s3], [sflag:s2] =	dma.local @!p0 [hbm:s0], s1  }
0x7a: {  	s0 =	simm.s32 @!p0 $0x3  }
0x7b: {  	_ =	swait.ge @!p0 [sflag:s0], s1  }
0x7c: {  	s1 =	ssub.s32 @!p0 $0x0, s1;
	[sflag:s0] =	ssyncset.done @!p0 $0x0  }
0x7d: {  	[sflag:s0] =	ssyncadd.s32 @!p0 s1  }
0x7e: {  	[bflag:$0x3] =	sbarrier.arrive $0xFFFF  }
0x7f: {  	_ =	shalt  }

</sc_bundles>
